<compile_context>
chip_gen: v7x
topology: tpu7x:2x2x1
jax: 0.10.2.dev20260603
libtpu: 0.0.44.dev20260713+nightly
codegen_flags: <defaults>
</compile_context>

<pallas_src>
import functools

import jax
import jax.numpy as jnp
from jax import lax
from jax.experimental import pallas as pl
from jax.experimental.pallas import tpu as pltpu
from jax.experimental.pallas import tpu_sc as plsc

N = 10000
E = 320000
D = 128

NC = 2
NS = 16
NW = NC * NS
LANES = 16

CHUNK = 80
CPW = E // (NW * CHUNK)
PH = 5
PC = CPW // PH
WB = 1000
WBT = N // WB


def _sc_aggregate(v, col2d, row2d, a2d):
    mesh = plsc.VectorSubcoreMesh(
        core_axis_name="c", subcore_axis_name="s", num_cores=NC, num_subcores=NS
    )

    @functools.partial(
        pl.kernel,
        out_type=jax.ShapeDtypeStruct((NC, N, D), jnp.float32),
        mesh=mesh,
        scratch_types=[
            pltpu.VMEM((PC, CHUNK), jnp.int32),
            pltpu.VMEM((PC, CHUNK), jnp.int32),
            pltpu.VMEM((PC, CHUNK), jnp.float32),
            pltpu.VMEM((CHUNK, D), jnp.float32),
            pltpu.VMEM((CHUNK, D), jnp.float32),
            pltpu.VMEM((40, D), jnp.float32),
            pltpu.VMEM_SHARED((N, D), jnp.float32),
            pltpu.SemaphoreType.DMA,
            pltpu.SemaphoreType.DMA,
            pltpu.SemaphoreType.DMA,
            pltpu.SemaphoreType.DMA,
        ],
    )
    def agg(v_hbm, col_hbm, row_hbm, a_hbm, out_hbm, colv, rowv, av,
            rows0, rows1, zbuf, acc, semg0, semg1, sems0, sems1):
        cid = lax.axis_index("c")
        sid = lax.axis_index("s")
        wid = cid * NS + sid

        zero16 = jnp.zeros((LANES,), jnp.float32)

        def zero_row(i, carry):
            for t in range(D // LANES):
                zbuf[i, pl.ds(t * LANES, LANES)] = zero16
            return carry

        lax.fori_loop(0, 40, zero_row, 0)

        @pl.when(sid < WBT)
        def _():
            def zero_acc(k, carry):
                pltpu.sync_copy(zbuf, acc.at[pl.ds(sid * WB + k * 40, 40)])
                return carry

            lax.fori_loop(0, WB // 40, zero_acc, 0)

        plsc.subcore_barrier()

        def scale(rb, j):
            def group_body(g, c2):
                a_vec = av[j, pl.ds(g * LANES, LANES)]
                for i in range(LANES):
                    s = jnp.full((LANES,), a_vec[i], jnp.float32)
                    e = g * LANES + i
                    for t in range(D // LANES):
                        sl = pl.ds(t * LANES, LANES)
                        rb[e, sl] = rb[e, sl] * s
                return c2

            lax.fori_loop(0, CHUNK // LANES, group_body, 0)

        HC = CHUNK // 2

        def gather(j, rb, sem):
            pltpu.async_copy(
                v_hbm.at[colv.at[j, pl.ds(0, HC)]], rb.at[pl.ds(0, HC)], sem)
            pltpu.async_copy(
                v_hbm.at[colv.at[j, pl.ds(HC, HC)]], rb.at[pl.ds(HC, HC)], sem)

        def gather_wait(j, rb, sem):
            pltpu.make_async_copy(
                v_hbm.at[colv.at[j, pl.ds(0, HC)]], rb.at[pl.ds(0, HC)], sem).wait()
            pltpu.make_async_copy(
                v_hbm.at[colv.at[j, pl.ds(HC, HC)]], rb.at[pl.ds(HC, HC)], sem).wait()

        def scatter(j, rb, sem):
            pltpu.async_copy(rb, acc.at[rowv.at[j]], sem, add=True)

        def scatter_wait(j, rb, sem):
            pltpu.make_async_copy(rb, acc.at[rowv.at[j]], sem).wait()

        def phase_body(p, carry):
            pltpu.sync_copy(col_hbm.at[wid, p], colv)
            pltpu.sync_copy(row_hbm.at[wid, p], rowv)
            pltpu.sync_copy(a_hbm.at[wid, p], av)

            gather(0, rows0, semg0)

            def pair_body(jj, c1):
                j0 = 2 * jj
                j1 = j0 + 1
                j2 = j0 + 2
                gather_wait(j0, rows0, semg0)

                @pl.when(jj > 0)
                def _():
                    scatter_wait(j1 - 2, rows1, sems1)

                gather(j1, rows1, semg1)
                scale(rows0, j0)
                scatter(j0, rows0, sems0)
                gather_wait(j1, rows1, semg1)
                scatter_wait(j0, rows0, sems0)

                @pl.when(j2 < PC)
                def _():
                    gather(j2, rows0, semg0)

                scale(rows1, j1)
                scatter(j1, rows1, sems1)
                return c1

            lax.fori_loop(0, PC // 2, pair_body, 0)

            scatter_wait(PC - 2, rows1, sems1)
            gather_wait(PC - 1, rows0, semg0)
            scale(rows0, PC - 1)
            scatter(PC - 1, rows0, sems0)
            scatter_wait(PC - 1, rows0, sems0)
            return carry

        lax.fori_loop(0, PH, phase_body, 0)

        plsc.subcore_barrier()

        @pl.when(sid < WBT)
        def _():
            pltpu.sync_copy(
                acc.at[pl.ds(sid * WB, WB)],
                out_hbm.at[cid, pl.ds(sid * WB, WB)],
            )

    return agg(v, col2d, row2d, a2d)


def _mlp_body(p_ref, v_ref, eps_ref, w1_ref, b1_ref, g1_ref, be1_ref,
              w2_ref, b2_ref, g2_ref, be2_ref, o_ref):
    acc = p_ref[0] + p_ref[1] + eps_ref[...] * v_ref[...]
    h = lax.dot_general(acc, w1_ref[...], (((1,), (1,)), ((), ())),
                        preferred_element_type=jnp.float32) + b1_ref[...]
    m1 = jnp.mean(h, axis=0, keepdims=True)
    var1 = jnp.mean((h - m1) ** 2, axis=0, keepdims=True)
    h = (h - m1) * lax.rsqrt(var1 + 1e-5) * g1_ref[...] + be1_ref[...]
    h = jnp.maximum(h, 0.0)
    o = lax.dot_general(h, w2_ref[...], (((1,), (1,)), ((), ())),
                        preferred_element_type=jnp.float32) + b2_ref[...]
    m2 = jnp.mean(o, axis=0, keepdims=True)
    var2 = jnp.mean((o - m2) ** 2, axis=0, keepdims=True)
    o = (o - m2) * lax.rsqrt(var2 + 1e-5) * g2_ref[...] + be2_ref[...]
    o_ref[...] = jnp.maximum(o, 0.0)


def _mlp(partial, v, epsilon, W1, b1, g1, be1, W2, b2, g2, be2):
    return pl.pallas_call(
        _mlp_body,
        out_shape=jax.ShapeDtypeStruct((N, D), jnp.float32),
    )(partial, v, epsilon,
      W1, b1.reshape(1, -1), g1.reshape(1, -1), be1.reshape(1, -1),
      W2, b2.reshape(1, -1), g2.reshape(1, -1), be2.reshape(1, -1))


def kernel(v, edge_index, a_values, epsilon, W1, b1, g1, be1, W2, b2, g2, be2):
    row2d = edge_index[0].reshape(NW, PH, PC, CHUNK)
    col2d = edge_index[1].reshape(NW, PH, PC, CHUNK)
    a2d = a_values.reshape(NW, PH, PC, CHUNK)
    partial = _sc_aggregate(v, col2d, row2d, a2d)
    return _mlp(partial, v, epsilon, W1, b1, g1, be1, W2, b2, g2, be2)

# --- scband reference (transcript-rebuilt; emitter-appended) ---
"""Pipeline reference for scband-layer-gin-1151051235411 (READ-ONLY COPY).

The authoritative reference and input builder live on the scoring server;
editing this copy changes nothing except your own understanding.
"""

import jax, jax.numpy as jnp
import numpy as np

N = 10000
E = 320000
D = 128
H = 128
O = 128


def _batchnorm(x, gamma, beta, eps=1e-5):
    m = jnp.mean(x, axis=0)
    v = jnp.var(x, axis=0)
    return (x - m) / jnp.sqrt(v + eps) * gamma + beta


def setup_inputs(seed: int = 0) -> dict:
    key = jax.random.key(seed)
    ks = jax.random.split(key, 8)
    v = jax.random.normal(ks[0], (N, D), dtype=jnp.float32)
    edge_index = jax.random.randint(ks[1], (2, E), 0, N, dtype=jnp.int32)
    a_values = jax.random.uniform(ks[2], (E,), dtype=jnp.float32)
    epsilon = jnp.zeros((1, 1), dtype=jnp.float32)
    W1 = jax.random.normal(ks[3], (H, D), dtype=jnp.float32) * (1.0 / np.sqrt(D))
    b1 = jnp.zeros((H,), dtype=jnp.float32)
    g1 = jnp.ones((H,), dtype=jnp.float32)
    be1 = jnp.zeros((H,), dtype=jnp.float32)
    W2 = jax.random.normal(ks[4], (O, H), dtype=jnp.float32) * (1.0 / np.sqrt(H))
    b2 = jnp.zeros((O,), dtype=jnp.float32)
    g2 = jnp.ones((O,), dtype=jnp.float32)
    be2 = jnp.zeros((O,), dtype=jnp.float32)
    return {"v": v, "edge_index": edge_index, "a_values": a_values, "epsilon": epsilon,
            "W1": W1, "b1": b1, "g1": g1, "be1": be1,
            "W2": W2, "b2": b2, "g2": g2, "be2": be2}


def reference(v, edge_index, a_values, epsilon, W1, b1, g1, be1, W2, b2, g2, be2):
    row = edge_index[0]
    col = edge_index[1]
    # sparse.mm(a, v): out[i] = sum_j a[i, j] * v[j]
    v_aggregate = jnp.zeros_like(v).at[row].add(a_values[:, None] * v[col])
    v_aggregate = v_aggregate + epsilon * v
    h = v_aggregate @ W1.T + b1
    h = jax.nn.relu(_batchnorm(h, g1, be1))
    out = h @ W2.T + b2
    out = jax.nn.relu(_batchnorm(out, g2, be2))
    return out

if __name__ == "__main__":
    import jax
    _d = setup_inputs()
    print(jax.jit(kernel)(*tuple(_d.values())))

</pallas_src>

<mosaic_0001>
#map = affine_map<(d0, d1) -> (0, 0)>
#map1 = affine_map<(d0, d1) -> (0, 0, 0, 0)>
#map2 = affine_map<(d0, d1) -> (0, 0, 0)>
module attributes {stable_mosaic.version = 14 : i64} {
  func.func @agg(%arg0: i32, %arg1: i32, %arg2: memref<10000x128xf32, #tpu.memory_space<hbm>>, %arg3: memref<32x5x25x80xi32, #tpu.memory_space<hbm>>, %arg4: memref<32x5x25x80xi32, #tpu.memory_space<hbm>>, %arg5: memref<32x5x25x80xf32, #tpu.memory_space<hbm>>, %arg6: memref<2x10000x128xf32, #tpu.memory_space<hbm>>, %arg7: memref<25x80xi32, #tpu.memory_space<vmem>>, %arg8: memref<25x80xi32, #tpu.memory_space<vmem>>, %arg9: memref<25x80xf32, #tpu.memory_space<vmem>>, %arg10: memref<80x128xf32, #tpu.memory_space<vmem>>, %arg11: memref<80x128xf32, #tpu.memory_space<vmem>>, %arg12: memref<40x128xf32, #tpu.memory_space<vmem>>, %arg13: memref<10000x128xf32, #tpu.memory_space<vmem_shared>>, %arg14: memref<!tpu.dma_semaphore, #tpu.memory_space<semaphore_mem>>, %arg15: memref<!tpu.dma_semaphore, #tpu.memory_space<semaphore_mem>>, %arg16: memref<!tpu.dma_semaphore, #tpu.memory_space<semaphore_mem>>, %arg17: memref<!tpu.dma_semaphore, #tpu.memory_space<semaphore_mem>>) attributes {dimension_semantics = [#tpu.dimension_semantics<core_parallel>, #tpu.dimension_semantics<subcore_parallel>], iteration_bounds = array<i64: 2, 16>, scalar_prefetch = 0 : i64, scratch_operands = 11 : i64, tpu.core_type = #tpu.core_type<sc_vector_subcore>, window_params = [{transform_indices = #map}, {transform_indices = #map1}, {transform_indices = #map1}, {transform_indices = #map1}, {transform_indices = #map2}]} {
    %mul3A = arith.constant 16 : i32
    %mul3A_0 = arith.muli %arg0, %mul3A : i32
    %add3A = arith.addi %mul3A_0, %arg1 : i32
    %broadcast_in_dim3A = arith.constant 0.000000e+00 : f32
    %broadcast_in_dim3A_1 = vector.broadcast %broadcast_in_dim3A : f32 to vector<16xf32>
    %scan3A = arith.constant 0 : i32
    %scan3A_2 = arith.constant 0 : i32
    %scan3A_3 = arith.constant 40 : i32
    %scan3A_4 = arith.addi %scan3A_2, %scan3A_3 : i32
    %scan3A_5 = arith.constant 1 : i32
    scf.for %scan3A_21 = %scan3A_2 to %scan3A_4 step %scan3A_5  : i32 {
      %swap3A = arith.index_cast %scan3A_21 : i32 to index
      %swap3A_22 = arith.constant 0 : index
      %swap3A_23 = tpu.vector_load %arg12[%swap3A, %swap3A_22] {strides = array<i32>} : memref<40x128xf32, #tpu.memory_space<vmem>>, vector<1x16xf32>,
      %swap3A_24 = vector.shape_cast %swap3A_23 : vector<1x16xf32> to vector<16xf32>
      %swap3A_25 = vector.shape_cast %broadcast_in_dim3A_1 : vector<16xf32> to vector<1x16xf32>
      tpu.vector_store %arg12[%swap3A, %swap3A_22], %swap3A_25 {strides = array<i32>} : memref<40x128xf32, #tpu.memory_space<vmem>>, vector<1x16xf32>,
      %swap3A_26 = arith.index_cast %scan3A_21 : i32 to index
      %swap3A_27 = arith.constant 16 : index
      %swap3A_28 = tpu.vector_load %arg12[%swap3A_26, %swap3A_27] {strides = array<i32>} : memref<40x128xf32, #tpu.memory_space<vmem>>, vector<1x16xf32>,
      %swap3A_29 = vector.shape_cast %swap3A_28 : vector<1x16xf32> to vector<16xf32>
      %swap3A_30 = vector.shape_cast %broadcast_in_dim3A_1 : vector<16xf32> to vector<1x16xf32>
      tpu.vector_store %arg12[%swap3A_26, %swap3A_27], %swap3A_30 {strides = array<i32>} : memref<40x128xf32, #tpu.memory_space<vmem>>, vector<1x16xf32>,
      %swap3A_31 = arith.index_cast %scan3A_21 : i32 to index
      %swap3A_32 = arith.constant 32 : index
      %swap3A_33 = tpu.vector_load %arg12[%swap3A_31, %swap3A_32] {strides = array<i32>} : memref<40x128xf32, #tpu.memory_space<vmem>>, vector<1x16xf32>,
      %swap3A_34 = vector.shape_cast %swap3A_33 : vector<1x16xf32> to vector<16xf32>
      %swap3A_35 = vector.shape_cast %broadcast_in_dim3A_1 : vector<16xf32> to vector<1x16xf32>
      tpu.vector_store %arg12[%swap3A_31, %swap3A_32], %swap3A_35 {strides = array<i32>} : memref<40x128xf32, #tpu.memory_space<vmem>>, vector<1x16xf32>,
      %swap3A_36 = arith.index_cast %scan3A_21 : i32 to index
      %swap3A_37 = arith.constant 48 : index
      %swap3A_38 = tpu.vector_load %arg12[%swap3A_36, %swap3A_37] {strides = array<i32>} : memref<40x128xf32, #tpu.memory_space<vmem>>, vector<1x16xf32>,
      %swap3A_39 = vector.shape_cast %swap3A_38 : vector<1x16xf32> to vector<16xf32>
      %swap3A_40 = vector.shape_cast %broadcast_in_dim3A_1 : vector<16xf32> to vector<1x16xf32>
      tpu.vector_store %arg12[%swap3A_36, %swap3A_37], %swap3A_40 {strides = array<i32>} : memref<40x128xf32, #tpu.memory_space<vmem>>, vector<1x16xf32>,
      %swap3A_41 = arith.index_cast %scan3A_21 : i32 to index
      %swap3A_42 = arith.constant 64 : index
      %swap3A_43 = tpu.vector_load %arg12[%swap3A_41, %swap3A_42] {strides = array<i32>} : memref<40x128xf32, #tpu.memory_space<vmem>>, vector<1x16xf32>,
      %swap3A_44 = vector.shape_cast %swap3A_43 : vector<1x16xf32> to vector<16xf32>
      %swap3A_45 = vector.shape_cast %broadcast_in_dim3A_1 : vector<16xf32> to vector<1x16xf32>
      tpu.vector_store %arg12[%swap3A_41, %swap3A_42], %swap3A_45 {strides = array<i32>} : memref<40x128xf32, #tpu.memory_space<vmem>>, vector<1x16xf32>,
      %swap3A_46 = arith.index_cast %scan3A_21 : i32 to index
      %swap3A_47 = arith.constant 80 : index
      %swap3A_48 = tpu.vector_load %arg12[%swap3A_46, %swap3A_47] {strides = array<i32>} : memref<40x128xf32, #tpu.memory_space<vmem>>, vector<1x16xf32>,
      %swap3A_49 = vector.shape_cast %swap3A_48 : vector<1x16xf32> to vector<16xf32>
      %swap3A_50 = vector.shape_cast %broadcast_in_dim3A_1 : vector<16xf32> to vector<1x16xf32>
      tpu.vector_store %arg12[%swap3A_46, %swap3A_47], %swap3A_50 {strides = array<i32>} : memref<40x128xf32, #tpu.memory_space<vmem>>, vector<1x16xf32>,
      %swap3A_51 = arith.index_cast %scan3A_21 : i32 to index
      %swap3A_52 = arith.constant 96 : index
      %swap3A_53 = tpu.vector_load %arg12[%swap3A_51, %swap3A_52] {strides = array<i32>} : memref<40x128xf32, #tpu.memory_space<vmem>>, vector<1x16xf32>,
      %swap3A_54 = vector.shape_cast %swap3A_53 : vector<1x16xf32> to vector<16xf32>
      %swap3A_55 = vector.shape_cast %broadcast_in_dim3A_1 : vector<16xf32> to vector<1x16xf32>
      tpu.vector_store %arg12[%swap3A_51, %swap3A_52], %swap3A_55 {strides = array<i32>} : memref<40x128xf32, #tpu.memory_space<vmem>>, vector<1x16xf32>,
      %swap3A_56 = arith.index_cast %scan3A_21 : i32 to index
      %swap3A_57 = arith.constant 112 : index
      %swap3A_58 = tpu.vector_load %arg12[%swap3A_56, %swap3A_57] {strides = array<i32>} : memref<40x128xf32, #tpu.memory_space<vmem>>, vector<1x16xf32>,
      %swap3A_59 = vector.shape_cast %swap3A_58 : vector<1x16xf32> to vector<16xf32>
      %swap3A_60 = vector.shape_cast %broadcast_in_dim3A_1 : vector<16xf32> to vector<1x16xf32>
      tpu.vector_store %arg12[%swap3A_56, %swap3A_57], %swap3A_60 {strides = array<i32>} : memref<40x128xf32, #tpu.memory_space<vmem>>, vector<1x16xf32>,
    }
    %scan3A_6 = arith.constant 40 : i32
    %lt3A = arith.constant 10 : i32
    %lt3A_7 = arith.cmpi slt, %arg1, %lt3A : i32
    %convert_element_type3A = arith.extui %lt3A_7 : i1 to i32
    %cond3A = arith.constant 0 : i32
    %cond3A_8 = arith.cmpi ne, %convert_element_type3A, %cond3A : i32
    scf.if %cond3A_8 {
      %scan3A_21 = arith.constant 0 : i32
      %scan3A_22 = arith.constant 0 : i32
      %scan3A_23 = arith.constant 25 : i32
      %scan3A_24 = arith.addi %scan3A_22, %scan3A_23 : i32
      %scan3A_25 = arith.constant 1 : i32
      scf.for %scan3A_27 = %scan3A_22 to %scan3A_24 step %scan3A_25  : i32 {
        %mul3A_28 = arith.constant 1000 : i32
        %mul3A_29 = arith.muli %arg1, %mul3A_28 : i32
        %mul3A_30 = arith.constant 40 : i32
        %mul3A_31 = arith.muli %scan3A_27, %mul3A_30 : i32
        %add3A_32 = arith.addi %mul3A_29, %mul3A_31 : i32
        "tpu.region"() ({
          %run_scoped3A = tpu.sem_alloc : memref<!tpu.dma_semaphore, #tpu.memory_space<semaphore_mem>>
          %dma_start3A = arith.constant 0 : i32
          %dma_start3A_33 = tpu.memref_slice %arg13[%add3A_32, %dma_start3A] : memref<10000x128xf32, #tpu.memory_space<vmem_shared>> -> memref<40x128xf32, #tpu.memory_space<vmem_shared>>
          %dma_start3A_34 = arith.constant 0 : i32
          %dma_start3A_35 = tpu.memref_slice %arg13[%add3A_32, %dma_start3A_34] : memref<10000x128xf32, #tpu.memory_space<vmem_shared>> -> memref<40x128xf32, #tpu.memory_space<vmem_shared>>
          tpu.enqueue_dma source(%arg12 : memref<40x128xf32, #tpu.memory_space<vmem>>) target(%dma_start3A_35 : memref<40x128xf32, #tpu.memory_space<vmem_shared>>) target_semaphore(%run_scoped3A : memref<!tpu.dma_semaphore, #tpu.memory_space<semaphore_mem>>)
          %dma_wait3A = arith.constant 0 : i32
          %dma_wait3A_36 = tpu.memref_slice %arg13[%add3A_32, %dma_wait3A] : memref<10000x128xf32, #tpu.memory_space<vmem_shared>> -> memref<40x128xf32, #tpu.memory_space<vmem_shared>>
          %dma_wait3A_37 = arith.constant 0 : i32
          %dma_wait3A_38 = tpu.memref_slice %arg13[%add3A_32, %dma_wait3A_37] : memref<10000x128xf32, #tpu.memory_space<vmem_shared>> -> memref<40x128xf32, #tpu.memory_space<vmem_shared>>
          tpu.wait_dma2 semaphore(%run_scoped3A : memref<!tpu.dma_semaphore, #tpu.memory_space<semaphore_mem>>) src(%arg12 : memref<40x128xf32, #tpu.memory_space<vmem>>) dst(%dma_wait3A_38 : memref<40x128xf32, #tpu.memory_space<vmem_shared>>)
          tpu.yield
        }) : () -> ()
      }
      %scan3A_26 = arith.constant 25 : i32
    } else {
    }
    %barrier3A = arith.constant 0 : index
    tpu.barrier barrier_id(%barrier3A)
    %scan3A_9 = arith.constant 0 : i32
    %scan3A_10 = arith.constant 0 : i32
    %scan3A_11 = arith.constant 5 : i32
    %scan3A_12 = arith.addi %scan3A_10, %scan3A_11 : i32
    %scan3A_13 = arith.constant 1 : i32
    scf.for %scan3A_21 = %scan3A_10 to %scan3A_12 step %scan3A_13  : i32 {
      "tpu.region"() ({
        %run_scoped3A = tpu.sem_alloc : memref<!tpu.dma_semaphore, #tpu.memory_space<semaphore_mem>>
        %dma_start3A_93 = arith.constant 0 : i32
        %dma_start3A_94 = arith.constant 0 : i32
        %dma_start3A_95 = tpu.memref_slice %arg3[%add3A, %scan3A_21, %dma_start3A_93, %dma_start3A_94] : memref<32x5x25x80xi32, #tpu.memory_space<hbm>> -> memref<1x1x25x80xi32, #tpu.memory_space<hbm>>
        %dma_start3A_96 = tpu.memref_squeeze %dma_start3A_95 : memref<1x1x25x80xi32, #tpu.memory_space<hbm>> -> memref<25x80xi32, #tpu.memory_space<hbm>>
        %dma_start3A_97 = arith.constant 0 : i32
        %dma_start3A_98 = arith.constant 0 : i32
        %dma_start3A_99 = tpu.memref_slice %arg3[%add3A, %scan3A_21, %dma_start3A_97, %dma_start3A_98] : memref<32x5x25x80xi32, #tpu.memory_space<hbm>> -> memref<1x1x25x80xi32, #tpu.memory_space<hbm>>
        %dma_start3A_100 = tpu.memref_squeeze %dma_start3A_99 : memref<1x1x25x80xi32, #tpu.memory_space<hbm>> -> memref<25x80xi32, #tpu.memory_space<hbm>>
        tpu.enqueue_dma source(%dma_start3A_100 : memref<25x80xi32, #tpu.memory_space<hbm>>) target(%arg7 : memref<25x80xi32, #tpu.memory_space<vmem>>) target_semaphore(%run_scoped3A : memref<!tpu.dma_semaphore, #tpu.memory_space<semaphore_mem>>)
        %dma_wait3A_101 = arith.constant 0 : i32
        %dma_wait3A_102 = arith.constant 0 : i32
        %dma_wait3A_103 = tpu.memref_slice %arg3[%add3A, %scan3A_21, %dma_wait3A_101, %dma_wait3A_102] : memref<32x5x25x80xi32, #tpu.memory_space<hbm>> -> memref<1x1x25x80xi32, #tpu.memory_space<hbm>>
        %dma_wait3A_104 = tpu.memref_squeeze %dma_wait3A_103 : memref<1x1x25x80xi32, #tpu.memory_space<hbm>> -> memref<25x80xi32, #tpu.memory_space<hbm>>
        %dma_wait3A_105 = arith.constant 0 : i32
        %dma_wait3A_106 = arith.constant 0 : i32
        %dma_wait3A_107 = tpu.memref_slice %arg3[%add3A, %scan3A_21, %dma_wait3A_105, %dma_wait3A_106] : memref<32x5x25x80xi32, #tpu.memory_space<hbm>> -> memref<1x1x25x80xi32, #tpu.memory_space<hbm>>
        %dma_wait3A_108 = tpu.memref_squeeze %dma_wait3A_107 : memref<1x1x25x80xi32, #tpu.memory_space<hbm>> -> memref<25x80xi32, #tpu.memory_space<hbm>>
        tpu.wait_dma2 semaphore(%run_scoped3A : memref<!tpu.dma_semaphore, #tpu.memory_space<semaphore_mem>>) src(%dma_wait3A_108 : memref<25x80xi32, #tpu.memory_space<hbm>>) dst(%arg7 : memref<25x80xi32, #tpu.memory_space<vmem>>)
        tpu.yield
      }) : () -> ()
      "tpu.region"() ({
        %run_scoped3A = tpu.sem_alloc : memref<!tpu.dma_semaphore, #tpu.memory_space<semaphore_mem>>
        %dma_start3A_93 = arith.constant 0 : i32
        %dma_start3A_94 = arith.constant 0 : i32
        %dma_start3A_95 = tpu.memref_slice %arg4[%add3A, %scan3A_21, %dma_start3A_93, %dma_start3A_94] : memref<32x5x25x80xi32, #tpu.memory_space<hbm>> -> memref<1x1x25x80xi32, #tpu.memory_space<hbm>>
        %dma_start3A_96 = tpu.memref_squeeze %dma_start3A_95 : memref<1x1x25x80xi32, #tpu.memory_space<hbm>> -> memref<25x80xi32, #tpu.memory_space<hbm>>
        %dma_start3A_97 = arith.constant 0 : i32
        %dma_start3A_98 = arith.constant 0 : i32
        %dma_start3A_99 = tpu.memref_slice %arg4[%add3A, %scan3A_21, %dma_start3A_97, %dma_start3A_98] : memref<32x5x25x80xi32, #tpu.memory_space<hbm>> -> memref<1x1x25x80xi32, #tpu.memory_space<hbm>>
        %dma_start3A_100 = tpu.memref_squeeze %dma_start3A_99 : memref<1x1x25x80xi32, #tpu.memory_space<hbm>> -> memref<25x80xi32, #tpu.memory_space<hbm>>
        tpu.enqueue_dma source(%dma_start3A_100 : memref<25x80xi32, #tpu.memory_space<hbm>>) target(%arg8 : memref<25x80xi32, #tpu.memory_space<vmem>>) target_semaphore(%run_scoped3A : memref<!tpu.dma_semaphore, #tpu.memory_space<semaphore_mem>>)
        %dma_wait3A_101 = arith.constant 0 : i32
        %dma_wait3A_102 = arith.constant 0 : i32
        %dma_wait3A_103 = tpu.memref_slice %arg4[%add3A, %scan3A_21, %dma_wait3A_101, %dma_wait3A_102] : memref<32x5x25x80xi32, #tpu.memory_space<hbm>> -> memref<1x1x25x80xi32, #tpu.memory_space<hbm>>
        %dma_wait3A_104 = tpu.memref_squeeze %dma_wait3A_103 : memref<1x1x25x80xi32, #tpu.memory_space<hbm>> -> memref<25x80xi32, #tpu.memory_space<hbm>>
        %dma_wait3A_105 = arith.constant 0 : i32
        %dma_wait3A_106 = arith.constant 0 : i32
        %dma_wait3A_107 = tpu.memref_slice %arg4[%add3A, %scan3A_21, %dma_wait3A_105, %dma_wait3A_106] : memref<32x5x25x80xi32, #tpu.memory_space<hbm>> -> memref<1x1x25x80xi32, #tpu.memory_space<hbm>>
        %dma_wait3A_108 = tpu.memref_squeeze %dma_wait3A_107 : memref<1x1x25x80xi32, #tpu.memory_space<hbm>> -> memref<25x80xi32, #tpu.memory_space<hbm>>
        tpu.wait_dma2 semaphore(%run_scoped3A : memref<!tpu.dma_semaphore, #tpu.memory_space<semaphore_mem>>) src(%dma_wait3A_108 : memref<25x80xi32, #tpu.memory_space<hbm>>) dst(%arg8 : memref<25x80xi32, #tpu.memory_space<vmem>>)
        tpu.yield
      }) : () -> ()
      "tpu.region"() ({
        %run_scoped3A = tpu.sem_alloc : memref<!tpu.dma_semaphore, #tpu.memory_space<semaphore_mem>>
        %dma_start3A_93 = arith.constant 0 : i32
        %dma_start3A_94 = arith.constant 0 : i32
        %dma_start3A_95 = tpu.memref_slice %arg5[%add3A, %scan3A_21, %dma_start3A_93, %dma_start3A_94] : memref<32x5x25x80xf32, #tpu.memory_space<hbm>> -> memref<1x1x25x80xf32, #tpu.memory_space<hbm>>
        %dma_start3A_96 = tpu.memref_squeeze %dma_start3A_95 : memref<1x1x25x80xf32, #tpu.memory_space<hbm>> -> memref<25x80xf32, #tpu.memory_space<hbm>>
        %dma_start3A_97 = arith.constant 0 : i32
        %dma_start3A_98 = arith.constant 0 : i32
        %dma_start3A_99 = tpu.memref_slice %arg5[%add3A, %scan3A_21, %dma_start3A_97, %dma_start3A_98] : memref<32x5x25x80xf32, #tpu.memory_space<hbm>> -> memref<1x1x25x80xf32, #tpu.memory_space<hbm>>
        %dma_start3A_100 = tpu.memref_squeeze %dma_start3A_99 : memref<1x1x25x80xf32, #tpu.memory_space<hbm>> -> memref<25x80xf32, #tpu.memory_space<hbm>>
        tpu.enqueue_dma source(%dma_start3A_100 : memref<25x80xf32, #tpu.memory_space<hbm>>) target(%arg9 : memref<25x80xf32, #tpu.memory_space<vmem>>) target_semaphore(%run_scoped3A : memref<!tpu.dma_semaphore, #tpu.memory_space<semaphore_mem>>)
        %dma_wait3A_101 = arith.constant 0 : i32
        %dma_wait3A_102 = arith.constant 0 : i32
        %dma_wait3A_103 = tpu.memref_slice %arg5[%add3A, %scan3A_21, %dma_wait3A_101, %dma_wait3A_102] : memref<32x5x25x80xf32, #tpu.memory_space<hbm>> -> memref<1x1x25x80xf32, #tpu.memory_space<hbm>>
        %dma_wait3A_104 = tpu.memref_squeeze %dma_wait3A_103 : memref<1x1x25x80xf32, #tpu.memory_space<hbm>> -> memref<25x80xf32, #tpu.memory_space<hbm>>
        %dma_wait3A_105 = arith.constant 0 : i32
        %dma_wait3A_106 = arith.constant 0 : i32
        %dma_wait3A_107 = tpu.memref_slice %arg5[%add3A, %scan3A_21, %dma_wait3A_105, %dma_wait3A_106] : memref<32x5x25x80xf32, #tpu.memory_space<hbm>> -> memref<1x1x25x80xf32, #tpu.memory_space<hbm>>
        %dma_wait3A_108 = tpu.memref_squeeze %dma_wait3A_107 : memref<1x1x25x80xf32, #tpu.memory_space<hbm>> -> memref<25x80xf32, #tpu.memory_space<hbm>>
        tpu.wait_dma2 semaphore(%run_scoped3A : memref<!tpu.dma_semaphore, #tpu.memory_space<semaphore_mem>>) src(%dma_wait3A_108 : memref<25x80xf32, #tpu.memory_space<hbm>>) dst(%arg9 : memref<25x80xf32, #tpu.memory_space<vmem>>)
        tpu.yield
      }) : () -> ()
      %dma_start3A = arith.constant 0 : i32
      %dma_start3A_22 = arith.constant 0 : i32
      %dma_start3A_23 = arith.constant 0 : i32
      %dma_start3A_24 = tpu.memref_slice %arg10[%dma_start3A_22, %dma_start3A_23] : memref<80x128xf32, #tpu.memory_space<vmem>> -> memref<40x128xf32, #tpu.memory_space<vmem>>
      %dma_start3A_25 = arith.constant 0 : i32
      %dma_start3A_26 = tpu.memref_slice %arg7[%dma_start3A, %dma_start3A_25] : memref<25x80xi32, #tpu.memory_space<vmem>> -> memref<1x40xi32, #tpu.memory_space<vmem>>
      %dma_start3A_27 = tpu.memref_squeeze %dma_start3A_26 : memref<1x40xi32, #tpu.memory_space<vmem>> -> memref<40xi32, #tpu.memory_space<vmem>>
      %dma_start3A_28 = arith.constant 0 : i32
      %dma_start3A_29 = arith.constant 0 : i32
      %dma_start3A_30 = tpu.memref_slice %arg2[%dma_start3A_28, %dma_start3A_29] : memref<10000x128xf32, #tpu.memory_space<hbm>> -> memref<10000x128xf32, #tpu.memory_space<hbm>>
      tpu.enqueue_indirect_dma source(%dma_start3A_30 : memref<10000x128xf32, #tpu.memory_space<hbm>>) target(%dma_start3A_24 : memref<40x128xf32, #tpu.memory_space<vmem>>) offsets(%dma_start3A_27 : memref<40xi32, #tpu.memory_space<vmem>>) semaphore(%arg14 : memref<!tpu.dma_semaphore, #tpu.memory_space<semaphore_mem>>)
      %dma_start3A_31 = arith.constant 0 : i32
      %dma_start3A_32 = arith.constant 40 : i32
      %dma_start3A_33 = arith.constant 0 : i32
      %dma_start3A_34 = tpu.memref_slice %arg10[%dma_start3A_32, %dma_start3A_33] : memref<80x128xf32, #tpu.memory_space<vmem>> -> memref<40x128xf32, #tpu.memory_space<vmem>>
      %dma_start3A_35 = arith.constant 40 : i32
      %dma_start3A_36 = tpu.memref_slice %arg7[%dma_start3A_31, %dma_start3A_35] : memref<25x80xi32, #tpu.memory_space<vmem>> -> memref<1x40xi32, #tpu.memory_space<vmem>>
      %dma_start3A_37 = tpu.memref_squeeze %dma_start3A_36 : memref<1x40xi32, #tpu.memory_space<vmem>> -> memref<40xi32, #tpu.memory_space<vmem>>
      %dma_start3A_38 = arith.constant 0 : i32
      %dma_start3A_39 = arith.constant 0 : i32
      %dma_start3A_40 = tpu.memref_slice %arg2[%dma_start3A_38, %dma_start3A_39] : memref<10000x128xf32, #tpu.memory_space<hbm>> -> memref<10000x128xf32, #tpu.memory_space<hbm>>
      tpu.enqueue_indirect_dma source(%dma_start3A_40 : memref<10000x128xf32, #tpu.memory_space<hbm>>) target(%dma_start3A_34 : memref<40x128xf32, #tpu.memory_space<vmem>>) offsets(%dma_start3A_37 : memref<40xi32, #tpu.memory_space<vmem>>) semaphore(%arg14 : memref<!tpu.dma_semaphore, #tpu.memory_space<semaphore_mem>>)
      %scan3A_41 = arith.constant 0 : i32
      %scan3A_42 = arith.constant 0 : i32
      %scan3A_43 = arith.constant 12 : i32
      %scan3A_44 = arith.addi %scan3A_42, %scan3A_43 : i32
      %scan3A_45 = arith.constant 1 : i32
      scf.for %scan3A_93 = %scan3A_42 to %scan3A_44 step %scan3A_45  : i32 {
        %mul3A_94 = arith.constant 2 : i32
        %mul3A_95 = arith.muli %mul3A_94, %scan3A_93 : i32
        %add3A_96 = arith.constant 1 : i32
        %add3A_97 = arith.addi %mul3A_95, %add3A_96 : i32
        %add3A_98 = arith.constant 2 : i32
        %add3A_99 = arith.addi %mul3A_95, %add3A_98 : i32
        %dma_wait3A_100 = arith.constant 0 : i32
        %dma_wait3A_101 = arith.constant 0 : i32
        %dma_wait3A_102 = tpu.memref_slice %arg10[%dma_wait3A_100, %dma_wait3A_101] : memref<80x128xf32, #tpu.memory_space<vmem>> -> memref<40x128xf32, #tpu.memory_space<vmem>>
        %dma_wait3A_103 = arith.constant 0 : i32
        %dma_wait3A_104 = tpu.memref_slice %arg7[%mul3A_95, %dma_wait3A_103] : memref<25x80xi32, #tpu.memory_space<vmem>> -> memref<1x40xi32, #tpu.memory_space<vmem>>
        %dma_wait3A_105 = tpu.memref_squeeze %dma_wait3A_104 : memref<1x40xi32, #tpu.memory_space<vmem>> -> memref<40xi32, #tpu.memory_space<vmem>>
        %dma_wait3A_106 = arith.constant 0 : i32
        %dma_wait3A_107 = arith.constant 0 : i32
        %dma_wait3A_108 = tpu.memref_slice %arg2[%dma_wait3A_106, %dma_wait3A_107] : memref<10000x128xf32, #tpu.memory_space<hbm>> -> memref<10000x128xf32, #tpu.memory_space<hbm>>
        tpu.wait_indirect_dma semaphore(%arg14 : memref<!tpu.dma_semaphore, #tpu.memory_space<semaphore_mem>>) src(%dma_wait3A_108 : memref<10000x128xf32, #tpu.memory_space<hbm>>) dst(%dma_wait3A_102 : memref<40x128xf32, #tpu.memory_space<vmem>>)
        %dma_wait3A_109 = arith.constant 40 : i32
        %dma_wait3A_110 = arith.constant 0 : i32
        %dma_wait3A_111 = tpu.memref_slice %arg10[%dma_wait3A_109, %dma_wait3A_110] : memref<80x128xf32, #tpu.memory_space<vmem>> -> memref<40x128xf32, #tpu.memory_space<vmem>>
        %dma_wait3A_112 = arith.constant 40 : i32
        %dma_wait3A_113 = tpu.memref_slice %arg7[%mul3A_95, %dma_wait3A_112] : memref<25x80xi32, #tpu.memory_space<vmem>> -> memref<1x40xi32, #tpu.memory_space<vmem>>
        %dma_wait3A_114 = tpu.memref_squeeze %dma_wait3A_113 : memref<1x40xi32, #tpu.memory_space<vmem>> -> memref<40xi32, #tpu.memory_space<vmem>>
        %dma_wait3A_115 = arith.constant 0 : i32
        %dma_wait3A_116 = arith.constant 0 : i32
        %dma_wait3A_117 = tpu.memref_slice %arg2[%dma_wait3A_115, %dma_wait3A_116] : memref<10000x128xf32, #tpu.memory_space<hbm>> -> memref<10000x128xf32, #tpu.memory_space<hbm>>
        tpu.wait_indirect_dma semaphore(%arg14 : memref<!tpu.dma_semaphore, #tpu.memory_space<semaphore_mem>>) src(%dma_wait3A_117 : memref<10000x128xf32, #tpu.memory_space<hbm>>) dst(%dma_wait3A_111 : memref<40x128xf32, #tpu.memory_space<vmem>>)
        %gt3A = arith.constant 0 : i32
        %gt3A_118 = arith.cmpi sgt, %scan3A_93, %gt3A : i32
        %convert_element_type3A_119 = arith.extui %gt3A_118 : i1 to i32
        %cond3A_120 = arith.constant 0 : i32
        %cond3A_121 = arith.cmpi ne, %convert_element_type3A_119, %cond3A_120 : i32
        scf.if %cond3A_121 {
          %sub3A = arith.constant 2 : i32
          %sub3A_193 = arith.subi %add3A_97, %sub3A : i32
          %dma_wait3A_194 = arith.constant 0 : i32
          %dma_wait3A_195 = tpu.memref_slice %arg8[%sub3A_193, %dma_wait3A_194] : memref<25x80xi32, #tpu.memory_space<vmem>> -> memref<1x80xi32, #tpu.memory_space<vmem>>
          %dma_wait3A_196 = tpu.memref_squeeze %dma_wait3A_195 : memref<1x80xi32, #tpu.memory_space<vmem>> -> memref<80xi32, #tpu.memory_space<vmem>>
          %dma_wait3A_197 = arith.constant 0 : i32
          %dma_wait3A_198 = arith.constant 0 : i32
          %dma_wait3A_199 = tpu.memref_slice %arg13[%dma_wait3A_197, %dma_wait3A_198] : memref<10000x128xf32, #tpu.memory_space<vmem_shared>> -> memref<10000x128xf32, #tpu.memory_space<vmem_shared>>
          tpu.wait_indirect_dma semaphore(%arg17 : memref<!tpu.dma_semaphore, #tpu.memory_space<semaphore_mem>>) src(%arg11 : memref<80x128xf32, #tpu.memory_space<vmem>>) dst(%dma_wait3A_199 : memref<10000x128xf32, #tpu.memory_space<vmem_shared>>)
        } else {
        }
        %dma_start3A_122 = arith.constant 0 : i32
        %dma_start3A_123 = arith.constant 0 : i32
        %dma_start3A_124 = tpu.memref_slice %arg11[%dma_start3A_122, %dma_start3A_123] : memref<80x128xf32, #tpu.memory_space<vmem>> -> memref<40x128xf32, #tpu.memory_space<vmem>>
        %dma_start3A_125 = arith.constant 0 : i32
        %dma_start3A_126 = tpu.memref_slice %arg7[%add3A_97, %dma_start3A_125] : memref<25x80xi32, #tpu.memory_space<vmem>> -> memref<1x40xi32, #tpu.memory_space<vmem>>
        %dma_start3A_127 = tpu.memref_squeeze %dma_start3A_126 : memref<1x40xi32, #tpu.memory_space<vmem>> -> memref<40xi32, #tpu.memory_space<vmem>>
        %dma_start3A_128 = arith.constant 0 : i32
        %dma_start3A_129 = arith.constant 0 : i32
        %dma_start3A_130 = tpu.memref_slice %arg2[%dma_start3A_128, %dma_start3A_129] : memref<10000x128xf32, #tpu.memory_space<hbm>> -> memref<10000x128xf32, #tpu.memory_space<hbm>>
        tpu.enqueue_indirect_dma source(%dma_start3A_130 : memref<10000x128xf32, #tpu.memory_space<hbm>>) target(%dma_start3A_124 : memref<40x128xf32, #tpu.memory_space<vmem>>) offsets(%dma_start3A_127 : memref<40xi32, #tpu.memory_space<vmem>>) semaphore(%arg15 : memref<!tpu.dma_semaphore, #tpu.memory_space<semaphore_mem>>)
        %dma_start3A_131 = arith.constant 40 : i32
        %dma_start3A_132 = arith.constant 0 : i32
        %dma_start3A_133 = tpu.memref_slice %arg11[%dma_start3A_131, %dma_start3A_132] : memref<80x128xf32, #tpu.memory_space<vmem>> -> memref<40x128xf32, #tpu.memory_space<vmem>>
        %dma_start3A_134 = arith.constant 40 : i32
        %dma_start3A_135 = tpu.memref_slice %arg7[%add3A_97, %dma_start3A_134] : memref<25x80xi32, #tpu.memory_space<vmem>> -> memref<1x40xi32, #tpu.memory_space<vmem>>
        %dma_start3A_136 = tpu.memref_squeeze %dma_start3A_135 : memref<1x40xi32, #tpu.memory_space<vmem>> -> memref<40xi32, #tpu.memory_space<vmem>>
        %dma_start3A_137 = arith.constant 0 : i32
        %dma_start3A_138 = arith.constant 0 : i32
        %dma_start3A_139 = tpu.memref_slice %arg2[%dma_start3A_137, %dma_start3A_138] : memref<10000x128xf32, #tpu.memory_space<hbm>> -> memref<10000x128xf32, #tpu.memory_space<hbm>>
        tpu.enqueue_indirect_dma source(%dma_start3A_139 : memref<10000x128xf32, #tpu.memory_space<hbm>>) target(%dma_start3A_133 : memref<40x128xf32, #tpu.memory_space<vmem>>) offsets(%dma_start3A_136 : memref<40xi32, #tpu.memory_space<vmem>>) semaphore(%arg15 : memref<!tpu.dma_semaphore, #tpu.memory_space<semaphore_mem>>)
        %scan3A_140 = arith.constant 0 : i32
        %scan3A_141 = arith.constant 0 : i32
        %scan3A_142 = arith.constant 5 : i32
        %scan3A_143 = arith.addi %scan3A_141, %scan3A_142 : i32
        %scan3A_144 = arith.constant 1 : i32
        scf.for %scan3A_193 = %scan3A_141 to %scan3A_143 step %scan3A_144  : i32 {
          %mul3A_194 = arith.constant 16 : i32
          %mul3A_195 = arith.muli %scan3A_193, %mul3A_194 : i32
          %get3A = arith.index_cast %mul3A_95 : i32 to index
          %get3A_196 = arith.index_cast %mul3A_195 : i32 to index
          %get3A_197 = tpu.vector_load %arg9[%get3A, %get3A_196] {strides = array<i32>} : memref<25x80xf32, #tpu.memory_space<vmem>>, vector<1x16xf32>,
          %get3A_198 = vector.shape_cast %get3A_197 : vector<1x16xf32> to vector<16xf32>
          %slice3A = vector.extract_strided_slice %get3A_198 {offsets = [0], sizes = [1], strides = [1]} : vector<16xf32> to vector<1xf32>
          %squeeze3A = vector.extract %slice3A[0] : f32 from vector<1xf32>
          %broadcast_in_dim3A_199 = vector.broadcast %squeeze3A : f32 to vector<16xf32>
          %mul3A_200 = arith.constant 16 : i32
          %mul3A_201 = arith.muli %scan3A_193, %mul3A_200 : i32
          %add3A_202 = arith.constant 0 : i32
          %add3A_203 = arith.addi %mul3A_201, %add3A_202 : i32
          %get3A_204 = arith.index_cast %add3A_203 : i32 to index
          %get3A_205 = arith.constant 0 : index
          %get3A_206 = tpu.vector_load %arg10[%get3A_204, %get3A_205] {strides = array<i32>} : memref<80x128xf32, #tpu.memory_space<vmem>>, vector<1x16xf32>,
          %get3A_207 = vector.shape_cast %get3A_206 : vector<1x16xf32> to vector<16xf32>
          %mul3A_208 = arith.mulf %get3A_207, %broadcast_in_dim3A_199 : vector<16xf32>
          %swap3A = arith.index_cast %add3A_203 : i32 to index
          %swap3A_209 = arith.constant 0 : index
          %swap3A_210 = tpu.vector_load %arg10[%swap3A, %swap3A_209] {strides = array<i32>} : memref<80x128xf32, #tpu.memory_space<vmem>>, vector<1x16xf32>,
          %swap3A_211 = vector.shape_cast %swap3A_210 : vector<1x16xf32> to vector<16xf32>
          %swap3A_212 = vector.shape_cast %mul3A_208 : vector<16xf32> to vector<1x16xf32>
          tpu.vector_store %arg10[%swap3A, %swap3A_209], %swap3A_212 {strides = array<i32>} : memref<80x128xf32, #tpu.memory_space<vmem>>, vector<1x16xf32>,
          %get3A_213 = arith.index_cast %add3A_203 : i32 to index
          %get3A_214 = arith.constant 16 : index
          %get3A_215 = tpu.vector_load %arg10[%get3A_213, %get3A_214] {strides = array<i32>} : memref<80x128xf32, #tpu.memory_space<vmem>>, vector<1x16xf32>,
          %get3A_216 = vector.shape_cast %get3A_215 : vector<1x16xf32> to vector<16xf32>
          %mul3A_217 = arith.mulf %get3A_216, %broadcast_in_dim3A_199 : vector<16xf32>
          %swap3A_218 = arith.index_cast %add3A_203 : i32 to index
          %swap3A_219 = arith.constant 16 : index
          %swap3A_220 = tpu.vector_load %arg10[%swap3A_218, %swap3A_219] {strides = array<i32>} : memref<80x128xf32, #tpu.memory_space<vmem>>, vector<1x16xf32>,
          %swap3A_221 = vector.shape_cast %swap3A_220 : vector<1x16xf32> to vector<16xf32>
          %swap3A_222 = vector.shape_cast %mul3A_217 : vector<16xf32> to vector<1x16xf32>
          tpu.vector_store %arg10[%swap3A_218, %swap3A_219], %swap3A_222 {strides = array<i32>} : memref<80x128xf32, #tpu.memory_space<vmem>>, vector<1x16xf32>,
          %get3A_223 = arith.index_cast %add3A_203 : i32 to index
          %get3A_224 = arith.constant 32 : index
          %get3A_225 = tpu.vector_load %arg10[%get3A_223, %get3A_224] {strides = array<i32>} : memref<80x128xf32, #tpu.memory_space<vmem>>, vector<1x16xf32>,
          %get3A_226 = vector.shape_cast %get3A_225 : vector<1x16xf32> to vector<16xf32>
          %mul3A_227 = arith.mulf %get3A_226, %broadcast_in_dim3A_199 : vector<16xf32>
          %swap3A_228 = arith.index_cast %add3A_203 : i32 to index
          %swap3A_229 = arith.constant 32 : index
          %swap3A_230 = tpu.vector_load %arg10[%swap3A_228, %swap3A_229] {strides = array<i32>} : memref<80x128xf32, #tpu.memory_space<vmem>>, vector<1x16xf32>,
          %swap3A_231 = vector.shape_cast %swap3A_230 : vector<1x16xf32> to vector<16xf32>
          %swap3A_232 = vector.shape_cast %mul3A_227 : vector<16xf32> to vector<1x16xf32>
          tpu.vector_store %arg10[%swap3A_228, %swap3A_229], %swap3A_232 {strides = array<i32>} : memref<80x128xf32, #tpu.memory_space<vmem>>, vector<1x16xf32>,
          %get3A_233 = arith.index_cast %add3A_203 : i32 to index
          %get3A_234 = arith.constant 48 : index
          %get3A_235 = tpu.vector_load %arg10[%get3A_233, %get3A_234] {strides = array<i32>} : memref<80x128xf32, #tpu.memory_space<vmem>>, vector<1x16xf32>,
          %get3A_236 = vector.shape_cast %get3A_235 : vector<1x16xf32> to vector<16xf32>
          %mul3A_237 = arith.mulf %get3A_236, %broadcast_in_dim3A_199 : vector<16xf32>
          %swap3A_238 = arith.index_cast %add3A_203 : i32 to index
          %swap3A_239 = arith.constant 48 : index
          %swap3A_240 = tpu.vector_load %arg10[%swap3A_238, %swap3A_239] {strides = array<i32>} : memref<80x128xf32, #tpu.memory_space<vmem>>, vector<1x16xf32>,
          %swap3A_241 = vector.shape_cast %swap3A_240 : vector<1x16xf32> to vector<16xf32>
          %swap3A_242 = vector.shape_cast %mul3A_237 : vector<16xf32> to vector<1x16xf32>
          tpu.vector_store %arg10[%swap3A_238, %swap3A_239], %swap3A_242 {strides = array<i32>} : memref<80x128xf32, #tpu.memory_space<vmem>>, vector<1x16xf32>,
          %get3A_243 = arith.index_cast %add3A_203 : i32 to index
          %get3A_244 = arith.constant 64 : index
          %get3A_245 = tpu.vector_load %arg10[%get3A_243, %get3A_244] {strides = array<i32>} : memref<80x128xf32, #tpu.memory_space<vmem>>, vector<1x16xf32>,
          %get3A_246 = vector.shape_cast %get3A_245 : vector<1x16xf32> to vector<16xf32>
          %mul3A_247 = arith.mulf %get3A_246, %broadcast_in_dim3A_199 : vector<16xf32>
          %swap3A_248 = arith.index_cast %add3A_203 : i32 to index
          %swap3A_249 = arith.constant 64 : index
          %swap3A_250 = tpu.vector_load %arg10[%swap3A_248, %swap3A_249] {strides = array<i32>} : memref<80x128xf32, #tpu.memory_space<vmem>>, vector<1x16xf32>,
          %swap3A_251 = vector.shape_cast %swap3A_250 : vector<1x16xf32> to vector<16xf32>
          %swap3A_252 = vector.shape_cast %mul3A_247 : vector<16xf32> to vector<1x16xf32>
          tpu.vector_store %arg10[%swap3A_248, %swap3A_249], %swap3A_252 {strides = array<i32>} : memref<80x128xf32, #tpu.memory_space<vmem>>, vector<1x16xf32>,
          %get3A_253 = arith.index_cast %add3A_203 : i32 to index
          %get3A_254 = arith.constant 80 : index
          %get3A_255 = tpu.vector_load %arg10[%get3A_253, %get3A_254] {strides = array<i32>} : memref<80x128xf32, #tpu.memory_space<vmem>>, vector<1x16xf32>,
          %get3A_256 = vector.shape_cast %get3A_255 : vector<1x16xf32> to vector<16xf32>
          %mul3A_257 = arith.mulf %get3A_256, %broadcast_in_dim3A_199 : vector<16xf32>
          %swap3A_258 = arith.index_cast %add3A_203 : i32 to index
          %swap3A_259 = arith.constant 80 : index
          %swap3A_260 = tpu.vector_load %arg10[%swap3A_258, %swap3A_259] {strides = array<i32>} : memref<80x128xf32, #tpu.memory_space<vmem>>, vector<1x16xf32>,
          %swap3A_261 = vector.shape_cast %swap3A_260 : vector<1x16xf32> to vector<16xf32>
          %swap3A_262 = vector.shape_cast %mul3A_257 : vector<16xf32> to vector<1x16xf32>
          tpu.vector_store %arg10[%swap3A_258, %swap3A_259], %swap3A_262 {strides = array<i32>} : memref<80x128xf32, #tpu.memory_space<vmem>>, vector<1x16xf32>,
          %get3A_263 = arith.index_cast %add3A_203 : i32 to index
          %get3A_264 = arith.constant 96 : index
          %get3A_265 = tpu.vector_load %arg10[%get3A_263, %get3A_264] {strides = array<i32>} : memref<80x128xf32, #tpu.memory_space<vmem>>, vector<1x16xf32>,
          %get3A_266 = vector.shape_cast %get3A_265 : vector<1x16xf32> to vector<16xf32>
          %mul3A_267 = arith.mulf %get3A_266, %broadcast_in_dim3A_199 : vector<16xf32>
          %swap3A_268 = arith.index_cast %add3A_203 : i32 to index
          %swap3A_269 = arith.constant 96 : index
          %swap3A_270 = tpu.vector_load %arg10[%swap3A_268, %swap3A_269] {strides = array<i32>} : memref<80x128xf32, #tpu.memory_space<vmem>>, vector<1x16xf32>,
          %swap3A_271 = vector.shape_cast %swap3A_270 : vector<1x16xf32> to vector<16xf32>
          %swap3A_272 = vector.shape_cast %mul3A_267 : vector<16xf32> to vector<1x16xf32>
          tpu.vector_store %arg10[%swap3A_268, %swap3A_269], %swap3A_272 {strides = array<i32>} : memref<80x128xf32, #tpu.memory_space<vmem>>, vector<1x16xf32>,
          %get3A_273 = arith.index_cast %add3A_203 : i32 to index
          %get3A_274 = arith.constant 112 : index
          %get3A_275 = tpu.vector_load %arg10[%get3A_273, %get3A_274] {strides = array<i32>} : memref<80x128xf32, #tpu.memory_space<vmem>>, vector<1x16xf32>,
          %get3A_276 = vector.shape_cast %get3A_275 : vector<1x16xf32> to vector<16xf32>
          %mul3A_277 = arith.mulf %get3A_276, %broadcast_in_dim3A_199 : vector<16xf32>
          %swap3A_278 = arith.index_cast %add3A_203 : i32 to index
          %swap3A_279 = arith.constant 112 : index
          %swap3A_280 = tpu.vector_load %arg10[%swap3A_278, %swap3A_279] {strides = array<i32>} : memref<80x128xf32, #tpu.memory_space<vmem>>, vector<1x16xf32>,
          %swap3A_281 = vector.shape_cast %swap3A_280 : vector<1x16xf32> to vector<16xf32>
          %swap3A_282 = vector.shape_cast %mul3A_277 : vector<16xf32> to vector<1x16xf32>
          tpu.vector_store %arg10[%swap3A_278, %swap3A_279], %swap3A_282 {strides = array<i32>} : memref<80x128xf32, #tpu.memory_space<vmem>>, vector<1x16xf32>,
          %slice3A_283 = vector.extract_strided_slice %get3A_198 {offsets = [1], sizes = [1], strides = [1]} : vector<16xf32> to vector<1xf32>
          %squeeze3A_284 = vector.extract %slice3A_283[0] : f32 from vector<1xf32>
          %broadcast_in_dim3A_285 = vector.broadcast %squeeze3A_284 : f32 to vector<16xf32>
          %mul3A_286 = arith.constant 16 : i32
          %mul3A_287 = arith.muli %scan3A_193, %mul3A_286 : i32
          %add3A_288 = arith.constant 1 : i32
          %add3A_289 = arith.addi %mul3A_287, %add3A_288 : i32
          %get3A_290 = arith.index_cast %add3A_289 : i32 to index
          %get3A_291 = arith.constant 0 : index
          %get3A_292 = tpu.vector_load %arg10[%get3A_290, %get3A_291] {strides = array<i32>} : memref<80x128xf32, #tpu.memory_space<vmem>>, vector<1x16xf32>,
          %get3A_293 = vector.shape_cast %get3A_292 : vector<1x16xf32> to vector<16xf32>
          %mul3A_294 = arith.mulf %get3A_293, %broadcast_in_dim3A_285 : vector<16xf32>
          %swap3A_295 = arith.index_cast %add3A_289 : i32 to index
          %swap3A_296 = arith.constant 0 : index
          %swap3A_297 = tpu.vector_load %arg10[%swap3A_295, %swap3A_296] {strides = array<i32>} : memref<80x128xf32, #tpu.memory_space<vmem>>, vector<1x16xf32>,
          %swap3A_298 = vector.shape_cast %swap3A_297 : vector<1x16xf32> to vector<16xf32>
          %swap3A_299 = vector.shape_cast %mul3A_294 : vector<16xf32> to vector<1x16xf32>
          tpu.vector_store %arg10[%swap3A_295, %swap3A_296], %swap3A_299 {strides = array<i32>} : memref<80x128xf32, #tpu.memory_space<vmem>>, vector<1x16xf32>,
          %get3A_300 = arith.index_cast %add3A_289 : i32 to index
          %get3A_301 = arith.constant 16 : index
          %get3A_302 = tpu.vector_load %arg10[%get3A_300, %get3A_301] {strides = array<i32>} : memref<80x128xf32, #tpu.memory_space<vmem>>, vector<1x16xf32>,
          %get3A_303 = vector.shape_cast %get3A_302 : vector<1x16xf32> to vector<16xf32>
          %mul3A_304 = arith.mulf %get3A_303, %broadcast_in_dim3A_285 : vector<16xf32>
          %swap3A_305 = arith.index_cast %add3A_289 : i32 to index
          %swap3A_306 = arith.constant 16 : index
          %swap3A_307 = tpu.vector_load %arg10[%swap3A_305, %swap3A_306] {strides = array<i32>} : memref<80x128xf32, #tpu.memory_space<vmem>>, vector<1x16xf32>,
          %swap3A_308 = vector.shape_cast %swap3A_307 : vector<1x16xf32> to vector<16xf32>
          %swap3A_309 = vector.shape_cast %mul3A_304 : vector<16xf32> to vector<1x16xf32>
          tpu.vector_store %arg10[%swap3A_305, %swap3A_306], %swap3A_309 {strides = array<i32>} : memref<80x128xf32, #tpu.memory_space<vmem>>, vector<1x16xf32>,
          %get3A_310 = arith.index_cast %add3A_289 : i32 to index
          %get3A_311 = arith.constant 32 : index
          %get3A_312 = tpu.vector_load %arg10[%get3A_310, %get3A_311] {strides = array<i32>} : memref<80x128xf32, #tpu.memory_space<vmem>>, vector<1x16xf32>,
          %get3A_313 = vector.shape_cast %get3A_312 : vector<1x16xf32> to vector<16xf32>
          %mul3A_314 = arith.mulf %get3A_313, %broadcast_in_dim3A_285 : vector<16xf32>
          %swap3A_315 = arith.index_cast %add3A_289 : i32 to index
          %swap3A_316 = arith.constant 32 : index
          %swap3A_317 = tpu.vector_load %arg10[%swap3A_315, %swap3A_316] {strides = array<i32>} : memref<80x128xf32, #tpu.memory_space<vmem>>, vector<1x16xf32>,
          %swap3A_318 = vector.shape_cast %swap3A_317 : vector<1x16xf32> to vector<16xf32>
          %swap3A_319 = vector.shape_cast %mul3A_314 : vector<16xf32> to vector<1x16xf32>
          tpu.vector_store %arg10[%swap3A_315, %swap3A_316], %swap3A_319 {strides = array<i32>} : memref<80x128xf32, #tpu.memory_space<vmem>>, vector<1x16xf32>,
          %get3A_320 = arith.index_cast %add3A_289 : i32 to index
          %get3A_321 = arith.constant 48 : index
          %get3A_322 = tpu.vector_load %arg10[%get3A_320, %get3A_321] {strides = array<i32>} : memref<80x128xf32, #tpu.memory_space<vmem>>, vector<1x16xf32>,
          %get3A_323 = vector.shape_cast %get3A_322 : vector<1x16xf32> to vector<16xf32>
          %mul3A_324 = arith.mulf %get3A_323, %broadcast_in_dim3A_285 : vector<16xf32>
          %swap3A_325 = arith.index_cast %add3A_289 : i32 to index
          %swap3A_326 = arith.constant 48 : index
          %swap3A_327 = tpu.vector_load %arg10[%swap3A_325, %swap3A_326] {strides = array<i32>} : memref<80x128xf32, #tpu.memory_space<vmem>>, vector<1x16xf32>,
          %swap3A_328 = vector.shape_cast %swap3A_327 : vector<1x16xf32> to vector<16xf32>
          %swap3A_329 = vector.shape_cast %mul3A_324 : vector<16xf32> to vector<1x16xf32>
          tpu.vector_store %arg10[%swap3A_325, %swap3A_326], %swap3A_329 {strides = array<i32>} : memref<80x128xf32, #tpu.memory_space<vmem>>, vector<1x16xf32>,
          %get3A_330 = arith.index_cast %add3A_289 : i32 to index
          %get3A_331 = arith.constant 64 : index
          %get3A_332 = tpu.vector_load %arg10[%get3A_330, %get3A_331] {strides = array<i32>} : memref<80x128xf32, #tpu.memory_space<vmem>>, vector<1x16xf32>,
          %get3A_333 = vector.shape_cast %get3A_332 : vector<1x16xf32> to vector<16xf32>
          %mul3A_334 = arith.mulf %get3A_333, %broadcast_in_dim3A_285 : vector<16xf32>
          %swap3A_335 = arith.index_cast %add3A_289 : i32 to index
          %swap3A_336 = arith.constant 64 : index
          %swap3A_337 = tpu.vector_load %arg10[%swap3A_335, %swap3A_336] {strides = array<i32>} : memref<80x128xf32, #tpu.memory_space<vmem>>, vector<1x16xf32>,
          %swap3A_338 = vector.shape_cast %swap3A_337 : vector<1x16xf32> to vector<16xf32>
          %swap3A_339 = vector.shape_cast %mul3A_334 : vector<16xf32> to vector<1x16xf32>
          tpu.vector_store %arg10[%swap3A_335, %swap3A_336], %swap3A_339 {strides = array<i32>} : memref<80x128xf32, #tpu.memory_space<vmem>>, vector<1x16xf32>,
          %get3A_340 = arith.index_cast %add3A_289 : i32 to index
          %get3A_341 = arith.constant 80 : index
          %get3A_342 = tpu.vector_load %arg10[%get3A_340, %get3A_341] {strides = array<i32>} : memref<80x128xf32, #tpu.memory_space<vmem>>, vector<1x16xf32>,
          %get3A_343 = vector.shape_cast %get3A_342 : vector<1x16xf32> to vector<16xf32>
          %mul3A_344 = arith.mulf %get3A_343, %broadcast_in_dim3A_285 : vector<16xf32>
          %swap3A_345 = arith.index_cast %add3A_289 : i32 to index
          %swap3A_346 = arith.constant 80 : index
          %swap3A_347 = tpu.vector_load %arg10[%swap3A_345, %swap3A_346] {strides = array<i32>} : memref<80x128xf32, #tpu.memory_space<vmem>>, vector<1x16xf32>,
          %swap3A_348 = vector.shape_cast %swap3A_347 : vector<1x16xf32> to vector<16xf32>
          %swap3A_349 = vector.shape_cast %mul3A_344 : vector<16xf32> to vector<1x16xf32>
          tpu.vector_store %arg10[%swap3A_345, %swap3A_346], %swap3A_349 {strides = array<i32>} : memref<80x128xf32, #tpu.memory_space<vmem>>, vector<1x16xf32>,
          %get3A_350 = arith.index_cast %add3A_289 : i32 to index
          %get3A_351 = arith.constant 96 : index
          %get3A_352 = tpu.vector_load %arg10[%get3A_350, %get3A_351] {strides = array<i32>} : memref<80x128xf32, #tpu.memory_space<vmem>>, vector<1x16xf32>,
          %get3A_353 = vector.shape_cast %get3A_352 : vector<1x16xf32> to vector<16xf32>
          %mul3A_354 = arith.mulf %get3A_353, %broadcast_in_dim3A_285 : vector<16xf32>
          %swap3A_355 = arith.index_cast %add3A_289 : i32 to index
          %swap3A_356 = arith.constant 96 : index
          %swap3A_357 = tpu.vector_load %arg10[%swap3A_355, %swap3A_356] {strides = array<i32>} : memref<80x128xf32, #tpu.memory_space<vmem>>, vector<1x16xf32>,
          %swap3A_358 = vector.shape_cast %swap3A_357 : vector<1x16xf32> to vector<16xf32>
          %swap3A_359 = vector.shape_cast %mul3A_354 : vector<16xf32> to vector<1x16xf32>
          tpu.vector_store %arg10[%swap3A_355, %swap3A_356], %swap3A_359 {strides = array<i32>} : memref<80x128xf32, #tpu.memory_space<vmem>>, vector<1x16xf32>,
          %get3A_360 = arith.index_cast %add3A_289 : i32 to index
          %get3A_361 = arith.constant 112 : index
          %get3A_362 = tpu.vector_load %arg10[%get3A_360, %get3A_361] {strides = array<i32>} : memref<80x128xf32, #tpu.memory_space<vmem>>, vector<1x16xf32>,
          %get3A_363 = vector.shape_cast %get3A_362 : vector<1x16xf32> to vector<16xf32>
          %mul3A_364 = arith.mulf %get3A_363, %broadcast_in_dim3A_285 : vector<16xf32>
          %swap3A_365 = arith.index_cast %add3A_289 : i32 to index
          %swap3A_366 = arith.constant 112 : index
          %swap3A_367 = tpu.vector_load %arg10[%swap3A_365, %swap3A_366] {strides = array<i32>} : memref<80x128xf32, #tpu.memory_space<vmem>>, vector<1x16xf32>,
          %swap3A_368 = vector.shape_cast %swap3A_367 : vector<1x16xf32> to vector<16xf32>
          %swap3A_369 = vector.shape_cast %mul3A_364 : vector<16xf32> to vector<1x16xf32>
          tpu.vector_store %arg10[%swap3A_365, %swap3A_366], %swap3A_369 {strides = array<i32>} : memref<80x128xf32, #tpu.memory_space<vmem>>, vector<1x16xf32>,
          %slice3A_370 = vector.extract_strided_slice %get3A_198 {offsets = [2], sizes = [1], strides = [1]} : vector<16xf32> to vector<1xf32>
          %squeeze3A_371 = vector.extract %slice3A_370[0] : f32 from vector<1xf32>
          %broadcast_in_dim3A_372 = vector.broadcast %squeeze3A_371 : f32 to vector<16xf32>
          %mul3A_373 = arith.constant 16 : i32
          %mul3A_374 = arith.muli %scan3A_193, %mul3A_373 : i32
          %add3A_375 = arith.constant 2 : i32
          %add3A_376 = arith.addi %mul3A_374, %add3A_375 : i32
          %get3A_377 = arith.index_cast %add3A_376 : i32 to index
          %get3A_378 = arith.constant 0 : index
          %get3A_379 = tpu.vector_load %arg10[%get3A_377, %get3A_378] {strides = array<i32>} : memref<80x128xf32, #tpu.memory_space<vmem>>, vector<1x16xf32>,
          %get3A_380 = vector.shape_cast %get3A_379 : vector<1x16xf32> to vector<16xf32>
          %mul3A_381 = arith.mulf %get3A_380, %broadcast_in_dim3A_372 : vector<16xf32>
          %swap3A_382 = arith.index_cast %add3A_376 : i32 to index
          %swap3A_383 = arith.constant 0 : index
          %swap3A_384 = tpu.vector_load %arg10[%swap3A_382, %swap3A_383] {strides = array<i32>} : memref<80x128xf32, #tpu.memory_space<vmem>>, vector<1x16xf32>,
          %swap3A_385 = vector.shape_cast %swap3A_384 : vector<1x16xf32> to vector<16xf32>
          %swap3A_386 = vector.shape_cast %mul3A_381 : vector<16xf32> to vector<1x16xf32>
          tpu.vector_store %arg10[%swap3A_382, %swap3A_383], %swap3A_386 {strides = array<i32>} : memref<80x128xf32, #tpu.memory_space<vmem>>, vector<1x16xf32>,
          %get3A_387 = arith.index_cast %add3A_376 : i32 to index
          %get3A_388 = arith.constant 16 : index
          %get3A_389 = tpu.vector_load %arg10[%get3A_387, %get3A_388] {strides = array<i32>} : memref<80x128xf32, #tpu.memory_space<vmem>>, vector<1x16xf32>,
          %get3A_390 = vector.shape_cast %get3A_389 : vector<1x16xf32> to vector<16xf32>
          %mul3A_391 = arith.mulf %get3A_390, %broadcast_in_dim3A_372 : vector<16xf32>
          %swap3A_392 = arith.index_cast %add3A_376 : i32 to index
          %swap3A_393 = arith.constant 16 : index
          %swap3A_394 = tpu.vector_load %arg10[%swap3A_392, %swap3A_393] {strides = array<i32>} : memref<80x128xf32, #tpu.memory_space<vmem>>, vector<1x16xf32>,
          %swap3A_395 = vector.shape_cast %swap3A_394 : vector<1x16xf32> to vector<16xf32>
          %swap3A_396 = vector.shape_cast %mul3A_391 : vector<16xf32> to vector<1x16xf32>
          tpu.vector_store %arg10[%swap3A_392, %swap3A_393], %swap3A_396 {strides = array<i32>} : memref<80x128xf32, #tpu.memory_space<vmem>>, vector<1x16xf32>,
          %get3A_397 = arith.index_cast %add3A_376 : i32 to index
          %get3A_398 = arith.constant 32 : index
          %get3A_399 = tpu.vector_load %arg10[%get3A_397, %get3A_398] {strides = array<i32>} : memref<80x128xf32, #tpu.memory_space<vmem>>, vector<1x16xf32>,
          %get3A_400 = vector.shape_cast %get3A_399 : vector<1x16xf32> to vector<16xf32>
          %mul3A_401 = arith.mulf %get3A_400, %broadcast_in_dim3A_372 : vector<16xf32>
          %swap3A_402 = arith.index_cast %add3A_376 : i32 to index
          %swap3A_403 = arith.constant 32 : index
          %swap3A_404 = tpu.vector_load %arg10[%swap3A_402, %swap3A_403] {strides = array<i32>} : memref<80x128xf32, #tpu.memory_space<vmem>>, vector<1x16xf32>,
          %swap3A_405 = vector.shape_cast %swap3A_404 : vector<1x16xf32> to vector<16xf32>
          %swap3A_406 = vector.shape_cast %mul3A_401 : vector<16xf32> to vector<1x16xf32>
          tpu.vector_store %arg10[%swap3A_402, %swap3A_403], %swap3A_406 {strides = array<i32>} : memref<80x128xf32, #tpu.memory_space<vmem>>, vector<1x16xf32>,
          %get3A_407 = arith.index_cast %add3A_376 : i32 to index
          %get3A_408 = arith.constant 48 : index
          %get3A_409 = tpu.vector_load %arg10[%get3A_407, %get3A_408] {strides = array<i32>} : memref<80x128xf32, #tpu.memory_space<vmem>>, vector<1x16xf32>,
          %get3A_410 = vector.shape_cast %get3A_409 : vector<1x16xf32> to vector<16xf32>
          %mul3A_411 = arith.mulf %get3A_410, %broadcast_in_dim3A_372 : vector<16xf32>
          %swap3A_412 = arith.index_cast %add3A_376 : i32 to index
          %swap3A_413 = arith.constant 48 : index
          %swap3A_414 = tpu.vector_load %arg10[%swap3A_412, %swap3A_413] {strides = array<i32>} : memref<80x128xf32, #tpu.memory_space<vmem>>, vector<1x16xf32>,
          %swap3A_415 = vector.shape_cast %swap3A_414 : vector<1x16xf32> to vector<16xf32>
          %swap3A_416 = vector.shape_cast %mul3A_411 : vector<16xf32> to vector<1x16xf32>
          tpu.vector_store %arg10[%swap3A_412, %swap3A_413], %swap3A_416 {strides = array<i32>} : memref<80x128xf32, #tpu.memory_space<vmem>>, vector<1x16xf32>,
          %get3A_417 = arith.index_cast %add3A_376 : i32 to index
          %get3A_418 = arith.constant 64 : index
          %get3A_419 = tpu.vector_load %arg10[%get3A_417, %get3A_418] {strides = array<i32>} : memref<80x128xf32, #tpu.memory_space<vmem>>, vector<1x16xf32>,
          %get3A_420 = vector.shape_cast %get3A_419 : vector<1x16xf32> to vector<16xf32>
          %mul3A_421 = arith.mulf %get3A_420, %broadcast_in_dim3A_372 : vector<16xf32>
          %swap3A_422 = arith.index_cast %add3A_376 : i32 to index
          %swap3A_423 = arith.constant 64 : index
          %swap3A_424 = tpu.vector_load %arg10[%swap3A_422, %swap3A_423] {strides = array<i32>} : memref<80x128xf32, #tpu.memory_space<vmem>>, vector<1x16xf32>,
          %swap3A_425 = vector.shape_cast %swap3A_424 : vector<1x16xf32> to vector<16xf32>
          %swap3A_426 = vector.shape_cast %mul3A_421 : vector<16xf32> to vector<1x16xf32>
          tpu.vector_store %arg10[%swap3A_422, %swap3A_423], %swap3A_426 {strides = array<i32>} : memref<80x128xf32, #tpu.memory_space<vmem>>, vector<1x16xf32>,
          %get3A_427 = arith.index_cast %add3A_376 : i32 to index
          %get3A_428 = arith.constant 80 : index
          %get3A_429 = tpu.vector_load %arg10[%get3A_427, %get3A_428] {strides = array<i32>} : memref<80x128xf32, #tpu.memory_space<vmem>>, vector<1x16xf32>,
          %get3A_430 = vector.shape_cast %get3A_429 : vector<1x16xf32> to vector<16xf32>
          %mul3A_431 = arith.mulf %get3A_430, %broadcast_in_dim3A_372 : vector<16xf32>
          %swap3A_432 = arith.index_cast %add3A_376 : i32 to index
          %swap3A_433 = arith.constant 80 : index
          %swap3A_434 = tpu.vector_load %arg10[%swap3A_432, %swap3A_433] {strides = array<i32>} : memref<80x128xf32, #tpu.memory_space<vmem>>, vector<1x16xf32>,
          %swap3A_435 = vector.shape_cast %swap3A_434 : vector<1x16xf32> to vector<16xf32>
          %swap3A_436 = vector.shape_cast %mul3A_431 : vector<16xf32> to vector<1x16xf32>
          tpu.vector_store %arg10[%swap3A_432, %swap3A_433], %swap3A_436 {strides = array<i32>} : memref<80x128xf32, #tpu.memory_space<vmem>>, vector<1x16xf32>,
          %get3A_437 = arith.index_cast %add3A_376 : i32 to index
          %get3A_438 = arith.constant 96 : index
          %get3A_439 = tpu.vector_load %arg10[%get3A_437, %get3A_438] {strides = array<i32>} : memref<80x128xf32, #tpu.memory_space<vmem>>, vector<1x16xf32>,
          %get3A_440 = vector.shape_cast %get3A_439 : vector<1x16xf32> to vector<16xf32>
          %mul3A_441 = arith.mulf %get3A_440, %broadcast_in_dim3A_372 : vector<16xf32>
          %swap3A_442 = arith.index_cast %add3A_376 : i32 to index
          %swap3A_443 = arith.constant 96 : index
          %swap3A_444 = tpu.vector_load %arg10[%swap3A_442, %swap3A_443] {strides = array<i32>} : memref<80x128xf32, #tpu.memory_space<vmem>>, vector<1x16xf32>,
          %swap3A_445 = vector.shape_cast %swap3A_444 : vector<1x16xf32> to vector<16xf32>
          %swap3A_446 = vector.shape_cast %mul3A_441 : vector<16xf32> to vector<1x16xf32>
          tpu.vector_store %arg10[%swap3A_442, %swap3A_443], %swap3A_446 {strides = array<i32>} : memref<80x128xf32, #tpu.memory_space<vmem>>, vector<1x16xf32>,
          %get3A_447 = arith.index_cast %add3A_376 : i32 to index
          %get3A_448 = arith.constant 112 : index
          %get3A_449 = tpu.vector_load %arg10[%get3A_447, %get3A_448] {strides = array<i32>} : memref<80x128xf32, #tpu.memory_space<vmem>>, vector<1x16xf32>,
          %get3A_450 = vector.shape_cast %get3A_449 : vector<1x16xf32> to vector<16xf32>
          %mul3A_451 = arith.mulf %get3A_450, %broadcast_in_dim3A_372 : vector<16xf32>
          %swap3A_452 = arith.index_cast %add3A_376 : i32 to index
          %swap3A_453 = arith.constant 112 : index
          %swap3A_454 = tpu.vector_load %arg10[%swap3A_452, %swap3A_453] {strides = array<i32>} : memref<80x128xf32, #tpu.memory_space<vmem>>, vector<1x16xf32>,
          %swap3A_455 = vector.shape_cast %swap3A_454 : vector<1x16xf32> to vector<16xf32>
          %swap3A_456 = vector.shape_cast %mul3A_451 : vector<16xf32> to vector<1x16xf32>
          tpu.vector_store %arg10[%swap3A_452, %swap3A_453], %swap3A_456 {strides = array<i32>} : memref<80x128xf32, #tpu.memory_space<vmem>>, vector<1x16xf32>,
          %slice3A_457 = vector.extract_strided_slice %get3A_198 {offsets = [3], sizes = [1], strides = [1]} : vector<16xf32> to vector<1xf32>
          %squeeze3A_458 = vector.extract %slice3A_457[0] : f32 from vector<1xf32>
          %broadcast_in_dim3A_459 = vector.broadcast %squeeze3A_458 : f32 to vector<16xf32>
          %mul3A_460 = arith.constant 16 : i32
          %mul3A_461 = arith.muli %scan3A_193, %mul3A_460 : i32
          %add3A_462 = arith.constant 3 : i32
          %add3A_463 = arith.addi %mul3A_461, %add3A_462 : i32
          %get3A_464 = arith.index_cast %add3A_463 : i32 to index
          %get3A_465 = arith.constant 0 : index
          %get3A_466 = tpu.vector_load %arg10[%get3A_464, %get3A_465] {strides = array<i32>} : memref<80x128xf32, #tpu.memory_space<vmem>>, vector<1x16xf32>,
          %get3A_467 = vector.shape_cast %get3A_466 : vector<1x16xf32> to vector<16xf32>
          %mul3A_468 = arith.mulf %get3A_467, %broadcast_in_dim3A_459 : vector<16xf32>
          %swap3A_469 = arith.index_cast %add3A_463 : i32 to index
          %swap3A_470 = arith.constant 0 : index
          %swap3A_471 = tpu.vector_load %arg10[%swap3A_469, %swap3A_470] {strides = array<i32>} : memref<80x128xf32, #tpu.memory_space<vmem>>, vector<1x16xf32>,
          %swap3A_472 = vector.shape_cast %swap3A_471 : vector<1x16xf32> to vector<16xf32>
          %swap3A_473 = vector.shape_cast %mul3A_468 : vector<16xf32> to vector<1x16xf32>
          tpu.vector_store %arg10[%swap3A_469, %swap3A_470], %swap3A_473 {strides = array<i32>} : memref<80x128xf32, #tpu.memory_space<vmem>>, vector<1x16xf32>,
          %get3A_474 = arith.index_cast %add3A_463 : i32 to index
          %get3A_475 = arith.constant 16 : index
          %get3A_476 = tpu.vector_load %arg10[%get3A_474, %get3A_475] {strides = array<i32>} : memref<80x128xf32, #tpu.memory_space<vmem>>, vector<1x16xf32>,
          %get3A_477 = vector.shape_cast %get3A_476 : vector<1x16xf32> to vector<16xf32>
          %mul3A_478 = arith.mulf %get3A_477, %broadcast_in_dim3A_459 : vector<16xf32>
          %swap3A_479 = arith.index_cast %add3A_463 : i32 to index
          %swap3A_480 = arith.constant 16 : index
          %swap3A_481 = tpu.vector_load %arg10[%swap3A_479, %swap3A_480] {strides = array<i32>} : memref<80x128xf32, #tpu.memory_space<vmem>>, vector<1x16xf32>,
          %swap3A_482 = vector.shape_cast %swap3A_481 : vector<1x16xf32> to vector<16xf32>
          %swap3A_483 = vector.shape_cast %mul3A_478 : vector<16xf32> to vector<1x16xf32>
          tpu.vector_store %arg10[%swap3A_479, %swap3A_480], %swap3A_483 {strides = array<i32>} : memref<80x128xf32, #tpu.memory_space<vmem>>, vector<1x16xf32>,
          %get3A_484 = arith.index_cast %add3A_463 : i32 to index
          %get3A_485 = arith.constant 32 : index
          %get3A_486 = tpu.vector_load %arg10[%get3A_484, %get3A_485] {strides = array<i32>} : memref<80x128xf32, #tpu.memory_space<vmem>>, vector<1x16xf32>,
          %get3A_487 = vector.shape_cast %get3A_486 : vector<1x16xf32> to vector<16xf32>
          %mul3A_488 = arith.mulf %get3A_487, %broadcast_in_dim3A_459 : vector<16xf32>
          %swap3A_489 = arith.index_cast %add3A_463 : i32 to index
          %swap3A_490 = arith.constant 32 : index
          %swap3A_491 = tpu.vector_load %arg10[%swap3A_489, %swap3A_490] {strides = array<i32>} : memref<80x128xf32, #tpu.memory_space<vmem>>, vector<1x16xf32>,
          %swap3A_492 = vector.shape_cast %swap3A_491 : vector<1x16xf32> to vector<16xf32>
          %swap3A_493 = vector.shape_cast %mul3A_488 : vector<16xf32> to vector<1x16xf32>
          tpu.vector_store %arg10[%swap3A_489, %swap3A_490], %swap3A_493 {strides = array<i32>} : memref<80x128xf32, #tpu.memory_space<vmem>>, vector<1x16xf32>,
          %get3A_494 = arith.index_cast %add3A_463 : i32 to index
          %get3A_495 = arith.constant 48 : index
          %get3A_496 = tpu.vector_load %arg10[%get3A_494, %get3A_495] {strides = array<i32>} : memref<80x128xf32, #tpu.memory_space<vmem>>, vector<1x16xf32>,
          %get3A_497 = vector.shape_cast %get3A_496 : vector<1x16xf32> to vector<16xf32>
          %mul3A_498 = arith.mulf %get3A_497, %broadcast_in_dim3A_459 : vector<16xf32>
          %swap3A_499 = arith.index_cast %add3A_463 : i32 to index
          %swap3A_500 = arith.constant 48 : index
          %swap3A_501 = tpu.vector_load %arg10[%swap3A_499, %swap3A_500] {strides = array<i32>} : memref<80x128xf32, #tpu.memory_space<vmem>>, vector<1x16xf32>,
          %swap3A_502 = vector.shape_cast %swap3A_501 : vector<1x16xf32> to vector<16xf32>
          %swap3A_503 = vector.shape_cast %mul3A_498 : vector<16xf32> to vector<1x16xf32>
          tpu.vector_store %arg10[%swap3A_499, %swap3A_500], %swap3A_503 {strides = array<i32>} : memref<80x128xf32, #tpu.memory_space<vmem>>, vector<1x16xf32>,
          %get3A_504 = arith.index_cast %add3A_463 : i32 to index
          %get3A_505 = arith.constant 64 : index
          %get3A_506 = tpu.vector_load %arg10[%get3A_504, %get3A_505] {strides = array<i32>} : memref<80x128xf32, #tpu.memory_space<vmem>>, vector<1x16xf32>,
          %get3A_507 = vector.shape_cast %get3A_506 : vector<1x16xf32> to vector<16xf32>
          %mul3A_508 = arith.mulf %get3A_507, %broadcast_in_dim3A_459 : vector<16xf32>
          %swap3A_509 = arith.index_cast %add3A_463 : i32 to index
          %swap3A_510 = arith.constant 64 : index
          %swap3A_511 = tpu.vector_load %arg10[%swap3A_509, %swap3A_510] {strides = array<i32>} : memref<80x128xf32, #tpu.memory_space<vmem>>, vector<1x16xf32>,
          %swap3A_512 = vector.shape_cast %swap3A_511 : vector<1x16xf32> to vector<16xf32>
          %swap3A_513 = vector.shape_cast %mul3A_508 : vector<16xf32> to vector<1x16xf32>
          tpu.vector_store %arg10[%swap3A_509, %swap3A_510], %swap3A_513 {strides = array<i32>} : memref<80x128xf32, #tpu.memory_space<vmem>>, vector<1x16xf32>,
          %get3A_514 = arith.index_cast %add3A_463 : i32 to index
          %get3A_515 = arith.constant 80 : index
          %get3A_516 = tpu.vector_load %arg10[%get3A_514, %get3A_515] {strides = array<i32>} : memref<80x128xf32, #tpu.memory_space<vmem>>, vector<1x16xf32>,
          %get3A_517 = vector.shape_cast %get3A_516 : vector<1x16xf32> to vector<16xf32>
          %mul3A_518 = arith.mulf %get3A_517, %broadcast_in_dim3A_459 : vector<16xf32>
          %swap3A_519 = arith.index_cast %add3A_463 : i32 to index
          %swap3A_520 = arith.constant 80 : index
          %swap3A_521 = tpu.vector_load %arg10[%swap3A_519, %swap3A_520] {strides = array<i32>} : memref<80x128xf32, #tpu.memory_space<vmem>>, vector<1x16xf32>,
          %swap3A_522 = vector.shape_cast %swap3A_521 : vector<1x16xf32> to vector<16xf32>
          %swap3A_523 = vector.shape_cast %mul3A_518 : vector<16xf32> to vector<1x16xf32>
          tpu.vector_store %arg10[%swap3A_519, %swap3A_520], %swap3A_523 {strides = array<i32>} : memref<80x128xf32, #tpu.memory_space<vmem>>, vector<1x16xf32>,
          %get3A_524 = arith.index_cast %add3A_463 : i32 to index
          %get3A_525 = arith.constant 96 : index
          %get3A_526 = tpu.vector_load %arg10[%get3A_524, %get3A_525] {strides = array<i32>} : memref<80x128xf32, #tpu.memory_space<vmem>>, vector<1x16xf32>,
          %get3A_527 = vector.shape_cast %get3A_526 : vector<1x16xf32> to vector<16xf32>
          %mul3A_528 = arith.mulf %get3A_527, %broadcast_in_dim3A_459 : vector<16xf32>
          %swap3A_529 = arith.index_cast %add3A_463 : i32 to index
          %swap3A_530 = arith.constant 96 : index
          %swap3A_531 = tpu.vector_load %arg10[%swap3A_529, %swap3A_530] {strides = array<i32>} : memref<80x128xf32, #tpu.memory_space<vmem>>, vector<1x16xf32>,
          %swap3A_532 = vector.shape_cast %swap3A_531 : vector<1x16xf32> to vector<16xf32>
          %swap3A_533 = vector.shape_cast %mul3A_528 : vector<16xf32> to vector<1x16xf32>
          tpu.vector_store %arg10[%swap3A_529, %swap3A_530], %swap3A_533 {strides = array<i32>} : memref<80x128xf32, #tpu.memory_space<vmem>>, vector<1x16xf32>,
          %get3A_534 = arith.index_cast %add3A_463 : i32 to index
          %get3A_535 = arith.constant 112 : index
          %get3A_536 = tpu.vector_load %arg10[%get3A_534, %get3A_535] {strides = array<i32>} : memref<80x128xf32, #tpu.memory_space<vmem>>, vector<1x16xf32>,
          %get3A_537 = vector.shape_cast %get3A_536 : vector<1x16xf32> to vector<16xf32>
          %mul3A_538 = arith.mulf %get3A_537, %broadcast_in_dim3A_459 : vector<16xf32>
          %swap3A_539 = arith.index_cast %add3A_463 : i32 to index
          %swap3A_540 = arith.constant 112 : index
          %swap3A_541 = tpu.vector_load %arg10[%swap3A_539, %swap3A_540] {strides = array<i32>} : memref<80x128xf32, #tpu.memory_space<vmem>>, vector<1x16xf32>,
          %swap3A_542 = vector.shape_cast %swap3A_541 : vector<1x16xf32> to vector<16xf32>
          %swap3A_543 = vector.shape_cast %mul3A_538 : vector<16xf32> to vector<1x16xf32>
          tpu.vector_store %arg10[%swap3A_539, %swap3A_540], %swap3A_543 {strides = array<i32>} : memref<80x128xf32, #tpu.memory_space<vmem>>, vector<1x16xf32>,
          %slice3A_544 = vector.extract_strided_slice %get3A_198 {offsets = [4], sizes = [1], strides = [1]} : vector<16xf32> to vector<1xf32>
          %squeeze3A_545 = vector.extract %slice3A_544[0] : f32 from vector<1xf32>
          %broadcast_in_dim3A_546 = vector.broadcast %squeeze3A_545 : f32 to vector<16xf32>
          %mul3A_547 = arith.constant 16 : i32
          %mul3A_548 = arith.muli %scan3A_193, %mul3A_547 : i32
          %add3A_549 = arith.constant 4 : i32
          %add3A_550 = arith.addi %mul3A_548, %add3A_549 : i32
          %get3A_551 = arith.index_cast %add3A_550 : i32 to index
          %get3A_552 = arith.constant 0 : index
          %get3A_553 = tpu.vector_load %arg10[%get3A_551, %get3A_552] {strides = array<i32>} : memref<80x128xf32, #tpu.memory_space<vmem>>, vector<1x16xf32>,
          %get3A_554 = vector.shape_cast %get3A_553 : vector<1x16xf32> to vector<16xf32>
          %mul3A_555 = arith.mulf %get3A_554, %broadcast_in_dim3A_546 : vector<16xf32>
          %swap3A_556 = arith.index_cast %add3A_550 : i32 to index
          %swap3A_557 = arith.constant 0 : index
          %swap3A_558 = tpu.vector_load %arg10[%swap3A_556, %swap3A_557] {strides = array<i32>} : memref<80x128xf32, #tpu.memory_space<vmem>>, vector<1x16xf32>,
          %swap3A_559 = vector.shape_cast %swap3A_558 : vector<1x16xf32> to vector<16xf32>
          %swap3A_560 = vector.shape_cast %mul3A_555 : vector<16xf32> to vector<1x16xf32>
          tpu.vector_store %arg10[%swap3A_556, %swap3A_557], %swap3A_560 {strides = array<i32>} : memref<80x128xf32, #tpu.memory_space<vmem>>, vector<1x16xf32>,
          %get3A_561 = arith.index_cast %add3A_550 : i32 to index
          %get3A_562 = arith.constant 16 : index
          %get3A_563 = tpu.vector_load %arg10[%get3A_561, %get3A_562] {strides = array<i32>} : memref<80x128xf32, #tpu.memory_space<vmem>>, vector<1x16xf32>,
          %get3A_564 = vector.shape_cast %get3A_563 : vector<1x16xf32> to vector<16xf32>
          %mul3A_565 = arith.mulf %get3A_564, %broadcast_in_dim3A_546 : vector<16xf32>
          %swap3A_566 = arith.index_cast %add3A_550 : i32 to index
          %swap3A_567 = arith.constant 16 : index
          %swap3A_568 = tpu.vector_load %arg10[%swap3A_566, %swap3A_567] {strides = array<i32>} : memref<80x128xf32, #tpu.memory_space<vmem>>, vector<1x16xf32>,
          %swap3A_569 = vector.shape_cast %swap3A_568 : vector<1x16xf32> to vector<16xf32>
          %swap3A_570 = vector.shape_cast %mul3A_565 : vector<16xf32> to vector<1x16xf32>
          tpu.vector_store %arg10[%swap3A_566, %swap3A_567], %swap3A_570 {strides = array<i32>} : memref<80x128xf32, #tpu.memory_space<vmem>>, vector<1x16xf32>,
          %get3A_571 = arith.index_cast %add3A_550 : i32 to index
          %get3A_572 = arith.constant 32 : index
          %get3A_573 = tpu.vector_load %arg10[%get3A_571, %get3A_572] {strides = array<i32>} : memref<80x128xf32, #tpu.memory_space<vmem>>, vector<1x16xf32>,
          %get3A_574 = vector.shape_cast %get3A_573 : vector<1x16xf32> to vector<16xf32>
          %mul3A_575 = arith.mulf %get3A_574, %broadcast_in_dim3A_546 : vector<16xf32>
          %swap3A_576 = arith.index_cast %add3A_550 : i32 to index
          %swap3A_577 = arith.constant 32 : index
          %swap3A_578 = tpu.vector_load %arg10[%swap3A_576, %swap3A_577] {strides = array<i32>} : memref<80x128xf32, #tpu.memory_space<vmem>>, vector<1x16xf32>,
          %swap3A_579 = vector.shape_cast %swap3A_578 : vector<1x16xf32> to vector<16xf32>
          %swap3A_580 = vector.shape_cast %mul3A_575 : vector<16xf32> to vector<1x16xf32>
          tpu.vector_store %arg10[%swap3A_576, %swap3A_577], %swap3A_580 {strides = array<i32>} : memref<80x128xf32, #tpu.memory_space<vmem>>, vector<1x16xf32>,
          %get3A_581 = arith.index_cast %add3A_550 : i32 to index
          %get3A_582 = arith.constant 48 : index
          %get3A_583 = tpu.vector_load %arg10[%get3A_581, %get3A_582] {strides = array<i32>} : memref<80x128xf32, #tpu.memory_space<vmem>>, vector<1x16xf32>,
          %get3A_584 = vector.shape_cast %get3A_583 : vector<1x16xf32> to vector<16xf32>
          %mul3A_585 = arith.mulf %get3A_584, %broadcast_in_dim3A_546 : vector<16xf32>
          %swap3A_586 = arith.index_cast %add3A_550 : i32 to index
          %swap3A_587 = arith.constant 48 : index
          %swap3A_588 = tpu.vector_load %arg10[%swap3A_586, %swap3A_587] {strides = array<i32>} : memref<80x128xf32, #tpu.memory_space<vmem>>, vector<1x16xf32>,
          %swap3A_589 = vector.shape_cast %swap3A_588 : vector<1x16xf32> to vector<16xf32>
          %swap3A_590 = vector.shape_cast %mul3A_585 : vector<16xf32> to vector<1x16xf32>
          tpu.vector_store %arg10[%swap3A_586, %swap3A_587], %swap3A_590 {strides = array<i32>} : memref<80x128xf32, #tpu.memory_space<vmem>>, vector<1x16xf32>,
          %get3A_591 = arith.index_cast %add3A_550 : i32 to index
          %get3A_592 = arith.constant 64 : index
          %get3A_593 = tpu.vector_load %arg10[%get3A_591, %get3A_592] {strides = array<i32>} : memref<80x128xf32, #tpu.memory_space<vmem>>, vector<1x16xf32>,
          %get3A_594 = vector.shape_cast %get3A_593 : vector<1x16xf32> to vector<16xf32>
          %mul3A_595 = arith.mulf %get3A_594, %broadcast_in_dim3A_546 : vector<16xf32>
          %swap3A_596 = arith.index_cast %add3A_550 : i32 to index
          %swap3A_597 = arith.constant 64 : index
          %swap3A_598 = tpu.vector_load %arg10[%swap3A_596, %swap3A_597] {strides = array<i32>} : memref<80x128xf32, #tpu.memory_space<vmem>>, vector<1x16xf32>,
          %swap3A_599 = vector.shape_cast %swap3A_598 : vector<1x16xf32> to vector<16xf32>
          %swap3A_600 = vector.shape_cast %mul3A_595 : vector<16xf32> to vector<1x16xf32>
          tpu.vector_store %arg10[%swap3A_596, %swap3A_597], %swap3A_600 {strides = array<i32>} : memref<80x128xf32, #tpu.memory_space<vmem>>, vector<1x16xf32>,
          %get3A_601 = arith.index_cast %add3A_550 : i32 to index
          %get3A_602 = arith.constant 80 : index
          %get3A_603 = tpu.vector_load %arg10[%get3A_601, %get3A_602] {strides = array<i32>} : memref<80x128xf32, #tpu.memory_space<vmem>>, vector<1x16xf32>,
          %get3A_604 = vector.shape_cast %get3A_603 : vector<1x16xf32> to vector<16xf32>
          %mul3A_605 = arith.mulf %get3A_604, %broadcast_in_dim3A_546 : vector<16xf32>
          %swap3A_606 = arith.index_cast %add3A_550 : i32 to index
          %swap3A_607 = arith.constant 80 : index
          %swap3A_608 = tpu.vector_load %arg10[%swap3A_606, %swap3A_607] {strides = array<i32>} : memref<80x128xf32, #tpu.memory_space<vmem>>, vector<1x16xf32>,
          %swap3A_609 = vector.shape_cast %swap3A_608 : vector<1x16xf32> to vector<16xf32>
          %swap3A_610 = vector.shape_cast %mul3A_605 : vector<16xf32> to vector<1x16xf32>
          tpu.vector_store %arg10[%swap3A_606, %swap3A_607], %swap3A_610 {strides = array<i32>} : memref<80x128xf32, #tpu.memory_space<vmem>>, vector<1x16xf32>,
          %get3A_611 = arith.index_cast %add3A_550 : i32 to index
          %get3A_612 = arith.constant 96 : index
          %get3A_613 = tpu.vector_load %arg10[%get3A_611, %get3A_612] {strides = array<i32>} : memref<80x128xf32, #tpu.memory_space<vmem>>, vector<1x16xf32>,
          %get3A_614 = vector.shape_cast %get3A_613 : vector<1x16xf32> to vector<16xf32>
          %mul3A_615 = arith.mulf %get3A_614, %broadcast_in_dim3A_546 : vector<16xf32>
          %swap3A_616 = arith.index_cast %add3A_550 : i32 to index
          %swap3A_617 = arith.constant 96 : index
          %swap3A_618 = tpu.vector_load %arg10[%swap3A_616, %swap3A_617] {strides = array<i32>} : memref<80x128xf32, #tpu.memory_space<vmem>>, vector<1x16xf32>,
          %swap3A_619 = vector.shape_cast %swap3A_618 : vector<1x16xf32> to vector<16xf32>
          %swap3A_620 = vector.shape_cast %mul3A_615 : vector<16xf32> to vector<1x16xf32>
          tpu.vector_store %arg10[%swap3A_616, %swap3A_617], %swap3A_620 {strides = array<i32>} : memref<80x128xf32, #tpu.memory_space<vmem>>, vector<1x16xf32>,
          %get3A_621 = arith.index_cast %add3A_550 : i32 to index
          %get3A_622 = arith.constant 112 : index
          %get3A_623 = tpu.vector_load %arg10[%get3A_621, %get3A_622] {strides = array<i32>} : memref<80x128xf32, #tpu.memory_space<vmem>>, vector<1x16xf32>,
          %get3A_624 = vector.shape_cast %get3A_623 : vector<1x16xf32> to vector<16xf32>
          %mul3A_625 = arith.mulf %get3A_624, %broadcast_in_dim3A_546 : vector<16xf32>
          %swap3A_626 = arith.index_cast %add3A_550 : i32 to index
          %swap3A_627 = arith.constant 112 : index
          %swap3A_628 = tpu.vector_load %arg10[%swap3A_626, %swap3A_627] {strides = array<i32>} : memref<80x128xf32, #tpu.memory_space<vmem>>, vector<1x16xf32>,
          %swap3A_629 = vector.shape_cast %swap3A_628 : vector<1x16xf32> to vector<16xf32>
          %swap3A_630 = vector.shape_cast %mul3A_625 : vector<16xf32> to vector<1x16xf32>
          tpu.vector_store %arg10[%swap3A_626, %swap3A_627], %swap3A_630 {strides = array<i32>} : memref<80x128xf32, #tpu.memory_space<vmem>>, vector<1x16xf32>,
          %slice3A_631 = vector.extract_strided_slice %get3A_198 {offsets = [5], sizes = [1], strides = [1]} : vector<16xf32> to vector<1xf32>
          %squeeze3A_632 = vector.extract %slice3A_631[0] : f32 from vector<1xf32>
          %broadcast_in_dim3A_633 = vector.broadcast %squeeze3A_632 : f32 to vector<16xf32>
          %mul3A_634 = arith.constant 16 : i32
          %mul3A_635 = arith.muli %scan3A_193, %mul3A_634 : i32
          %add3A_636 = arith.constant 5 : i32
          %add3A_637 = arith.addi %mul3A_635, %add3A_636 : i32
          %get3A_638 = arith.index_cast %add3A_637 : i32 to index
          %get3A_639 = arith.constant 0 : index
          %get3A_640 = tpu.vector_load %arg10[%get3A_638, %get3A_639] {strides = array<i32>} : memref<80x128xf32, #tpu.memory_space<vmem>>, vector<1x16xf32>,
          %get3A_641 = vector.shape_cast %get3A_640 : vector<1x16xf32> to vector<16xf32>
          %mul3A_642 = arith.mulf %get3A_641, %broadcast_in_dim3A_633 : vector<16xf32>
          %swap3A_643 = arith.index_cast %add3A_637 : i32 to index
          %swap3A_644 = arith.constant 0 : index
          %swap3A_645 = tpu.vector_load %arg10[%swap3A_643, %swap3A_644] {strides = array<i32>} : memref<80x128xf32, #tpu.memory_space<vmem>>, vector<1x16xf32>,
          %swap3A_646 = vector.shape_cast %swap3A_645 : vector<1x16xf32> to vector<16xf32>
          %swap3A_647 = vector.shape_cast %mul3A_642 : vector<16xf32> to vector<1x16xf32>
          tpu.vector_store %arg10[%swap3A_643, %swap3A_644], %swap3A_647 {strides = array<i32>} : memref<80x128xf32, #tpu.memory_space<vmem>>, vector<1x16xf32>,
          %get3A_648 = arith.index_cast %add3A_637 : i32 to index
          %get3A_649 = arith.constant 16 : index
          %get3A_650 = tpu.vector_load %arg10[%get3A_648, %get3A_649] {strides = array<i32>} : memref<80x128xf32, #tpu.memory_space<vmem>>, vector<1x16xf32>,
          %get3A_651 = vector.shape_cast %get3A_650 : vector<1x16xf32> to vector<16xf32>
          %mul3A_652 = arith.mulf %get3A_651, %broadcast_in_dim3A_633 : vector<16xf32>
          %swap3A_653 = arith.index_cast %add3A_637 : i32 to index
          %swap3A_654 = arith.constant 16 : index
          %swap3A_655 = tpu.vector_load %arg10[%swap3A_653, %swap3A_654] {strides = array<i32>} : memref<80x128xf32, #tpu.memory_space<vmem>>, vector<1x16xf32>,
          %swap3A_656 = vector.shape_cast %swap3A_655 : vector<1x16xf32> to vector<16xf32>
          %swap3A_657 = vector.shape_cast %mul3A_652 : vector<16xf32> to vector<1x16xf32>
          tpu.vector_store %arg10[%swap3A_653, %swap3A_654], %swap3A_657 {strides = array<i32>} : memref<80x128xf32, #tpu.memory_space<vmem>>, vector<1x16xf32>,
          %get3A_658 = arith.index_cast %add3A_637 : i32 to index
          %get3A_659 = arith.constant 32 : index
          %get3A_660 = tpu.vector_load %arg10[%get3A_658, %get3A_659] {strides = array<i32>} : memref<80x128xf32, #tpu.memory_space<vmem>>, vector<1x16xf32>,
          %get3A_661 = vector.shape_cast %get3A_660 : vector<1x16xf32> to vector<16xf32>
          %mul3A_662 = arith.mulf %get3A_661, %broadcast_in_dim3A_633 : vector<16xf32>
          %swap3A_663 = arith.index_cast %add3A_637 : i32 to index
          %swap3A_664 = arith.constant 32 : index
          %swap3A_665 = tpu.vector_load %arg10[%swap3A_663, %swap3A_664] {strides = array<i32>} : memref<80x128xf32, #tpu.memory_space<vmem>>, vector<1x16xf32>,
          %swap3A_666 = vector.shape_cast %swap3A_665 : vector<1x16xf32> to vector<16xf32>
          %swap3A_667 = vector.shape_cast %mul3A_662 : vector<16xf32> to vector<1x16xf32>
          tpu.vector_store %arg10[%swap3A_663, %swap3A_664], %swap3A_667 {strides = array<i32>} : memref<80x128xf32, #tpu.memory_space<vmem>>, vector<1x16xf32>,
          %get3A_668 = arith.index_cast %add3A_637 : i32 to index
          %get3A_669 = arith.constant 48 : index
          %get3A_670 = tpu.vector_load %arg10[%get3A_668, %get3A_669] {strides = array<i32>} : memref<80x128xf32, #tpu.memory_space<vmem>>, vector<1x16xf32>,
          %get3A_671 = vector.shape_cast %get3A_670 : vector<1x16xf32> to vector<16xf32>
          %mul3A_672 = arith.mulf %get3A_671, %broadcast_in_dim3A_633 : vector<16xf32>
          %swap3A_673 = arith.index_cast %add3A_637 : i32 to index
          %swap3A_674 = arith.constant 48 : index
          %swap3A_675 = tpu.vector_load %arg10[%swap3A_673, %swap3A_674] {strides = array<i32>} : memref<80x128xf32, #tpu.memory_space<vmem>>, vector<1x16xf32>,
          %swap3A_676 = vector.shape_cast %swap3A_675 : vector<1x16xf32> to vector<16xf32>
          %swap3A_677 = vector.shape_cast %mul3A_672 : vector<16xf32> to vector<1x16xf32>
          tpu.vector_store %arg10[%swap3A_673, %swap3A_674], %swap3A_677 {strides = array<i32>} : memref<80x128xf32, #tpu.memory_space<vmem>>, vector<1x16xf32>,
          %get3A_678 = arith.index_cast %add3A_637 : i32 to index
          %get3A_679 = arith.constant 64 : index
          %get3A_680 = tpu.vector_load %arg10[%get3A_678, %get3A_679] {strides = array<i32>} : memref<80x128xf32, #tpu.memory_space<vmem>>, vector<1x16xf32>,
          %get3A_681 = vector.shape_cast %get3A_680 : vector<1x16xf32> to vector<16xf32>
          %mul3A_682 = arith.mulf %get3A_681, %broadcast_in_dim3A_633 : vector<16xf32>
          %swap3A_683 = arith.index_cast %add3A_637 : i32 to index
          %swap3A_684 = arith.constant 64 : index
          %swap3A_685 = tpu.vector_load %arg10[%swap3A_683, %swap3A_684] {strides = array<i32>} : memref<80x128xf32, #tpu.memory_space<vmem>>, vector<1x16xf32>,
          %swap3A_686 = vector.shape_cast %swap3A_685 : vector<1x16xf32> to vector<16xf32>
          %swap3A_687 = vector.shape_cast %mul3A_682 : vector<16xf32> to vector<1x16xf32>
          tpu.vector_store %arg10[%swap3A_683, %swap3A_684], %swap3A_687 {strides = array<i32>} : memref<80x128xf32, #tpu.memory_space<vmem>>, vector<1x16xf32>,
          %get3A_688 = arith.index_cast %add3A_637 : i32 to index
          %get3A_689 = arith.constant 80 : index
          %get3A_690 = tpu.vector_load %arg10[%get3A_688, %get3A_689] {strides = array<i32>} : memref<80x128xf32, #tpu.memory_space<vmem>>, vector<1x16xf32>,
          %get3A_691 = vector.shape_cast %get3A_690 : vector<1x16xf32> to vector<16xf32>
          %mul3A_692 = arith.mulf %get3A_691, %broadcast_in_dim3A_633 : vector<16xf32>
          %swap3A_693 = arith.index_cast %add3A_637 : i32 to index
          %swap3A_694 = arith.constant 80 : index
          %swap3A_695 = tpu.vector_load %arg10[%swap3A_693, %swap3A_694] {strides = array<i32>} : memref<80x128xf32, #tpu.memory_space<vmem>>, vector<1x16xf32>,
          %swap3A_696 = vector.shape_cast %swap3A_695 : vector<1x16xf32> to vector<16xf32>
          %swap3A_697 = vector.shape_cast %mul3A_692 : vector<16xf32> to vector<1x16xf32>
          tpu.vector_store %arg10[%swap3A_693, %swap3A_694], %swap3A_697 {strides = array<i32>} : memref<80x128xf32, #tpu.memory_space<vmem>>, vector<1x16xf32>,
          %get3A_698 = arith.index_cast %add3A_637 : i32 to index
          %get3A_699 = arith.constant 96 : index
          %get3A_700 = tpu.vector_load %arg10[%get3A_698, %get3A_699] {strides = array<i32>} : memref<80x128xf32, #tpu.memory_space<vmem>>, vector<1x16xf32>,
          %get3A_701 = vector.shape_cast %get3A_700 : vector<1x16xf32> to vector<16xf32>
          %mul3A_702 = arith.mulf %get3A_701, %broadcast_in_dim3A_633 : vector<16xf32>
          %swap3A_703 = arith.index_cast %add3A_637 : i32 to index
          %swap3A_704 = arith.constant 96 : index
          %swap3A_705 = tpu.vector_load %arg10[%swap3A_703, %swap3A_704] {strides = array<i32>} : memref<80x128xf32, #tpu.memory_space<vmem>>, vector<1x16xf32>,
          %swap3A_706 = vector.shape_cast %swap3A_705 : vector<1x16xf32> to vector<16xf32>
          %swap3A_707 = vector.shape_cast %mul3A_702 : vector<16xf32> to vector<1x16xf32>
          tpu.vector_store %arg10[%swap3A_703, %swap3A_704], %swap3A_707 {strides = array<i32>} : memref<80x128xf32, #tpu.memory_space<vmem>>, vector<1x16xf32>,
          %get3A_708 = arith.index_cast %add3A_637 : i32 to index
          %get3A_709 = arith.constant 112 : index
          %get3A_710 = tpu.vector_load %arg10[%get3A_708, %get3A_709] {strides = array<i32>} : memref<80x128xf32, #tpu.memory_space<vmem>>, vector<1x16xf32>,
          %get3A_711 = vector.shape_cast %get3A_710 : vector<1x16xf32> to vector<16xf32>
          %mul3A_712 = arith.mulf %get3A_711, %broadcast_in_dim3A_633 : vector<16xf32>
          %swap3A_713 = arith.index_cast %add3A_637 : i32 to index
          %swap3A_714 = arith.constant 112 : index
          %swap3A_715 = tpu.vector_load %arg10[%swap3A_713, %swap3A_714] {strides = array<i32>} : memref<80x128xf32, #tpu.memory_space<vmem>>, vector<1x16xf32>,
          %swap3A_716 = vector.shape_cast %swap3A_715 : vector<1x16xf32> to vector<16xf32>
          %swap3A_717 = vector.shape_cast %mul3A_712 : vector<16xf32> to vector<1x16xf32>
          tpu.vector_store %arg10[%swap3A_713, %swap3A_714], %swap3A_717 {strides = array<i32>} : memref<80x128xf32, #tpu.memory_space<vmem>>, vector<1x16xf32>,
          %slice3A_718 = vector.extract_strided_slice %get3A_198 {offsets = [6], sizes = [1], strides = [1]} : vector<16xf32> to vector<1xf32>
          %squeeze3A_719 = vector.extract %slice3A_718[0] : f32 from vector<1xf32>
          %broadcast_in_dim3A_720 = vector.broadcast %squeeze3A_719 : f32 to vector<16xf32>
          %mul3A_721 = arith.constant 16 : i32
          %mul3A_722 = arith.muli %scan3A_193, %mul3A_721 : i32
          %add3A_723 = arith.constant 6 : i32
          %add3A_724 = arith.addi %mul3A_722, %add3A_723 : i32
          %get3A_725 = arith.index_cast %add3A_724 : i32 to index
          %get3A_726 = arith.constant 0 : index
          %get3A_727 = tpu.vector_load %arg10[%get3A_725, %get3A_726] {strides = array<i32>} : memref<80x128xf32, #tpu.memory_space<vmem>>, vector<1x16xf32>,
          %get3A_728 = vector.shape_cast %get3A_727 : vector<1x16xf32> to vector<16xf32>
          %mul3A_729 = arith.mulf %get3A_728, %broadcast_in_dim3A_720 : vector<16xf32>
          %swap3A_730 = arith.index_cast %add3A_724 : i32 to index
          %swap3A_731 = arith.constant 0 : index
          %swap3A_732 = tpu.vector_load %arg10[%swap3A_730, %swap3A_731] {strides = array<i32>} : memref<80x128xf32, #tpu.memory_space<vmem>>, vector<1x16xf32>,
          %swap3A_733 = vector.shape_cast %swap3A_732 : vector<1x16xf32> to vector<16xf32>
          %swap3A_734 = vector.shape_cast %mul3A_729 : vector<16xf32> to vector<1x16xf32>
          tpu.vector_store %arg10[%swap3A_730, %swap3A_731], %swap3A_734 {strides = array<i32>} : memref<80x128xf32, #tpu.memory_space<vmem>>, vector<1x16xf32>,
          %get3A_735 = arith.index_cast %add3A_724 : i32 to index
          %get3A_736 = arith.constant 16 : index
          %get3A_737 = tpu.vector_load %arg10[%get3A_735, %get3A_736] {strides = array<i32>} : memref<80x128xf32, #tpu.memory_space<vmem>>, vector<1x16xf32>,
          %get3A_738 = vector.shape_cast %get3A_737 : vector<1x16xf32> to vector<16xf32>
          %mul3A_739 = arith.mulf %get3A_738, %broadcast_in_dim3A_720 : vector<16xf32>
          %swap3A_740 = arith.index_cast %add3A_724 : i32 to index
          %swap3A_741 = arith.constant 16 : index
          %swap3A_742 = tpu.vector_load %arg10[%swap3A_740, %swap3A_741] {strides = array<i32>} : memref<80x128xf32, #tpu.memory_space<vmem>>, vector<1x16xf32>,
          %swap3A_743 = vector.shape_cast %swap3A_742 : vector<1x16xf32> to vector<16xf32>
          %swap3A_744 = vector.shape_cast %mul3A_739 : vector<16xf32> to vector<1x16xf32>
          tpu.vector_store %arg10[%swap3A_740, %swap3A_741], %swap3A_744 {strides = array<i32>} : memref<80x128xf32, #tpu.memory_space<vmem>>, vector<1x16xf32>,
          %get3A_745 = arith.index_cast %add3A_724 : i32 to index
          %get3A_746 = arith.constant 32 : index
          %get3A_747 = tpu.vector_load %arg10[%get3A_745, %get3A_746] {strides = array<i32>} : memref<80x128xf32, #tpu.memory_space<vmem>>, vector<1x16xf32>,
          %get3A_748 = vector.shape_cast %get3A_747 : vector<1x16xf32> to vector<16xf32>
          %mul3A_749 = arith.mulf %get3A_748, %broadcast_in_dim3A_720 : vector<16xf32>
          %swap3A_750 = arith.index_cast %add3A_724 : i32 to index
          %swap3A_751 = arith.constant 32 : index
          %swap3A_752 = tpu.vector_load %arg10[%swap3A_750, %swap3A_751] {strides = array<i32>} : memref<80x128xf32, #tpu.memory_space<vmem>>, vector<1x16xf32>,
          %swap3A_753 = vector.shape_cast %swap3A_752 : vector<1x16xf32> to vector<16xf32>
          %swap3A_754 = vector.shape_cast %mul3A_749 : vector<16xf32> to vector<1x16xf32>
          tpu.vector_store %arg10[%swap3A_750, %swap3A_751], %swap3A_754 {strides = array<i32>} : memref<80x128xf32, #tpu.memory_space<vmem>>, vector<1x16xf32>,
          %get3A_755 = arith.index_cast %add3A_724 : i32 to index
          %get3A_756 = arith.constant 48 : index
          %get3A_757 = tpu.vector_load %arg10[%get3A_755, %get3A_756] {strides = array<i32>} : memref<80x128xf32, #tpu.memory_space<vmem>>, vector<1x16xf32>,
          %get3A_758 = vector.shape_cast %get3A_757 : vector<1x16xf32> to vector<16xf32>
          %mul3A_759 = arith.mulf %get3A_758, %broadcast_in_dim3A_720 : vector<16xf32>
          %swap3A_760 = arith.index_cast %add3A_724 : i32 to index
          %swap3A_761 = arith.constant 48 : index
          %swap3A_762 = tpu.vector_load %arg10[%swap3A_760, %swap3A_761] {strides = array<i32>} : memref<80x128xf32, #tpu.memory_space<vmem>>, vector<1x16xf32>,
          %swap3A_763 = vector.shape_cast %swap3A_762 : vector<1x16xf32> to vector<16xf32>
          %swap3A_764 = vector.shape_cast %mul3A_759 : vector<16xf32> to vector<1x16xf32>
          tpu.vector_store %arg10[%swap3A_760, %swap3A_761], %swap3A_764 {strides = array<i32>} : memref<80x128xf32, #tpu.memory_space<vmem>>, vector<1x16xf32>,
          %get3A_765 = arith.index_cast %add3A_724 : i32 to index
          %get3A_766 = arith.constant 64 : index
          %get3A_767 = tpu.vector_load %arg10[%get3A_765, %get3A_766] {strides = array<i32>} : memref<80x128xf32, #tpu.memory_space<vmem>>, vector<1x16xf32>,
          %get3A_768 = vector.shape_cast %get3A_767 : vector<1x16xf32> to vector<16xf32>
          %mul3A_769 = arith.mulf %get3A_768, %broadcast_in_dim3A_720 : vector<16xf32>
          %swap3A_770 = arith.index_cast %add3A_724 : i32 to index
          %swap3A_771 = arith.constant 64 : index
          %swap3A_772 = tpu.vector_load %arg10[%swap3A_770, %swap3A_771] {strides = array<i32>} : memref<80x128xf32, #tpu.memory_space<vmem>>, vector<1x16xf32>,
          %swap3A_773 = vector.shape_cast %swap3A_772 : vector<1x16xf32> to vector<16xf32>
          %swap3A_774 = vector.shape_cast %mul3A_769 : vector<16xf32> to vector<1x16xf32>
          tpu.vector_store %arg10[%swap3A_770, %swap3A_771], %swap3A_774 {strides = array<i32>} : memref<80x128xf32, #tpu.memory_space<vmem>>, vector<1x16xf32>,
          %get3A_775 = arith.index_cast %add3A_724 : i32 to index
          %get3A_776 = arith.constant 80 : index
          %get3A_777 = tpu.vector_load %arg10[%get3A_775, %get3A_776] {strides = array<i32>} : memref<80x128xf32, #tpu.memory_space<vmem>>, vector<1x16xf32>,
          %get3A_778 = vector.shape_cast %get3A_777 : vector<1x16xf32> to vector<16xf32>
          %mul3A_779 = arith.mulf %get3A_778, %broadcast_in_dim3A_720 : vector<16xf32>
          %swap3A_780 = arith.index_cast %add3A_724 : i32 to index
          %swap3A_781 = arith.constant 80 : index
          %swap3A_782 = tpu.vector_load %arg10[%swap3A_780, %swap3A_781] {strides = array<i32>} : memref<80x128xf32, #tpu.memory_space<vmem>>, vector<1x16xf32>,
          %swap3A_783 = vector.shape_cast %swap3A_782 : vector<1x16xf32> to vector<16xf32>
          %swap3A_784 = vector.shape_cast %mul3A_779 : vector<16xf32> to vector<1x16xf32>
          tpu.vector_store %arg10[%swap3A_780, %swap3A_781], %swap3A_784 {strides = array<i32>} : memref<80x128xf32, #tpu.memory_space<vmem>>, vector<1x16xf32>,
          %get3A_785 = arith.index_cast %add3A_724 : i32 to index
          %get3A_786 = arith.constant 96 : index
          %get3A_787 = tpu.vector_load %arg10[%get3A_785, %get3A_786] {strides = array<i32>} : memref<80x128xf32, #tpu.memory_space<vmem>>, vector<1x16xf32>,
          %get3A_788 = vector.shape_cast %get3A_787 : vector<1x16xf32> to vector<16xf32>
          %mul3A_789 = arith.mulf %get3A_788, %broadcast_in_dim3A_720 : vector<16xf32>
          %swap3A_790 = arith.index_cast %add3A_724 : i32 to index
          %swap3A_791 = arith.constant 96 : index
          %swap3A_792 = tpu.vector_load %arg10[%swap3A_790, %swap3A_791] {strides = array<i32>} : memref<80x128xf32, #tpu.memory_space<vmem>>, vector<1x16xf32>,
          %swap3A_793 = vector.shape_cast %swap3A_792 : vector<1x16xf32> to vector<16xf32>
          %swap3A_794 = vector.shape_cast %mul3A_789 : vector<16xf32> to vector<1x16xf32>
          tpu.vector_store %arg10[%swap3A_790, %swap3A_791], %swap3A_794 {strides = array<i32>} : memref<80x128xf32, #tpu.memory_space<vmem>>, vector<1x16xf32>,
          %get3A_795 = arith.index_cast %add3A_724 : i32 to index
          %get3A_796 = arith.constant 112 : index
          %get3A_797 = tpu.vector_load %arg10[%get3A_795, %get3A_796] {strides = array<i32>} : memref<80x128xf32, #tpu.memory_space<vmem>>, vector<1x16xf32>,
          %get3A_798 = vector.shape_cast %get3A_797 : vector<1x16xf32> to vector<16xf32>
          %mul3A_799 = arith.mulf %get3A_798, %broadcast_in_dim3A_720 : vector<16xf32>
          %swap3A_800 = arith.index_cast %add3A_724 : i32 to index
          %swap3A_801 = arith.constant 112 : index
          %swap3A_802 = tpu.vector_load %arg10[%swap3A_800, %swap3A_801] {strides = array<i32>} : memref<80x128xf32, #tpu.memory_space<vmem>>, vector<1x16xf32>,
          %swap3A_803 = vector.shape_cast %swap3A_802 : vector<1x16xf32> to vector<16xf32>
          %swap3A_804 = vector.shape_cast %mul3A_799 : vector<16xf32> to vector<1x16xf32>
          tpu.vector_store %arg10[%swap3A_800, %swap3A_801], %swap3A_804 {strides = array<i32>} : memref<80x128xf32, #tpu.memory_space<vmem>>, vector<1x16xf32>,
          %slice3A_805 = vector.extract_strided_slice %get3A_198 {offsets = [7], sizes = [1], strides = [1]} : vector<16xf32> to vector<1xf32>
          %squeeze3A_806 = vector.extract %slice3A_805[0] : f32 from vector<1xf32>
          %broadcast_in_dim3A_807 = vector.broadcast %squeeze3A_806 : f32 to vector<16xf32>
          %mul3A_808 = arith.constant 16 : i32
          %mul3A_809 = arith.muli %scan3A_193, %mul3A_808 : i32
          %add3A_810 = arith.constant 7 : i32
          %add3A_811 = arith.addi %mul3A_809, %add3A_810 : i32
          %get3A_812 = arith.index_cast %add3A_811 : i32 to index
          %get3A_813 = arith.constant 0 : index
          %get3A_814 = tpu.vector_load %arg10[%get3A_812, %get3A_813] {strides = array<i32>} : memref<80x128xf32, #tpu.memory_space<vmem>>, vector<1x16xf32>,
          %get3A_815 = vector.shape_cast %get3A_814 : vector<1x16xf32> to vector<16xf32>
          %mul3A_816 = arith.mulf %get3A_815, %broadcast_in_dim3A_807 : vector<16xf32>
          %swap3A_817 = arith.index_cast %add3A_811 : i32 to index
          %swap3A_818 = arith.constant 0 : index
          %swap3A_819 = tpu.vector_load %arg10[%swap3A_817, %swap3A_818] {strides = array<i32>} : memref<80x128xf32, #tpu.memory_space<vmem>>, vector<1x16xf32>,
          %swap3A_820 = vector.shape_cast %swap3A_819 : vector<1x16xf32> to vector<16xf32>
          %swap3A_821 = vector.shape_cast %mul3A_816 : vector<16xf32> to vector<1x16xf32>
          tpu.vector_store %arg10[%swap3A_817, %swap3A_818], %swap3A_821 {strides = array<i32>} : memref<80x128xf32, #tpu.memory_space<vmem>>, vector<1x16xf32>,
          %get3A_822 = arith.index_cast %add3A_811 : i32 to index
          %get3A_823 = arith.constant 16 : index
          %get3A_824 = tpu.vector_load %arg10[%get3A_822, %get3A_823] {strides = array<i32>} : memref<80x128xf32, #tpu.memory_space<vmem>>, vector<1x16xf32>,
          %get3A_825 = vector.shape_cast %get3A_824 : vector<1x16xf32> to vector<16xf32>
          %mul3A_826 = arith.mulf %get3A_825, %broadcast_in_dim3A_807 : vector<16xf32>
          %swap3A_827 = arith.index_cast %add3A_811 : i32 to index
          %swap3A_828 = arith.constant 16 : index
          %swap3A_829 = tpu.vector_load %arg10[%swap3A_827, %swap3A_828] {strides = array<i32>} : memref<80x128xf32, #tpu.memory_space<vmem>>, vector<1x16xf32>,
          %swap3A_830 = vector.shape_cast %swap3A_829 : vector<1x16xf32> to vector<16xf32>
          %swap3A_831 = vector.shape_cast %mul3A_826 : vector<16xf32> to vector<1x16xf32>
          tpu.vector_store %arg10[%swap3A_827, %swap3A_828], %swap3A_831 {strides = array<i32>} : memref<80x128xf32, #tpu.memory_space<vmem>>, vector<1x16xf32>,
          %get3A_832 = arith.index_cast %add3A_811 : i32 to index
          %get3A_833 = arith.constant 32 : index
          %get3A_834 = tpu.vector_load %arg10[%get3A_832, %get3A_833] {strides = array<i32>} : memref<80x128xf32, #tpu.memory_space<vmem>>, vector<1x16xf32>,
          %get3A_835 = vector.shape_cast %get3A_834 : vector<1x16xf32> to vector<16xf32>
          %mul3A_836 = arith.mulf %get3A_835, %broadcast_in_dim3A_807 : vector<16xf32>
          %swap3A_837 = arith.index_cast %add3A_811 : i32 to index
          %swap3A_838 = arith.constant 32 : index
          %swap3A_839 = tpu.vector_load %arg10[%swap3A_837, %swap3A_838] {strides = array<i32>} : memref<80x128xf32, #tpu.memory_space<vmem>>, vector<1x16xf32>,
          %swap3A_840 = vector.shape_cast %swap3A_839 : vector<1x16xf32> to vector<16xf32>
          %swap3A_841 = vector.shape_cast %mul3A_836 : vector<16xf32> to vector<1x16xf32>
          tpu.vector_store %arg10[%swap3A_837, %swap3A_838], %swap3A_841 {strides = array<i32>} : memref<80x128xf32, #tpu.memory_space<vmem>>, vector<1x16xf32>,
          %get3A_842 = arith.index_cast %add3A_811 : i32 to index
          %get3A_843 = arith.constant 48 : index
          %get3A_844 = tpu.vector_load %arg10[%get3A_842, %get3A_843] {strides = array<i32>} : memref<80x128xf32, #tpu.memory_space<vmem>>, vector<1x16xf32>,
          %get3A_845 = vector.shape_cast %get3A_844 : vector<1x16xf32> to vector<16xf32>
          %mul3A_846 = arith.mulf %get3A_845, %broadcast_in_dim3A_807 : vector<16xf32>
          %swap3A_847 = arith.index_cast %add3A_811 : i32 to index
          %swap3A_848 = arith.constant 48 : index
          %swap3A_849 = tpu.vector_load %arg10[%swap3A_847, %swap3A_848] {strides = array<i32>} : memref<80x128xf32, #tpu.memory_space<vmem>>, vector<1x16xf32>,
          %swap3A_850 = vector.shape_cast %swap3A_849 : vector<1x16xf32> to vector<16xf32>
          %swap3A_851 = vector.shape_cast %mul3A_846 : vector<16xf32> to vector<1x16xf32>
          tpu.vector_store %arg10[%swap3A_847, %swap3A_848], %swap3A_851 {strides = array<i32>} : memref<80x128xf32, #tpu.memory_space<vmem>>, vector<1x16xf32>,
          %get3A_852 = arith.index_cast %add3A_811 : i32 to index
          %get3A_853 = arith.constant 64 : index
          %get3A_854 = tpu.vector_load %arg10[%get3A_852, %get3A_853] {strides = array<i32>} : memref<80x128xf32, #tpu.memory_space<vmem>>, vector<1x16xf32>,
          %get3A_855 = vector.shape_cast %get3A_854 : vector<1x16xf32> to vector<16xf32>
          %mul3A_856 = arith.mulf %get3A_855, %broadcast_in_dim3A_807 : vector<16xf32>
          %swap3A_857 = arith.index_cast %add3A_811 : i32 to index
          %swap3A_858 = arith.constant 64 : index
          %swap3A_859 = tpu.vector_load %arg10[%swap3A_857, %swap3A_858] {strides = array<i32>} : memref<80x128xf32, #tpu.memory_space<vmem>>, vector<1x16xf32>,
          %swap3A_860 = vector.shape_cast %swap3A_859 : vector<1x16xf32> to vector<16xf32>
          %swap3A_861 = vector.shape_cast %mul3A_856 : vector<16xf32> to vector<1x16xf32>
          tpu.vector_store %arg10[%swap3A_857, %swap3A_858], %swap3A_861 {strides = array<i32>} : memref<80x128xf32, #tpu.memory_space<vmem>>, vector<1x16xf32>,
          %get3A_862 = arith.index_cast %add3A_811 : i32 to index
          %get3A_863 = arith.constant 80 : index
          %get3A_864 = tpu.vector_load %arg10[%get3A_862, %get3A_863] {strides = array<i32>} : memref<80x128xf32, #tpu.memory_space<vmem>>, vector<1x16xf32>,
          %get3A_865 = vector.shape_cast %get3A_864 : vector<1x16xf32> to vector<16xf32>
          %mul3A_866 = arith.mulf %get3A_865, %broadcast_in_dim3A_807 : vector<16xf32>
          %swap3A_867 = arith.index_cast %add3A_811 : i32 to index
          %swap3A_868 = arith.constant 80 : index
          %swap3A_869 = tpu.vector_load %arg10[%swap3A_867, %swap3A_868] {strides = array<i32>} : memref<80x128xf32, #tpu.memory_space<vmem>>, vector<1x16xf32>,
          %swap3A_870 = vector.shape_cast %swap3A_869 : vector<1x16xf32> to vector<16xf32>
          %swap3A_871 = vector.shape_cast %mul3A_866 : vector<16xf32> to vector<1x16xf32>
          tpu.vector_store %arg10[%swap3A_867, %swap3A_868], %swap3A_871 {strides = array<i32>} : memref<80x128xf32, #tpu.memory_space<vmem>>, vector<1x16xf32>,
          %get3A_872 = arith.index_cast %add3A_811 : i32 to index
          %get3A_873 = arith.constant 96 : index
          %get3A_874 = tpu.vector_load %arg10[%get3A_872, %get3A_873] {strides = array<i32>} : memref<80x128xf32, #tpu.memory_space<vmem>>, vector<1x16xf32>,
          %get3A_875 = vector.shape_cast %get3A_874 : vector<1x16xf32> to vector<16xf32>
          %mul3A_876 = arith.mulf %get3A_875, %broadcast_in_dim3A_807 : vector<16xf32>
          %swap3A_877 = arith.index_cast %add3A_811 : i32 to index
          %swap3A_878 = arith.constant 96 : index
          %swap3A_879 = tpu.vector_load %arg10[%swap3A_877, %swap3A_878] {strides = array<i32>} : memref<80x128xf32, #tpu.memory_space<vmem>>, vector<1x16xf32>,
          %swap3A_880 = vector.shape_cast %swap3A_879 : vector<1x16xf32> to vector<16xf32>
          %swap3A_881 = vector.shape_cast %mul3A_876 : vector<16xf32> to vector<1x16xf32>
          tpu.vector_store %arg10[%swap3A_877, %swap3A_878], %swap3A_881 {strides = array<i32>} : memref<80x128xf32, #tpu.memory_space<vmem>>, vector<1x16xf32>,
          %get3A_882 = arith.index_cast %add3A_811 : i32 to index
          %get3A_883 = arith.constant 112 : index
          %get3A_884 = tpu.vector_load %arg10[%get3A_882, %get3A_883] {strides = array<i32>} : memref<80x128xf32, #tpu.memory_space<vmem>>, vector<1x16xf32>,
          %get3A_885 = vector.shape_cast %get3A_884 : vector<1x16xf32> to vector<16xf32>
          %mul3A_886 = arith.mulf %get3A_885, %broadcast_in_dim3A_807 : vector<16xf32>
          %swap3A_887 = arith.index_cast %add3A_811 : i32 to index
          %swap3A_888 = arith.constant 112 : index
          %swap3A_889 = tpu.vector_load %arg10[%swap3A_887, %swap3A_888] {strides = array<i32>} : memref<80x128xf32, #tpu.memory_space<vmem>>, vector<1x16xf32>,
          %swap3A_890 = vector.shape_cast %swap3A_889 : vector<1x16xf32> to vector<16xf32>
          %swap3A_891 = vector.shape_cast %mul3A_886 : vector<16xf32> to vector<1x16xf32>
          tpu.vector_store %arg10[%swap3A_887, %swap3A_888], %swap3A_891 {strides = array<i32>} : memref<80x128xf32, #tpu.memory_space<vmem>>, vector<1x16xf32>,
          %slice3A_892 = vector.extract_strided_slice %get3A_198 {offsets = [8], sizes = [1], strides = [1]} : vector<16xf32> to vector<1xf32>
          %squeeze3A_893 = vector.extract %slice3A_892[0] : f32 from vector<1xf32>
          %broadcast_in_dim3A_894 = vector.broadcast %squeeze3A_893 : f32 to vector<16xf32>
          %mul3A_895 = arith.constant 16 : i32
          %mul3A_896 = arith.muli %scan3A_193, %mul3A_895 : i32
          %add3A_897 = arith.constant 8 : i32
          %add3A_898 = arith.addi %mul3A_896, %add3A_897 : i32
          %get3A_899 = arith.index_cast %add3A_898 : i32 to index
          %get3A_900 = arith.constant 0 : index
          %get3A_901 = tpu.vector_load %arg10[%get3A_899, %get3A_900] {strides = array<i32>} : memref<80x128xf32, #tpu.memory_space<vmem>>, vector<1x16xf32>,
          %get3A_902 = vector.shape_cast %get3A_901 : vector<1x16xf32> to vector<16xf32>
          %mul3A_903 = arith.mulf %get3A_902, %broadcast_in_dim3A_894 : vector<16xf32>
          %swap3A_904 = arith.index_cast %add3A_898 : i32 to index
          %swap3A_905 = arith.constant 0 : index
          %swap3A_906 = tpu.vector_load %arg10[%swap3A_904, %swap3A_905] {strides = array<i32>} : memref<80x128xf32, #tpu.memory_space<vmem>>, vector<1x16xf32>,
          %swap3A_907 = vector.shape_cast %swap3A_906 : vector<1x16xf32> to vector<16xf32>
          %swap3A_908 = vector.shape_cast %mul3A_903 : vector<16xf32> to vector<1x16xf32>
          tpu.vector_store %arg10[%swap3A_904, %swap3A_905], %swap3A_908 {strides = array<i32>} : memref<80x128xf32, #tpu.memory_space<vmem>>, vector<1x16xf32>,
          %get3A_909 = arith.index_cast %add3A_898 : i32 to index
          %get3A_910 = arith.constant 16 : index
          %get3A_911 = tpu.vector_load %arg10[%get3A_909, %get3A_910] {strides = array<i32>} : memref<80x128xf32, #tpu.memory_space<vmem>>, vector<1x16xf32>,
          %get3A_912 = vector.shape_cast %get3A_911 : vector<1x16xf32> to vector<16xf32>
          %mul3A_913 = arith.mulf %get3A_912, %broadcast_in_dim3A_894 : vector<16xf32>
          %swap3A_914 = arith.index_cast %add3A_898 : i32 to index
          %swap3A_915 = arith.constant 16 : index
          %swap3A_916 = tpu.vector_load %arg10[%swap3A_914, %swap3A_915] {strides = array<i32>} : memref<80x128xf32, #tpu.memory_space<vmem>>, vector<1x16xf32>,
          %swap3A_917 = vector.shape_cast %swap3A_916 : vector<1x16xf32> to vector<16xf32>
          %swap3A_918 = vector.shape_cast %mul3A_913 : vector<16xf32> to vector<1x16xf32>
          tpu.vector_store %arg10[%swap3A_914, %swap3A_915], %swap3A_918 {strides = array<i32>} : memref<80x128xf32, #tpu.memory_space<vmem>>, vector<1x16xf32>,
          %get3A_919 = arith.index_cast %add3A_898 : i32 to index
          %get3A_920 = arith.constant 32 : index
          %get3A_921 = tpu.vector_load %arg10[%get3A_919, %get3A_920] {strides = array<i32>} : memref<80x128xf32, #tpu.memory_space<vmem>>, vector<1x16xf32>,
          %get3A_922 = vector.shape_cast %get3A_921 : vector<1x16xf32> to vector<16xf32>
          %mul3A_923 = arith.mulf %get3A_922, %broadcast_in_dim3A_894 : vector<16xf32>
          %swap3A_924 = arith.index_cast %add3A_898 : i32 to index
          %swap3A_925 = arith.constant 32 : index
          %swap3A_926 = tpu.vector_load %arg10[%swap3A_924, %swap3A_925] {strides = array<i32>} : memref<80x128xf32, #tpu.memory_space<vmem>>, vector<1x16xf32>,
          %swap3A_927 = vector.shape_cast %swap3A_926 : vector<1x16xf32> to vector<16xf32>
          %swap3A_928 = vector.shape_cast %mul3A_923 : vector<16xf32> to vector<1x16xf32>
          tpu.vector_store %arg10[%swap3A_924, %swap3A_925], %swap3A_928 {strides = array<i32>} : memref<80x128xf32, #tpu.memory_space<vmem>>, vector<1x16xf32>,
          %get3A_929 = arith.index_cast %add3A_898 : i32 to index
          %get3A_930 = arith.constant 48 : index
          %get3A_931 = tpu.vector_load %arg10[%get3A_929, %get3A_930] {strides = array<i32>} : memref<80x128xf32, #tpu.memory_space<vmem>>, vector<1x16xf32>,
          %get3A_932 = vector.shape_cast %get3A_931 : vector<1x16xf32> to vector<16xf32>
          %mul3A_933 = arith.mulf %get3A_932, %broadcast_in_dim3A_894 : vector<16xf32>
          %swap3A_934 = arith.index_cast %add3A_898 : i32 to index
          %swap3A_935 = arith.constant 48 : index
          %swap3A_936 = tpu.vector_load %arg10[%swap3A_934, %swap3A_935] {strides = array<i32>} : memref<80x128xf32, #tpu.memory_space<vmem>>, vector<1x16xf32>,
          %swap3A_937 = vector.shape_cast %swap3A_936 : vector<1x16xf32> to vector<16xf32>
          %swap3A_938 = vector.shape_cast %mul3A_933 : vector<16xf32> to vector<1x16xf32>
          tpu.vector_store %arg10[%swap3A_934, %swap3A_935], %swap3A_938 {strides = array<i32>} : memref<80x128xf32, #tpu.memory_space<vmem>>, vector<1x16xf32>,
          %get3A_939 = arith.index_cast %add3A_898 : i32 to index
          %get3A_940 = arith.constant 64 : index
          %get3A_941 = tpu.vector_load %arg10[%get3A_939, %get3A_940] {strides = array<i32>} : memref<80x128xf32, #tpu.memory_space<vmem>>, vector<1x16xf32>,
          %get3A_942 = vector.shape_cast %get3A_941 : vector<1x16xf32> to vector<16xf32>
          %mul3A_943 = arith.mulf %get3A_942, %broadcast_in_dim3A_894 : vector<16xf32>
          %swap3A_944 = arith.index_cast %add3A_898 : i32 to index
          %swap3A_945 = arith.constant 64 : index
          %swap3A_946 = tpu.vector_load %arg10[%swap3A_944, %swap3A_945] {strides = array<i32>} : memref<80x128xf32, #tpu.memory_space<vmem>>, vector<1x16xf32>,
          %swap3A_947 = vector.shape_cast %swap3A_946 : vector<1x16xf32> to vector<16xf32>
          %swap3A_948 = vector.shape_cast %mul3A_943 : vector<16xf32> to vector<1x16xf32>
          tpu.vector_store %arg10[%swap3A_944, %swap3A_945], %swap3A_948 {strides = array<i32>} : memref<80x128xf32, #tpu.memory_space<vmem>>, vector<1x16xf32>,
          %get3A_949 = arith.index_cast %add3A_898 : i32 to index
          %get3A_950 = arith.constant 80 : index
          %get3A_951 = tpu.vector_load %arg10[%get3A_949, %get3A_950] {strides = array<i32>} : memref<80x128xf32, #tpu.memory_space<vmem>>, vector<1x16xf32>,
          %get3A_952 = vector.shape_cast %get3A_951 : vector<1x16xf32> to vector<16xf32>
          %mul3A_953 = arith.mulf %get3A_952, %broadcast_in_dim3A_894 : vector<16xf32>
          %swap3A_954 = arith.index_cast %add3A_898 : i32 to index
          %swap3A_955 = arith.constant 80 : index
          %swap3A_956 = tpu.vector_load %arg10[%swap3A_954, %swap3A_955] {strides = array<i32>} : memref<80x128xf32, #tpu.memory_space<vmem>>, vector<1x16xf32>,
          %swap3A_957 = vector.shape_cast %swap3A_956 : vector<1x16xf32> to vector<16xf32>
          %swap3A_958 = vector.shape_cast %mul3A_953 : vector<16xf32> to vector<1x16xf32>
          tpu.vector_store %arg10[%swap3A_954, %swap3A_955], %swap3A_958 {strides = array<i32>} : memref<80x128xf32, #tpu.memory_space<vmem>>, vector<1x16xf32>,
          %get3A_959 = arith.index_cast %add3A_898 : i32 to index
          %get3A_960 = arith.constant 96 : index
          %get3A_961 = tpu.vector_load %arg10[%get3A_959, %get3A_960] {strides = array<i32>} : memref<80x128xf32, #tpu.memory_space<vmem>>, vector<1x16xf32>,
          %get3A_962 = vector.shape_cast %get3A_961 : vector<1x16xf32> to vector<16xf32>
          %mul3A_963 = arith.mulf %get3A_962, %broadcast_in_dim3A_894 : vector<16xf32>
          %swap3A_964 = arith.index_cast %add3A_898 : i32 to index
          %swap3A_965 = arith.constant 96 : index
          %swap3A_966 = tpu.vector_load %arg10[%swap3A_964, %swap3A_965] {strides = array<i32>} : memref<80x128xf32, #tpu.memory_space<vmem>>, vector<1x16xf32>,
          %swap3A_967 = vector.shape_cast %swap3A_966 : vector<1x16xf32> to vector<16xf32>
          %swap3A_968 = vector.shape_cast %mul3A_963 : vector<16xf32> to vector<1x16xf32>
          tpu.vector_store %arg10[%swap3A_964, %swap3A_965], %swap3A_968 {strides = array<i32>} : memref<80x128xf32, #tpu.memory_space<vmem>>, vector<1x16xf32>,
          %get3A_969 = arith.index_cast %add3A_898 : i32 to index
          %get3A_970 = arith.constant 112 : index
          %get3A_971 = tpu.vector_load %arg10[%get3A_969, %get3A_970] {strides = array<i32>} : memref<80x128xf32, #tpu.memory_space<vmem>>, vector<1x16xf32>,
          %get3A_972 = vector.shape_cast %get3A_971 : vector<1x16xf32> to vector<16xf32>
          %mul3A_973 = arith.mulf %get3A_972, %broadcast_in_dim3A_894 : vector<16xf32>
          %swap3A_974 = arith.index_cast %add3A_898 : i32 to index
          %swap3A_975 = arith.constant 112 : index
          %swap3A_976 = tpu.vector_load %arg10[%swap3A_974, %swap3A_975] {strides = array<i32>} : memref<80x128xf32, #tpu.memory_space<vmem>>, vector<1x16xf32>,
          %swap3A_977 = vector.shape_cast %swap3A_976 : vector<1x16xf32> to vector<16xf32>
          %swap3A_978 = vector.shape_cast %mul3A_973 : vector<16xf32> to vector<1x16xf32>
          tpu.vector_store %arg10[%swap3A_974, %swap3A_975], %swap3A_978 {strides = array<i32>} : memref<80x128xf32, #tpu.memory_space<vmem>>, vector<1x16xf32>,
          %slice3A_979 = vector.extract_strided_slice %get3A_198 {offsets = [9], sizes = [1], strides = [1]} : vector<16xf32> to vector<1xf32>
          %squeeze3A_980 = vector.extract %slice3A_979[0] : f32 from vector<1xf32>
          %broadcast_in_dim3A_981 = vector.broadcast %squeeze3A_980 : f32 to vector<16xf32>
          %mul3A_982 = arith.constant 16 : i32
          %mul3A_983 = arith.muli %scan3A_193, %mul3A_982 : i32
          %add3A_984 = arith.constant 9 : i32
          %add3A_985 = arith.addi %mul3A_983, %add3A_984 : i32
          %get3A_986 = arith.index_cast %add3A_985 : i32 to index
          %get3A_987 = arith.constant 0 : index
          %get3A_988 = tpu.vector_load %arg10[%get3A_986, %get3A_987] {strides = array<i32>} : memref<80x128xf32, #tpu.memory_space<vmem>>, vector<1x16xf32>,
          %get3A_989 = vector.shape_cast %get3A_988 : vector<1x16xf32> to vector<16xf32>
          %mul3A_990 = arith.mulf %get3A_989, %broadcast_in_dim3A_981 : vector<16xf32>
          %swap3A_991 = arith.index_cast %add3A_985 : i32 to index
          %swap3A_992 = arith.constant 0 : index
          %swap3A_993 = tpu.vector_load %arg10[%swap3A_991, %swap3A_992] {strides = array<i32>} : memref<80x128xf32, #tpu.memory_space<vmem>>, vector<1x16xf32>,
          %swap3A_994 = vector.shape_cast %swap3A_993 : vector<1x16xf32> to vector<16xf32>
          %swap3A_995 = vector.shape_cast %mul3A_990 : vector<16xf32> to vector<1x16xf32>
          tpu.vector_store %arg10[%swap3A_991, %swap3A_992], %swap3A_995 {strides = array<i32>} : memref<80x128xf32, #tpu.memory_space<vmem>>, vector<1x16xf32>,
          %get3A_996 = arith.index_cast %add3A_985 : i32 to index
          %get3A_997 = arith.constant 16 : index
          %get3A_998 = tpu.vector_load %arg10[%get3A_996, %get3A_997] {strides = array<i32>} : memref<80x128xf32, #tpu.memory_space<vmem>>, vector<1x16xf32>,
          %get3A_999 = vector.shape_cast %get3A_998 : vector<1x16xf32> to vector<16xf32>
          %mul3A_1000 = arith.mulf %get3A_999, %broadcast_in_dim3A_981 : vector<16xf32>
          %swap3A_1001 = arith.index_cast %add3A_985 : i32 to index
          %swap3A_1002 = arith.constant 16 : index
          %swap3A_1003 = tpu.vector_load %arg10[%swap3A_1001, %swap3A_1002] {strides = array<i32>} : memref<80x128xf32, #tpu.memory_space<vmem>>, vector<1x16xf32>,
          %swap3A_1004 = vector.shape_cast %swap3A_1003 : vector<1x16xf32> to vector<16xf32>
          %swap3A_1005 = vector.shape_cast %mul3A_1000 : vector<16xf32> to vector<1x16xf32>
          tpu.vector_store %arg10[%swap3A_1001, %swap3A_1002], %swap3A_1005 {strides = array<i32>} : memref<80x128xf32, #tpu.memory_space<vmem>>, vector<1x16xf32>,
          %get3A_1006 = arith.index_cast %add3A_985 : i32 to index
          %get3A_1007 = arith.constant 32 : index
          %get3A_1008 = tpu.vector_load %arg10[%get3A_1006, %get3A_1007] {strides = array<i32>} : memref<80x128xf32, #tpu.memory_space<vmem>>, vector<1x16xf32>,
          %get3A_1009 = vector.shape_cast %get3A_1008 : vector<1x16xf32> to vector<16xf32>
          %mul3A_1010 = arith.mulf %get3A_1009, %broadcast_in_dim3A_981 : vector<16xf32>
          %swap3A_1011 = arith.index_cast %add3A_985 : i32 to index
          %swap3A_1012 = arith.constant 32 : index
          %swap3A_1013 = tpu.vector_load %arg10[%swap3A_1011, %swap3A_1012] {strides = array<i32>} : memref<80x128xf32, #tpu.memory_space<vmem>>, vector<1x16xf32>,
          %swap3A_1014 = vector.shape_cast %swap3A_1013 : vector<1x16xf32> to vector<16xf32>
          %swap3A_1015 = vector.shape_cast %mul3A_1010 : vector<16xf32> to vector<1x16xf32>
          tpu.vector_store %arg10[%swap3A_1011, %swap3A_1012], %swap3A_1015 {strides = array<i32>} : memref<80x128xf32, #tpu.memory_space<vmem>>, vector<1x16xf32>,
          %get3A_1016 = arith.index_cast %add3A_985 : i32 to index
          %get3A_1017 = arith.constant 48 : index
          %get3A_1018 = tpu.vector_load %arg10[%get3A_1016, %get3A_1017] {strides = array<i32>} : memref<80x128xf32, #tpu.memory_space<vmem>>, vector<1x16xf32>,
          %get3A_1019 = vector.shape_cast %get3A_1018 : vector<1x16xf32> to vector<16xf32>
          %mul3A_1020 = arith.mulf %get3A_1019, %broadcast_in_dim3A_981 : vector<16xf32>
          %swap3A_1021 = arith.index_cast %add3A_985 : i32 to index
          %swap3A_1022 = arith.constant 48 : index
          %swap3A_1023 = tpu.vector_load %arg10[%swap3A_1021, %swap3A_1022] {strides = array<i32>} : memref<80x128xf32, #tpu.memory_space<vmem>>, vector<1x16xf32>,
          %swap3A_1024 = vector.shape_cast %swap3A_1023 : vector<1x16xf32> to vector<16xf32>
          %swap3A_1025 = vector.shape_cast %mul3A_1020 : vector<16xf32> to vector<1x16xf32>
          tpu.vector_store %arg10[%swap3A_1021, %swap3A_1022], %swap3A_1025 {strides = array<i32>} : memref<80x128xf32, #tpu.memory_space<vmem>>, vector<1x16xf32>,
          %get3A_1026 = arith.index_cast %add3A_985 : i32 to index
          %get3A_1027 = arith.constant 64 : index
          %get3A_1028 = tpu.vector_load %arg10[%get3A_1026, %get3A_1027] {strides = array<i32>} : memref<80x128xf32, #tpu.memory_space<vmem>>, vector<1x16xf32>,
          %get3A_1029 = vector.shape_cast %get3A_1028 : vector<1x16xf32> to vector<16xf32>
          %mul3A_1030 = arith.mulf %get3A_1029, %broadcast_in_dim3A_981 : vector<16xf32>
          %swap3A_1031 = arith.index_cast %add3A_985 : i32 to index
          %swap3A_1032 = arith.constant 64 : index
          %swap3A_1033 = tpu.vector_load %arg10[%swap3A_1031, %swap3A_1032] {strides = array<i32>} : memref<80x128xf32, #tpu.memory_space<vmem>>, vector<1x16xf32>,
          %swap3A_1034 = vector.shape_cast %swap3A_1033 : vector<1x16xf32> to vector<16xf32>
          %swap3A_1035 = vector.shape_cast %mul3A_1030 : vector<16xf32> to vector<1x16xf32>
          tpu.vector_store %arg10[%swap3A_1031, %swap3A_1032], %swap3A_1035 {strides = array<i32>} : memref<80x128xf32, #tpu.memory_space<vmem>>, vector<1x16xf32>,
          %get3A_1036 = arith.index_cast %add3A_985 : i32 to index
          %get3A_1037 = arith.constant 80 : index
          %get3A_1038 = tpu.vector_load %arg10[%get3A_1036, %get3A_1037] {strides = array<i32>} : memref<80x128xf32, #tpu.memory_space<vmem>>, vector<1x16xf32>,
          %get3A_1039 = vector.shape_cast %get3A_1038 : vector<1x16xf32> to vector<16xf32>
          %mul3A_1040 = arith.mulf %get3A_1039, %broadcast_in_dim3A_981 : vector<16xf32>
          %swap3A_1041 = arith.index_cast %add3A_985 : i32 to index
          %swap3A_1042 = arith.constant 80 : index
          %swap3A_1043 = tpu.vector_load %arg10[%swap3A_1041, %swap3A_1042] {strides = array<i32>} : memref<80x128xf32, #tpu.memory_space<vmem>>, vector<1x16xf32>,
          %swap3A_1044 = vector.shape_cast %swap3A_1043 : vector<1x16xf32> to vector<16xf32>
          %swap3A_1045 = vector.shape_cast %mul3A_1040 : vector<16xf32> to vector<1x16xf32>
          tpu.vector_store %arg10[%swap3A_1041, %swap3A_1042], %swap3A_1045 {strides = array<i32>} : memref<80x128xf32, #tpu.memory_space<vmem>>, vector<1x16xf32>,
          %get3A_1046 = arith.index_cast %add3A_985 : i32 to index
          %get3A_1047 = arith.constant 96 : index
          %get3A_1048 = tpu.vector_load %arg10[%get3A_1046, %get3A_1047] {strides = array<i32>} : memref<80x128xf32, #tpu.memory_space<vmem>>, vector<1x16xf32>,
          %get3A_1049 = vector.shape_cast %get3A_1048 : vector<1x16xf32> to vector<16xf32>
          %mul3A_1050 = arith.mulf %get3A_1049, %broadcast_in_dim3A_981 : vector<16xf32>
          %swap3A_1051 = arith.index_cast %add3A_985 : i32 to index
          %swap3A_1052 = arith.constant 96 : index
          %swap3A_1053 = tpu.vector_load %arg10[%swap3A_1051, %swap3A_1052] {strides = array<i32>} : memref<80x128xf32, #tpu.memory_space<vmem>>, vector<1x16xf32>,
          %swap3A_1054 = vector.shape_cast %swap3A_1053 : vector<1x16xf32> to vector<16xf32>
          %swap3A_1055 = vector.shape_cast %mul3A_1050 : vector<16xf32> to vector<1x16xf32>
          tpu.vector_store %arg10[%swap3A_1051, %swap3A_1052], %swap3A_1055 {strides = array<i32>} : memref<80x128xf32, #tpu.memory_space<vmem>>, vector<1x16xf32>,
          %get3A_1056 = arith.index_cast %add3A_985 : i32 to index
          %get3A_1057 = arith.constant 112 : index
          %get3A_1058 = tpu.vector_load %arg10[%get3A_1056, %get3A_1057] {strides = array<i32>} : memref<80x128xf32, #tpu.memory_space<vmem>>, vector<1x16xf32>,
          %get3A_1059 = vector.shape_cast %get3A_1058 : vector<1x16xf32> to vector<16xf32>
          %mul3A_1060 = arith.mulf %get3A_1059, %broadcast_in_dim3A_981 : vector<16xf32>
          %swap3A_1061 = arith.index_cast %add3A_985 : i32 to index
          %swap3A_1062 = arith.constant 112 : index
          %swap3A_1063 = tpu.vector_load %arg10[%swap3A_1061, %swap3A_1062] {strides = array<i32>} : memref<80x128xf32, #tpu.memory_space<vmem>>, vector<1x16xf32>,
          %swap3A_1064 = vector.shape_cast %swap3A_1063 : vector<1x16xf32> to vector<16xf32>
          %swap3A_1065 = vector.shape_cast %mul3A_1060 : vector<16xf32> to vector<1x16xf32>
          tpu.vector_store %arg10[%swap3A_1061, %swap3A_1062], %swap3A_1065 {strides = array<i32>} : memref<80x128xf32, #tpu.memory_space<vmem>>, vector<1x16xf32>,
          %slice3A_1066 = vector.extract_strided_slice %get3A_198 {offsets = [10], sizes = [1], strides = [1]} : vector<16xf32> to vector<1xf32>
          %squeeze3A_1067 = vector.extract %slice3A_1066[0] : f32 from vector<1xf32>
          %broadcast_in_dim3A_1068 = vector.broadcast %squeeze3A_1067 : f32 to vector<16xf32>
          %mul3A_1069 = arith.constant 16 : i32
          %mul3A_1070 = arith.muli %scan3A_193, %mul3A_1069 : i32
          %add3A_1071 = arith.constant 10 : i32
          %add3A_1072 = arith.addi %mul3A_1070, %add3A_1071 : i32
          %get3A_1073 = arith.index_cast %add3A_1072 : i32 to index
          %get3A_1074 = arith.constant 0 : index
          %get3A_1075 = tpu.vector_load %arg10[%get3A_1073, %get3A_1074] {strides = array<i32>} : memref<80x128xf32, #tpu.memory_space<vmem>>, vector<1x16xf32>,
          %get3A_1076 = vector.shape_cast %get3A_1075 : vector<1x16xf32> to vector<16xf32>
          %mul3A_1077 = arith.mulf %get3A_1076, %broadcast_in_dim3A_1068 : vector<16xf32>
          %swap3A_1078 = arith.index_cast %add3A_1072 : i32 to index
          %swap3A_1079 = arith.constant 0 : index
          %swap3A_1080 = tpu.vector_load %arg10[%swap3A_1078, %swap3A_1079] {strides = array<i32>} : memref<80x128xf32, #tpu.memory_space<vmem>>, vector<1x16xf32>,
          %swap3A_1081 = vector.shape_cast %swap3A_1080 : vector<1x16xf32> to vector<16xf32>
          %swap3A_1082 = vector.shape_cast %mul3A_1077 : vector<16xf32> to vector<1x16xf32>
          tpu.vector_store %arg10[%swap3A_1078, %swap3A_1079], %swap3A_1082 {strides = array<i32>} : memref<80x128xf32, #tpu.memory_space<vmem>>, vector<1x16xf32>,
          %get3A_1083 = arith.index_cast %add3A_1072 : i32 to index
          %get3A_1084 = arith.constant 16 : index
          %get3A_1085 = tpu.vector_load %arg10[%get3A_1083, %get3A_1084] {strides = array<i32>} : memref<80x128xf32, #tpu.memory_space<vmem>>, vector<1x16xf32>,
          %get3A_1086 = vector.shape_cast %get3A_1085 : vector<1x16xf32> to vector<16xf32>
          %mul3A_1087 = arith.mulf %get3A_1086, %broadcast_in_dim3A_1068 : vector<16xf32>
          %swap3A_1088 = arith.index_cast %add3A_1072 : i32 to index
          %swap3A_1089 = arith.constant 16 : index
          %swap3A_1090 = tpu.vector_load %arg10[%swap3A_1088, %swap3A_1089] {strides = array<i32>} : memref<80x128xf32, #tpu.memory_space<vmem>>, vector<1x16xf32>,
          %swap3A_1091 = vector.shape_cast %swap3A_1090 : vector<1x16xf32> to vector<16xf32>
          %swap3A_1092 = vector.shape_cast %mul3A_1087 : vector<16xf32> to vector<1x16xf32>
          tpu.vector_store %arg10[%swap3A_1088, %swap3A_1089], %swap3A_1092 {strides = array<i32>} : memref<80x128xf32, #tpu.memory_space<vmem>>, vector<1x16xf32>,
          %get3A_1093 = arith.index_cast %add3A_1072 : i32 to index
          %get3A_1094 = arith.constant 32 : index
          %get3A_1095 = tpu.vector_load %arg10[%get3A_1093, %get3A_1094] {strides = array<i32>} : memref<80x128xf32, #tpu.memory_space<vmem>>, vector<1x16xf32>,
          %get3A_1096 = vector.shape_cast %get3A_1095 : vector<1x16xf32> to vector<16xf32>
          %mul3A_1097 = arith.mulf %get3A_1096, %broadcast_in_dim3A_1068 : vector<16xf32>
          %swap3A_1098 = arith.index_cast %add3A_1072 : i32 to index
          %swap3A_1099 = arith.constant 32 : index
          %swap3A_1100 = tpu.vector_load %arg10[%swap3A_1098, %swap3A_1099] {strides = array<i32>} : memref<80x128xf32, #tpu.memory_space<vmem>>, vector<1x16xf32>,
          %swap3A_1101 = vector.shape_cast %swap3A_1100 : vector<1x16xf32> to vector<16xf32>
          %swap3A_1102 = vector.shape_cast %mul3A_1097 : vector<16xf32> to vector<1x16xf32>
          tpu.vector_store %arg10[%swap3A_1098, %swap3A_1099], %swap3A_1102 {strides = array<i32>} : memref<80x128xf32, #tpu.memory_space<vmem>>, vector<1x16xf32>,
          %get3A_1103 = arith.index_cast %add3A_1072 : i32 to index
          %get3A_1104 = arith.constant 48 : index
          %get3A_1105 = tpu.vector_load %arg10[%get3A_1103, %get3A_1104] {strides = array<i32>} : memref<80x128xf32, #tpu.memory_space<vmem>>, vector<1x16xf32>,
          %get3A_1106 = vector.shape_cast %get3A_1105 : vector<1x16xf32> to vector<16xf32>
          %mul3A_1107 = arith.mulf %get3A_1106, %broadcast_in_dim3A_1068 : vector<16xf32>
          %swap3A_1108 = arith.index_cast %add3A_1072 : i32 to index
          %swap3A_1109 = arith.constant 48 : index
          %swap3A_1110 = tpu.vector_load %arg10[%swap3A_1108, %swap3A_1109] {strides = array<i32>} : memref<80x128xf32, #tpu.memory_space<vmem>>, vector<1x16xf32>,
          %swap3A_1111 = vector.shape_cast %swap3A_1110 : vector<1x16xf32> to vector<16xf32>
          %swap3A_1112 = vector.shape_cast %mul3A_1107 : vector<16xf32> to vector<1x16xf32>
          tpu.vector_store %arg10[%swap3A_1108, %swap3A_1109], %swap3A_1112 {strides = array<i32>} : memref<80x128xf32, #tpu.memory_space<vmem>>, vector<1x16xf32>,
          %get3A_1113 = arith.index_cast %add3A_1072 : i32 to index
          %get3A_1114 = arith.constant 64 : index
          %get3A_1115 = tpu.vector_load %arg10[%get3A_1113, %get3A_1114] {strides = array<i32>} : memref<80x128xf32, #tpu.memory_space<vmem>>, vector<1x16xf32>,
          %get3A_1116 = vector.shape_cast %get3A_1115 : vector<1x16xf32> to vector<16xf32>
          %mul3A_1117 = arith.mulf %get3A_1116, %broadcast_in_dim3A_1068 : vector<16xf32>
          %swap3A_1118 = arith.index_cast %add3A_1072 : i32 to index
          %swap3A_1119 = arith.constant 64 : index
          %swap3A_1120 = tpu.vector_load %arg10[%swap3A_1118, %swap3A_1119] {strides = array<i32>} : memref<80x128xf32, #tpu.memory_space<vmem>>, vector<1x16xf32>,
          %swap3A_1121 = vector.shape_cast %swap3A_1120 : vector<1x16xf32> to vector<16xf32>
          %swap3A_1122 = vector.shape_cast %mul3A_1117 : vector<16xf32> to vector<1x16xf32>
          tpu.vector_store %arg10[%swap3A_1118, %swap3A_1119], %swap3A_1122 {strides = array<i32>} : memref<80x128xf32, #tpu.memory_space<vmem>>, vector<1x16xf32>,
          %get3A_1123 = arith.index_cast %add3A_1072 : i32 to index
          %get3A_1124 = arith.constant 80 : index
          %get3A_1125 = tpu.vector_load %arg10[%get3A_1123, %get3A_1124] {strides = array<i32>} : memref<80x128xf32, #tpu.memory_space<vmem>>, vector<1x16xf32>,
          %get3A_1126 = vector.shape_cast %get3A_1125 : vector<1x16xf32> to vector<16xf32>
          %mul3A_1127 = arith.mulf %get3A_1126, %broadcast_in_dim3A_1068 : vector<16xf32>
          %swap3A_1128 = arith.index_cast %add3A_1072 : i32 to index
          %swap3A_1129 = arith.constant 80 : index
          %swap3A_1130 = tpu.vector_load %arg10[%swap3A_1128, %swap3A_1129] {strides = array<i32>} : memref<80x128xf32, #tpu.memory_space<vmem>>, vector<1x16xf32>,
          %swap3A_1131 = vector.shape_cast %swap3A_1130 : vector<1x16xf32> to vector<16xf32>
          %swap3A_1132 = vector.shape_cast %mul3A_1127 : vector<16xf32> to vector<1x16xf32>
          tpu.vector_store %arg10[%swap3A_1128, %swap3A_1129], %swap3A_1132 {strides = array<i32>} : memref<80x128xf32, #tpu.memory_space<vmem>>, vector<1x16xf32>,
          %get3A_1133 = arith.index_cast %add3A_1072 : i32 to index
          %get3A_1134 = arith.constant 96 : index
          %get3A_1135 = tpu.vector_load %arg10[%get3A_1133, %get3A_1134] {strides = array<i32>} : memref<80x128xf32, #tpu.memory_space<vmem>>, vector<1x16xf32>,
          %get3A_1136 = vector.shape_cast %get3A_1135 : vector<1x16xf32> to vector<16xf32>
          %mul3A_1137 = arith.mulf %get3A_1136, %broadcast_in_dim3A_1068 : vector<16xf32>
          %swap3A_1138 = arith.index_cast %add3A_1072 : i32 to index
          %swap3A_1139 = arith.constant 96 : index
          %swap3A_1140 = tpu.vector_load %arg10[%swap3A_1138, %swap3A_1139] {strides = array<i32>} : memref<80x128xf32, #tpu.memory_space<vmem>>, vector<1x16xf32>,
          %swap3A_1141 = vector.shape_cast %swap3A_1140 : vector<1x16xf32> to vector<16xf32>
          %swap3A_1142 = vector.shape_cast %mul3A_1137 : vector<16xf32> to vector<1x16xf32>
          tpu.vector_store %arg10[%swap3A_1138, %swap3A_1139], %swap3A_1142 {strides = array<i32>} : memref<80x128xf32, #tpu.memory_space<vmem>>, vector<1x16xf32>,
          %get3A_1143 = arith.index_cast %add3A_1072 : i32 to index
          %get3A_1144 = arith.constant 112 : index
          %get3A_1145 = tpu.vector_load %arg10[%get3A_1143, %get3A_1144] {strides = array<i32>} : memref<80x128xf32, #tpu.memory_space<vmem>>, vector<1x16xf32>,
          %get3A_1146 = vector.shape_cast %get3A_1145 : vector<1x16xf32> to vector<16xf32>
          %mul3A_1147 = arith.mulf %get3A_1146, %broadcast_in_dim3A_1068 : vector<16xf32>
          %swap3A_1148 = arith.index_cast %add3A_1072 : i32 to index
          %swap3A_1149 = arith.constant 112 : index
          %swap3A_1150 = tpu.vector_load %arg10[%swap3A_1148, %swap3A_1149] {strides = array<i32>} : memref<80x128xf32, #tpu.memory_space<vmem>>, vector<1x16xf32>,
          %swap3A_1151 = vector.shape_cast %swap3A_1150 : vector<1x16xf32> to vector<16xf32>
          %swap3A_1152 = vector.shape_cast %mul3A_1147 : vector<16xf32> to vector<1x16xf32>
          tpu.vector_store %arg10[%swap3A_1148, %swap3A_1149], %swap3A_1152 {strides = array<i32>} : memref<80x128xf32, #tpu.memory_space<vmem>>, vector<1x16xf32>,
          %slice3A_1153 = vector.extract_strided_slice %get3A_198 {offsets = [11], sizes = [1], strides = [1]} : vector<16xf32> to vector<1xf32>
          %squeeze3A_1154 = vector.extract %slice3A_1153[0] : f32 from vector<1xf32>
          %broadcast_in_dim3A_1155 = vector.broadcast %squeeze3A_1154 : f32 to vector<16xf32>
          %mul3A_1156 = arith.constant 16 : i32
          %mul3A_1157 = arith.muli %scan3A_193, %mul3A_1156 : i32
          %add3A_1158 = arith.constant 11 : i32
          %add3A_1159 = arith.addi %mul3A_1157, %add3A_1158 : i32
          %get3A_1160 = arith.index_cast %add3A_1159 : i32 to index
          %get3A_1161 = arith.constant 0 : index
          %get3A_1162 = tpu.vector_load %arg10[%get3A_1160, %get3A_1161] {strides = array<i32>} : memref<80x128xf32, #tpu.memory_space<vmem>>, vector<1x16xf32>,
          %get3A_1163 = vector.shape_cast %get3A_1162 : vector<1x16xf32> to vector<16xf32>
          %mul3A_1164 = arith.mulf %get3A_1163, %broadcast_in_dim3A_1155 : vector<16xf32>
          %swap3A_1165 = arith.index_cast %add3A_1159 : i32 to index
          %swap3A_1166 = arith.constant 0 : index
          %swap3A_1167 = tpu.vector_load %arg10[%swap3A_1165, %swap3A_1166] {strides = array<i32>} : memref<80x128xf32, #tpu.memory_space<vmem>>, vector<1x16xf32>,
          %swap3A_1168 = vector.shape_cast %swap3A_1167 : vector<1x16xf32> to vector<16xf32>
          %swap3A_1169 = vector.shape_cast %mul3A_1164 : vector<16xf32> to vector<1x16xf32>
          tpu.vector_store %arg10[%swap3A_1165, %swap3A_1166], %swap3A_1169 {strides = array<i32>} : memref<80x128xf32, #tpu.memory_space<vmem>>, vector<1x16xf32>,
          %get3A_1170 = arith.index_cast %add3A_1159 : i32 to index
          %get3A_1171 = arith.constant 16 : index
          %get3A_1172 = tpu.vector_load %arg10[%get3A_1170, %get3A_1171] {strides = array<i32>} : memref<80x128xf32, #tpu.memory_space<vmem>>, vector<1x16xf32>,
          %get3A_1173 = vector.shape_cast %get3A_1172 : vector<1x16xf32> to vector<16xf32>
          %mul3A_1174 = arith.mulf %get3A_1173, %broadcast_in_dim3A_1155 : vector<16xf32>
          %swap3A_1175 = arith.index_cast %add3A_1159 : i32 to index
          %swap3A_1176 = arith.constant 16 : index
          %swap3A_1177 = tpu.vector_load %arg10[%swap3A_1175, %swap3A_1176] {strides = array<i32>} : memref<80x128xf32, #tpu.memory_space<vmem>>, vector<1x16xf32>,
          %swap3A_1178 = vector.shape_cast %swap3A_1177 : vector<1x16xf32> to vector<16xf32>
          %swap3A_1179 = vector.shape_cast %mul3A_1174 : vector<16xf32> to vector<1x16xf32>
          tpu.vector_store %arg10[%swap3A_1175, %swap3A_1176], %swap3A_1179 {strides = array<i32>} : memref<80x128xf32, #tpu.memory_space<vmem>>, vector<1x16xf32>,
          %get3A_1180 = arith.index_cast %add3A_1159 : i32 to index
          %get3A_1181 = arith.constant 32 : index
          %get3A_1182 = tpu.vector_load %arg10[%get3A_1180, %get3A_1181] {strides = array<i32>} : memref<80x128xf32, #tpu.memory_space<vmem>>, vector<1x16xf32>,
          %get3A_1183 = vector.shape_cast %get3A_1182 : vector<1x16xf32> to vector<16xf32>
          %mul3A_1184 = arith.mulf %get3A_1183, %broadcast_in_dim3A_1155 : vector<16xf32>
          %swap3A_1185 = arith.index_cast %add3A_1159 : i32 to index
          %swap3A_1186 = arith.constant 32 : index
          %swap3A_1187 = tpu.vector_load %arg10[%swap3A_1185, %swap3A_1186] {strides = array<i32>} : memref<80x128xf32, #tpu.memory_space<vmem>>, vector<1x16xf32>,
          %swap3A_1188 = vector.shape_cast %swap3A_1187 : vector<1x16xf32> to vector<16xf32>
          %swap3A_1189 = vector.shape_cast %mul3A_1184 : vector<16xf32> to vector<1x16xf32>
          tpu.vector_store %arg10[%swap3A_1185, %swap3A_1186], %swap3A_1189 {strides = array<i32>} : memref<80x128xf32, #tpu.memory_space<vmem>>, vector<1x16xf32>,
          %get3A_1190 = arith.index_cast %add3A_1159 : i32 to index
          %get3A_1191 = arith.constant 48 : index
          %get3A_1192 = tpu.vector_load %arg10[%get3A_1190, %get3A_1191] {strides = array<i32>} : memref<80x128xf32, #tpu.memory_space<vmem>>, vector<1x16xf32>,
          %get3A_1193 = vector.shape_cast %get3A_1192 : vector<1x16xf32> to vector<16xf32>
          %mul3A_1194 = arith.mulf %get3A_1193, %broadcast_in_dim3A_1155 : vector<16xf32>
          %swap3A_1195 = arith.index_cast %add3A_1159 : i32 to index
          %swap3A_1196 = arith.constant 48 : index
          %swap3A_1197 = tpu.vector_load %arg10[%swap3A_1195, %swap3A_1196] {strides = array<i32>} : memref<80x128xf32, #tpu.memory_space<vmem>>, vector<1x16xf32>,
          %swap3A_1198 = vector.shape_cast %swap3A_1197 : vector<1x16xf32> to vector<16xf32>
          %swap3A_1199 = vector.shape_cast %mul3A_1194 : vector<16xf32> to vector<1x16xf32>
          tpu.vector_store %arg10[%swap3A_1195, %swap3A_1196], %swap3A_1199 {strides = array<i32>} : memref<80x128xf32, #tpu.memory_space<vmem>>, vector<1x16xf32>,
          %get3A_1200 = arith.index_cast %add3A_1159 : i32 to index
          %get3A_1201 = arith.constant 64 : index
          %get3A_1202 = tpu.vector_load %arg10[%get3A_1200, %get3A_1201] {strides = array<i32>} : memref<80x128xf32, #tpu.memory_space<vmem>>, vector<1x16xf32>,
          %get3A_1203 = vector.shape_cast %get3A_1202 : vector<1x16xf32> to vector<16xf32>
          %mul3A_1204 = arith.mulf %get3A_1203, %broadcast_in_dim3A_1155 : vector<16xf32>
          %swap3A_1205 = arith.index_cast %add3A_1159 : i32 to index
          %swap3A_1206 = arith.constant 64 : index
          %swap3A_1207 = tpu.vector_load %arg10[%swap3A_1205, %swap3A_1206] {strides = array<i32>} : memref<80x128xf32, #tpu.memory_space<vmem>>, vector<1x16xf32>,
          %swap3A_1208 = vector.shape_cast %swap3A_1207 : vector<1x16xf32> to vector<16xf32>
          %swap3A_1209 = vector.shape_cast %mul3A_1204 : vector<16xf32> to vector<1x16xf32>
          tpu.vector_store %arg10[%swap3A_1205, %swap3A_1206], %swap3A_1209 {strides = array<i32>} : memref<80x128xf32, #tpu.memory_space<vmem>>, vector<1x16xf32>,
          %get3A_1210 = arith.index_cast %add3A_1159 : i32 to index
          %get3A_1211 = arith.constant 80 : index
          %get3A_1212 = tpu.vector_load %arg10[%get3A_1210, %get3A_1211] {strides = array<i32>} : memref<80x128xf32, #tpu.memory_space<vmem>>, vector<1x16xf32>,
          %get3A_1213 = vector.shape_cast %get3A_1212 : vector<1x16xf32> to vector<16xf32>
          %mul3A_1214 = arith.mulf %get3A_1213, %broadcast_in_dim3A_1155 : vector<16xf32>
          %swap3A_1215 = arith.index_cast %add3A_1159 : i32 to index
          %swap3A_1216 = arith.constant 80 : index
          %swap3A_1217 = tpu.vector_load %arg10[%swap3A_1215, %swap3A_1216] {strides = array<i32>} : memref<80x128xf32, #tpu.memory_space<vmem>>, vector<1x16xf32>,
          %swap3A_1218 = vector.shape_cast %swap3A_1217 : vector<1x16xf32> to vector<16xf32>
          %swap3A_1219 = vector.shape_cast %mul3A_1214 : vector<16xf32> to vector<1x16xf32>
          tpu.vector_store %arg10[%swap3A_1215, %swap3A_1216], %swap3A_1219 {strides = array<i32>} : memref<80x128xf32, #tpu.memory_space<vmem>>, vector<1x16xf32>,
          %get3A_1220 = arith.index_cast %add3A_1159 : i32 to index
          %get3A_1221 = arith.constant 96 : index
          %get3A_1222 = tpu.vector_load %arg10[%get3A_1220, %get3A_1221] {strides = array<i32>} : memref<80x128xf32, #tpu.memory_space<vmem>>, vector<1x16xf32>,
          %get3A_1223 = vector.shape_cast %get3A_1222 : vector<1x16xf32> to vector<16xf32>
          %mul3A_1224 = arith.mulf %get3A_1223, %broadcast_in_dim3A_1155 : vector<16xf32>
          %swap3A_1225 = arith.index_cast %add3A_1159 : i32 to index
          %swap3A_1226 = arith.constant 96 : index
          %swap3A_1227 = tpu.vector_load %arg10[%swap3A_1225, %swap3A_1226] {strides = array<i32>} : memref<80x128xf32, #tpu.memory_space<vmem>>, vector<1x16xf32>,
          %swap3A_1228 = vector.shape_cast %swap3A_1227 : vector<1x16xf32> to vector<16xf32>
          %swap3A_1229 = vector.shape_cast %mul3A_1224 : vector<16xf32> to vector<1x16xf32>
          tpu.vector_store %arg10[%swap3A_1225, %swap3A_1226], %swap3A_1229 {strides = array<i32>} : memref<80x128xf32, #tpu.memory_space<vmem>>, vector<1x16xf32>,
          %get3A_1230 = arith.index_cast %add3A_1159 : i32 to index
          %get3A_1231 = arith.constant 112 : index
          %get3A_1232 = tpu.vector_load %arg10[%get3A_1230, %get3A_1231] {strides = array<i32>} : memref<80x128xf32, #tpu.memory_space<vmem>>, vector<1x16xf32>,
          %get3A_1233 = vector.shape_cast %get3A_1232 : vector<1x16xf32> to vector<16xf32>
          %mul3A_1234 = arith.mulf %get3A_1233, %broadcast_in_dim3A_1155 : vector<16xf32>
          %swap3A_1235 = arith.index_cast %add3A_1159 : i32 to index
          %swap3A_1236 = arith.constant 112 : index
          %swap3A_1237 = tpu.vector_load %arg10[%swap3A_1235, %swap3A_1236] {strides = array<i32>} : memref<80x128xf32, #tpu.memory_space<vmem>>, vector<1x16xf32>,
          %swap3A_1238 = vector.shape_cast %swap3A_1237 : vector<1x16xf32> to vector<16xf32>
          %swap3A_1239 = vector.shape_cast %mul3A_1234 : vector<16xf32> to vector<1x16xf32>
          tpu.vector_store %arg10[%swap3A_1235, %swap3A_1236], %swap3A_1239 {strides = array<i32>} : memref<80x128xf32, #tpu.memory_space<vmem>>, vector<1x16xf32>,
          %slice3A_1240 = vector.extract_strided_slice %get3A_198 {offsets = [12], sizes = [1], strides = [1]} : vector<16xf32> to vector<1xf32>
          %squeeze3A_1241 = vector.extract %slice3A_1240[0] : f32 from vector<1xf32>
          %broadcast_in_dim3A_1242 = vector.broadcast %squeeze3A_1241 : f32 to vector<16xf32>
          %mul3A_1243 = arith.constant 16 : i32
          %mul3A_1244 = arith.muli %scan3A_193, %mul3A_1243 : i32
          %add3A_1245 = arith.constant 12 : i32
          %add3A_1246 = arith.addi %mul3A_1244, %add3A_1245 : i32
          %get3A_1247 = arith.index_cast %add3A_1246 : i32 to index
          %get3A_1248 = arith.constant 0 : index
          %get3A_1249 = tpu.vector_load %arg10[%get3A_1247, %get3A_1248] {strides = array<i32>} : memref<80x128xf32, #tpu.memory_space<vmem>>, vector<1x16xf32>,
          %get3A_1250 = vector.shape_cast %get3A_1249 : vector<1x16xf32> to vector<16xf32>
          %mul3A_1251 = arith.mulf %get3A_1250, %broadcast_in_dim3A_1242 : vector<16xf32>
          %swap3A_1252 = arith.index_cast %add3A_1246 : i32 to index
          %swap3A_1253 = arith.constant 0 : index
          %swap3A_1254 = tpu.vector_load %arg10[%swap3A_1252, %swap3A_1253] {strides = array<i32>} : memref<80x128xf32, #tpu.memory_space<vmem>>, vector<1x16xf32>,
          %swap3A_1255 = vector.shape_cast %swap3A_1254 : vector<1x16xf32> to vector<16xf32>
          %swap3A_1256 = vector.shape_cast %mul3A_1251 : vector<16xf32> to vector<1x16xf32>
          tpu.vector_store %arg10[%swap3A_1252, %swap3A_1253], %swap3A_1256 {strides = array<i32>} : memref<80x128xf32, #tpu.memory_space<vmem>>, vector<1x16xf32>,
          %get3A_1257 = arith.index_cast %add3A_1246 : i32 to index
          %get3A_1258 = arith.constant 16 : index
          %get3A_1259 = tpu.vector_load %arg10[%get3A_1257, %get3A_1258] {strides = array<i32>} : memref<80x128xf32, #tpu.memory_space<vmem>>, vector<1x16xf32>,
          %get3A_1260 = vector.shape_cast %get3A_1259 : vector<1x16xf32> to vector<16xf32>
          %mul3A_1261 = arith.mulf %get3A_1260, %broadcast_in_dim3A_1242 : vector<16xf32>
          %swap3A_1262 = arith.index_cast %add3A_1246 : i32 to index
          %swap3A_1263 = arith.constant 16 : index
          %swap3A_1264 = tpu.vector_load %arg10[%swap3A_1262, %swap3A_1263] {strides = array<i32>} : memref<80x128xf32, #tpu.memory_space<vmem>>, vector<1x16xf32>,
          %swap3A_1265 = vector.shape_cast %swap3A_1264 : vector<1x16xf32> to vector<16xf32>
          %swap3A_1266 = vector.shape_cast %mul3A_1261 : vector<16xf32> to vector<1x16xf32>
          tpu.vector_store %arg10[%swap3A_1262, %swap3A_1263], %swap3A_1266 {strides = array<i32>} : memref<80x128xf32, #tpu.memory_space<vmem>>, vector<1x16xf32>,
          %get3A_1267 = arith.index_cast %add3A_1246 : i32 to index
          %get3A_1268 = arith.constant 32 : index
          %get3A_1269 = tpu.vector_load %arg10[%get3A_1267, %get3A_1268] {strides = array<i32>} : memref<80x128xf32, #tpu.memory_space<vmem>>, vector<1x16xf32>,
          %get3A_1270 = vector.shape_cast %get3A_1269 : vector<1x16xf32> to vector<16xf32>
          %mul3A_1271 = arith.mulf %get3A_1270, %broadcast_in_dim3A_1242 : vector<16xf32>
          %swap3A_1272 = arith.index_cast %add3A_1246 : i32 to index
          %swap3A_1273 = arith.constant 32 : index
          %swap3A_1274 = tpu.vector_load %arg10[%swap3A_1272, %swap3A_1273] {strides = array<i32>} : memref<80x128xf32, #tpu.memory_space<vmem>>, vector<1x16xf32>,
          %swap3A_1275 = vector.shape_cast %swap3A_1274 : vector<1x16xf32> to vector<16xf32>
          %swap3A_1276 = vector.shape_cast %mul3A_1271 : vector<16xf32> to vector<1x16xf32>
          tpu.vector_store %arg10[%swap3A_1272, %swap3A_1273], %swap3A_1276 {strides = array<i32>} : memref<80x128xf32, #tpu.memory_space<vmem>>, vector<1x16xf32>,
          %get3A_1277 = arith.index_cast %add3A_1246 : i32 to index
          %get3A_1278 = arith.constant 48 : index
          %get3A_1279 = tpu.vector_load %arg10[%get3A_1277, %get3A_1278] {strides = array<i32>} : memref<80x128xf32, #tpu.memory_space<vmem>>, vector<1x16xf32>,
          %get3A_1280 = vector.shape_cast %get3A_1279 : vector<1x16xf32> to vector<16xf32>
          %mul3A_1281 = arith.mulf %get3A_1280, %broadcast_in_dim3A_1242 : vector<16xf32>
          %swap3A_1282 = arith.index_cast %add3A_1246 : i32 to index
          %swap3A_1283 = arith.constant 48 : index
          %swap3A_1284 = tpu.vector_load %arg10[%swap3A_1282, %swap3A_1283] {strides = array<i32>} : memref<80x128xf32, #tpu.memory_space<vmem>>, vector<1x16xf32>,
          %swap3A_1285 = vector.shape_cast %swap3A_1284 : vector<1x16xf32> to vector<16xf32>
          %swap3A_1286 = vector.shape_cast %mul3A_1281 : vector<16xf32> to vector<1x16xf32>
          tpu.vector_store %arg10[%swap3A_1282, %swap3A_1283], %swap3A_1286 {strides = array<i32>} : memref<80x128xf32, #tpu.memory_space<vmem>>, vector<1x16xf32>,
          %get3A_1287 = arith.index_cast %add3A_1246 : i32 to index
          %get3A_1288 = arith.constant 64 : index
          %get3A_1289 = tpu.vector_load %arg10[%get3A_1287, %get3A_1288] {strides = array<i32>} : memref<80x128xf32, #tpu.memory_space<vmem>>, vector<1x16xf32>,
          %get3A_1290 = vector.shape_cast %get3A_1289 : vector<1x16xf32> to vector<16xf32>
          %mul3A_1291 = arith.mulf %get3A_1290, %broadcast_in_dim3A_1242 : vector<16xf32>
          %swap3A_1292 = arith.index_cast %add3A_1246 : i32 to index
          %swap3A_1293 = arith.constant 64 : index
          %swap3A_1294 = tpu.vector_load %arg10[%swap3A_1292, %swap3A_1293] {strides = array<i32>} : memref<80x128xf32, #tpu.memory_space<vmem>>, vector<1x16xf32>,
          %swap3A_1295 = vector.shape_cast %swap3A_1294 : vector<1x16xf32> to vector<16xf32>
          %swap3A_1296 = vector.shape_cast %mul3A_1291 : vector<16xf32> to vector<1x16xf32>
          tpu.vector_store %arg10[%swap3A_1292, %swap3A_1293], %swap3A_1296 {strides = array<i32>} : memref<80x128xf32, #tpu.memory_space<vmem>>, vector<1x16xf32>,
          %get3A_1297 = arith.index_cast %add3A_1246 : i32 to index
          %get3A_1298 = arith.constant 80 : index
          %get3A_1299 = tpu.vector_load %arg10[%get3A_1297, %get3A_1298] {strides = array<i32>} : memref<80x128xf32, #tpu.memory_space<vmem>>, vector<1x16xf32>,
          %get3A_1300 = vector.shape_cast %get3A_1299 : vector<1x16xf32> to vector<16xf32>
          %mul3A_1301 = arith.mulf %get3A_1300, %broadcast_in_dim3A_1242 : vector<16xf32>
          %swap3A_1302 = arith.index_cast %add3A_1246 : i32 to index
          %swap3A_1303 = arith.constant 80 : index
          %swap3A_1304 = tpu.vector_load %arg10[%swap3A_1302, %swap3A_1303] {strides = array<i32>} : memref<80x128xf32, #tpu.memory_space<vmem>>, vector<1x16xf32>,
          %swap3A_1305 = vector.shape_cast %swap3A_1304 : vector<1x16xf32> to vector<16xf32>
          %swap3A_1306 = vector.shape_cast %mul3A_1301 : vector<16xf32> to vector<1x16xf32>
          tpu.vector_store %arg10[%swap3A_1302, %swap3A_1303], %swap3A_1306 {strides = array<i32>} : memref<80x128xf32, #tpu.memory_space<vmem>>, vector<1x16xf32>,
          %get3A_1307 = arith.index_cast %add3A_1246 : i32 to index
          %get3A_1308 = arith.constant 96 : index
          %get3A_1309 = tpu.vector_load %arg10[%get3A_1307, %get3A_1308] {strides = array<i32>} : memref<80x128xf32, #tpu.memory_space<vmem>>, vector<1x16xf32>,
          %get3A_1310 = vector.shape_cast %get3A_1309 : vector<1x16xf32> to vector<16xf32>
          %mul3A_1311 = arith.mulf %get3A_1310, %broadcast_in_dim3A_1242 : vector<16xf32>
          %swap3A_1312 = arith.index_cast %add3A_1246 : i32 to index
          %swap3A_1313 = arith.constant 96 : index
          %swap3A_1314 = tpu.vector_load %arg10[%swap3A_1312, %swap3A_1313] {strides = array<i32>} : memref<80x128xf32, #tpu.memory_space<vmem>>, vector<1x16xf32>,
          %swap3A_1315 = vector.shape_cast %swap3A_1314 : vector<1x16xf32> to vector<16xf32>
          %swap3A_1316 = vector.shape_cast %mul3A_1311 : vector<16xf32> to vector<1x16xf32>
          tpu.vector_store %arg10[%swap3A_1312, %swap3A_1313], %swap3A_1316 {strides = array<i32>} : memref<80x128xf32, #tpu.memory_space<vmem>>, vector<1x16xf32>,
          %get3A_1317 = arith.index_cast %add3A_1246 : i32 to index
          %get3A_1318 = arith.constant 112 : index
          %get3A_1319 = tpu.vector_load %arg10[%get3A_1317, %get3A_1318] {strides = array<i32>} : memref<80x128xf32, #tpu.memory_space<vmem>>, vector<1x16xf32>,
          %get3A_1320 = vector.shape_cast %get3A_1319 : vector<1x16xf32> to vector<16xf32>
          %mul3A_1321 = arith.mulf %get3A_1320, %broadcast_in_dim3A_1242 : vector<16xf32>
          %swap3A_1322 = arith.index_cast %add3A_1246 : i32 to index
          %swap3A_1323 = arith.constant 112 : index
          %swap3A_1324 = tpu.vector_load %arg10[%swap3A_1322, %swap3A_1323] {strides = array<i32>} : memref<80x128xf32, #tpu.memory_space<vmem>>, vector<1x16xf32>,
          %swap3A_1325 = vector.shape_cast %swap3A_1324 : vector<1x16xf32> to vector<16xf32>
          %swap3A_1326 = vector.shape_cast %mul3A_1321 : vector<16xf32> to vector<1x16xf32>
          tpu.vector_store %arg10[%swap3A_1322, %swap3A_1323], %swap3A_1326 {strides = array<i32>} : memref<80x128xf32, #tpu.memory_space<vmem>>, vector<1x16xf32>,
          %slice3A_1327 = vector.extract_strided_slice %get3A_198 {offsets = [13], sizes = [1], strides = [1]} : vector<16xf32> to vector<1xf32>
          %squeeze3A_1328 = vector.extract %slice3A_1327[0] : f32 from vector<1xf32>
          %broadcast_in_dim3A_1329 = vector.broadcast %squeeze3A_1328 : f32 to vector<16xf32>
          %mul3A_1330 = arith.constant 16 : i32
          %mul3A_1331 = arith.muli %scan3A_193, %mul3A_1330 : i32
          %add3A_1332 = arith.constant 13 : i32
          %add3A_1333 = arith.addi %mul3A_1331, %add3A_1332 : i32
          %get3A_1334 = arith.index_cast %add3A_1333 : i32 to index
          %get3A_1335 = arith.constant 0 : index
          %get3A_1336 = tpu.vector_load %arg10[%get3A_1334, %get3A_1335] {strides = array<i32>} : memref<80x128xf32, #tpu.memory_space<vmem>>, vector<1x16xf32>,
          %get3A_1337 = vector.shape_cast %get3A_1336 : vector<1x16xf32> to vector<16xf32>
          %mul3A_1338 = arith.mulf %get3A_1337, %broadcast_in_dim3A_1329 : vector<16xf32>
          %swap3A_1339 = arith.index_cast %add3A_1333 : i32 to index
          %swap3A_1340 = arith.constant 0 : index
          %swap3A_1341 = tpu.vector_load %arg10[%swap3A_1339, %swap3A_1340] {strides = array<i32>} : memref<80x128xf32, #tpu.memory_space<vmem>>, vector<1x16xf32>,
          %swap3A_1342 = vector.shape_cast %swap3A_1341 : vector<1x16xf32> to vector<16xf32>
          %swap3A_1343 = vector.shape_cast %mul3A_1338 : vector<16xf32> to vector<1x16xf32>
          tpu.vector_store %arg10[%swap3A_1339, %swap3A_1340], %swap3A_1343 {strides = array<i32>} : memref<80x128xf32, #tpu.memory_space<vmem>>, vector<1x16xf32>,
          %get3A_1344 = arith.index_cast %add3A_1333 : i32 to index
          %get3A_1345 = arith.constant 16 : index
          %get3A_1346 = tpu.vector_load %arg10[%get3A_1344, %get3A_1345] {strides = array<i32>} : memref<80x128xf32, #tpu.memory_space<vmem>>, vector<1x16xf32>,
          %get3A_1347 = vector.shape_cast %get3A_1346 : vector<1x16xf32> to vector<16xf32>
          %mul3A_1348 = arith.mulf %get3A_1347, %broadcast_in_dim3A_1329 : vector<16xf32>
          %swap3A_1349 = arith.index_cast %add3A_1333 : i32 to index
          %swap3A_1350 = arith.constant 16 : index
          %swap3A_1351 = tpu.vector_load %arg10[%swap3A_1349, %swap3A_1350] {strides = array<i32>} : memref<80x128xf32, #tpu.memory_space<vmem>>, vector<1x16xf32>,
          %swap3A_1352 = vector.shape_cast %swap3A_1351 : vector<1x16xf32> to vector<16xf32>
          %swap3A_1353 = vector.shape_cast %mul3A_1348 : vector<16xf32> to vector<1x16xf32>
          tpu.vector_store %arg10[%swap3A_1349, %swap3A_1350], %swap3A_1353 {strides = array<i32>} : memref<80x128xf32, #tpu.memory_space<vmem>>, vector<1x16xf32>,
          %get3A_1354 = arith.index_cast %add3A_1333 : i32 to index
          %get3A_1355 = arith.constant 32 : index
          %get3A_1356 = tpu.vector_load %arg10[%get3A_1354, %get3A_1355] {strides = array<i32>} : memref<80x128xf32, #tpu.memory_space<vmem>>, vector<1x16xf32>,
          %get3A_1357 = vector.shape_cast %get3A_1356 : vector<1x16xf32> to vector<16xf32>
          %mul3A_1358 = arith.mulf %get3A_1357, %broadcast_in_dim3A_1329 : vector<16xf32>
          %swap3A_1359 = arith.index_cast %add3A_1333 : i32 to index
          %swap3A_1360 = arith.constant 32 : index
          %swap3A_1361 = tpu.vector_load %arg10[%swap3A_1359, %swap3A_1360] {strides = array<i32>} : memref<80x128xf32, #tpu.memory_space<vmem>>, vector<1x16xf32>,
          %swap3A_1362 = vector.shape_cast %swap3A_1361 : vector<1x16xf32> to vector<16xf32>
          %swap3A_1363 = vector.shape_cast %mul3A_1358 : vector<16xf32> to vector<1x16xf32>
          tpu.vector_store %arg10[%swap3A_1359, %swap3A_1360], %swap3A_1363 {strides = array<i32>} : memref<80x128xf32, #tpu.memory_space<vmem>>, vector<1x16xf32>,
          %get3A_1364 = arith.index_cast %add3A_1333 : i32 to index
          %get3A_1365 = arith.constant 48 : index
          %get3A_1366 = tpu.vector_load %arg10[%get3A_1364, %get3A_1365] {strides = array<i32>} : memref<80x128xf32, #tpu.memory_space<vmem>>, vector<1x16xf32>,
          %get3A_1367 = vector.shape_cast %get3A_1366 : vector<1x16xf32> to vector<16xf32>
          %mul3A_1368 = arith.mulf %get3A_1367, %broadcast_in_dim3A_1329 : vector<16xf32>
          %swap3A_1369 = arith.index_cast %add3A_1333 : i32 to index
          %swap3A_1370 = arith.constant 48 : index
          %swap3A_1371 = tpu.vector_load %arg10[%swap3A_1369, %swap3A_1370] {strides = array<i32>} : memref<80x128xf32, #tpu.memory_space<vmem>>, vector<1x16xf32>,
          %swap3A_1372 = vector.shape_cast %swap3A_1371 : vector<1x16xf32> to vector<16xf32>
          %swap3A_1373 = vector.shape_cast %mul3A_1368 : vector<16xf32> to vector<1x16xf32>
          tpu.vector_store %arg10[%swap3A_1369, %swap3A_1370], %swap3A_1373 {strides = array<i32>} : memref<80x128xf32, #tpu.memory_space<vmem>>, vector<1x16xf32>,
          %get3A_1374 = arith.index_cast %add3A_1333 : i32 to index
          %get3A_1375 = arith.constant 64 : index
          %get3A_1376 = tpu.vector_load %arg10[%get3A_1374, %get3A_1375] {strides = array<i32>} : memref<80x128xf32, #tpu.memory_space<vmem>>, vector<1x16xf32>,
          %get3A_1377 = vector.shape_cast %get3A_1376 : vector<1x16xf32> to vector<16xf32>
          %mul3A_1378 = arith.mulf %get3A_1377, %broadcast_in_dim3A_1329 : vector<16xf32>
          %swap3A_1379 = arith.index_cast %add3A_1333 : i32 to index
          %swap3A_1380 = arith.constant 64 : index
          %swap3A_1381 = tpu.vector_load %arg10[%swap3A_1379, %swap3A_1380] {strides = array<i32>} : memref<80x128xf32, #tpu.memory_space<vmem>>, vector<1x16xf32>,
          %swap3A_1382 = vector.shape_cast %swap3A_1381 : vector<1x16xf32> to vector<16xf32>
          %swap3A_1383 = vector.shape_cast %mul3A_1378 : vector<16xf32> to vector<1x16xf32>
          tpu.vector_store %arg10[%swap3A_1379, %swap3A_1380], %swap3A_1383 {strides = array<i32>} : memref<80x128xf32, #tpu.memory_space<vmem>>, vector<1x16xf32>,
          %get3A_1384 = arith.index_cast %add3A_1333 : i32 to index
          %get3A_1385 = arith.constant 80 : index
          %get3A_1386 = tpu.vector_load %arg10[%get3A_1384, %get3A_1385] {strides = array<i32>} : memref<80x128xf32, #tpu.memory_space<vmem>>, vector<1x16xf32>,
          %get3A_1387 = vector.shape_cast %get3A_1386 : vector<1x16xf32> to vector<16xf32>
          %mul3A_1388 = arith.mulf %get3A_1387, %broadcast_in_dim3A_1329 : vector<16xf32>
          %swap3A_1389 = arith.index_cast %add3A_1333 : i32 to index
          %swap3A_1390 = arith.constant 80 : index
          %swap3A_1391 = tpu.vector_load %arg10[%swap3A_1389, %swap3A_1390] {strides = array<i32>} : memref<80x128xf32, #tpu.memory_space<vmem>>, vector<1x16xf32>,
          %swap3A_1392 = vector.shape_cast %swap3A_1391 : vector<1x16xf32> to vector<16xf32>
          %swap3A_1393 = vector.shape_cast %mul3A_1388 : vector<16xf32> to vector<1x16xf32>
          tpu.vector_store %arg10[%swap3A_1389, %swap3A_1390], %swap3A_1393 {strides = array<i32>} : memref<80x128xf32, #tpu.memory_space<vmem>>, vector<1x16xf32>,
          %get3A_1394 = arith.index_cast %add3A_1333 : i32 to index
          %get3A_1395 = arith.constant 96 : index
          %get3A_1396 = tpu.vector_load %arg10[%get3A_1394, %get3A_1395] {strides = array<i32>} : memref<80x128xf32, #tpu.memory_space<vmem>>, vector<1x16xf32>,
          %get3A_1397 = vector.shape_cast %get3A_1396 : vector<1x16xf32> to vector<16xf32>
          %mul3A_1398 = arith.mulf %get3A_1397, %broadcast_in_dim3A_1329 : vector<16xf32>
          %swap3A_1399 = arith.index_cast %add3A_1333 : i32 to index
          %swap3A_1400 = arith.constant 96 : index
          %swap3A_1401 = tpu.vector_load %arg10[%swap3A_1399, %swap3A_1400] {strides = array<i32>} : memref<80x128xf32, #tpu.memory_space<vmem>>, vector<1x16xf32>,
          %swap3A_1402 = vector.shape_cast %swap3A_1401 : vector<1x16xf32> to vector<16xf32>
          %swap3A_1403 = vector.shape_cast %mul3A_1398 : vector<16xf32> to vector<1x16xf32>
          tpu.vector_store %arg10[%swap3A_1399, %swap3A_1400], %swap3A_1403 {strides = array<i32>} : memref<80x128xf32, #tpu.memory_space<vmem>>, vector<1x16xf32>,
          %get3A_1404 = arith.index_cast %add3A_1333 : i32 to index
          %get3A_1405 = arith.constant 112 : index
          %get3A_1406 = tpu.vector_load %arg10[%get3A_1404, %get3A_1405] {strides = array<i32>} : memref<80x128xf32, #tpu.memory_space<vmem>>, vector<1x16xf32>,
          %get3A_1407 = vector.shape_cast %get3A_1406 : vector<1x16xf32> to vector<16xf32>
          %mul3A_1408 = arith.mulf %get3A_1407, %broadcast_in_dim3A_1329 : vector<16xf32>
          %swap3A_1409 = arith.index_cast %add3A_1333 : i32 to index
          %swap3A_1410 = arith.constant 112 : index
          %swap3A_1411 = tpu.vector_load %arg10[%swap3A_1409, %swap3A_1410] {strides = array<i32>} : memref<80x128xf32, #tpu.memory_space<vmem>>, vector<1x16xf32>,
          %swap3A_1412 = vector.shape_cast %swap3A_1411 : vector<1x16xf32> to vector<16xf32>
          %swap3A_1413 = vector.shape_cast %mul3A_1408 : vector<16xf32> to vector<1x16xf32>
          tpu.vector_store %arg10[%swap3A_1409, %swap3A_1410], %swap3A_1413 {strides = array<i32>} : memref<80x128xf32, #tpu.memory_space<vmem>>, vector<1x16xf32>,
          %slice3A_1414 = vector.extract_strided_slice %get3A_198 {offsets = [14], sizes = [1], strides = [1]} : vector<16xf32> to vector<1xf32>
          %squeeze3A_1415 = vector.extract %slice3A_1414[0] : f32 from vector<1xf32>
          %broadcast_in_dim3A_1416 = vector.broadcast %squeeze3A_1415 : f32 to vector<16xf32>
          %mul3A_1417 = arith.constant 16 : i32
          %mul3A_1418 = arith.muli %scan3A_193, %mul3A_1417 : i32
          %add3A_1419 = arith.constant 14 : i32
          %add3A_1420 = arith.addi %mul3A_1418, %add3A_1419 : i32
          %get3A_1421 = arith.index_cast %add3A_1420 : i32 to index
          %get3A_1422 = arith.constant 0 : index
          %get3A_1423 = tpu.vector_load %arg10[%get3A_1421, %get3A_1422] {strides = array<i32>} : memref<80x128xf32, #tpu.memory_space<vmem>>, vector<1x16xf32>,
          %get3A_1424 = vector.shape_cast %get3A_1423 : vector<1x16xf32> to vector<16xf32>
          %mul3A_1425 = arith.mulf %get3A_1424, %broadcast_in_dim3A_1416 : vector<16xf32>
          %swap3A_1426 = arith.index_cast %add3A_1420 : i32 to index
          %swap3A_1427 = arith.constant 0 : index
          %swap3A_1428 = tpu.vector_load %arg10[%swap3A_1426, %swap3A_1427] {strides = array<i32>} : memref<80x128xf32, #tpu.memory_space<vmem>>, vector<1x16xf32>,
          %swap3A_1429 = vector.shape_cast %swap3A_1428 : vector<1x16xf32> to vector<16xf32>
          %swap3A_1430 = vector.shape_cast %mul3A_1425 : vector<16xf32> to vector<1x16xf32>
          tpu.vector_store %arg10[%swap3A_1426, %swap3A_1427], %swap3A_1430 {strides = array<i32>} : memref<80x128xf32, #tpu.memory_space<vmem>>, vector<1x16xf32>,
          %get3A_1431 = arith.index_cast %add3A_1420 : i32 to index
          %get3A_1432 = arith.constant 16 : index
          %get3A_1433 = tpu.vector_load %arg10[%get3A_1431, %get3A_1432] {strides = array<i32>} : memref<80x128xf32, #tpu.memory_space<vmem>>, vector<1x16xf32>,
          %get3A_1434 = vector.shape_cast %get3A_1433 : vector<1x16xf32> to vector<16xf32>
          %mul3A_1435 = arith.mulf %get3A_1434, %broadcast_in_dim3A_1416 : vector<16xf32>
          %swap3A_1436 = arith.index_cast %add3A_1420 : i32 to index
          %swap3A_1437 = arith.constant 16 : index
          %swap3A_1438 = tpu.vector_load %arg10[%swap3A_1436, %swap3A_1437] {strides = array<i32>} : memref<80x128xf32, #tpu.memory_space<vmem>>, vector<1x16xf32>,
          %swap3A_1439 = vector.shape_cast %swap3A_1438 : vector<1x16xf32> to vector<16xf32>
          %swap3A_1440 = vector.shape_cast %mul3A_1435 : vector<16xf32> to vector<1x16xf32>
          tpu.vector_store %arg10[%swap3A_1436, %swap3A_1437], %swap3A_1440 {strides = array<i32>} : memref<80x128xf32, #tpu.memory_space<vmem>>, vector<1x16xf32>,
          %get3A_1441 = arith.index_cast %add3A_1420 : i32 to index
          %get3A_1442 = arith.constant 32 : index
          %get3A_1443 = tpu.vector_load %arg10[%get3A_1441, %get3A_1442] {strides = array<i32>} : memref<80x128xf32, #tpu.memory_space<vmem>>, vector<1x16xf32>,
          %get3A_1444 = vector.shape_cast %get3A_1443 : vector<1x16xf32> to vector<16xf32>
          %mul3A_1445 = arith.mulf %get3A_1444, %broadcast_in_dim3A_1416 : vector<16xf32>
          %swap3A_1446 = arith.index_cast %add3A_1420 : i32 to index
          %swap3A_1447 = arith.constant 32 : index
          %swap3A_1448 = tpu.vector_load %arg10[%swap3A_1446, %swap3A_1447] {strides = array<i32>} : memref<80x128xf32, #tpu.memory_space<vmem>>, vector<1x16xf32>,
          %swap3A_1449 = vector.shape_cast %swap3A_1448 : vector<1x16xf32> to vector<16xf32>
          %swap3A_1450 = vector.shape_cast %mul3A_1445 : vector<16xf32> to vector<1x16xf32>
          tpu.vector_store %arg10[%swap3A_1446, %swap3A_1447], %swap3A_1450 {strides = array<i32>} : memref<80x128xf32, #tpu.memory_space<vmem>>, vector<1x16xf32>,
          %get3A_1451 = arith.index_cast %add3A_1420 : i32 to index
          %get3A_1452 = arith.constant 48 : index
          %get3A_1453 = tpu.vector_load %arg10[%get3A_1451, %get3A_1452] {strides = array<i32>} : memref<80x128xf32, #tpu.memory_space<vmem>>, vector<1x16xf32>,
          %get3A_1454 = vector.shape_cast %get3A_1453 : vector<1x16xf32> to vector<16xf32>
          %mul3A_1455 = arith.mulf %get3A_1454, %broadcast_in_dim3A_1416 : vector<16xf32>
          %swap3A_1456 = arith.index_cast %add3A_1420 : i32 to index
          %swap3A_1457 = arith.constant 48 : index
          %swap3A_1458 = tpu.vector_load %arg10[%swap3A_1456, %swap3A_1457] {strides = array<i32>} : memref<80x128xf32, #tpu.memory_space<vmem>>, vector<1x16xf32>,
          %swap3A_1459 = vector.shape_cast %swap3A_1458 : vector<1x16xf32> to vector<16xf32>
          %swap3A_1460 = vector.shape_cast %mul3A_1455 : vector<16xf32> to vector<1x16xf32>
          tpu.vector_store %arg10[%swap3A_1456, %swap3A_1457], %swap3A_1460 {strides = array<i32>} : memref<80x128xf32, #tpu.memory_space<vmem>>, vector<1x16xf32>,
          %get3A_1461 = arith.index_cast %add3A_1420 : i32 to index
          %get3A_1462 = arith.constant 64 : index
          %get3A_1463 = tpu.vector_load %arg10[%get3A_1461, %get3A_1462] {strides = array<i32>} : memref<80x128xf32, #tpu.memory_space<vmem>>, vector<1x16xf32>,
          %get3A_1464 = vector.shape_cast %get3A_1463 : vector<1x16xf32> to vector<16xf32>
          %mul3A_1465 = arith.mulf %get3A_1464, %broadcast_in_dim3A_1416 : vector<16xf32>
          %swap3A_1466 = arith.index_cast %add3A_1420 : i32 to index
          %swap3A_1467 = arith.constant 64 : index
          %swap3A_1468 = tpu.vector_load %arg10[%swap3A_1466, %swap3A_1467] {strides = array<i32>} : memref<80x128xf32, #tpu.memory_space<vmem>>, vector<1x16xf32>,
          %swap3A_1469 = vector.shape_cast %swap3A_1468 : vector<1x16xf32> to vector<16xf32>
          %swap3A_1470 = vector.shape_cast %mul3A_1465 : vector<16xf32> to vector<1x16xf32>
          tpu.vector_store %arg10[%swap3A_1466, %swap3A_1467], %swap3A_1470 {strides = array<i32>} : memref<80x128xf32, #tpu.memory_space<vmem>>, vector<1x16xf32>,
          %get3A_1471 = arith.index_cast %add3A_1420 : i32 to index
          %get3A_1472 = arith.constant 80 : index
          %get3A_1473 = tpu.vector_load %arg10[%get3A_1471, %get3A_1472] {strides = array<i32>} : memref<80x128xf32, #tpu.memory_space<vmem>>, vector<1x16xf32>,
          %get3A_1474 = vector.shape_cast %get3A_1473 : vector<1x16xf32> to vector<16xf32>
          %mul3A_1475 = arith.mulf %get3A_1474, %broadcast_in_dim3A_1416 : vector<16xf32>
          %swap3A_1476 = arith.index_cast %add3A_1420 : i32 to index
          %swap3A_1477 = arith.constant 80 : index
          %swap3A_1478 = tpu.vector_load %arg10[%swap3A_1476, %swap3A_1477] {strides = array<i32>} : memref<80x128xf32, #tpu.memory_space<vmem>>, vector<1x16xf32>,
          %swap3A_1479 = vector.shape_cast %swap3A_1478 : vector<1x16xf32> to vector<16xf32>
          %swap3A_1480 = vector.shape_cast %mul3A_1475 : vector<16xf32> to vector<1x16xf32>
          tpu.vector_store %arg10[%swap3A_1476, %swap3A_1477], %swap3A_1480 {strides = array<i32>} : memref<80x128xf32, #tpu.memory_space<vmem>>, vector<1x16xf32>,
          %get3A_1481 = arith.index_cast %add3A_1420 : i32 to index
          %get3A_1482 = arith.constant 96 : index
          %get3A_1483 = tpu.vector_load %arg10[%get3A_1481, %get3A_1482] {strides = array<i32>} : memref<80x128xf32, #tpu.memory_space<vmem>>, vector<1x16xf32>,
          %get3A_1484 = vector.shape_cast %get3A_1483 : vector<1x16xf32> to vector<16xf32>
          %mul3A_1485 = arith.mulf %get3A_1484, %broadcast_in_dim3A_1416 : vector<16xf32>
          %swap3A_1486 = arith.index_cast %add3A_1420 : i32 to index
          %swap3A_1487 = arith.constant 96 : index
          %swap3A_1488 = tpu.vector_load %arg10[%swap3A_1486, %swap3A_1487] {strides = array<i32>} : memref<80x128xf32, #tpu.memory_space<vmem>>, vector<1x16xf32>,
          %swap3A_1489 = vector.shape_cast %swap3A_1488 : vector<1x16xf32> to vector<16xf32>
          %swap3A_1490 = vector.shape_cast %mul3A_1485 : vector<16xf32> to vector<1x16xf32>
          tpu.vector_store %arg10[%swap3A_1486, %swap3A_1487], %swap3A_1490 {strides = array<i32>} : memref<80x128xf32, #tpu.memory_space<vmem>>, vector<1x16xf32>,
          %get3A_1491 = arith.index_cast %add3A_1420 : i32 to index
          %get3A_1492 = arith.constant 112 : index
          %get3A_1493 = tpu.vector_load %arg10[%get3A_1491, %get3A_1492] {strides = array<i32>} : memref<80x128xf32, #tpu.memory_space<vmem>>, vector<1x16xf32>,
          %get3A_1494 = vector.shape_cast %get3A_1493 : vector<1x16xf32> to vector<16xf32>
          %mul3A_1495 = arith.mulf %get3A_1494, %broadcast_in_dim3A_1416 : vector<16xf32>
          %swap3A_1496 = arith.index_cast %add3A_1420 : i32 to index
          %swap3A_1497 = arith.constant 112 : index
          %swap3A_1498 = tpu.vector_load %arg10[%swap3A_1496, %swap3A_1497] {strides = array<i32>} : memref<80x128xf32, #tpu.memory_space<vmem>>, vector<1x16xf32>,
          %swap3A_1499 = vector.shape_cast %swap3A_1498 : vector<1x16xf32> to vector<16xf32>
          %swap3A_1500 = vector.shape_cast %mul3A_1495 : vector<16xf32> to vector<1x16xf32>
          tpu.vector_store %arg10[%swap3A_1496, %swap3A_1497], %swap3A_1500 {strides = array<i32>} : memref<80x128xf32, #tpu.memory_space<vmem>>, vector<1x16xf32>,
          %slice3A_1501 = vector.extract_strided_slice %get3A_198 {offsets = [15], sizes = [1], strides = [1]} : vector<16xf32> to vector<1xf32>
          %squeeze3A_1502 = vector.extract %slice3A_1501[0] : f32 from vector<1xf32>
          %broadcast_in_dim3A_1503 = vector.broadcast %squeeze3A_1502 : f32 to vector<16xf32>
          %mul3A_1504 = arith.constant 16 : i32
          %mul3A_1505 = arith.muli %scan3A_193, %mul3A_1504 : i32
          %add3A_1506 = arith.constant 15 : i32
          %add3A_1507 = arith.addi %mul3A_1505, %add3A_1506 : i32
          %get3A_1508 = arith.index_cast %add3A_1507 : i32 to index
          %get3A_1509 = arith.constant 0 : index
          %get3A_1510 = tpu.vector_load %arg10[%get3A_1508, %get3A_1509] {strides = array<i32>} : memref<80x128xf32, #tpu.memory_space<vmem>>, vector<1x16xf32>,
          %get3A_1511 = vector.shape_cast %get3A_1510 : vector<1x16xf32> to vector<16xf32>
          %mul3A_1512 = arith.mulf %get3A_1511, %broadcast_in_dim3A_1503 : vector<16xf32>
          %swap3A_1513 = arith.index_cast %add3A_1507 : i32 to index
          %swap3A_1514 = arith.constant 0 : index
          %swap3A_1515 = tpu.vector_load %arg10[%swap3A_1513, %swap3A_1514] {strides = array<i32>} : memref<80x128xf32, #tpu.memory_space<vmem>>, vector<1x16xf32>,
          %swap3A_1516 = vector.shape_cast %swap3A_1515 : vector<1x16xf32> to vector<16xf32>
          %swap3A_1517 = vector.shape_cast %mul3A_1512 : vector<16xf32> to vector<1x16xf32>
          tpu.vector_store %arg10[%swap3A_1513, %swap3A_1514], %swap3A_1517 {strides = array<i32>} : memref<80x128xf32, #tpu.memory_space<vmem>>, vector<1x16xf32>,
          %get3A_1518 = arith.index_cast %add3A_1507 : i32 to index
          %get3A_1519 = arith.constant 16 : index
          %get3A_1520 = tpu.vector_load %arg10[%get3A_1518, %get3A_1519] {strides = array<i32>} : memref<80x128xf32, #tpu.memory_space<vmem>>, vector<1x16xf32>,
          %get3A_1521 = vector.shape_cast %get3A_1520 : vector<1x16xf32> to vector<16xf32>
          %mul3A_1522 = arith.mulf %get3A_1521, %broadcast_in_dim3A_1503 : vector<16xf32>
          %swap3A_1523 = arith.index_cast %add3A_1507 : i32 to index
          %swap3A_1524 = arith.constant 16 : index
          %swap3A_1525 = tpu.vector_load %arg10[%swap3A_1523, %swap3A_1524] {strides = array<i32>} : memref<80x128xf32, #tpu.memory_space<vmem>>, vector<1x16xf32>,
          %swap3A_1526 = vector.shape_cast %swap3A_1525 : vector<1x16xf32> to vector<16xf32>
          %swap3A_1527 = vector.shape_cast %mul3A_1522 : vector<16xf32> to vector<1x16xf32>
          tpu.vector_store %arg10[%swap3A_1523, %swap3A_1524], %swap3A_1527 {strides = array<i32>} : memref<80x128xf32, #tpu.memory_space<vmem>>, vector<1x16xf32>,
          %get3A_1528 = arith.index_cast %add3A_1507 : i32 to index
          %get3A_1529 = arith.constant 32 : index
          %get3A_1530 = tpu.vector_load %arg10[%get3A_1528, %get3A_1529] {strides = array<i32>} : memref<80x128xf32, #tpu.memory_space<vmem>>, vector<1x16xf32>,
          %get3A_1531 = vector.shape_cast %get3A_1530 : vector<1x16xf32> to vector<16xf32>
          %mul3A_1532 = arith.mulf %get3A_1531, %broadcast_in_dim3A_1503 : vector<16xf32>
          %swap3A_1533 = arith.index_cast %add3A_1507 : i32 to index
          %swap3A_1534 = arith.constant 32 : index
          %swap3A_1535 = tpu.vector_load %arg10[%swap3A_1533, %swap3A_1534] {strides = array<i32>} : memref<80x128xf32, #tpu.memory_space<vmem>>, vector<1x16xf32>,
          %swap3A_1536 = vector.shape_cast %swap3A_1535 : vector<1x16xf32> to vector<16xf32>
          %swap3A_1537 = vector.shape_cast %mul3A_1532 : vector<16xf32> to vector<1x16xf32>
          tpu.vector_store %arg10[%swap3A_1533, %swap3A_1534], %swap3A_1537 {strides = array<i32>} : memref<80x128xf32, #tpu.memory_space<vmem>>, vector<1x16xf32>,
          %get3A_1538 = arith.index_cast %add3A_1507 : i32 to index
          %get3A_1539 = arith.constant 48 : index
          %get3A_1540 = tpu.vector_load %arg10[%get3A_1538, %get3A_1539] {strides = array<i32>} : memref<80x128xf32, #tpu.memory_space<vmem>>, vector<1x16xf32>,
          %get3A_1541 = vector.shape_cast %get3A_1540 : vector<1x16xf32> to vector<16xf32>
          %mul3A_1542 = arith.mulf %get3A_1541, %broadcast_in_dim3A_1503 : vector<16xf32>
          %swap3A_1543 = arith.index_cast %add3A_1507 : i32 to index
          %swap3A_1544 = arith.constant 48 : index
          %swap3A_1545 = tpu.vector_load %arg10[%swap3A_1543, %swap3A_1544] {strides = array<i32>} : memref<80x128xf32, #tpu.memory_space<vmem>>, vector<1x16xf32>,
          %swap3A_1546 = vector.shape_cast %swap3A_1545 : vector<1x16xf32> to vector<16xf32>
          %swap3A_1547 = vector.shape_cast %mul3A_1542 : vector<16xf32> to vector<1x16xf32>
          tpu.vector_store %arg10[%swap3A_1543, %swap3A_1544], %swap3A_1547 {strides = array<i32>} : memref<80x128xf32, #tpu.memory_space<vmem>>, vector<1x16xf32>,
          %get3A_1548 = arith.index_cast %add3A_1507 : i32 to index
          %get3A_1549 = arith.constant 64 : index
          %get3A_1550 = tpu.vector_load %arg10[%get3A_1548, %get3A_1549] {strides = array<i32>} : memref<80x128xf32, #tpu.memory_space<vmem>>, vector<1x16xf32>,
          %get3A_1551 = vector.shape_cast %get3A_1550 : vector<1x16xf32> to vector<16xf32>
          %mul3A_1552 = arith.mulf %get3A_1551, %broadcast_in_dim3A_1503 : vector<16xf32>
          %swap3A_1553 = arith.index_cast %add3A_1507 : i32 to index
          %swap3A_1554 = arith.constant 64 : index
          %swap3A_1555 = tpu.vector_load %arg10[%swap3A_1553, %swap3A_1554] {strides = array<i32>} : memref<80x128xf32, #tpu.memory_space<vmem>>, vector<1x16xf32>,
          %swap3A_1556 = vector.shape_cast %swap3A_1555 : vector<1x16xf32> to vector<16xf32>
          %swap3A_1557 = vector.shape_cast %mul3A_1552 : vector<16xf32> to vector<1x16xf32>
          tpu.vector_store %arg10[%swap3A_1553, %swap3A_1554], %swap3A_1557 {strides = array<i32>} : memref<80x128xf32, #tpu.memory_space<vmem>>, vector<1x16xf32>,
          %get3A_1558 = arith.index_cast %add3A_1507 : i32 to index
          %get3A_1559 = arith.constant 80 : index
          %get3A_1560 = tpu.vector_load %arg10[%get3A_1558, %get3A_1559] {strides = array<i32>} : memref<80x128xf32, #tpu.memory_space<vmem>>, vector<1x16xf32>,
          %get3A_1561 = vector.shape_cast %get3A_1560 : vector<1x16xf32> to vector<16xf32>
          %mul3A_1562 = arith.mulf %get3A_1561, %broadcast_in_dim3A_1503 : vector<16xf32>
          %swap3A_1563 = arith.index_cast %add3A_1507 : i32 to index
          %swap3A_1564 = arith.constant 80 : index
          %swap3A_1565 = tpu.vector_load %arg10[%swap3A_1563, %swap3A_1564] {strides = array<i32>} : memref<80x128xf32, #tpu.memory_space<vmem>>, vector<1x16xf32>,
          %swap3A_1566 = vector.shape_cast %swap3A_1565 : vector<1x16xf32> to vector<16xf32>
          %swap3A_1567 = vector.shape_cast %mul3A_1562 : vector<16xf32> to vector<1x16xf32>
          tpu.vector_store %arg10[%swap3A_1563, %swap3A_1564], %swap3A_1567 {strides = array<i32>} : memref<80x128xf32, #tpu.memory_space<vmem>>, vector<1x16xf32>,
          %get3A_1568 = arith.index_cast %add3A_1507 : i32 to index
          %get3A_1569 = arith.constant 96 : index
          %get3A_1570 = tpu.vector_load %arg10[%get3A_1568, %get3A_1569] {strides = array<i32>} : memref<80x128xf32, #tpu.memory_space<vmem>>, vector<1x16xf32>,
          %get3A_1571 = vector.shape_cast %get3A_1570 : vector<1x16xf32> to vector<16xf32>
          %mul3A_1572 = arith.mulf %get3A_1571, %broadcast_in_dim3A_1503 : vector<16xf32>
          %swap3A_1573 = arith.index_cast %add3A_1507 : i32 to index
          %swap3A_1574 = arith.constant 96 : index
          %swap3A_1575 = tpu.vector_load %arg10[%swap3A_1573, %swap3A_1574] {strides = array<i32>} : memref<80x128xf32, #tpu.memory_space<vmem>>, vector<1x16xf32>,
          %swap3A_1576 = vector.shape_cast %swap3A_1575 : vector<1x16xf32> to vector<16xf32>
          %swap3A_1577 = vector.shape_cast %mul3A_1572 : vector<16xf32> to vector<1x16xf32>
          tpu.vector_store %arg10[%swap3A_1573, %swap3A_1574], %swap3A_1577 {strides = array<i32>} : memref<80x128xf32, #tpu.memory_space<vmem>>, vector<1x16xf32>,
          %get3A_1578 = arith.index_cast %add3A_1507 : i32 to index
          %get3A_1579 = arith.constant 112 : index
          %get3A_1580 = tpu.vector_load %arg10[%get3A_1578, %get3A_1579] {strides = array<i32>} : memref<80x128xf32, #tpu.memory_space<vmem>>, vector<1x16xf32>,
          %get3A_1581 = vector.shape_cast %get3A_1580 : vector<1x16xf32> to vector<16xf32>
          %mul3A_1582 = arith.mulf %get3A_1581, %broadcast_in_dim3A_1503 : vector<16xf32>
          %swap3A_1583 = arith.index_cast %add3A_1507 : i32 to index
          %swap3A_1584 = arith.constant 112 : index
          %swap3A_1585 = tpu.vector_load %arg10[%swap3A_1583, %swap3A_1584] {strides = array<i32>} : memref<80x128xf32, #tpu.memory_space<vmem>>, vector<1x16xf32>,
          %swap3A_1586 = vector.shape_cast %swap3A_1585 : vector<1x16xf32> to vector<16xf32>
          %swap3A_1587 = vector.shape_cast %mul3A_1582 : vector<16xf32> to vector<1x16xf32>
          tpu.vector_store %arg10[%swap3A_1583, %swap3A_1584], %swap3A_1587 {strides = array<i32>} : memref<80x128xf32, #tpu.memory_space<vmem>>, vector<1x16xf32>,
        }
        %scan3A_145 = arith.constant 5 : i32
        %dma_start3A_146 = arith.constant 0 : i32
        %dma_start3A_147 = tpu.memref_slice %arg8[%mul3A_95, %dma_start3A_146] : memref<25x80xi32, #tpu.memory_space<vmem>> -> memref<1x80xi32, #tpu.memory_space<vmem>>
        %dma_start3A_148 = tpu.memref_squeeze %dma_start3A_147 : memref<1x80xi32, #tpu.memory_space<vmem>> -> memref<80xi32, #tpu.memory_space<vmem>>
        %dma_start3A_149 = arith.constant 0 : i32
        %dma_start3A_150 = arith.constant 0 : i32
        %dma_start3A_151 = tpu.memref_slice %arg13[%dma_start3A_149, %dma_start3A_150] : memref<10000x128xf32, #tpu.memory_space<vmem_shared>> -> memref<10000x128xf32, #tpu.memory_space<vmem_shared>>
        tpu.enqueue_indirect_dma source(%arg10 : memref<80x128xf32, #tpu.memory_space<vmem>>) target(%dma_start3A_151 : memref<10000x128xf32, #tpu.memory_space<vmem_shared>>) offsets(%dma_start3A_148 : memref<80xi32, #tpu.memory_space<vmem>>) semaphore(%arg16 : memref<!tpu.dma_semaphore, #tpu.memory_space<semaphore_mem>>) {add = true}
        %dma_wait3A_152 = arith.constant 0 : i32
        %dma_wait3A_153 = arith.constant 0 : i32
        %dma_wait3A_154 = tpu.memref_slice %arg11[%dma_wait3A_152, %dma_wait3A_153] : memref<80x128xf32, #tpu.memory_space<vmem>> -> memref<40x128xf32, #tpu.memory_space<vmem>>
        %dma_wait3A_155 = arith.constant 0 : i32
        %dma_wait3A_156 = tpu.memref_slice %arg7[%add3A_97, %dma_wait3A_155] : memref<25x80xi32, #tpu.memory_space<vmem>> -> memref<1x40xi32, #tpu.memory_space<vmem>>
        %dma_wait3A_157 = tpu.memref_squeeze %dma_wait3A_156 : memref<1x40xi32, #tpu.memory_space<vmem>> -> memref<40xi32, #tpu.memory_space<vmem>>
        %dma_wait3A_158 = arith.constant 0 : i32
        %dma_wait3A_159 = arith.constant 0 : i32
        %dma_wait3A_160 = tpu.memref_slice %arg2[%dma_wait3A_158, %dma_wait3A_159] : memref<10000x128xf32, #tpu.memory_space<hbm>> -> memref<10000x128xf32, #tpu.memory_space<hbm>>
        tpu.wait_indirect_dma semaphore(%arg15 : memref<!tpu.dma_semaphore, #tpu.memory_space<semaphore_mem>>) src(%dma_wait3A_160 : memref<10000x128xf32, #tpu.memory_space<hbm>>) dst(%dma_wait3A_154 : memref<40x128xf32, #tpu.memory_space<vmem>>)
        %dma_wait3A_161 = arith.constant 40 : i32
        %dma_wait3A_162 = arith.constant 0 : i32
        %dma_wait3A_163 = tpu.memref_slice %arg11[%dma_wait3A_161, %dma_wait3A_162] : memref<80x128xf32, #tpu.memory_space<vmem>> -> memref<40x128xf32, #tpu.memory_space<vmem>>
        %dma_wait3A_164 = arith.constant 40 : i32
        %dma_wait3A_165 = tpu.memref_slice %arg7[%add3A_97, %dma_wait3A_164] : memref<25x80xi32, #tpu.memory_space<vmem>> -> memref<1x40xi32, #tpu.memory_space<vmem>>
        %dma_wait3A_166 = tpu.memref_squeeze %dma_wait3A_165 : memref<1x40xi32, #tpu.memory_space<vmem>> -> memref<40xi32, #tpu.memory_space<vmem>>
        %dma_wait3A_167 = arith.constant 0 : i32
        %dma_wait3A_168 = arith.constant 0 : i32
        %dma_wait3A_169 = tpu.memref_slice %arg2[%dma_wait3A_167, %dma_wait3A_168] : memref<10000x128xf32, #tpu.memory_space<hbm>> -> memref<10000x128xf32, #tpu.memory_space<hbm>>
        tpu.wait_indirect_dma semaphore(%arg15 : memref<!tpu.dma_semaphore, #tpu.memory_space<semaphore_mem>>) src(%dma_wait3A_169 : memref<10000x128xf32, #tpu.memory_space<hbm>>) dst(%dma_wait3A_163 : memref<40x128xf32, #tpu.memory_space<vmem>>)
        %dma_wait3A_170 = arith.constant 0 : i32
        %dma_wait3A_171 = tpu.memref_slice %arg8[%mul3A_95, %dma_wait3A_170] : memref<25x80xi32, #tpu.memory_space<vmem>> -> memref<1x80xi32, #tpu.memory_space<vmem>>
        %dma_wait3A_172 = tpu.memref_squeeze %dma_wait3A_171 : memref<1x80xi32, #tpu.memory_space<vmem>> -> memref<80xi32, #tpu.memory_space<vmem>>
        %dma_wait3A_173 = arith.constant 0 : i32
        %dma_wait3A_174 = arith.constant 0 : i32
        %dma_wait3A_175 = tpu.memref_slice %arg13[%dma_wait3A_173, %dma_wait3A_174] : memref<10000x128xf32, #tpu.memory_space<vmem_shared>> -> memref<10000x128xf32, #tpu.memory_space<vmem_shared>>
        tpu.wait_indirect_dma semaphore(%arg16 : memref<!tpu.dma_semaphore, #tpu.memory_space<semaphore_mem>>) src(%arg10 : memref<80x128xf32, #tpu.memory_space<vmem>>) dst(%dma_wait3A_175 : memref<10000x128xf32, #tpu.memory_space<vmem_shared>>)
        %lt3A_176 = arith.constant 25 : i32
        %lt3A_177 = arith.cmpi slt, %add3A_99, %lt3A_176 : i32
        %convert_element_type3A_178 = arith.extui %lt3A_177 : i1 to i32
        %cond3A_179 = arith.constant 0 : i32
        %cond3A_180 = arith.cmpi ne, %convert_element_type3A_178, %cond3A_179 : i32
        scf.if %cond3A_180 {
          %dma_start3A_193 = arith.constant 0 : i32
          %dma_start3A_194 = arith.constant 0 : i32
          %dma_start3A_195 = tpu.memref_slice %arg10[%dma_start3A_193, %dma_start3A_194] : memref<80x128xf32, #tpu.memory_space<vmem>> -> memref<40x128xf32, #tpu.memory_space<vmem>>
          %dma_start3A_196 = arith.constant 0 : i32
          %dma_start3A_197 = tpu.memref_slice %arg7[%add3A_99, %dma_start3A_196] : memref<25x80xi32, #tpu.memory_space<vmem>> -> memref<1x40xi32, #tpu.memory_space<vmem>>
          %dma_start3A_198 = tpu.memref_squeeze %dma_start3A_197 : memref<1x40xi32, #tpu.memory_space<vmem>> -> memref<40xi32, #tpu.memory_space<vmem>>
          %dma_start3A_199 = arith.constant 0 : i32
          %dma_start3A_200 = arith.constant 0 : i32
          %dma_start3A_201 = tpu.memref_slice %arg2[%dma_start3A_199, %dma_start3A_200] : memref<10000x128xf32, #tpu.memory_space<hbm>> -> memref<10000x128xf32, #tpu.memory_space<hbm>>
          tpu.enqueue_indirect_dma source(%dma_start3A_201 : memref<10000x128xf32, #tpu.memory_space<hbm>>) target(%dma_start3A_195 : memref<40x128xf32, #tpu.memory_space<vmem>>) offsets(%dma_start3A_198 : memref<40xi32, #tpu.memory_space<vmem>>) semaphore(%arg14 : memref<!tpu.dma_semaphore, #tpu.memory_space<semaphore_mem>>)
          %dma_start3A_202 = arith.constant 40 : i32
          %dma_start3A_203 = arith.constant 0 : i32
          %dma_start3A_204 = tpu.memref_slice %arg10[%dma_start3A_202, %dma_start3A_203] : memref<80x128xf32, #tpu.memory_space<vmem>> -> memref<40x128xf32, #tpu.memory_space<vmem>>
          %dma_start3A_205 = arith.constant 40 : i32
          %dma_start3A_206 = tpu.memref_slice %arg7[%add3A_99, %dma_start3A_205] : memref<25x80xi32, #tpu.memory_space<vmem>> -> memref<1x40xi32, #tpu.memory_space<vmem>>
          %dma_start3A_207 = tpu.memref_squeeze %dma_start3A_206 : memref<1x40xi32, #tpu.memory_space<vmem>> -> memref<40xi32, #tpu.memory_space<vmem>>
          %dma_start3A_208 = arith.constant 0 : i32
          %dma_start3A_209 = arith.constant 0 : i32
          %dma_start3A_210 = tpu.memref_slice %arg2[%dma_start3A_208, %dma_start3A_209] : memref<10000x128xf32, #tpu.memory_space<hbm>> -> memref<10000x128xf32, #tpu.memory_space<hbm>>
          tpu.enqueue_indirect_dma source(%dma_start3A_210 : memref<10000x128xf32, #tpu.memory_space<hbm>>) target(%dma_start3A_204 : memref<40x128xf32, #tpu.memory_space<vmem>>) offsets(%dma_start3A_207 : memref<40xi32, #tpu.memory_space<vmem>>) semaphore(%arg14 : memref<!tpu.dma_semaphore, #tpu.memory_space<semaphore_mem>>)
        } else {
        }
        %scan3A_181 = arith.constant 0 : i32
        %scan3A_182 = arith.constant 0 : i32
        %scan3A_183 = arith.constant 5 : i32
        %scan3A_184 = arith.addi %scan3A_182, %scan3A_183 : i32
        %scan3A_185 = arith.constant 1 : i32
        scf.for %scan3A_193 = %scan3A_182 to %scan3A_184 step %scan3A_185  : i32 {
          %mul3A_194 = arith.constant 16 : i32
          %mul3A_195 = arith.muli %scan3A_193, %mul3A_194 : i32
          %get3A = arith.index_cast %add3A_97 : i32 to index
          %get3A_196 = arith.index_cast %mul3A_195 : i32 to index
          %get3A_197 = tpu.vector_load %arg9[%get3A, %get3A_196] {strides = array<i32>} : memref<25x80xf32, #tpu.memory_space<vmem>>, vector<1x16xf32>,
          %get3A_198 = vector.shape_cast %get3A_197 : vector<1x16xf32> to vector<16xf32>
          %slice3A = vector.extract_strided_slice %get3A_198 {offsets = [0], sizes = [1], strides = [1]} : vector<16xf32> to vector<1xf32>
          %squeeze3A = vector.extract %slice3A[0] : f32 from vector<1xf32>
          %broadcast_in_dim3A_199 = vector.broadcast %squeeze3A : f32 to vector<16xf32>
          %mul3A_200 = arith.constant 16 : i32
          %mul3A_201 = arith.muli %scan3A_193, %mul3A_200 : i32
          %add3A_202 = arith.constant 0 : i32
          %add3A_203 = arith.addi %mul3A_201, %add3A_202 : i32
          %get3A_204 = arith.index_cast %add3A_203 : i32 to index
          %get3A_205 = arith.constant 0 : index
          %get3A_206 = tpu.vector_load %arg11[%get3A_204, %get3A_205] {strides = array<i32>} : memref<80x128xf32, #tpu.memory_space<vmem>>, vector<1x16xf32>,
          %get3A_207 = vector.shape_cast %get3A_206 : vector<1x16xf32> to vector<16xf32>
          %mul3A_208 = arith.mulf %get3A_207, %broadcast_in_dim3A_199 : vector<16xf32>
          %swap3A = arith.index_cast %add3A_203 : i32 to index
          %swap3A_209 = arith.constant 0 : index
          %swap3A_210 = tpu.vector_load %arg11[%swap3A, %swap3A_209] {strides = array<i32>} : memref<80x128xf32, #tpu.memory_space<vmem>>, vector<1x16xf32>,
          %swap3A_211 = vector.shape_cast %swap3A_210 : vector<1x16xf32> to vector<16xf32>
          %swap3A_212 = vector.shape_cast %mul3A_208 : vector<16xf32> to vector<1x16xf32>
          tpu.vector_store %arg11[%swap3A, %swap3A_209], %swap3A_212 {strides = array<i32>} : memref<80x128xf32, #tpu.memory_space<vmem>>, vector<1x16xf32>,
          %get3A_213 = arith.index_cast %add3A_203 : i32 to index
          %get3A_214 = arith.constant 16 : index
          %get3A_215 = tpu.vector_load %arg11[%get3A_213, %get3A_214] {strides = array<i32>} : memref<80x128xf32, #tpu.memory_space<vmem>>, vector<1x16xf32>,
          %get3A_216 = vector.shape_cast %get3A_215 : vector<1x16xf32> to vector<16xf32>
          %mul3A_217 = arith.mulf %get3A_216, %broadcast_in_dim3A_199 : vector<16xf32>
          %swap3A_218 = arith.index_cast %add3A_203 : i32 to index
          %swap3A_219 = arith.constant 16 : index
          %swap3A_220 = tpu.vector_load %arg11[%swap3A_218, %swap3A_219] {strides = array<i32>} : memref<80x128xf32, #tpu.memory_space<vmem>>, vector<1x16xf32>,
          %swap3A_221 = vector.shape_cast %swap3A_220 : vector<1x16xf32> to vector<16xf32>
          %swap3A_222 = vector.shape_cast %mul3A_217 : vector<16xf32> to vector<1x16xf32>
          tpu.vector_store %arg11[%swap3A_218, %swap3A_219], %swap3A_222 {strides = array<i32>} : memref<80x128xf32, #tpu.memory_space<vmem>>, vector<1x16xf32>,
          %get3A_223 = arith.index_cast %add3A_203 : i32 to index
          %get3A_224 = arith.constant 32 : index
          %get3A_225 = tpu.vector_load %arg11[%get3A_223, %get3A_224] {strides = array<i32>} : memref<80x128xf32, #tpu.memory_space<vmem>>, vector<1x16xf32>,
          %get3A_226 = vector.shape_cast %get3A_225 : vector<1x16xf32> to vector<16xf32>
          %mul3A_227 = arith.mulf %get3A_226, %broadcast_in_dim3A_199 : vector<16xf32>
          %swap3A_228 = arith.index_cast %add3A_203 : i32 to index
          %swap3A_229 = arith.constant 32 : index
          %swap3A_230 = tpu.vector_load %arg11[%swap3A_228, %swap3A_229] {strides = array<i32>} : memref<80x128xf32, #tpu.memory_space<vmem>>, vector<1x16xf32>,
          %swap3A_231 = vector.shape_cast %swap3A_230 : vector<1x16xf32> to vector<16xf32>
          %swap3A_232 = vector.shape_cast %mul3A_227 : vector<16xf32> to vector<1x16xf32>
          tpu.vector_store %arg11[%swap3A_228, %swap3A_229], %swap3A_232 {strides = array<i32>} : memref<80x128xf32, #tpu.memory_space<vmem>>, vector<1x16xf32>,
          %get3A_233 = arith.index_cast %add3A_203 : i32 to index
          %get3A_234 = arith.constant 48 : index
          %get3A_235 = tpu.vector_load %arg11[%get3A_233, %get3A_234] {strides = array<i32>} : memref<80x128xf32, #tpu.memory_space<vmem>>, vector<1x16xf32>,
          %get3A_236 = vector.shape_cast %get3A_235 : vector<1x16xf32> to vector<16xf32>
          %mul3A_237 = arith.mulf %get3A_236, %broadcast_in_dim3A_199 : vector<16xf32>
          %swap3A_238 = arith.index_cast %add3A_203 : i32 to index
          %swap3A_239 = arith.constant 48 : index
          %swap3A_240 = tpu.vector_load %arg11[%swap3A_238, %swap3A_239] {strides = array<i32>} : memref<80x128xf32, #tpu.memory_space<vmem>>, vector<1x16xf32>,
          %swap3A_241 = vector.shape_cast %swap3A_240 : vector<1x16xf32> to vector<16xf32>
          %swap3A_242 = vector.shape_cast %mul3A_237 : vector<16xf32> to vector<1x16xf32>
          tpu.vector_store %arg11[%swap3A_238, %swap3A_239], %swap3A_242 {strides = array<i32>} : memref<80x128xf32, #tpu.memory_space<vmem>>, vector<1x16xf32>,
          %get3A_243 = arith.index_cast %add3A_203 : i32 to index
          %get3A_244 = arith.constant 64 : index
          %get3A_245 = tpu.vector_load %arg11[%get3A_243, %get3A_244] {strides = array<i32>} : memref<80x128xf32, #tpu.memory_space<vmem>>, vector<1x16xf32>,
          %get3A_246 = vector.shape_cast %get3A_245 : vector<1x16xf32> to vector<16xf32>
          %mul3A_247 = arith.mulf %get3A_246, %broadcast_in_dim3A_199 : vector<16xf32>
          %swap3A_248 = arith.index_cast %add3A_203 : i32 to index
          %swap3A_249 = arith.constant 64 : index
          %swap3A_250 = tpu.vector_load %arg11[%swap3A_248, %swap3A_249] {strides = array<i32>} : memref<80x128xf32, #tpu.memory_space<vmem>>, vector<1x16xf32>,
          %swap3A_251 = vector.shape_cast %swap3A_250 : vector<1x16xf32> to vector<16xf32>
          %swap3A_252 = vector.shape_cast %mul3A_247 : vector<16xf32> to vector<1x16xf32>
          tpu.vector_store %arg11[%swap3A_248, %swap3A_249], %swap3A_252 {strides = array<i32>} : memref<80x128xf32, #tpu.memory_space<vmem>>, vector<1x16xf32>,
          %get3A_253 = arith.index_cast %add3A_203 : i32 to index
          %get3A_254 = arith.constant 80 : index
          %get3A_255 = tpu.vector_load %arg11[%get3A_253, %get3A_254] {strides = array<i32>} : memref<80x128xf32, #tpu.memory_space<vmem>>, vector<1x16xf32>,
          %get3A_256 = vector.shape_cast %get3A_255 : vector<1x16xf32> to vector<16xf32>
          %mul3A_257 = arith.mulf %get3A_256, %broadcast_in_dim3A_199 : vector<16xf32>
          %swap3A_258 = arith.index_cast %add3A_203 : i32 to index
          %swap3A_259 = arith.constant 80 : index
          %swap3A_260 = tpu.vector_load %arg11[%swap3A_258, %swap3A_259] {strides = array<i32>} : memref<80x128xf32, #tpu.memory_space<vmem>>, vector<1x16xf32>,
          %swap3A_261 = vector.shape_cast %swap3A_260 : vector<1x16xf32> to vector<16xf32>
          %swap3A_262 = vector.shape_cast %mul3A_257 : vector<16xf32> to vector<1x16xf32>
          tpu.vector_store %arg11[%swap3A_258, %swap3A_259], %swap3A_262 {strides = array<i32>} : memref<80x128xf32, #tpu.memory_space<vmem>>, vector<1x16xf32>,
          %get3A_263 = arith.index_cast %add3A_203 : i32 to index
          %get3A_264 = arith.constant 96 : index
          %get3A_265 = tpu.vector_load %arg11[%get3A_263, %get3A_264] {strides = array<i32>} : memref<80x128xf32, #tpu.memory_space<vmem>>, vector<1x16xf32>,
          %get3A_266 = vector.shape_cast %get3A_265 : vector<1x16xf32> to vector<16xf32>
          %mul3A_267 = arith.mulf %get3A_266, %broadcast_in_dim3A_199 : vector<16xf32>
          %swap3A_268 = arith.index_cast %add3A_203 : i32 to index
          %swap3A_269 = arith.constant 96 : index
          %swap3A_270 = tpu.vector_load %arg11[%swap3A_268, %swap3A_269] {strides = array<i32>} : memref<80x128xf32, #tpu.memory_space<vmem>>, vector<1x16xf32>,
          %swap3A_271 = vector.shape_cast %swap3A_270 : vector<1x16xf32> to vector<16xf32>
          %swap3A_272 = vector.shape_cast %mul3A_267 : vector<16xf32> to vector<1x16xf32>
          tpu.vector_store %arg11[%swap3A_268, %swap3A_269], %swap3A_272 {strides = array<i32>} : memref<80x128xf32, #tpu.memory_space<vmem>>, vector<1x16xf32>,
          %get3A_273 = arith.index_cast %add3A_203 : i32 to index
          %get3A_274 = arith.constant 112 : index
          %get3A_275 = tpu.vector_load %arg11[%get3A_273, %get3A_274] {strides = array<i32>} : memref<80x128xf32, #tpu.memory_space<vmem>>, vector<1x16xf32>,
          %get3A_276 = vector.shape_cast %get3A_275 : vector<1x16xf32> to vector<16xf32>
          %mul3A_277 = arith.mulf %get3A_276, %broadcast_in_dim3A_199 : vector<16xf32>
          %swap3A_278 = arith.index_cast %add3A_203 : i32 to index
          %swap3A_279 = arith.constant 112 : index
          %swap3A_280 = tpu.vector_load %arg11[%swap3A_278, %swap3A_279] {strides = array<i32>} : memref<80x128xf32, #tpu.memory_space<vmem>>, vector<1x16xf32>,
          %swap3A_281 = vector.shape_cast %swap3A_280 : vector<1x16xf32> to vector<16xf32>
          %swap3A_282 = vector.shape_cast %mul3A_277 : vector<16xf32> to vector<1x16xf32>
          tpu.vector_store %arg11[%swap3A_278, %swap3A_279], %swap3A_282 {strides = array<i32>} : memref<80x128xf32, #tpu.memory_space<vmem>>, vector<1x16xf32>,
          %slice3A_283 = vector.extract_strided_slice %get3A_198 {offsets = [1], sizes = [1], strides = [1]} : vector<16xf32> to vector<1xf32>
          %squeeze3A_284 = vector.extract %slice3A_283[0] : f32 from vector<1xf32>
          %broadcast_in_dim3A_285 = vector.broadcast %squeeze3A_284 : f32 to vector<16xf32>
          %mul3A_286 = arith.constant 16 : i32
          %mul3A_287 = arith.muli %scan3A_193, %mul3A_286 : i32
          %add3A_288 = arith.constant 1 : i32
          %add3A_289 = arith.addi %mul3A_287, %add3A_288 : i32
          %get3A_290 = arith.index_cast %add3A_289 : i32 to index
          %get3A_291 = arith.constant 0 : index
          %get3A_292 = tpu.vector_load %arg11[%get3A_290, %get3A_291] {strides = array<i32>} : memref<80x128xf32, #tpu.memory_space<vmem>>, vector<1x16xf32>,
          %get3A_293 = vector.shape_cast %get3A_292 : vector<1x16xf32> to vector<16xf32>
          %mul3A_294 = arith.mulf %get3A_293, %broadcast_in_dim3A_285 : vector<16xf32>
          %swap3A_295 = arith.index_cast %add3A_289 : i32 to index
          %swap3A_296 = arith.constant 0 : index
          %swap3A_297 = tpu.vector_load %arg11[%swap3A_295, %swap3A_296] {strides = array<i32>} : memref<80x128xf32, #tpu.memory_space<vmem>>, vector<1x16xf32>,
          %swap3A_298 = vector.shape_cast %swap3A_297 : vector<1x16xf32> to vector<16xf32>
          %swap3A_299 = vector.shape_cast %mul3A_294 : vector<16xf32> to vector<1x16xf32>
          tpu.vector_store %arg11[%swap3A_295, %swap3A_296], %swap3A_299 {strides = array<i32>} : memref<80x128xf32, #tpu.memory_space<vmem>>, vector<1x16xf32>,
          %get3A_300 = arith.index_cast %add3A_289 : i32 to index
          %get3A_301 = arith.constant 16 : index
          %get3A_302 = tpu.vector_load %arg11[%get3A_300, %get3A_301] {strides = array<i32>} : memref<80x128xf32, #tpu.memory_space<vmem>>, vector<1x16xf32>,
          %get3A_303 = vector.shape_cast %get3A_302 : vector<1x16xf32> to vector<16xf32>
          %mul3A_304 = arith.mulf %get3A_303, %broadcast_in_dim3A_285 : vector<16xf32>
          %swap3A_305 = arith.index_cast %add3A_289 : i32 to index
          %swap3A_306 = arith.constant 16 : index
          %swap3A_307 = tpu.vector_load %arg11[%swap3A_305, %swap3A_306] {strides = array<i32>} : memref<80x128xf32, #tpu.memory_space<vmem>>, vector<1x16xf32>,
          %swap3A_308 = vector.shape_cast %swap3A_307 : vector<1x16xf32> to vector<16xf32>
          %swap3A_309 = vector.shape_cast %mul3A_304 : vector<16xf32> to vector<1x16xf32>
          tpu.vector_store %arg11[%swap3A_305, %swap3A_306], %swap3A_309 {strides = array<i32>} : memref<80x128xf32, #tpu.memory_space<vmem>>, vector<1x16xf32>,
          %get3A_310 = arith.index_cast %add3A_289 : i32 to index
          %get3A_311 = arith.constant 32 : index
          %get3A_312 = tpu.vector_load %arg11[%get3A_310, %get3A_311] {strides = array<i32>} : memref<80x128xf32, #tpu.memory_space<vmem>>, vector<1x16xf32>,
          %get3A_313 = vector.shape_cast %get3A_312 : vector<1x16xf32> to vector<16xf32>
          %mul3A_314 = arith.mulf %get3A_313, %broadcast_in_dim3A_285 : vector<16xf32>
          %swap3A_315 = arith.index_cast %add3A_289 : i32 to index
          %swap3A_316 = arith.constant 32 : index
          %swap3A_317 = tpu.vector_load %arg11[%swap3A_315, %swap3A_316] {strides = array<i32>} : memref<80x128xf32, #tpu.memory_space<vmem>>, vector<1x16xf32>,
          %swap3A_318 = vector.shape_cast %swap3A_317 : vector<1x16xf32> to vector<16xf32>
          %swap3A_319 = vector.shape_cast %mul3A_314 : vector<16xf32> to vector<1x16xf32>
          tpu.vector_store %arg11[%swap3A_315, %swap3A_316], %swap3A_319 {strides = array<i32>} : memref<80x128xf32, #tpu.memory_space<vmem>>, vector<1x16xf32>,
          %get3A_320 = arith.index_cast %add3A_289 : i32 to index
          %get3A_321 = arith.constant 48 : index
          %get3A_322 = tpu.vector_load %arg11[%get3A_320, %get3A_321] {strides = array<i32>} : memref<80x128xf32, #tpu.memory_space<vmem>>, vector<1x16xf32>,
          %get3A_323 = vector.shape_cast %get3A_322 : vector<1x16xf32> to vector<16xf32>
          %mul3A_324 = arith.mulf %get3A_323, %broadcast_in_dim3A_285 : vector<16xf32>
          %swap3A_325 = arith.index_cast %add3A_289 : i32 to index
          %swap3A_326 = arith.constant 48 : index
          %swap3A_327 = tpu.vector_load %arg11[%swap3A_325, %swap3A_326] {strides = array<i32>} : memref<80x128xf32, #tpu.memory_space<vmem>>, vector<1x16xf32>,
          %swap3A_328 = vector.shape_cast %swap3A_327 : vector<1x16xf32> to vector<16xf32>
          %swap3A_329 = vector.shape_cast %mul3A_324 : vector<16xf32> to vector<1x16xf32>
          tpu.vector_store %arg11[%swap3A_325, %swap3A_326], %swap3A_329 {strides = array<i32>} : memref<80x128xf32, #tpu.memory_space<vmem>>, vector<1x16xf32>,
          %get3A_330 = arith.index_cast %add3A_289 : i32 to index
          %get3A_331 = arith.constant 64 : index
          %get3A_332 = tpu.vector_load %arg11[%get3A_330, %get3A_331] {strides = array<i32>} : memref<80x128xf32, #tpu.memory_space<vmem>>, vector<1x16xf32>,
          %get3A_333 = vector.shape_cast %get3A_332 : vector<1x16xf32> to vector<16xf32>
          %mul3A_334 = arith.mulf %get3A_333, %broadcast_in_dim3A_285 : vector<16xf32>
          %swap3A_335 = arith.index_cast %add3A_289 : i32 to index
          %swap3A_336 = arith.constant 64 : index
          %swap3A_337 = tpu.vector_load %arg11[%swap3A_335, %swap3A_336] {strides = array<i32>} : memref<80x128xf32, #tpu.memory_space<vmem>>, vector<1x16xf32>,
          %swap3A_338 = vector.shape_cast %swap3A_337 : vector<1x16xf32> to vector<16xf32>
          %swap3A_339 = vector.shape_cast %mul3A_334 : vector<16xf32> to vector<1x16xf32>
          tpu.vector_store %arg11[%swap3A_335, %swap3A_336], %swap3A_339 {strides = array<i32>} : memref<80x128xf32, #tpu.memory_space<vmem>>, vector<1x16xf32>,
          %get3A_340 = arith.index_cast %add3A_289 : i32 to index
          %get3A_341 = arith.constant 80 : index
          %get3A_342 = tpu.vector_load %arg11[%get3A_340, %get3A_341] {strides = array<i32>} : memref<80x128xf32, #tpu.memory_space<vmem>>, vector<1x16xf32>,
          %get3A_343 = vector.shape_cast %get3A_342 : vector<1x16xf32> to vector<16xf32>
          %mul3A_344 = arith.mulf %get3A_343, %broadcast_in_dim3A_285 : vector<16xf32>
          %swap3A_345 = arith.index_cast %add3A_289 : i32 to index
          %swap3A_346 = arith.constant 80 : index
          %swap3A_347 = tpu.vector_load %arg11[%swap3A_345, %swap3A_346] {strides = array<i32>} : memref<80x128xf32, #tpu.memory_space<vmem>>, vector<1x16xf32>,
          %swap3A_348 = vector.shape_cast %swap3A_347 : vector<1x16xf32> to vector<16xf32>
          %swap3A_349 = vector.shape_cast %mul3A_344 : vector<16xf32> to vector<1x16xf32>
          tpu.vector_store %arg11[%swap3A_345, %swap3A_346], %swap3A_349 {strides = array<i32>} : memref<80x128xf32, #tpu.memory_space<vmem>>, vector<1x16xf32>,
          %get3A_350 = arith.index_cast %add3A_289 : i32 to index
          %get3A_351 = arith.constant 96 : index
          %get3A_352 = tpu.vector_load %arg11[%get3A_350, %get3A_351] {strides = array<i32>} : memref<80x128xf32, #tpu.memory_space<vmem>>, vector<1x16xf32>,
          %get3A_353 = vector.shape_cast %get3A_352 : vector<1x16xf32> to vector<16xf32>
          %mul3A_354 = arith.mulf %get3A_353, %broadcast_in_dim3A_285 : vector<16xf32>
          %swap3A_355 = arith.index_cast %add3A_289 : i32 to index
          %swap3A_356 = arith.constant 96 : index
          %swap3A_357 = tpu.vector_load %arg11[%swap3A_355, %swap3A_356] {strides = array<i32>} : memref<80x128xf32, #tpu.memory_space<vmem>>, vector<1x16xf32>,
          %swap3A_358 = vector.shape_cast %swap3A_357 : vector<1x16xf32> to vector<16xf32>
          %swap3A_359 = vector.shape_cast %mul3A_354 : vector<16xf32> to vector<1x16xf32>
          tpu.vector_store %arg11[%swap3A_355, %swap3A_356], %swap3A_359 {strides = array<i32>} : memref<80x128xf32, #tpu.memory_space<vmem>>, vector<1x16xf32>,
          %get3A_360 = arith.index_cast %add3A_289 : i32 to index
          %get3A_361 = arith.constant 112 : index
          %get3A_362 = tpu.vector_load %arg11[%get3A_360, %get3A_361] {strides = array<i32>} : memref<80x128xf32, #tpu.memory_space<vmem>>, vector<1x16xf32>,
          %get3A_363 = vector.shape_cast %get3A_362 : vector<1x16xf32> to vector<16xf32>
          %mul3A_364 = arith.mulf %get3A_363, %broadcast_in_dim3A_285 : vector<16xf32>
          %swap3A_365 = arith.index_cast %add3A_289 : i32 to index
          %swap3A_366 = arith.constant 112 : index
          %swap3A_367 = tpu.vector_load %arg11[%swap3A_365, %swap3A_366] {strides = array<i32>} : memref<80x128xf32, #tpu.memory_space<vmem>>, vector<1x16xf32>,
          %swap3A_368 = vector.shape_cast %swap3A_367 : vector<1x16xf32> to vector<16xf32>
          %swap3A_369 = vector.shape_cast %mul3A_364 : vector<16xf32> to vector<1x16xf32>
          tpu.vector_store %arg11[%swap3A_365, %swap3A_366], %swap3A_369 {strides = array<i32>} : memref<80x128xf32, #tpu.memory_space<vmem>>, vector<1x16xf32>,
          %slice3A_370 = vector.extract_strided_slice %get3A_198 {offsets = [2], sizes = [1], strides = [1]} : vector<16xf32> to vector<1xf32>
          %squeeze3A_371 = vector.extract %slice3A_370[0] : f32 from vector<1xf32>
          %broadcast_in_dim3A_372 = vector.broadcast %squeeze3A_371 : f32 to vector<16xf32>
          %mul3A_373 = arith.constant 16 : i32
          %mul3A_374 = arith.muli %scan3A_193, %mul3A_373 : i32
          %add3A_375 = arith.constant 2 : i32
          %add3A_376 = arith.addi %mul3A_374, %add3A_375 : i32
          %get3A_377 = arith.index_cast %add3A_376 : i32 to index
          %get3A_378 = arith.constant 0 : index
          %get3A_379 = tpu.vector_load %arg11[%get3A_377, %get3A_378] {strides = array<i32>} : memref<80x128xf32, #tpu.memory_space<vmem>>, vector<1x16xf32>,
          %get3A_380 = vector.shape_cast %get3A_379 : vector<1x16xf32> to vector<16xf32>
          %mul3A_381 = arith.mulf %get3A_380, %broadcast_in_dim3A_372 : vector<16xf32>
          %swap3A_382 = arith.index_cast %add3A_376 : i32 to index
          %swap3A_383 = arith.constant 0 : index
          %swap3A_384 = tpu.vector_load %arg11[%swap3A_382, %swap3A_383] {strides = array<i32>} : memref<80x128xf32, #tpu.memory_space<vmem>>, vector<1x16xf32>,
          %swap3A_385 = vector.shape_cast %swap3A_384 : vector<1x16xf32> to vector<16xf32>
          %swap3A_386 = vector.shape_cast %mul3A_381 : vector<16xf32> to vector<1x16xf32>
          tpu.vector_store %arg11[%swap3A_382, %swap3A_383], %swap3A_386 {strides = array<i32>} : memref<80x128xf32, #tpu.memory_space<vmem>>, vector<1x16xf32>,
          %get3A_387 = arith.index_cast %add3A_376 : i32 to index
          %get3A_388 = arith.constant 16 : index
          %get3A_389 = tpu.vector_load %arg11[%get3A_387, %get3A_388] {strides = array<i32>} : memref<80x128xf32, #tpu.memory_space<vmem>>, vector<1x16xf32>,
          %get3A_390 = vector.shape_cast %get3A_389 : vector<1x16xf32> to vector<16xf32>
          %mul3A_391 = arith.mulf %get3A_390, %broadcast_in_dim3A_372 : vector<16xf32>
          %swap3A_392 = arith.index_cast %add3A_376 : i32 to index
          %swap3A_393 = arith.constant 16 : index
          %swap3A_394 = tpu.vector_load %arg11[%swap3A_392, %swap3A_393] {strides = array<i32>} : memref<80x128xf32, #tpu.memory_space<vmem>>, vector<1x16xf32>,
          %swap3A_395 = vector.shape_cast %swap3A_394 : vector<1x16xf32> to vector<16xf32>
          %swap3A_396 = vector.shape_cast %mul3A_391 : vector<16xf32> to vector<1x16xf32>
          tpu.vector_store %arg11[%swap3A_392, %swap3A_393], %swap3A_396 {strides = array<i32>} : memref<80x128xf32, #tpu.memory_space<vmem>>, vector<1x16xf32>,
          %get3A_397 = arith.index_cast %add3A_376 : i32 to index
          %get3A_398 = arith.constant 32 : index
          %get3A_399 = tpu.vector_load %arg11[%get3A_397, %get3A_398] {strides = array<i32>} : memref<80x128xf32, #tpu.memory_space<vmem>>, vector<1x16xf32>,
          %get3A_400 = vector.shape_cast %get3A_399 : vector<1x16xf32> to vector<16xf32>
          %mul3A_401 = arith.mulf %get3A_400, %broadcast_in_dim3A_372 : vector<16xf32>
          %swap3A_402 = arith.index_cast %add3A_376 : i32 to index
          %swap3A_403 = arith.constant 32 : index
          %swap3A_404 = tpu.vector_load %arg11[%swap3A_402, %swap3A_403] {strides = array<i32>} : memref<80x128xf32, #tpu.memory_space<vmem>>, vector<1x16xf32>,
          %swap3A_405 = vector.shape_cast %swap3A_404 : vector<1x16xf32> to vector<16xf32>
          %swap3A_406 = vector.shape_cast %mul3A_401 : vector<16xf32> to vector<1x16xf32>
          tpu.vector_store %arg11[%swap3A_402, %swap3A_403], %swap3A_406 {strides = array<i32>} : memref<80x128xf32, #tpu.memory_space<vmem>>, vector<1x16xf32>,
          %get3A_407 = arith.index_cast %add3A_376 : i32 to index
          %get3A_408 = arith.constant 48 : index
          %get3A_409 = tpu.vector_load %arg11[%get3A_407, %get3A_408] {strides = array<i32>} : memref<80x128xf32, #tpu.memory_space<vmem>>, vector<1x16xf32>,
          %get3A_410 = vector.shape_cast %get3A_409 : vector<1x16xf32> to vector<16xf32>
          %mul3A_411 = arith.mulf %get3A_410, %broadcast_in_dim3A_372 : vector<16xf32>
          %swap3A_412 = arith.index_cast %add3A_376 : i32 to index
          %swap3A_413 = arith.constant 48 : index
          %swap3A_414 = tpu.vector_load %arg11[%swap3A_412, %swap3A_413] {strides = array<i32>} : memref<80x128xf32, #tpu.memory_space<vmem>>, vector<1x16xf32>,
          %swap3A_415 = vector.shape_cast %swap3A_414 : vector<1x16xf32> to vector<16xf32>
          %swap3A_416 = vector.shape_cast %mul3A_411 : vector<16xf32> to vector<1x16xf32>
          tpu.vector_store %arg11[%swap3A_412, %swap3A_413], %swap3A_416 {strides = array<i32>} : memref<80x128xf32, #tpu.memory_space<vmem>>, vector<1x16xf32>,
          %get3A_417 = arith.index_cast %add3A_376 : i32 to index
          %get3A_418 = arith.constant 64 : index
          %get3A_419 = tpu.vector_load %arg11[%get3A_417, %get3A_418] {strides = array<i32>} : memref<80x128xf32, #tpu.memory_space<vmem>>, vector<1x16xf32>,
          %get3A_420 = vector.shape_cast %get3A_419 : vector<1x16xf32> to vector<16xf32>
          %mul3A_421 = arith.mulf %get3A_420, %broadcast_in_dim3A_372 : vector<16xf32>
          %swap3A_422 = arith.index_cast %add3A_376 : i32 to index
          %swap3A_423 = arith.constant 64 : index
          %swap3A_424 = tpu.vector_load %arg11[%swap3A_422, %swap3A_423] {strides = array<i32>} : memref<80x128xf32, #tpu.memory_space<vmem>>, vector<1x16xf32>,
          %swap3A_425 = vector.shape_cast %swap3A_424 : vector<1x16xf32> to vector<16xf32>
          %swap3A_426 = vector.shape_cast %mul3A_421 : vector<16xf32> to vector<1x16xf32>
          tpu.vector_store %arg11[%swap3A_422, %swap3A_423], %swap3A_426 {strides = array<i32>} : memref<80x128xf32, #tpu.memory_space<vmem>>, vector<1x16xf32>,
          %get3A_427 = arith.index_cast %add3A_376 : i32 to index
          %get3A_428 = arith.constant 80 : index
          %get3A_429 = tpu.vector_load %arg11[%get3A_427, %get3A_428] {strides = array<i32>} : memref<80x128xf32, #tpu.memory_space<vmem>>, vector<1x16xf32>,
          %get3A_430 = vector.shape_cast %get3A_429 : vector<1x16xf32> to vector<16xf32>
          %mul3A_431 = arith.mulf %get3A_430, %broadcast_in_dim3A_372 : vector<16xf32>
          %swap3A_432 = arith.index_cast %add3A_376 : i32 to index
          %swap3A_433 = arith.constant 80 : index
          %swap3A_434 = tpu.vector_load %arg11[%swap3A_432, %swap3A_433] {strides = array<i32>} : memref<80x128xf32, #tpu.memory_space<vmem>>, vector<1x16xf32>,
          %swap3A_435 = vector.shape_cast %swap3A_434 : vector<1x16xf32> to vector<16xf32>
          %swap3A_436 = vector.shape_cast %mul3A_431 : vector<16xf32> to vector<1x16xf32>
          tpu.vector_store %arg11[%swap3A_432, %swap3A_433], %swap3A_436 {strides = array<i32>} : memref<80x128xf32, #tpu.memory_space<vmem>>, vector<1x16xf32>,
          %get3A_437 = arith.index_cast %add3A_376 : i32 to index
          %get3A_438 = arith.constant 96 : index
          %get3A_439 = tpu.vector_load %arg11[%get3A_437, %get3A_438] {strides = array<i32>} : memref<80x128xf32, #tpu.memory_space<vmem>>, vector<1x16xf32>,
          %get3A_440 = vector.shape_cast %get3A_439 : vector<1x16xf32> to vector<16xf32>
          %mul3A_441 = arith.mulf %get3A_440, %broadcast_in_dim3A_372 : vector<16xf32>
          %swap3A_442 = arith.index_cast %add3A_376 : i32 to index
          %swap3A_443 = arith.constant 96 : index
          %swap3A_444 = tpu.vector_load %arg11[%swap3A_442, %swap3A_443] {strides = array<i32>} : memref<80x128xf32, #tpu.memory_space<vmem>>, vector<1x16xf32>,
          %swap3A_445 = vector.shape_cast %swap3A_444 : vector<1x16xf32> to vector<16xf32>
          %swap3A_446 = vector.shape_cast %mul3A_441 : vector<16xf32> to vector<1x16xf32>
          tpu.vector_store %arg11[%swap3A_442, %swap3A_443], %swap3A_446 {strides = array<i32>} : memref<80x128xf32, #tpu.memory_space<vmem>>, vector<1x16xf32>,
          %get3A_447 = arith.index_cast %add3A_376 : i32 to index
          %get3A_448 = arith.constant 112 : index
          %get3A_449 = tpu.vector_load %arg11[%get3A_447, %get3A_448] {strides = array<i32>} : memref<80x128xf32, #tpu.memory_space<vmem>>, vector<1x16xf32>,
          %get3A_450 = vector.shape_cast %get3A_449 : vector<1x16xf32> to vector<16xf32>
          %mul3A_451 = arith.mulf %get3A_450, %broadcast_in_dim3A_372 : vector<16xf32>
          %swap3A_452 = arith.index_cast %add3A_376 : i32 to index
          %swap3A_453 = arith.constant 112 : index
          %swap3A_454 = tpu.vector_load %arg11[%swap3A_452, %swap3A_453] {strides = array<i32>} : memref<80x128xf32, #tpu.memory_space<vmem>>, vector<1x16xf32>,
          %swap3A_455 = vector.shape_cast %swap3A_454 : vector<1x16xf32> to vector<16xf32>
          %swap3A_456 = vector.shape_cast %mul3A_451 : vector<16xf32> to vector<1x16xf32>
          tpu.vector_store %arg11[%swap3A_452, %swap3A_453], %swap3A_456 {strides = array<i32>} : memref<80x128xf32, #tpu.memory_space<vmem>>, vector<1x16xf32>,
          %slice3A_457 = vector.extract_strided_slice %get3A_198 {offsets = [3], sizes = [1], strides = [1]} : vector<16xf32> to vector<1xf32>
          %squeeze3A_458 = vector.extract %slice3A_457[0] : f32 from vector<1xf32>
          %broadcast_in_dim3A_459 = vector.broadcast %squeeze3A_458 : f32 to vector<16xf32>
          %mul3A_460 = arith.constant 16 : i32
          %mul3A_461 = arith.muli %scan3A_193, %mul3A_460 : i32
          %add3A_462 = arith.constant 3 : i32
          %add3A_463 = arith.addi %mul3A_461, %add3A_462 : i32
          %get3A_464 = arith.index_cast %add3A_463 : i32 to index
          %get3A_465 = arith.constant 0 : index
          %get3A_466 = tpu.vector_load %arg11[%get3A_464, %get3A_465] {strides = array<i32>} : memref<80x128xf32, #tpu.memory_space<vmem>>, vector<1x16xf32>,
          %get3A_467 = vector.shape_cast %get3A_466 : vector<1x16xf32> to vector<16xf32>
          %mul3A_468 = arith.mulf %get3A_467, %broadcast_in_dim3A_459 : vector<16xf32>
          %swap3A_469 = arith.index_cast %add3A_463 : i32 to index
          %swap3A_470 = arith.constant 0 : index
          %swap3A_471 = tpu.vector_load %arg11[%swap3A_469, %swap3A_470] {strides = array<i32>} : memref<80x128xf32, #tpu.memory_space<vmem>>, vector<1x16xf32>,
          %swap3A_472 = vector.shape_cast %swap3A_471 : vector<1x16xf32> to vector<16xf32>
          %swap3A_473 = vector.shape_cast %mul3A_468 : vector<16xf32> to vector<1x16xf32>
          tpu.vector_store %arg11[%swap3A_469, %swap3A_470], %swap3A_473 {strides = array<i32>} : memref<80x128xf32, #tpu.memory_space<vmem>>, vector<1x16xf32>,
          %get3A_474 = arith.index_cast %add3A_463 : i32 to index
          %get3A_475 = arith.constant 16 : index
          %get3A_476 = tpu.vector_load %arg11[%get3A_474, %get3A_475] {strides = array<i32>} : memref<80x128xf32, #tpu.memory_space<vmem>>, vector<1x16xf32>,
          %get3A_477 = vector.shape_cast %get3A_476 : vector<1x16xf32> to vector<16xf32>
          %mul3A_478 = arith.mulf %get3A_477, %broadcast_in_dim3A_459 : vector<16xf32>
          %swap3A_479 = arith.index_cast %add3A_463 : i32 to index
          %swap3A_480 = arith.constant 16 : index
          %swap3A_481 = tpu.vector_load %arg11[%swap3A_479, %swap3A_480] {strides = array<i32>} : memref<80x128xf32, #tpu.memory_space<vmem>>, vector<1x16xf32>,
          %swap3A_482 = vector.shape_cast %swap3A_481 : vector<1x16xf32> to vector<16xf32>
          %swap3A_483 = vector.shape_cast %mul3A_478 : vector<16xf32> to vector<1x16xf32>
          tpu.vector_store %arg11[%swap3A_479, %swap3A_480], %swap3A_483 {strides = array<i32>} : memref<80x128xf32, #tpu.memory_space<vmem>>, vector<1x16xf32>,
          %get3A_484 = arith.index_cast %add3A_463 : i32 to index
          %get3A_485 = arith.constant 32 : index
          %get3A_486 = tpu.vector_load %arg11[%get3A_484, %get3A_485] {strides = array<i32>} : memref<80x128xf32, #tpu.memory_space<vmem>>, vector<1x16xf32>,
          %get3A_487 = vector.shape_cast %get3A_486 : vector<1x16xf32> to vector<16xf32>
          %mul3A_488 = arith.mulf %get3A_487, %broadcast_in_dim3A_459 : vector<16xf32>
          %swap3A_489 = arith.index_cast %add3A_463 : i32 to index
          %swap3A_490 = arith.constant 32 : index
          %swap3A_491 = tpu.vector_load %arg11[%swap3A_489, %swap3A_490] {strides = array<i32>} : memref<80x128xf32, #tpu.memory_space<vmem>>, vector<1x16xf32>,
          %swap3A_492 = vector.shape_cast %swap3A_491 : vector<1x16xf32> to vector<16xf32>
          %swap3A_493 = vector.shape_cast %mul3A_488 : vector<16xf32> to vector<1x16xf32>
          tpu.vector_store %arg11[%swap3A_489, %swap3A_490], %swap3A_493 {strides = array<i32>} : memref<80x128xf32, #tpu.memory_space<vmem>>, vector<1x16xf32>,
          %get3A_494 = arith.index_cast %add3A_463 : i32 to index
          %get3A_495 = arith.constant 48 : index
          %get3A_496 = tpu.vector_load %arg11[%get3A_494, %get3A_495] {strides = array<i32>} : memref<80x128xf32, #tpu.memory_space<vmem>>, vector<1x16xf32>,
          %get3A_497 = vector.shape_cast %get3A_496 : vector<1x16xf32> to vector<16xf32>
          %mul3A_498 = arith.mulf %get3A_497, %broadcast_in_dim3A_459 : vector<16xf32>
          %swap3A_499 = arith.index_cast %add3A_463 : i32 to index
          %swap3A_500 = arith.constant 48 : index
          %swap3A_501 = tpu.vector_load %arg11[%swap3A_499, %swap3A_500] {strides = array<i32>} : memref<80x128xf32, #tpu.memory_space<vmem>>, vector<1x16xf32>,
          %swap3A_502 = vector.shape_cast %swap3A_501 : vector<1x16xf32> to vector<16xf32>
          %swap3A_503 = vector.shape_cast %mul3A_498 : vector<16xf32> to vector<1x16xf32>
          tpu.vector_store %arg11[%swap3A_499, %swap3A_500], %swap3A_503 {strides = array<i32>} : memref<80x128xf32, #tpu.memory_space<vmem>>, vector<1x16xf32>,
          %get3A_504 = arith.index_cast %add3A_463 : i32 to index
          %get3A_505 = arith.constant 64 : index
          %get3A_506 = tpu.vector_load %arg11[%get3A_504, %get3A_505] {strides = array<i32>} : memref<80x128xf32, #tpu.memory_space<vmem>>, vector<1x16xf32>,
          %get3A_507 = vector.shape_cast %get3A_506 : vector<1x16xf32> to vector<16xf32>
          %mul3A_508 = arith.mulf %get3A_507, %broadcast_in_dim3A_459 : vector<16xf32>
          %swap3A_509 = arith.index_cast %add3A_463 : i32 to index
          %swap3A_510 = arith.constant 64 : index
          %swap3A_511 = tpu.vector_load %arg11[%swap3A_509, %swap3A_510] {strides = array<i32>} : memref<80x128xf32, #tpu.memory_space<vmem>>, vector<1x16xf32>,
          %swap3A_512 = vector.shape_cast %swap3A_511 : vector<1x16xf32> to vector<16xf32>
          %swap3A_513 = vector.shape_cast %mul3A_508 : vector<16xf32> to vector<1x16xf32>
          tpu.vector_store %arg11[%swap3A_509, %swap3A_510], %swap3A_513 {strides = array<i32>} : memref<80x128xf32, #tpu.memory_space<vmem>>, vector<1x16xf32>,
          %get3A_514 = arith.index_cast %add3A_463 : i32 to index
          %get3A_515 = arith.constant 80 : index
          %get3A_516 = tpu.vector_load %arg11[%get3A_514, %get3A_515] {strides = array<i32>} : memref<80x128xf32, #tpu.memory_space<vmem>>, vector<1x16xf32>,
          %get3A_517 = vector.shape_cast %get3A_516 : vector<1x16xf32> to vector<16xf32>
          %mul3A_518 = arith.mulf %get3A_517, %broadcast_in_dim3A_459 : vector<16xf32>
          %swap3A_519 = arith.index_cast %add3A_463 : i32 to index
          %swap3A_520 = arith.constant 80 : index
          %swap3A_521 = tpu.vector_load %arg11[%swap3A_519, %swap3A_520] {strides = array<i32>} : memref<80x128xf32, #tpu.memory_space<vmem>>, vector<1x16xf32>,
          %swap3A_522 = vector.shape_cast %swap3A_521 : vector<1x16xf32> to vector<16xf32>
          %swap3A_523 = vector.shape_cast %mul3A_518 : vector<16xf32> to vector<1x16xf32>
          tpu.vector_store %arg11[%swap3A_519, %swap3A_520], %swap3A_523 {strides = array<i32>} : memref<80x128xf32, #tpu.memory_space<vmem>>, vector<1x16xf32>,
          %get3A_524 = arith.index_cast %add3A_463 : i32 to index
          %get3A_525 = arith.constant 96 : index
          %get3A_526 = tpu.vector_load %arg11[%get3A_524, %get3A_525] {strides = array<i32>} : memref<80x128xf32, #tpu.memory_space<vmem>>, vector<1x16xf32>,
          %get3A_527 = vector.shape_cast %get3A_526 : vector<1x16xf32> to vector<16xf32>
          %mul3A_528 = arith.mulf %get3A_527, %broadcast_in_dim3A_459 : vector<16xf32>
          %swap3A_529 = arith.index_cast %add3A_463 : i32 to index
          %swap3A_530 = arith.constant 96 : index
          %swap3A_531 = tpu.vector_load %arg11[%swap3A_529, %swap3A_530] {strides = array<i32>} : memref<80x128xf32, #tpu.memory_space<vmem>>, vector<1x16xf32>,
          %swap3A_532 = vector.shape_cast %swap3A_531 : vector<1x16xf32> to vector<16xf32>
          %swap3A_533 = vector.shape_cast %mul3A_528 : vector<16xf32> to vector<1x16xf32>
          tpu.vector_store %arg11[%swap3A_529, %swap3A_530], %swap3A_533 {strides = array<i32>} : memref<80x128xf32, #tpu.memory_space<vmem>>, vector<1x16xf32>,
          %get3A_534 = arith.index_cast %add3A_463 : i32 to index
          %get3A_535 = arith.constant 112 : index
          %get3A_536 = tpu.vector_load %arg11[%get3A_534, %get3A_535] {strides = array<i32>} : memref<80x128xf32, #tpu.memory_space<vmem>>, vector<1x16xf32>,
          %get3A_537 = vector.shape_cast %get3A_536 : vector<1x16xf32> to vector<16xf32>
          %mul3A_538 = arith.mulf %get3A_537, %broadcast_in_dim3A_459 : vector<16xf32>
          %swap3A_539 = arith.index_cast %add3A_463 : i32 to index
          %swap3A_540 = arith.constant 112 : index
          %swap3A_541 = tpu.vector_load %arg11[%swap3A_539, %swap3A_540] {strides = array<i32>} : memref<80x128xf32, #tpu.memory_space<vmem>>, vector<1x16xf32>,
          %swap3A_542 = vector.shape_cast %swap3A_541 : vector<1x16xf32> to vector<16xf32>
          %swap3A_543 = vector.shape_cast %mul3A_538 : vector<16xf32> to vector<1x16xf32>
          tpu.vector_store %arg11[%swap3A_539, %swap3A_540], %swap3A_543 {strides = array<i32>} : memref<80x128xf32, #tpu.memory_space<vmem>>, vector<1x16xf32>,
          %slice3A_544 = vector.extract_strided_slice %get3A_198 {offsets = [4], sizes = [1], strides = [1]} : vector<16xf32> to vector<1xf32>
          %squeeze3A_545 = vector.extract %slice3A_544[0] : f32 from vector<1xf32>
          %broadcast_in_dim3A_546 = vector.broadcast %squeeze3A_545 : f32 to vector<16xf32>
          %mul3A_547 = arith.constant 16 : i32
          %mul3A_548 = arith.muli %scan3A_193, %mul3A_547 : i32
          %add3A_549 = arith.constant 4 : i32
          %add3A_550 = arith.addi %mul3A_548, %add3A_549 : i32
          %get3A_551 = arith.index_cast %add3A_550 : i32 to index
          %get3A_552 = arith.constant 0 : index
          %get3A_553 = tpu.vector_load %arg11[%get3A_551, %get3A_552] {strides = array<i32>} : memref<80x128xf32, #tpu.memory_space<vmem>>, vector<1x16xf32>,
          %get3A_554 = vector.shape_cast %get3A_553 : vector<1x16xf32> to vector<16xf32>
          %mul3A_555 = arith.mulf %get3A_554, %broadcast_in_dim3A_546 : vector<16xf32>
          %swap3A_556 = arith.index_cast %add3A_550 : i32 to index
          %swap3A_557 = arith.constant 0 : index
          %swap3A_558 = tpu.vector_load %arg11[%swap3A_556, %swap3A_557] {strides = array<i32>} : memref<80x128xf32, #tpu.memory_space<vmem>>, vector<1x16xf32>,
          %swap3A_559 = vector.shape_cast %swap3A_558 : vector<1x16xf32> to vector<16xf32>
          %swap3A_560 = vector.shape_cast %mul3A_555 : vector<16xf32> to vector<1x16xf32>
          tpu.vector_store %arg11[%swap3A_556, %swap3A_557], %swap3A_560 {strides = array<i32>} : memref<80x128xf32, #tpu.memory_space<vmem>>, vector<1x16xf32>,
          %get3A_561 = arith.index_cast %add3A_550 : i32 to index
          %get3A_562 = arith.constant 16 : index
          %get3A_563 = tpu.vector_load %arg11[%get3A_561, %get3A_562] {strides = array<i32>} : memref<80x128xf32, #tpu.memory_space<vmem>>, vector<1x16xf32>,
          %get3A_564 = vector.shape_cast %get3A_563 : vector<1x16xf32> to vector<16xf32>
          %mul3A_565 = arith.mulf %get3A_564, %broadcast_in_dim3A_546 : vector<16xf32>
          %swap3A_566 = arith.index_cast %add3A_550 : i32 to index
          %swap3A_567 = arith.constant 16 : index
          %swap3A_568 = tpu.vector_load %arg11[%swap3A_566, %swap3A_567] {strides = array<i32>} : memref<80x128xf32, #tpu.memory_space<vmem>>, vector<1x16xf32>,
          %swap3A_569 = vector.shape_cast %swap3A_568 : vector<1x16xf32> to vector<16xf32>
          %swap3A_570 = vector.shape_cast %mul3A_565 : vector<16xf32> to vector<1x16xf32>
          tpu.vector_store %arg11[%swap3A_566, %swap3A_567], %swap3A_570 {strides = array<i32>} : memref<80x128xf32, #tpu.memory_space<vmem>>, vector<1x16xf32>,
          %get3A_571 = arith.index_cast %add3A_550 : i32 to index
          %get3A_572 = arith.constant 32 : index
          %get3A_573 = tpu.vector_load %arg11[%get3A_571, %get3A_572] {strides = array<i32>} : memref<80x128xf32, #tpu.memory_space<vmem>>, vector<1x16xf32>,
          %get3A_574 = vector.shape_cast %get3A_573 : vector<1x16xf32> to vector<16xf32>
          %mul3A_575 = arith.mulf %get3A_574, %broadcast_in_dim3A_546 : vector<16xf32>
          %swap3A_576 = arith.index_cast %add3A_550 : i32 to index
          %swap3A_577 = arith.constant 32 : index
          %swap3A_578 = tpu.vector_load %arg11[%swap3A_576, %swap3A_577] {strides = array<i32>} : memref<80x128xf32, #tpu.memory_space<vmem>>, vector<1x16xf32>,
          %swap3A_579 = vector.shape_cast %swap3A_578 : vector<1x16xf32> to vector<16xf32>
          %swap3A_580 = vector.shape_cast %mul3A_575 : vector<16xf32> to vector<1x16xf32>
          tpu.vector_store %arg11[%swap3A_576, %swap3A_577], %swap3A_580 {strides = array<i32>} : memref<80x128xf32, #tpu.memory_space<vmem>>, vector<1x16xf32>,
          %get3A_581 = arith.index_cast %add3A_550 : i32 to index
          %get3A_582 = arith.constant 48 : index
          %get3A_583 = tpu.vector_load %arg11[%get3A_581, %get3A_582] {strides = array<i32>} : memref<80x128xf32, #tpu.memory_space<vmem>>, vector<1x16xf32>,
          %get3A_584 = vector.shape_cast %get3A_583 : vector<1x16xf32> to vector<16xf32>
          %mul3A_585 = arith.mulf %get3A_584, %broadcast_in_dim3A_546 : vector<16xf32>
          %swap3A_586 = arith.index_cast %add3A_550 : i32 to index
          %swap3A_587 = arith.constant 48 : index
          %swap3A_588 = tpu.vector_load %arg11[%swap3A_586, %swap3A_587] {strides = array<i32>} : memref<80x128xf32, #tpu.memory_space<vmem>>, vector<1x16xf32>,
          %swap3A_589 = vector.shape_cast %swap3A_588 : vector<1x16xf32> to vector<16xf32>
          %swap3A_590 = vector.shape_cast %mul3A_585 : vector<16xf32> to vector<1x16xf32>
          tpu.vector_store %arg11[%swap3A_586, %swap3A_587], %swap3A_590 {strides = array<i32>} : memref<80x128xf32, #tpu.memory_space<vmem>>, vector<1x16xf32>,
          %get3A_591 = arith.index_cast %add3A_550 : i32 to index
          %get3A_592 = arith.constant 64 : index
          %get3A_593 = tpu.vector_load %arg11[%get3A_591, %get3A_592] {strides = array<i32>} : memref<80x128xf32, #tpu.memory_space<vmem>>, vector<1x16xf32>,
          %get3A_594 = vector.shape_cast %get3A_593 : vector<1x16xf32> to vector<16xf32>
          %mul3A_595 = arith.mulf %get3A_594, %broadcast_in_dim3A_546 : vector<16xf32>
          %swap3A_596 = arith.index_cast %add3A_550 : i32 to index
          %swap3A_597 = arith.constant 64 : index
          %swap3A_598 = tpu.vector_load %arg11[%swap3A_596, %swap3A_597] {strides = array<i32>} : memref<80x128xf32, #tpu.memory_space<vmem>>, vector<1x16xf32>,
          %swap3A_599 = vector.shape_cast %swap3A_598 : vector<1x16xf32> to vector<16xf32>
          %swap3A_600 = vector.shape_cast %mul3A_595 : vector<16xf32> to vector<1x16xf32>
          tpu.vector_store %arg11[%swap3A_596, %swap3A_597], %swap3A_600 {strides = array<i32>} : memref<80x128xf32, #tpu.memory_space<vmem>>, vector<1x16xf32>,
          %get3A_601 = arith.index_cast %add3A_550 : i32 to index
          %get3A_602 = arith.constant 80 : index
          %get3A_603 = tpu.vector_load %arg11[%get3A_601, %get3A_602] {strides = array<i32>} : memref<80x128xf32, #tpu.memory_space<vmem>>, vector<1x16xf32>,
          %get3A_604 = vector.shape_cast %get3A_603 : vector<1x16xf32> to vector<16xf32>
          %mul3A_605 = arith.mulf %get3A_604, %broadcast_in_dim3A_546 : vector<16xf32>
          %swap3A_606 = arith.index_cast %add3A_550 : i32 to index
          %swap3A_607 = arith.constant 80 : index
          %swap3A_608 = tpu.vector_load %arg11[%swap3A_606, %swap3A_607] {strides = array<i32>} : memref<80x128xf32, #tpu.memory_space<vmem>>, vector<1x16xf32>,
          %swap3A_609 = vector.shape_cast %swap3A_608 : vector<1x16xf32> to vector<16xf32>
          %swap3A_610 = vector.shape_cast %mul3A_605 : vector<16xf32> to vector<1x16xf32>
          tpu.vector_store %arg11[%swap3A_606, %swap3A_607], %swap3A_610 {strides = array<i32>} : memref<80x128xf32, #tpu.memory_space<vmem>>, vector<1x16xf32>,
          %get3A_611 = arith.index_cast %add3A_550 : i32 to index
          %get3A_612 = arith.constant 96 : index
          %get3A_613 = tpu.vector_load %arg11[%get3A_611, %get3A_612] {strides = array<i32>} : memref<80x128xf32, #tpu.memory_space<vmem>>, vector<1x16xf32>,
          %get3A_614 = vector.shape_cast %get3A_613 : vector<1x16xf32> to vector<16xf32>
          %mul3A_615 = arith.mulf %get3A_614, %broadcast_in_dim3A_546 : vector<16xf32>
          %swap3A_616 = arith.index_cast %add3A_550 : i32 to index
          %swap3A_617 = arith.constant 96 : index
          %swap3A_618 = tpu.vector_load %arg11[%swap3A_616, %swap3A_617] {strides = array<i32>} : memref<80x128xf32, #tpu.memory_space<vmem>>, vector<1x16xf32>,
          %swap3A_619 = vector.shape_cast %swap3A_618 : vector<1x16xf32> to vector<16xf32>
          %swap3A_620 = vector.shape_cast %mul3A_615 : vector<16xf32> to vector<1x16xf32>
          tpu.vector_store %arg11[%swap3A_616, %swap3A_617], %swap3A_620 {strides = array<i32>} : memref<80x128xf32, #tpu.memory_space<vmem>>, vector<1x16xf32>,
          %get3A_621 = arith.index_cast %add3A_550 : i32 to index
          %get3A_622 = arith.constant 112 : index
          %get3A_623 = tpu.vector_load %arg11[%get3A_621, %get3A_622] {strides = array<i32>} : memref<80x128xf32, #tpu.memory_space<vmem>>, vector<1x16xf32>,
          %get3A_624 = vector.shape_cast %get3A_623 : vector<1x16xf32> to vector<16xf32>
          %mul3A_625 = arith.mulf %get3A_624, %broadcast_in_dim3A_546 : vector<16xf32>
          %swap3A_626 = arith.index_cast %add3A_550 : i32 to index
          %swap3A_627 = arith.constant 112 : index
          %swap3A_628 = tpu.vector_load %arg11[%swap3A_626, %swap3A_627] {strides = array<i32>} : memref<80x128xf32, #tpu.memory_space<vmem>>, vector<1x16xf32>,
          %swap3A_629 = vector.shape_cast %swap3A_628 : vector<1x16xf32> to vector<16xf32>
          %swap3A_630 = vector.shape_cast %mul3A_625 : vector<16xf32> to vector<1x16xf32>
          tpu.vector_store %arg11[%swap3A_626, %swap3A_627], %swap3A_630 {strides = array<i32>} : memref<80x128xf32, #tpu.memory_space<vmem>>, vector<1x16xf32>,
          %slice3A_631 = vector.extract_strided_slice %get3A_198 {offsets = [5], sizes = [1], strides = [1]} : vector<16xf32> to vector<1xf32>
          %squeeze3A_632 = vector.extract %slice3A_631[0] : f32 from vector<1xf32>
          %broadcast_in_dim3A_633 = vector.broadcast %squeeze3A_632 : f32 to vector<16xf32>
          %mul3A_634 = arith.constant 16 : i32
          %mul3A_635 = arith.muli %scan3A_193, %mul3A_634 : i32
          %add3A_636 = arith.constant 5 : i32
          %add3A_637 = arith.addi %mul3A_635, %add3A_636 : i32
          %get3A_638 = arith.index_cast %add3A_637 : i32 to index
          %get3A_639 = arith.constant 0 : index
          %get3A_640 = tpu.vector_load %arg11[%get3A_638, %get3A_639] {strides = array<i32>} : memref<80x128xf32, #tpu.memory_space<vmem>>, vector<1x16xf32>,
          %get3A_641 = vector.shape_cast %get3A_640 : vector<1x16xf32> to vector<16xf32>
          %mul3A_642 = arith.mulf %get3A_641, %broadcast_in_dim3A_633 : vector<16xf32>
          %swap3A_643 = arith.index_cast %add3A_637 : i32 to index
          %swap3A_644 = arith.constant 0 : index
          %swap3A_645 = tpu.vector_load %arg11[%swap3A_643, %swap3A_644] {strides = array<i32>} : memref<80x128xf32, #tpu.memory_space<vmem>>, vector<1x16xf32>,
          %swap3A_646 = vector.shape_cast %swap3A_645 : vector<1x16xf32> to vector<16xf32>
          %swap3A_647 = vector.shape_cast %mul3A_642 : vector<16xf32> to vector<1x16xf32>
          tpu.vector_store %arg11[%swap3A_643, %swap3A_644], %swap3A_647 {strides = array<i32>} : memref<80x128xf32, #tpu.memory_space<vmem>>, vector<1x16xf32>,
          %get3A_648 = arith.index_cast %add3A_637 : i32 to index
          %get3A_649 = arith.constant 16 : index
          %get3A_650 = tpu.vector_load %arg11[%get3A_648, %get3A_649] {strides = array<i32>} : memref<80x128xf32, #tpu.memory_space<vmem>>, vector<1x16xf32>,
          %get3A_651 = vector.shape_cast %get3A_650 : vector<1x16xf32> to vector<16xf32>
          %mul3A_652 = arith.mulf %get3A_651, %broadcast_in_dim3A_633 : vector<16xf32>
          %swap3A_653 = arith.index_cast %add3A_637 : i32 to index
          %swap3A_654 = arith.constant 16 : index
          %swap3A_655 = tpu.vector_load %arg11[%swap3A_653, %swap3A_654] {strides = array<i32>} : memref<80x128xf32, #tpu.memory_space<vmem>>, vector<1x16xf32>,
          %swap3A_656 = vector.shape_cast %swap3A_655 : vector<1x16xf32> to vector<16xf32>
          %swap3A_657 = vector.shape_cast %mul3A_652 : vector<16xf32> to vector<1x16xf32>
          tpu.vector_store %arg11[%swap3A_653, %swap3A_654], %swap3A_657 {strides = array<i32>} : memref<80x128xf32, #tpu.memory_space<vmem>>, vector<1x16xf32>,
          %get3A_658 = arith.index_cast %add3A_637 : i32 to index
          %get3A_659 = arith.constant 32 : index
          %get3A_660 = tpu.vector_load %arg11[%get3A_658, %get3A_659] {strides = array<i32>} : memref<80x128xf32, #tpu.memory_space<vmem>>, vector<1x16xf32>,
          %get3A_661 = vector.shape_cast %get3A_660 : vector<1x16xf32> to vector<16xf32>
          %mul3A_662 = arith.mulf %get3A_661, %broadcast_in_dim3A_633 : vector<16xf32>
          %swap3A_663 = arith.index_cast %add3A_637 : i32 to index
          %swap3A_664 = arith.constant 32 : index
          %swap3A_665 = tpu.vector_load %arg11[%swap3A_663, %swap3A_664] {strides = array<i32>} : memref<80x128xf32, #tpu.memory_space<vmem>>, vector<1x16xf32>,
          %swap3A_666 = vector.shape_cast %swap3A_665 : vector<1x16xf32> to vector<16xf32>
          %swap3A_667 = vector.shape_cast %mul3A_662 : vector<16xf32> to vector<1x16xf32>
          tpu.vector_store %arg11[%swap3A_663, %swap3A_664], %swap3A_667 {strides = array<i32>} : memref<80x128xf32, #tpu.memory_space<vmem>>, vector<1x16xf32>,
          %get3A_668 = arith.index_cast %add3A_637 : i32 to index
          %get3A_669 = arith.constant 48 : index
          %get3A_670 = tpu.vector_load %arg11[%get3A_668, %get3A_669] {strides = array<i32>} : memref<80x128xf32, #tpu.memory_space<vmem>>, vector<1x16xf32>,
          %get3A_671 = vector.shape_cast %get3A_670 : vector<1x16xf32> to vector<16xf32>
          %mul3A_672 = arith.mulf %get3A_671, %broadcast_in_dim3A_633 : vector<16xf32>
          %swap3A_673 = arith.index_cast %add3A_637 : i32 to index
          %swap3A_674 = arith.constant 48 : index
          %swap3A_675 = tpu.vector_load %arg11[%swap3A_673, %swap3A_674] {strides = array<i32>} : memref<80x128xf32, #tpu.memory_space<vmem>>, vector<1x16xf32>,
          %swap3A_676 = vector.shape_cast %swap3A_675 : vector<1x16xf32> to vector<16xf32>
          %swap3A_677 = vector.shape_cast %mul3A_672 : vector<16xf32> to vector<1x16xf32>
          tpu.vector_store %arg11[%swap3A_673, %swap3A_674], %swap3A_677 {strides = array<i32>} : memref<80x128xf32, #tpu.memory_space<vmem>>, vector<1x16xf32>,
          %get3A_678 = arith.index_cast %add3A_637 : i32 to index
          %get3A_679 = arith.constant 64 : index
          %get3A_680 = tpu.vector_load %arg11[%get3A_678, %get3A_679] {strides = array<i32>} : memref<80x128xf32, #tpu.memory_space<vmem>>, vector<1x16xf32>,
          %get3A_681 = vector.shape_cast %get3A_680 : vector<1x16xf32> to vector<16xf32>
          %mul3A_682 = arith.mulf %get3A_681, %broadcast_in_dim3A_633 : vector<16xf32>
          %swap3A_683 = arith.index_cast %add3A_637 : i32 to index
          %swap3A_684 = arith.constant 64 : index
          %swap3A_685 = tpu.vector_load %arg11[%swap3A_683, %swap3A_684] {strides = array<i32>} : memref<80x128xf32, #tpu.memory_space<vmem>>, vector<1x16xf32>,
          %swap3A_686 = vector.shape_cast %swap3A_685 : vector<1x16xf32> to vector<16xf32>
          %swap3A_687 = vector.shape_cast %mul3A_682 : vector<16xf32> to vector<1x16xf32>
          tpu.vector_store %arg11[%swap3A_683, %swap3A_684], %swap3A_687 {strides = array<i32>} : memref<80x128xf32, #tpu.memory_space<vmem>>, vector<1x16xf32>,
          %get3A_688 = arith.index_cast %add3A_637 : i32 to index
          %get3A_689 = arith.constant 80 : index
          %get3A_690 = tpu.vector_load %arg11[%get3A_688, %get3A_689] {strides = array<i32>} : memref<80x128xf32, #tpu.memory_space<vmem>>, vector<1x16xf32>,
          %get3A_691 = vector.shape_cast %get3A_690 : vector<1x16xf32> to vector<16xf32>
          %mul3A_692 = arith.mulf %get3A_691, %broadcast_in_dim3A_633 : vector<16xf32>
          %swap3A_693 = arith.index_cast %add3A_637 : i32 to index
          %swap3A_694 = arith.constant 80 : index
          %swap3A_695 = tpu.vector_load %arg11[%swap3A_693, %swap3A_694] {strides = array<i32>} : memref<80x128xf32, #tpu.memory_space<vmem>>, vector<1x16xf32>,
          %swap3A_696 = vector.shape_cast %swap3A_695 : vector<1x16xf32> to vector<16xf32>
          %swap3A_697 = vector.shape_cast %mul3A_692 : vector<16xf32> to vector<1x16xf32>
          tpu.vector_store %arg11[%swap3A_693, %swap3A_694], %swap3A_697 {strides = array<i32>} : memref<80x128xf32, #tpu.memory_space<vmem>>, vector<1x16xf32>,
          %get3A_698 = arith.index_cast %add3A_637 : i32 to index
          %get3A_699 = arith.constant 96 : index
          %get3A_700 = tpu.vector_load %arg11[%get3A_698, %get3A_699] {strides = array<i32>} : memref<80x128xf32, #tpu.memory_space<vmem>>, vector<1x16xf32>,
          %get3A_701 = vector.shape_cast %get3A_700 : vector<1x16xf32> to vector<16xf32>
          %mul3A_702 = arith.mulf %get3A_701, %broadcast_in_dim3A_633 : vector<16xf32>
          %swap3A_703 = arith.index_cast %add3A_637 : i32 to index
          %swap3A_704 = arith.constant 96 : index
          %swap3A_705 = tpu.vector_load %arg11[%swap3A_703, %swap3A_704] {strides = array<i32>} : memref<80x128xf32, #tpu.memory_space<vmem>>, vector<1x16xf32>,
          %swap3A_706 = vector.shape_cast %swap3A_705 : vector<1x16xf32> to vector<16xf32>
          %swap3A_707 = vector.shape_cast %mul3A_702 : vector<16xf32> to vector<1x16xf32>
          tpu.vector_store %arg11[%swap3A_703, %swap3A_704], %swap3A_707 {strides = array<i32>} : memref<80x128xf32, #tpu.memory_space<vmem>>, vector<1x16xf32>,
          %get3A_708 = arith.index_cast %add3A_637 : i32 to index
          %get3A_709 = arith.constant 112 : index
          %get3A_710 = tpu.vector_load %arg11[%get3A_708, %get3A_709] {strides = array<i32>} : memref<80x128xf32, #tpu.memory_space<vmem>>, vector<1x16xf32>,
          %get3A_711 = vector.shape_cast %get3A_710 : vector<1x16xf32> to vector<16xf32>
          %mul3A_712 = arith.mulf %get3A_711, %broadcast_in_dim3A_633 : vector<16xf32>
          %swap3A_713 = arith.index_cast %add3A_637 : i32 to index
          %swap3A_714 = arith.constant 112 : index
          %swap3A_715 = tpu.vector_load %arg11[%swap3A_713, %swap3A_714] {strides = array<i32>} : memref<80x128xf32, #tpu.memory_space<vmem>>, vector<1x16xf32>,
          %swap3A_716 = vector.shape_cast %swap3A_715 : vector<1x16xf32> to vector<16xf32>
          %swap3A_717 = vector.shape_cast %mul3A_712 : vector<16xf32> to vector<1x16xf32>
          tpu.vector_store %arg11[%swap3A_713, %swap3A_714], %swap3A_717 {strides = array<i32>} : memref<80x128xf32, #tpu.memory_space<vmem>>, vector<1x16xf32>,
          %slice3A_718 = vector.extract_strided_slice %get3A_198 {offsets = [6], sizes = [1], strides = [1]} : vector<16xf32> to vector<1xf32>
          %squeeze3A_719 = vector.extract %slice3A_718[0] : f32 from vector<1xf32>
          %broadcast_in_dim3A_720 = vector.broadcast %squeeze3A_719 : f32 to vector<16xf32>
          %mul3A_721 = arith.constant 16 : i32
          %mul3A_722 = arith.muli %scan3A_193, %mul3A_721 : i32
          %add3A_723 = arith.constant 6 : i32
          %add3A_724 = arith.addi %mul3A_722, %add3A_723 : i32
          %get3A_725 = arith.index_cast %add3A_724 : i32 to index
          %get3A_726 = arith.constant 0 : index
          %get3A_727 = tpu.vector_load %arg11[%get3A_725, %get3A_726] {strides = array<i32>} : memref<80x128xf32, #tpu.memory_space<vmem>>, vector<1x16xf32>,
          %get3A_728 = vector.shape_cast %get3A_727 : vector<1x16xf32> to vector<16xf32>
          %mul3A_729 = arith.mulf %get3A_728, %broadcast_in_dim3A_720 : vector<16xf32>
          %swap3A_730 = arith.index_cast %add3A_724 : i32 to index
          %swap3A_731 = arith.constant 0 : index
          %swap3A_732 = tpu.vector_load %arg11[%swap3A_730, %swap3A_731] {strides = array<i32>} : memref<80x128xf32, #tpu.memory_space<vmem>>, vector<1x16xf32>,
          %swap3A_733 = vector.shape_cast %swap3A_732 : vector<1x16xf32> to vector<16xf32>
          %swap3A_734 = vector.shape_cast %mul3A_729 : vector<16xf32> to vector<1x16xf32>
          tpu.vector_store %arg11[%swap3A_730, %swap3A_731], %swap3A_734 {strides = array<i32>} : memref<80x128xf32, #tpu.memory_space<vmem>>, vector<1x16xf32>,
          %get3A_735 = arith.index_cast %add3A_724 : i32 to index
          %get3A_736 = arith.constant 16 : index
          %get3A_737 = tpu.vector_load %arg11[%get3A_735, %get3A_736] {strides = array<i32>} : memref<80x128xf32, #tpu.memory_space<vmem>>, vector<1x16xf32>,
          %get3A_738 = vector.shape_cast %get3A_737 : vector<1x16xf32> to vector<16xf32>
          %mul3A_739 = arith.mulf %get3A_738, %broadcast_in_dim3A_720 : vector<16xf32>
          %swap3A_740 = arith.index_cast %add3A_724 : i32 to index
          %swap3A_741 = arith.constant 16 : index
          %swap3A_742 = tpu.vector_load %arg11[%swap3A_740, %swap3A_741] {strides = array<i32>} : memref<80x128xf32, #tpu.memory_space<vmem>>, vector<1x16xf32>,
          %swap3A_743 = vector.shape_cast %swap3A_742 : vector<1x16xf32> to vector<16xf32>
          %swap3A_744 = vector.shape_cast %mul3A_739 : vector<16xf32> to vector<1x16xf32>
          tpu.vector_store %arg11[%swap3A_740, %swap3A_741], %swap3A_744 {strides = array<i32>} : memref<80x128xf32, #tpu.memory_space<vmem>>, vector<1x16xf32>,
          %get3A_745 = arith.index_cast %add3A_724 : i32 to index
          %get3A_746 = arith.constant 32 : index
          %get3A_747 = tpu.vector_load %arg11[%get3A_745, %get3A_746] {strides = array<i32>} : memref<80x128xf32, #tpu.memory_space<vmem>>, vector<1x16xf32>,
          %get3A_748 = vector.shape_cast %get3A_747 : vector<1x16xf32> to vector<16xf32>
          %mul3A_749 = arith.mulf %get3A_748, %broadcast_in_dim3A_720 : vector<16xf32>
          %swap3A_750 = arith.index_cast %add3A_724 : i32 to index
          %swap3A_751 = arith.constant 32 : index
          %swap3A_752 = tpu.vector_load %arg11[%swap3A_750, %swap3A_751] {strides = array<i32>} : memref<80x128xf32, #tpu.memory_space<vmem>>, vector<1x16xf32>,
          %swap3A_753 = vector.shape_cast %swap3A_752 : vector<1x16xf32> to vector<16xf32>
          %swap3A_754 = vector.shape_cast %mul3A_749 : vector<16xf32> to vector<1x16xf32>
          tpu.vector_store %arg11[%swap3A_750, %swap3A_751], %swap3A_754 {strides = array<i32>} : memref<80x128xf32, #tpu.memory_space<vmem>>, vector<1x16xf32>,
          %get3A_755 = arith.index_cast %add3A_724 : i32 to index
          %get3A_756 = arith.constant 48 : index
          %get3A_757 = tpu.vector_load %arg11[%get3A_755, %get3A_756] {strides = array<i32>} : memref<80x128xf32, #tpu.memory_space<vmem>>, vector<1x16xf32>,
          %get3A_758 = vector.shape_cast %get3A_757 : vector<1x16xf32> to vector<16xf32>
          %mul3A_759 = arith.mulf %get3A_758, %broadcast_in_dim3A_720 : vector<16xf32>
          %swap3A_760 = arith.index_cast %add3A_724 : i32 to index
          %swap3A_761 = arith.constant 48 : index
          %swap3A_762 = tpu.vector_load %arg11[%swap3A_760, %swap3A_761] {strides = array<i32>} : memref<80x128xf32, #tpu.memory_space<vmem>>, vector<1x16xf32>,
          %swap3A_763 = vector.shape_cast %swap3A_762 : vector<1x16xf32> to vector<16xf32>
          %swap3A_764 = vector.shape_cast %mul3A_759 : vector<16xf32> to vector<1x16xf32>
          tpu.vector_store %arg11[%swap3A_760, %swap3A_761], %swap3A_764 {strides = array<i32>} : memref<80x128xf32, #tpu.memory_space<vmem>>, vector<1x16xf32>,
          %get3A_765 = arith.index_cast %add3A_724 : i32 to index
          %get3A_766 = arith.constant 64 : index
          %get3A_767 = tpu.vector_load %arg11[%get3A_765, %get3A_766] {strides = array<i32>} : memref<80x128xf32, #tpu.memory_space<vmem>>, vector<1x16xf32>,
          %get3A_768 = vector.shape_cast %get3A_767 : vector<1x16xf32> to vector<16xf32>
          %mul3A_769 = arith.mulf %get3A_768, %broadcast_in_dim3A_720 : vector<16xf32>
          %swap3A_770 = arith.index_cast %add3A_724 : i32 to index
          %swap3A_771 = arith.constant 64 : index
          %swap3A_772 = tpu.vector_load %arg11[%swap3A_770, %swap3A_771] {strides = array<i32>} : memref<80x128xf32, #tpu.memory_space<vmem>>, vector<1x16xf32>,
          %swap3A_773 = vector.shape_cast %swap3A_772 : vector<1x16xf32> to vector<16xf32>
          %swap3A_774 = vector.shape_cast %mul3A_769 : vector<16xf32> to vector<1x16xf32>
          tpu.vector_store %arg11[%swap3A_770, %swap3A_771], %swap3A_774 {strides = array<i32>} : memref<80x128xf32, #tpu.memory_space<vmem>>, vector<1x16xf32>,
          %get3A_775 = arith.index_cast %add3A_724 : i32 to index
          %get3A_776 = arith.constant 80 : index
          %get3A_777 = tpu.vector_load %arg11[%get3A_775, %get3A_776] {strides = array<i32>} : memref<80x128xf32, #tpu.memory_space<vmem>>, vector<1x16xf32>,
          %get3A_778 = vector.shape_cast %get3A_777 : vector<1x16xf32> to vector<16xf32>
          %mul3A_779 = arith.mulf %get3A_778, %broadcast_in_dim3A_720 : vector<16xf32>
          %swap3A_780 = arith.index_cast %add3A_724 : i32 to index
          %swap3A_781 = arith.constant 80 : index
          %swap3A_782 = tpu.vector_load %arg11[%swap3A_780, %swap3A_781] {strides = array<i32>} : memref<80x128xf32, #tpu.memory_space<vmem>>, vector<1x16xf32>,
          %swap3A_783 = vector.shape_cast %swap3A_782 : vector<1x16xf32> to vector<16xf32>
          %swap3A_784 = vector.shape_cast %mul3A_779 : vector<16xf32> to vector<1x16xf32>
          tpu.vector_store %arg11[%swap3A_780, %swap3A_781], %swap3A_784 {strides = array<i32>} : memref<80x128xf32, #tpu.memory_space<vmem>>, vector<1x16xf32>,
          %get3A_785 = arith.index_cast %add3A_724 : i32 to index
          %get3A_786 = arith.constant 96 : index
          %get3A_787 = tpu.vector_load %arg11[%get3A_785, %get3A_786] {strides = array<i32>} : memref<80x128xf32, #tpu.memory_space<vmem>>, vector<1x16xf32>,
          %get3A_788 = vector.shape_cast %get3A_787 : vector<1x16xf32> to vector<16xf32>
          %mul3A_789 = arith.mulf %get3A_788, %broadcast_in_dim3A_720 : vector<16xf32>
          %swap3A_790 = arith.index_cast %add3A_724 : i32 to index
          %swap3A_791 = arith.constant 96 : index
          %swap3A_792 = tpu.vector_load %arg11[%swap3A_790, %swap3A_791] {strides = array<i32>} : memref<80x128xf32, #tpu.memory_space<vmem>>, vector<1x16xf32>,
          %swap3A_793 = vector.shape_cast %swap3A_792 : vector<1x16xf32> to vector<16xf32>
          %swap3A_794 = vector.shape_cast %mul3A_789 : vector<16xf32> to vector<1x16xf32>
          tpu.vector_store %arg11[%swap3A_790, %swap3A_791], %swap3A_794 {strides = array<i32>} : memref<80x128xf32, #tpu.memory_space<vmem>>, vector<1x16xf32>,
          %get3A_795 = arith.index_cast %add3A_724 : i32 to index
          %get3A_796 = arith.constant 112 : index
          %get3A_797 = tpu.vector_load %arg11[%get3A_795, %get3A_796] {strides = array<i32>} : memref<80x128xf32, #tpu.memory_space<vmem>>, vector<1x16xf32>,
          %get3A_798 = vector.shape_cast %get3A_797 : vector<1x16xf32> to vector<16xf32>
          %mul3A_799 = arith.mulf %get3A_798, %broadcast_in_dim3A_720 : vector<16xf32>
          %swap3A_800 = arith.index_cast %add3A_724 : i32 to index
          %swap3A_801 = arith.constant 112 : index
          %swap3A_802 = tpu.vector_load %arg11[%swap3A_800, %swap3A_801] {strides = array<i32>} : memref<80x128xf32, #tpu.memory_space<vmem>>, vector<1x16xf32>,
          %swap3A_803 = vector.shape_cast %swap3A_802 : vector<1x16xf32> to vector<16xf32>
          %swap3A_804 = vector.shape_cast %mul3A_799 : vector<16xf32> to vector<1x16xf32>
          tpu.vector_store %arg11[%swap3A_800, %swap3A_801], %swap3A_804 {strides = array<i32>} : memref<80x128xf32, #tpu.memory_space<vmem>>, vector<1x16xf32>,
          %slice3A_805 = vector.extract_strided_slice %get3A_198 {offsets = [7], sizes = [1], strides = [1]} : vector<16xf32> to vector<1xf32>
          %squeeze3A_806 = vector.extract %slice3A_805[0] : f32 from vector<1xf32>
          %broadcast_in_dim3A_807 = vector.broadcast %squeeze3A_806 : f32 to vector<16xf32>
          %mul3A_808 = arith.constant 16 : i32
          %mul3A_809 = arith.muli %scan3A_193, %mul3A_808 : i32
          %add3A_810 = arith.constant 7 : i32
          %add3A_811 = arith.addi %mul3A_809, %add3A_810 : i32
          %get3A_812 = arith.index_cast %add3A_811 : i32 to index
          %get3A_813 = arith.constant 0 : index
          %get3A_814 = tpu.vector_load %arg11[%get3A_812, %get3A_813] {strides = array<i32>} : memref<80x128xf32, #tpu.memory_space<vmem>>, vector<1x16xf32>,
          %get3A_815 = vector.shape_cast %get3A_814 : vector<1x16xf32> to vector<16xf32>
          %mul3A_816 = arith.mulf %get3A_815, %broadcast_in_dim3A_807 : vector<16xf32>
          %swap3A_817 = arith.index_cast %add3A_811 : i32 to index
          %swap3A_818 = arith.constant 0 : index
          %swap3A_819 = tpu.vector_load %arg11[%swap3A_817, %swap3A_818] {strides = array<i32>} : memref<80x128xf32, #tpu.memory_space<vmem>>, vector<1x16xf32>,
          %swap3A_820 = vector.shape_cast %swap3A_819 : vector<1x16xf32> to vector<16xf32>
          %swap3A_821 = vector.shape_cast %mul3A_816 : vector<16xf32> to vector<1x16xf32>
          tpu.vector_store %arg11[%swap3A_817, %swap3A_818], %swap3A_821 {strides = array<i32>} : memref<80x128xf32, #tpu.memory_space<vmem>>, vector<1x16xf32>,
          %get3A_822 = arith.index_cast %add3A_811 : i32 to index
          %get3A_823 = arith.constant 16 : index
          %get3A_824 = tpu.vector_load %arg11[%get3A_822, %get3A_823] {strides = array<i32>} : memref<80x128xf32, #tpu.memory_space<vmem>>, vector<1x16xf32>,
          %get3A_825 = vector.shape_cast %get3A_824 : vector<1x16xf32> to vector<16xf32>
          %mul3A_826 = arith.mulf %get3A_825, %broadcast_in_dim3A_807 : vector<16xf32>
          %swap3A_827 = arith.index_cast %add3A_811 : i32 to index
          %swap3A_828 = arith.constant 16 : index
          %swap3A_829 = tpu.vector_load %arg11[%swap3A_827, %swap3A_828] {strides = array<i32>} : memref<80x128xf32, #tpu.memory_space<vmem>>, vector<1x16xf32>,
          %swap3A_830 = vector.shape_cast %swap3A_829 : vector<1x16xf32> to vector<16xf32>
          %swap3A_831 = vector.shape_cast %mul3A_826 : vector<16xf32> to vector<1x16xf32>
          tpu.vector_store %arg11[%swap3A_827, %swap3A_828], %swap3A_831 {strides = array<i32>} : memref<80x128xf32, #tpu.memory_space<vmem>>, vector<1x16xf32>,
          %get3A_832 = arith.index_cast %add3A_811 : i32 to index
          %get3A_833 = arith.constant 32 : index
          %get3A_834 = tpu.vector_load %arg11[%get3A_832, %get3A_833] {strides = array<i32>} : memref<80x128xf32, #tpu.memory_space<vmem>>, vector<1x16xf32>,
          %get3A_835 = vector.shape_cast %get3A_834 : vector<1x16xf32> to vector<16xf32>
          %mul3A_836 = arith.mulf %get3A_835, %broadcast_in_dim3A_807 : vector<16xf32>
          %swap3A_837 = arith.index_cast %add3A_811 : i32 to index
          %swap3A_838 = arith.constant 32 : index
          %swap3A_839 = tpu.vector_load %arg11[%swap3A_837, %swap3A_838] {strides = array<i32>} : memref<80x128xf32, #tpu.memory_space<vmem>>, vector<1x16xf32>,
          %swap3A_840 = vector.shape_cast %swap3A_839 : vector<1x16xf32> to vector<16xf32>
          %swap3A_841 = vector.shape_cast %mul3A_836 : vector<16xf32> to vector<1x16xf32>
          tpu.vector_store %arg11[%swap3A_837, %swap3A_838], %swap3A_841 {strides = array<i32>} : memref<80x128xf32, #tpu.memory_space<vmem>>, vector<1x16xf32>,
          %get3A_842 = arith.index_cast %add3A_811 : i32 to index
          %get3A_843 = arith.constant 48 : index
          %get3A_844 = tpu.vector_load %arg11[%get3A_842, %get3A_843] {strides = array<i32>} : memref<80x128xf32, #tpu.memory_space<vmem>>, vector<1x16xf32>,
          %get3A_845 = vector.shape_cast %get3A_844 : vector<1x16xf32> to vector<16xf32>
          %mul3A_846 = arith.mulf %get3A_845, %broadcast_in_dim3A_807 : vector<16xf32>
          %swap3A_847 = arith.index_cast %add3A_811 : i32 to index
          %swap3A_848 = arith.constant 48 : index
          %swap3A_849 = tpu.vector_load %arg11[%swap3A_847, %swap3A_848] {strides = array<i32>} : memref<80x128xf32, #tpu.memory_space<vmem>>, vector<1x16xf32>,
          %swap3A_850 = vector.shape_cast %swap3A_849 : vector<1x16xf32> to vector<16xf32>
          %swap3A_851 = vector.shape_cast %mul3A_846 : vector<16xf32> to vector<1x16xf32>
          tpu.vector_store %arg11[%swap3A_847, %swap3A_848], %swap3A_851 {strides = array<i32>} : memref<80x128xf32, #tpu.memory_space<vmem>>, vector<1x16xf32>,
          %get3A_852 = arith.index_cast %add3A_811 : i32 to index
          %get3A_853 = arith.constant 64 : index
          %get3A_854 = tpu.vector_load %arg11[%get3A_852, %get3A_853] {strides = array<i32>} : memref<80x128xf32, #tpu.memory_space<vmem>>, vector<1x16xf32>,
          %get3A_855 = vector.shape_cast %get3A_854 : vector<1x16xf32> to vector<16xf32>
          %mul3A_856 = arith.mulf %get3A_855, %broadcast_in_dim3A_807 : vector<16xf32>
          %swap3A_857 = arith.index_cast %add3A_811 : i32 to index
          %swap3A_858 = arith.constant 64 : index
          %swap3A_859 = tpu.vector_load %arg11[%swap3A_857, %swap3A_858] {strides = array<i32>} : memref<80x128xf32, #tpu.memory_space<vmem>>, vector<1x16xf32>,
          %swap3A_860 = vector.shape_cast %swap3A_859 : vector<1x16xf32> to vector<16xf32>
          %swap3A_861 = vector.shape_cast %mul3A_856 : vector<16xf32> to vector<1x16xf32>
          tpu.vector_store %arg11[%swap3A_857, %swap3A_858], %swap3A_861 {strides = array<i32>} : memref<80x128xf32, #tpu.memory_space<vmem>>, vector<1x16xf32>,
          %get3A_862 = arith.index_cast %add3A_811 : i32 to index
          %get3A_863 = arith.constant 80 : index
          %get3A_864 = tpu.vector_load %arg11[%get3A_862, %get3A_863] {strides = array<i32>} : memref<80x128xf32, #tpu.memory_space<vmem>>, vector<1x16xf32>,
          %get3A_865 = vector.shape_cast %get3A_864 : vector<1x16xf32> to vector<16xf32>
          %mul3A_866 = arith.mulf %get3A_865, %broadcast_in_dim3A_807 : vector<16xf32>
          %swap3A_867 = arith.index_cast %add3A_811 : i32 to index
          %swap3A_868 = arith.constant 80 : index
          %swap3A_869 = tpu.vector_load %arg11[%swap3A_867, %swap3A_868] {strides = array<i32>} : memref<80x128xf32, #tpu.memory_space<vmem>>, vector<1x16xf32>,
          %swap3A_870 = vector.shape_cast %swap3A_869 : vector<1x16xf32> to vector<16xf32>
          %swap3A_871 = vector.shape_cast %mul3A_866 : vector<16xf32> to vector<1x16xf32>
          tpu.vector_store %arg11[%swap3A_867, %swap3A_868], %swap3A_871 {strides = array<i32>} : memref<80x128xf32, #tpu.memory_space<vmem>>, vector<1x16xf32>,
          %get3A_872 = arith.index_cast %add3A_811 : i32 to index
          %get3A_873 = arith.constant 96 : index
          %get3A_874 = tpu.vector_load %arg11[%get3A_872, %get3A_873] {strides = array<i32>} : memref<80x128xf32, #tpu.memory_space<vmem>>, vector<1x16xf32>,
          %get3A_875 = vector.shape_cast %get3A_874 : vector<1x16xf32> to vector<16xf32>
          %mul3A_876 = arith.mulf %get3A_875, %broadcast_in_dim3A_807 : vector<16xf32>
          %swap3A_877 = arith.index_cast %add3A_811 : i32 to index
          %swap3A_878 = arith.constant 96 : index
          %swap3A_879 = tpu.vector_load %arg11[%swap3A_877, %swap3A_878] {strides = array<i32>} : memref<80x128xf32, #tpu.memory_space<vmem>>, vector<1x16xf32>,
          %swap3A_880 = vector.shape_cast %swap3A_879 : vector<1x16xf32> to vector<16xf32>
          %swap3A_881 = vector.shape_cast %mul3A_876 : vector<16xf32> to vector<1x16xf32>
          tpu.vector_store %arg11[%swap3A_877, %swap3A_878], %swap3A_881 {strides = array<i32>} : memref<80x128xf32, #tpu.memory_space<vmem>>, vector<1x16xf32>,
          %get3A_882 = arith.index_cast %add3A_811 : i32 to index
          %get3A_883 = arith.constant 112 : index
          %get3A_884 = tpu.vector_load %arg11[%get3A_882, %get3A_883] {strides = array<i32>} : memref<80x128xf32, #tpu.memory_space<vmem>>, vector<1x16xf32>,
          %get3A_885 = vector.shape_cast %get3A_884 : vector<1x16xf32> to vector<16xf32>
          %mul3A_886 = arith.mulf %get3A_885, %broadcast_in_dim3A_807 : vector<16xf32>
          %swap3A_887 = arith.index_cast %add3A_811 : i32 to index
          %swap3A_888 = arith.constant 112 : index
          %swap3A_889 = tpu.vector_load %arg11[%swap3A_887, %swap3A_888] {strides = array<i32>} : memref<80x128xf32, #tpu.memory_space<vmem>>, vector<1x16xf32>,
          %swap3A_890 = vector.shape_cast %swap3A_889 : vector<1x16xf32> to vector<16xf32>
          %swap3A_891 = vector.shape_cast %mul3A_886 : vector<16xf32> to vector<1x16xf32>
          tpu.vector_store %arg11[%swap3A_887, %swap3A_888], %swap3A_891 {strides = array<i32>} : memref<80x128xf32, #tpu.memory_space<vmem>>, vector<1x16xf32>,
          %slice3A_892 = vector.extract_strided_slice %get3A_198 {offsets = [8], sizes = [1], strides = [1]} : vector<16xf32> to vector<1xf32>
          %squeeze3A_893 = vector.extract %slice3A_892[0] : f32 from vector<1xf32>
          %broadcast_in_dim3A_894 = vector.broadcast %squeeze3A_893 : f32 to vector<16xf32>
          %mul3A_895 = arith.constant 16 : i32
          %mul3A_896 = arith.muli %scan3A_193, %mul3A_895 : i32
          %add3A_897 = arith.constant 8 : i32
          %add3A_898 = arith.addi %mul3A_896, %add3A_897 : i32
          %get3A_899 = arith.index_cast %add3A_898 : i32 to index
          %get3A_900 = arith.constant 0 : index
          %get3A_901 = tpu.vector_load %arg11[%get3A_899, %get3A_900] {strides = array<i32>} : memref<80x128xf32, #tpu.memory_space<vmem>>, vector<1x16xf32>,
          %get3A_902 = vector.shape_cast %get3A_901 : vector<1x16xf32> to vector<16xf32>
          %mul3A_903 = arith.mulf %get3A_902, %broadcast_in_dim3A_894 : vector<16xf32>
          %swap3A_904 = arith.index_cast %add3A_898 : i32 to index
          %swap3A_905 = arith.constant 0 : index
          %swap3A_906 = tpu.vector_load %arg11[%swap3A_904, %swap3A_905] {strides = array<i32>} : memref<80x128xf32, #tpu.memory_space<vmem>>, vector<1x16xf32>,
          %swap3A_907 = vector.shape_cast %swap3A_906 : vector<1x16xf32> to vector<16xf32>
          %swap3A_908 = vector.shape_cast %mul3A_903 : vector<16xf32> to vector<1x16xf32>
          tpu.vector_store %arg11[%swap3A_904, %swap3A_905], %swap3A_908 {strides = array<i32>} : memref<80x128xf32, #tpu.memory_space<vmem>>, vector<1x16xf32>,
          %get3A_909 = arith.index_cast %add3A_898 : i32 to index
          %get3A_910 = arith.constant 16 : index
          %get3A_911 = tpu.vector_load %arg11[%get3A_909, %get3A_910] {strides = array<i32>} : memref<80x128xf32, #tpu.memory_space<vmem>>, vector<1x16xf32>,
          %get3A_912 = vector.shape_cast %get3A_911 : vector<1x16xf32> to vector<16xf32>
          %mul3A_913 = arith.mulf %get3A_912, %broadcast_in_dim3A_894 : vector<16xf32>
          %swap3A_914 = arith.index_cast %add3A_898 : i32 to index
          %swap3A_915 = arith.constant 16 : index
          %swap3A_916 = tpu.vector_load %arg11[%swap3A_914, %swap3A_915] {strides = array<i32>} : memref<80x128xf32, #tpu.memory_space<vmem>>, vector<1x16xf32>,
          %swap3A_917 = vector.shape_cast %swap3A_916 : vector<1x16xf32> to vector<16xf32>
          %swap3A_918 = vector.shape_cast %mul3A_913 : vector<16xf32> to vector<1x16xf32>
          tpu.vector_store %arg11[%swap3A_914, %swap3A_915], %swap3A_918 {strides = array<i32>} : memref<80x128xf32, #tpu.memory_space<vmem>>, vector<1x16xf32>,
          %get3A_919 = arith.index_cast %add3A_898 : i32 to index
          %get3A_920 = arith.constant 32 : index
          %get3A_921 = tpu.vector_load %arg11[%get3A_919, %get3A_920] {strides = array<i32>} : memref<80x128xf32, #tpu.memory_space<vmem>>, vector<1x16xf32>,
          %get3A_922 = vector.shape_cast %get3A_921 : vector<1x16xf32> to vector<16xf32>
          %mul3A_923 = arith.mulf %get3A_922, %broadcast_in_dim3A_894 : vector<16xf32>
          %swap3A_924 = arith.index_cast %add3A_898 : i32 to index
          %swap3A_925 = arith.constant 32 : index
          %swap3A_926 = tpu.vector_load %arg11[%swap3A_924, %swap3A_925] {strides = array<i32>} : memref<80x128xf32, #tpu.memory_space<vmem>>, vector<1x16xf32>,
          %swap3A_927 = vector.shape_cast %swap3A_926 : vector<1x16xf32> to vector<16xf32>
          %swap3A_928 = vector.shape_cast %mul3A_923 : vector<16xf32> to vector<1x16xf32>
          tpu.vector_store %arg11[%swap3A_924, %swap3A_925], %swap3A_928 {strides = array<i32>} : memref<80x128xf32, #tpu.memory_space<vmem>>, vector<1x16xf32>,
          %get3A_929 = arith.index_cast %add3A_898 : i32 to index
          %get3A_930 = arith.constant 48 : index
          %get3A_931 = tpu.vector_load %arg11[%get3A_929, %get3A_930] {strides = array<i32>} : memref<80x128xf32, #tpu.memory_space<vmem>>, vector<1x16xf32>,
          %get3A_932 = vector.shape_cast %get3A_931 : vector<1x16xf32> to vector<16xf32>
          %mul3A_933 = arith.mulf %get3A_932, %broadcast_in_dim3A_894 : vector<16xf32>
          %swap3A_934 = arith.index_cast %add3A_898 : i32 to index
          %swap3A_935 = arith.constant 48 : index
          %swap3A_936 = tpu.vector_load %arg11[%swap3A_934, %swap3A_935] {strides = array<i32>} : memref<80x128xf32, #tpu.memory_space<vmem>>, vector<1x16xf32>,
          %swap3A_937 = vector.shape_cast %swap3A_936 : vector<1x16xf32> to vector<16xf32>
          %swap3A_938 = vector.shape_cast %mul3A_933 : vector<16xf32> to vector<1x16xf32>
          tpu.vector_store %arg11[%swap3A_934, %swap3A_935], %swap3A_938 {strides = array<i32>} : memref<80x128xf32, #tpu.memory_space<vmem>>, vector<1x16xf32>,
          %get3A_939 = arith.index_cast %add3A_898 : i32 to index
          %get3A_940 = arith.constant 64 : index
          %get3A_941 = tpu.vector_load %arg11[%get3A_939, %get3A_940] {strides = array<i32>} : memref<80x128xf32, #tpu.memory_space<vmem>>, vector<1x16xf32>,
          %get3A_942 = vector.shape_cast %get3A_941 : vector<1x16xf32> to vector<16xf32>
          %mul3A_943 = arith.mulf %get3A_942, %broadcast_in_dim3A_894 : vector<16xf32>
          %swap3A_944 = arith.index_cast %add3A_898 : i32 to index
          %swap3A_945 = arith.constant 64 : index
          %swap3A_946 = tpu.vector_load %arg11[%swap3A_944, %swap3A_945] {strides = array<i32>} : memref<80x128xf32, #tpu.memory_space<vmem>>, vector<1x16xf32>,
          %swap3A_947 = vector.shape_cast %swap3A_946 : vector<1x16xf32> to vector<16xf32>
          %swap3A_948 = vector.shape_cast %mul3A_943 : vector<16xf32> to vector<1x16xf32>
          tpu.vector_store %arg11[%swap3A_944, %swap3A_945], %swap3A_948 {strides = array<i32>} : memref<80x128xf32, #tpu.memory_space<vmem>>, vector<1x16xf32>,
          %get3A_949 = arith.index_cast %add3A_898 : i32 to index
          %get3A_950 = arith.constant 80 : index
          %get3A_951 = tpu.vector_load %arg11[%get3A_949, %get3A_950] {strides = array<i32>} : memref<80x128xf32, #tpu.memory_space<vmem>>, vector<1x16xf32>,
          %get3A_952 = vector.shape_cast %get3A_951 : vector<1x16xf32> to vector<16xf32>
          %mul3A_953 = arith.mulf %get3A_952, %broadcast_in_dim3A_894 : vector<16xf32>
          %swap3A_954 = arith.index_cast %add3A_898 : i32 to index
          %swap3A_955 = arith.constant 80 : index
          %swap3A_956 = tpu.vector_load %arg11[%swap3A_954, %swap3A_955] {strides = array<i32>} : memref<80x128xf32, #tpu.memory_space<vmem>>, vector<1x16xf32>,
          %swap3A_957 = vector.shape_cast %swap3A_956 : vector<1x16xf32> to vector<16xf32>
          %swap3A_958 = vector.shape_cast %mul3A_953 : vector<16xf32> to vector<1x16xf32>
          tpu.vector_store %arg11[%swap3A_954, %swap3A_955], %swap3A_958 {strides = array<i32>} : memref<80x128xf32, #tpu.memory_space<vmem>>, vector<1x16xf32>,
          %get3A_959 = arith.index_cast %add3A_898 : i32 to index
          %get3A_960 = arith.constant 96 : index
          %get3A_961 = tpu.vector_load %arg11[%get3A_959, %get3A_960] {strides = array<i32>} : memref<80x128xf32, #tpu.memory_space<vmem>>, vector<1x16xf32>,
          %get3A_962 = vector.shape_cast %get3A_961 : vector<1x16xf32> to vector<16xf32>
          %mul3A_963 = arith.mulf %get3A_962, %broadcast_in_dim3A_894 : vector<16xf32>
          %swap3A_964 = arith.index_cast %add3A_898 : i32 to index
          %swap3A_965 = arith.constant 96 : index
          %swap3A_966 = tpu.vector_load %arg11[%swap3A_964, %swap3A_965] {strides = array<i32>} : memref<80x128xf32, #tpu.memory_space<vmem>>, vector<1x16xf32>,
          %swap3A_967 = vector.shape_cast %swap3A_966 : vector<1x16xf32> to vector<16xf32>
          %swap3A_968 = vector.shape_cast %mul3A_963 : vector<16xf32> to vector<1x16xf32>
          tpu.vector_store %arg11[%swap3A_964, %swap3A_965], %swap3A_968 {strides = array<i32>} : memref<80x128xf32, #tpu.memory_space<vmem>>, vector<1x16xf32>,
          %get3A_969 = arith.index_cast %add3A_898 : i32 to index
          %get3A_970 = arith.constant 112 : index
          %get3A_971 = tpu.vector_load %arg11[%get3A_969, %get3A_970] {strides = array<i32>} : memref<80x128xf32, #tpu.memory_space<vmem>>, vector<1x16xf32>,
          %get3A_972 = vector.shape_cast %get3A_971 : vector<1x16xf32> to vector<16xf32>
          %mul3A_973 = arith.mulf %get3A_972, %broadcast_in_dim3A_894 : vector<16xf32>
          %swap3A_974 = arith.index_cast %add3A_898 : i32 to index
          %swap3A_975 = arith.constant 112 : index
          %swap3A_976 = tpu.vector_load %arg11[%swap3A_974, %swap3A_975] {strides = array<i32>} : memref<80x128xf32, #tpu.memory_space<vmem>>, vector<1x16xf32>,
          %swap3A_977 = vector.shape_cast %swap3A_976 : vector<1x16xf32> to vector<16xf32>
          %swap3A_978 = vector.shape_cast %mul3A_973 : vector<16xf32> to vector<1x16xf32>
          tpu.vector_store %arg11[%swap3A_974, %swap3A_975], %swap3A_978 {strides = array<i32>} : memref<80x128xf32, #tpu.memory_space<vmem>>, vector<1x16xf32>,
          %slice3A_979 = vector.extract_strided_slice %get3A_198 {offsets = [9], sizes = [1], strides = [1]} : vector<16xf32> to vector<1xf32>
          %squeeze3A_980 = vector.extract %slice3A_979[0] : f32 from vector<1xf32>
          %broadcast_in_dim3A_981 = vector.broadcast %squeeze3A_980 : f32 to vector<16xf32>
          %mul3A_982 = arith.constant 16 : i32
          %mul3A_983 = arith.muli %scan3A_193, %mul3A_982 : i32
          %add3A_984 = arith.constant 9 : i32
          %add3A_985 = arith.addi %mul3A_983, %add3A_984 : i32
          %get3A_986 = arith.index_cast %add3A_985 : i32 to index
          %get3A_987 = arith.constant 0 : index
          %get3A_988 = tpu.vector_load %arg11[%get3A_986, %get3A_987] {strides = array<i32>} : memref<80x128xf32, #tpu.memory_space<vmem>>, vector<1x16xf32>,
          %get3A_989 = vector.shape_cast %get3A_988 : vector<1x16xf32> to vector<16xf32>
          %mul3A_990 = arith.mulf %get3A_989, %broadcast_in_dim3A_981 : vector<16xf32>
          %swap3A_991 = arith.index_cast %add3A_985 : i32 to index
          %swap3A_992 = arith.constant 0 : index
          %swap3A_993 = tpu.vector_load %arg11[%swap3A_991, %swap3A_992] {strides = array<i32>} : memref<80x128xf32, #tpu.memory_space<vmem>>, vector<1x16xf32>,
          %swap3A_994 = vector.shape_cast %swap3A_993 : vector<1x16xf32> to vector<16xf32>
          %swap3A_995 = vector.shape_cast %mul3A_990 : vector<16xf32> to vector<1x16xf32>
          tpu.vector_store %arg11[%swap3A_991, %swap3A_992], %swap3A_995 {strides = array<i32>} : memref<80x128xf32, #tpu.memory_space<vmem>>, vector<1x16xf32>,
          %get3A_996 = arith.index_cast %add3A_985 : i32 to index
          %get3A_997 = arith.constant 16 : index
          %get3A_998 = tpu.vector_load %arg11[%get3A_996, %get3A_997] {strides = array<i32>} : memref<80x128xf32, #tpu.memory_space<vmem>>, vector<1x16xf32>,
          %get3A_999 = vector.shape_cast %get3A_998 : vector<1x16xf32> to vector<16xf32>
          %mul3A_1000 = arith.mulf %get3A_999, %broadcast_in_dim3A_981 : vector<16xf32>
          %swap3A_1001 = arith.index_cast %add3A_985 : i32 to index
          %swap3A_1002 = arith.constant 16 : index
          %swap3A_1003 = tpu.vector_load %arg11[%swap3A_1001, %swap3A_1002] {strides = array<i32>} : memref<80x128xf32, #tpu.memory_space<vmem>>, vector<1x16xf32>,
          %swap3A_1004 = vector.shape_cast %swap3A_1003 : vector<1x16xf32> to vector<16xf32>
          %swap3A_1005 = vector.shape_cast %mul3A_1000 : vector<16xf32> to vector<1x16xf32>
          tpu.vector_store %arg11[%swap3A_1001, %swap3A_1002], %swap3A_1005 {strides = array<i32>} : memref<80x128xf32, #tpu.memory_space<vmem>>, vector<1x16xf32>,
          %get3A_1006 = arith.index_cast %add3A_985 : i32 to index
          %get3A_1007 = arith.constant 32 : index
          %get3A_1008 = tpu.vector_load %arg11[%get3A_1006, %get3A_1007] {strides = array<i32>} : memref<80x128xf32, #tpu.memory_space<vmem>>, vector<1x16xf32>,
          %get3A_1009 = vector.shape_cast %get3A_1008 : vector<1x16xf32> to vector<16xf32>
          %mul3A_1010 = arith.mulf %get3A_1009, %broadcast_in_dim3A_981 : vector<16xf32>
          %swap3A_1011 = arith.index_cast %add3A_985 : i32 to index
          %swap3A_1012 = arith.constant 32 : index
          %swap3A_1013 = tpu.vector_load %arg11[%swap3A_1011, %swap3A_1012] {strides = array<i32>} : memref<80x128xf32, #tpu.memory_space<vmem>>, vector<1x16xf32>,
          %swap3A_1014 = vector.shape_cast %swap3A_1013 : vector<1x16xf32> to vector<16xf32>
          %swap3A_1015 = vector.shape_cast %mul3A_1010 : vector<16xf32> to vector<1x16xf32>
          tpu.vector_store %arg11[%swap3A_1011, %swap3A_1012], %swap3A_1015 {strides = array<i32>} : memref<80x128xf32, #tpu.memory_space<vmem>>, vector<1x16xf32>,
          %get3A_1016 = arith.index_cast %add3A_985 : i32 to index
          %get3A_1017 = arith.constant 48 : index
          %get3A_1018 = tpu.vector_load %arg11[%get3A_1016, %get3A_1017] {strides = array<i32>} : memref<80x128xf32, #tpu.memory_space<vmem>>, vector<1x16xf32>,
          %get3A_1019 = vector.shape_cast %get3A_1018 : vector<1x16xf32> to vector<16xf32>
          %mul3A_1020 = arith.mulf %get3A_1019, %broadcast_in_dim3A_981 : vector<16xf32>
          %swap3A_1021 = arith.index_cast %add3A_985 : i32 to index
          %swap3A_1022 = arith.constant 48 : index
          %swap3A_1023 = tpu.vector_load %arg11[%swap3A_1021, %swap3A_1022] {strides = array<i32>} : memref<80x128xf32, #tpu.memory_space<vmem>>, vector<1x16xf32>,
          %swap3A_1024 = vector.shape_cast %swap3A_1023 : vector<1x16xf32> to vector<16xf32>
          %swap3A_1025 = vector.shape_cast %mul3A_1020 : vector<16xf32> to vector<1x16xf32>
          tpu.vector_store %arg11[%swap3A_1021, %swap3A_1022], %swap3A_1025 {strides = array<i32>} : memref<80x128xf32, #tpu.memory_space<vmem>>, vector<1x16xf32>,
          %get3A_1026 = arith.index_cast %add3A_985 : i32 to index
          %get3A_1027 = arith.constant 64 : index
          %get3A_1028 = tpu.vector_load %arg11[%get3A_1026, %get3A_1027] {strides = array<i32>} : memref<80x128xf32, #tpu.memory_space<vmem>>, vector<1x16xf32>,
          %get3A_1029 = vector.shape_cast %get3A_1028 : vector<1x16xf32> to vector<16xf32>
          %mul3A_1030 = arith.mulf %get3A_1029, %broadcast_in_dim3A_981 : vector<16xf32>
          %swap3A_1031 = arith.index_cast %add3A_985 : i32 to index
          %swap3A_1032 = arith.constant 64 : index
          %swap3A_1033 = tpu.vector_load %arg11[%swap3A_1031, %swap3A_1032] {strides = array<i32>} : memref<80x128xf32, #tpu.memory_space<vmem>>, vector<1x16xf32>,
          %swap3A_1034 = vector.shape_cast %swap3A_1033 : vector<1x16xf32> to vector<16xf32>
          %swap3A_1035 = vector.shape_cast %mul3A_1030 : vector<16xf32> to vector<1x16xf32>
          tpu.vector_store %arg11[%swap3A_1031, %swap3A_1032], %swap3A_1035 {strides = array<i32>} : memref<80x128xf32, #tpu.memory_space<vmem>>, vector<1x16xf32>,
          %get3A_1036 = arith.index_cast %add3A_985 : i32 to index
          %get3A_1037 = arith.constant 80 : index
          %get3A_1038 = tpu.vector_load %arg11[%get3A_1036, %get3A_1037] {strides = array<i32>} : memref<80x128xf32, #tpu.memory_space<vmem>>, vector<1x16xf32>,
          %get3A_1039 = vector.shape_cast %get3A_1038 : vector<1x16xf32> to vector<16xf32>
          %mul3A_1040 = arith.mulf %get3A_1039, %broadcast_in_dim3A_981 : vector<16xf32>
          %swap3A_1041 = arith.index_cast %add3A_985 : i32 to index
          %swap3A_1042 = arith.constant 80 : index
          %swap3A_1043 = tpu.vector_load %arg11[%swap3A_1041, %swap3A_1042] {strides = array<i32>} : memref<80x128xf32, #tpu.memory_space<vmem>>, vector<1x16xf32>,
          %swap3A_1044 = vector.shape_cast %swap3A_1043 : vector<1x16xf32> to vector<16xf32>
          %swap3A_1045 = vector.shape_cast %mul3A_1040 : vector<16xf32> to vector<1x16xf32>
          tpu.vector_store %arg11[%swap3A_1041, %swap3A_1042], %swap3A_1045 {strides = array<i32>} : memref<80x128xf32, #tpu.memory_space<vmem>>, vector<1x16xf32>,
          %get3A_1046 = arith.index_cast %add3A_985 : i32 to index
          %get3A_1047 = arith.constant 96 : index
          %get3A_1048 = tpu.vector_load %arg11[%get3A_1046, %get3A_1047] {strides = array<i32>} : memref<80x128xf32, #tpu.memory_space<vmem>>, vector<1x16xf32>,
          %get3A_1049 = vector.shape_cast %get3A_1048 : vector<1x16xf32> to vector<16xf32>
          %mul3A_1050 = arith.mulf %get3A_1049, %broadcast_in_dim3A_981 : vector<16xf32>
          %swap3A_1051 = arith.index_cast %add3A_985 : i32 to index
          %swap3A_1052 = arith.constant 96 : index
          %swap3A_1053 = tpu.vector_load %arg11[%swap3A_1051, %swap3A_1052] {strides = array<i32>} : memref<80x128xf32, #tpu.memory_space<vmem>>, vector<1x16xf32>,
          %swap3A_1054 = vector.shape_cast %swap3A_1053 : vector<1x16xf32> to vector<16xf32>
          %swap3A_1055 = vector.shape_cast %mul3A_1050 : vector<16xf32> to vector<1x16xf32>
          tpu.vector_store %arg11[%swap3A_1051, %swap3A_1052], %swap3A_1055 {strides = array<i32>} : memref<80x128xf32, #tpu.memory_space<vmem>>, vector<1x16xf32>,
          %get3A_1056 = arith.index_cast %add3A_985 : i32 to index
          %get3A_1057 = arith.constant 112 : index
          %get3A_1058 = tpu.vector_load %arg11[%get3A_1056, %get3A_1057] {strides = array<i32>} : memref<80x128xf32, #tpu.memory_space<vmem>>, vector<1x16xf32>,
          %get3A_1059 = vector.shape_cast %get3A_1058 : vector<1x16xf32> to vector<16xf32>
          %mul3A_1060 = arith.mulf %get3A_1059, %broadcast_in_dim3A_981 : vector<16xf32>
          %swap3A_1061 = arith.index_cast %add3A_985 : i32 to index
          %swap3A_1062 = arith.constant 112 : index
          %swap3A_1063 = tpu.vector_load %arg11[%swap3A_1061, %swap3A_1062] {strides = array<i32>} : memref<80x128xf32, #tpu.memory_space<vmem>>, vector<1x16xf32>,
          %swap3A_1064 = vector.shape_cast %swap3A_1063 : vector<1x16xf32> to vector<16xf32>
          %swap3A_1065 = vector.shape_cast %mul3A_1060 : vector<16xf32> to vector<1x16xf32>
          tpu.vector_store %arg11[%swap3A_1061, %swap3A_1062], %swap3A_1065 {strides = array<i32>} : memref<80x128xf32, #tpu.memory_space<vmem>>, vector<1x16xf32>,
          %slice3A_1066 = vector.extract_strided_slice %get3A_198 {offsets = [10], sizes = [1], strides = [1]} : vector<16xf32> to vector<1xf32>
          %squeeze3A_1067 = vector.extract %slice3A_1066[0] : f32 from vector<1xf32>
          %broadcast_in_dim3A_1068 = vector.broadcast %squeeze3A_1067 : f32 to vector<16xf32>
          %mul3A_1069 = arith.constant 16 : i32
          %mul3A_1070 = arith.muli %scan3A_193, %mul3A_1069 : i32
          %add3A_1071 = arith.constant 10 : i32
          %add3A_1072 = arith.addi %mul3A_1070, %add3A_1071 : i32
          %get3A_1073 = arith.index_cast %add3A_1072 : i32 to index
          %get3A_1074 = arith.constant 0 : index
          %get3A_1075 = tpu.vector_load %arg11[%get3A_1073, %get3A_1074] {strides = array<i32>} : memref<80x128xf32, #tpu.memory_space<vmem>>, vector<1x16xf32>,
          %get3A_1076 = vector.shape_cast %get3A_1075 : vector<1x16xf32> to vector<16xf32>
          %mul3A_1077 = arith.mulf %get3A_1076, %broadcast_in_dim3A_1068 : vector<16xf32>
          %swap3A_1078 = arith.index_cast %add3A_1072 : i32 to index
          %swap3A_1079 = arith.constant 0 : index
          %swap3A_1080 = tpu.vector_load %arg11[%swap3A_1078, %swap3A_1079] {strides = array<i32>} : memref<80x128xf32, #tpu.memory_space<vmem>>, vector<1x16xf32>,
          %swap3A_1081 = vector.shape_cast %swap3A_1080 : vector<1x16xf32> to vector<16xf32>
          %swap3A_1082 = vector.shape_cast %mul3A_1077 : vector<16xf32> to vector<1x16xf32>
          tpu.vector_store %arg11[%swap3A_1078, %swap3A_1079], %swap3A_1082 {strides = array<i32>} : memref<80x128xf32, #tpu.memory_space<vmem>>, vector<1x16xf32>,
          %get3A_1083 = arith.index_cast %add3A_1072 : i32 to index
          %get3A_1084 = arith.constant 16 : index
          %get3A_1085 = tpu.vector_load %arg11[%get3A_1083, %get3A_1084] {strides = array<i32>} : memref<80x128xf32, #tpu.memory_space<vmem>>, vector<1x16xf32>,
          %get3A_1086 = vector.shape_cast %get3A_1085 : vector<1x16xf32> to vector<16xf32>
          %mul3A_1087 = arith.mulf %get3A_1086, %broadcast_in_dim3A_1068 : vector<16xf32>
          %swap3A_1088 = arith.index_cast %add3A_1072 : i32 to index
          %swap3A_1089 = arith.constant 16 : index
          %swap3A_1090 = tpu.vector_load %arg11[%swap3A_1088, %swap3A_1089] {strides = array<i32>} : memref<80x128xf32, #tpu.memory_space<vmem>>, vector<1x16xf32>,
          %swap3A_1091 = vector.shape_cast %swap3A_1090 : vector<1x16xf32> to vector<16xf32>
          %swap3A_1092 = vector.shape_cast %mul3A_1087 : vector<16xf32> to vector<1x16xf32>
          tpu.vector_store %arg11[%swap3A_1088, %swap3A_1089], %swap3A_1092 {strides = array<i32>} : memref<80x128xf32, #tpu.memory_space<vmem>>, vector<1x16xf32>,
          %get3A_1093 = arith.index_cast %add3A_1072 : i32 to index
          %get3A_1094 = arith.constant 32 : index
          %get3A_1095 = tpu.vector_load %arg11[%get3A_1093, %get3A_1094] {strides = array<i32>} : memref<80x128xf32, #tpu.memory_space<vmem>>, vector<1x16xf32>,
          %get3A_1096 = vector.shape_cast %get3A_1095 : vector<1x16xf32> to vector<16xf32>
          %mul3A_1097 = arith.mulf %get3A_1096, %broadcast_in_dim3A_1068 : vector<16xf32>
          %swap3A_1098 = arith.index_cast %add3A_1072 : i32 to index
          %swap3A_1099 = arith.constant 32 : index
          %swap3A_1100 = tpu.vector_load %arg11[%swap3A_1098, %swap3A_1099] {strides = array<i32>} : memref<80x128xf32, #tpu.memory_space<vmem>>, vector<1x16xf32>,
          %swap3A_1101 = vector.shape_cast %swap3A_1100 : vector<1x16xf32> to vector<16xf32>
          %swap3A_1102 = vector.shape_cast %mul3A_1097 : vector<16xf32> to vector<1x16xf32>
          tpu.vector_store %arg11[%swap3A_1098, %swap3A_1099], %swap3A_1102 {strides = array<i32>} : memref<80x128xf32, #tpu.memory_space<vmem>>, vector<1x16xf32>,
          %get3A_1103 = arith.index_cast %add3A_1072 : i32 to index
          %get3A_1104 = arith.constant 48 : index
          %get3A_1105 = tpu.vector_load %arg11[%get3A_1103, %get3A_1104] {strides = array<i32>} : memref<80x128xf32, #tpu.memory_space<vmem>>, vector<1x16xf32>,
          %get3A_1106 = vector.shape_cast %get3A_1105 : vector<1x16xf32> to vector<16xf32>
          %mul3A_1107 = arith.mulf %get3A_1106, %broadcast_in_dim3A_1068 : vector<16xf32>
          %swap3A_1108 = arith.index_cast %add3A_1072 : i32 to index
          %swap3A_1109 = arith.constant 48 : index
          %swap3A_1110 = tpu.vector_load %arg11[%swap3A_1108, %swap3A_1109] {strides = array<i32>} : memref<80x128xf32, #tpu.memory_space<vmem>>, vector<1x16xf32>,
          %swap3A_1111 = vector.shape_cast %swap3A_1110 : vector<1x16xf32> to vector<16xf32>
          %swap3A_1112 = vector.shape_cast %mul3A_1107 : vector<16xf32> to vector<1x16xf32>
          tpu.vector_store %arg11[%swap3A_1108, %swap3A_1109], %swap3A_1112 {strides = array<i32>} : memref<80x128xf32, #tpu.memory_space<vmem>>, vector<1x16xf32>,
          %get3A_1113 = arith.index_cast %add3A_1072 : i32 to index
          %get3A_1114 = arith.constant 64 : index
          %get3A_1115 = tpu.vector_load %arg11[%get3A_1113, %get3A_1114] {strides = array<i32>} : memref<80x128xf32, #tpu.memory_space<vmem>>, vector<1x16xf32>,
          %get3A_1116 = vector.shape_cast %get3A_1115 : vector<1x16xf32> to vector<16xf32>
          %mul3A_1117 = arith.mulf %get3A_1116, %broadcast_in_dim3A_1068 : vector<16xf32>
          %swap3A_1118 = arith.index_cast %add3A_1072 : i32 to index
          %swap3A_1119 = arith.constant 64 : index
          %swap3A_1120 = tpu.vector_load %arg11[%swap3A_1118, %swap3A_1119] {strides = array<i32>} : memref<80x128xf32, #tpu.memory_space<vmem>>, vector<1x16xf32>,
          %swap3A_1121 = vector.shape_cast %swap3A_1120 : vector<1x16xf32> to vector<16xf32>
          %swap3A_1122 = vector.shape_cast %mul3A_1117 : vector<16xf32> to vector<1x16xf32>
          tpu.vector_store %arg11[%swap3A_1118, %swap3A_1119], %swap3A_1122 {strides = array<i32>} : memref<80x128xf32, #tpu.memory_space<vmem>>, vector<1x16xf32>,
          %get3A_1123 = arith.index_cast %add3A_1072 : i32 to index
          %get3A_1124 = arith.constant 80 : index
          %get3A_1125 = tpu.vector_load %arg11[%get3A_1123, %get3A_1124] {strides = array<i32>} : memref<80x128xf32, #tpu.memory_space<vmem>>, vector<1x16xf32>,
          %get3A_1126 = vector.shape_cast %get3A_1125 : vector<1x16xf32> to vector<16xf32>
          %mul3A_1127 = arith.mulf %get3A_1126, %broadcast_in_dim3A_1068 : vector<16xf32>
          %swap3A_1128 = arith.index_cast %add3A_1072 : i32 to index
          %swap3A_1129 = arith.constant 80 : index
          %swap3A_1130 = tpu.vector_load %arg11[%swap3A_1128, %swap3A_1129] {strides = array<i32>} : memref<80x128xf32, #tpu.memory_space<vmem>>, vector<1x16xf32>,
          %swap3A_1131 = vector.shape_cast %swap3A_1130 : vector<1x16xf32> to vector<16xf32>
          %swap3A_1132 = vector.shape_cast %mul3A_1127 : vector<16xf32> to vector<1x16xf32>
          tpu.vector_store %arg11[%swap3A_1128, %swap3A_1129], %swap3A_1132 {strides = array<i32>} : memref<80x128xf32, #tpu.memory_space<vmem>>, vector<1x16xf32>,
          %get3A_1133 = arith.index_cast %add3A_1072 : i32 to index
          %get3A_1134 = arith.constant 96 : index
          %get3A_1135 = tpu.vector_load %arg11[%get3A_1133, %get3A_1134] {strides = array<i32>} : memref<80x128xf32, #tpu.memory_space<vmem>>, vector<1x16xf32>,
          %get3A_1136 = vector.shape_cast %get3A_1135 : vector<1x16xf32> to vector<16xf32>
          %mul3A_1137 = arith.mulf %get3A_1136, %broadcast_in_dim3A_1068 : vector<16xf32>
          %swap3A_1138 = arith.index_cast %add3A_1072 : i32 to index
          %swap3A_1139 = arith.constant 96 : index
          %swap3A_1140 = tpu.vector_load %arg11[%swap3A_1138, %swap3A_1139] {strides = array<i32>} : memref<80x128xf32, #tpu.memory_space<vmem>>, vector<1x16xf32>,
          %swap3A_1141 = vector.shape_cast %swap3A_1140 : vector<1x16xf32> to vector<16xf32>
          %swap3A_1142 = vector.shape_cast %mul3A_1137 : vector<16xf32> to vector<1x16xf32>
          tpu.vector_store %arg11[%swap3A_1138, %swap3A_1139], %swap3A_1142 {strides = array<i32>} : memref<80x128xf32, #tpu.memory_space<vmem>>, vector<1x16xf32>,
          %get3A_1143 = arith.index_cast %add3A_1072 : i32 to index
          %get3A_1144 = arith.constant 112 : index
          %get3A_1145 = tpu.vector_load %arg11[%get3A_1143, %get3A_1144] {strides = array<i32>} : memref<80x128xf32, #tpu.memory_space<vmem>>, vector<1x16xf32>,
          %get3A_1146 = vector.shape_cast %get3A_1145 : vector<1x16xf32> to vector<16xf32>
          %mul3A_1147 = arith.mulf %get3A_1146, %broadcast_in_dim3A_1068 : vector<16xf32>
          %swap3A_1148 = arith.index_cast %add3A_1072 : i32 to index
          %swap3A_1149 = arith.constant 112 : index
          %swap3A_1150 = tpu.vector_load %arg11[%swap3A_1148, %swap3A_1149] {strides = array<i32>} : memref<80x128xf32, #tpu.memory_space<vmem>>, vector<1x16xf32>,
          %swap3A_1151 = vector.shape_cast %swap3A_1150 : vector<1x16xf32> to vector<16xf32>
          %swap3A_1152 = vector.shape_cast %mul3A_1147 : vector<16xf32> to vector<1x16xf32>
          tpu.vector_store %arg11[%swap3A_1148, %swap3A_1149], %swap3A_1152 {strides = array<i32>} : memref<80x128xf32, #tpu.memory_space<vmem>>, vector<1x16xf32>,
          %slice3A_1153 = vector.extract_strided_slice %get3A_198 {offsets = [11], sizes = [1], strides = [1]} : vector<16xf32> to vector<1xf32>
          %squeeze3A_1154 = vector.extract %slice3A_1153[0] : f32 from vector<1xf32>
          %broadcast_in_dim3A_1155 = vector.broadcast %squeeze3A_1154 : f32 to vector<16xf32>
          %mul3A_1156 = arith.constant 16 : i32
          %mul3A_1157 = arith.muli %scan3A_193, %mul3A_1156 : i32
          %add3A_1158 = arith.constant 11 : i32
          %add3A_1159 = arith.addi %mul3A_1157, %add3A_1158 : i32
          %get3A_1160 = arith.index_cast %add3A_1159 : i32 to index
          %get3A_1161 = arith.constant 0 : index
          %get3A_1162 = tpu.vector_load %arg11[%get3A_1160, %get3A_1161] {strides = array<i32>} : memref<80x128xf32, #tpu.memory_space<vmem>>, vector<1x16xf32>,
          %get3A_1163 = vector.shape_cast %get3A_1162 : vector<1x16xf32> to vector<16xf32>
          %mul3A_1164 = arith.mulf %get3A_1163, %broadcast_in_dim3A_1155 : vector<16xf32>
          %swap3A_1165 = arith.index_cast %add3A_1159 : i32 to index
          %swap3A_1166 = arith.constant 0 : index
          %swap3A_1167 = tpu.vector_load %arg11[%swap3A_1165, %swap3A_1166] {strides = array<i32>} : memref<80x128xf32, #tpu.memory_space<vmem>>, vector<1x16xf32>,
          %swap3A_1168 = vector.shape_cast %swap3A_1167 : vector<1x16xf32> to vector<16xf32>
          %swap3A_1169 = vector.shape_cast %mul3A_1164 : vector<16xf32> to vector<1x16xf32>
          tpu.vector_store %arg11[%swap3A_1165, %swap3A_1166], %swap3A_1169 {strides = array<i32>} : memref<80x128xf32, #tpu.memory_space<vmem>>, vector<1x16xf32>,
          %get3A_1170 = arith.index_cast %add3A_1159 : i32 to index
          %get3A_1171 = arith.constant 16 : index
          %get3A_1172 = tpu.vector_load %arg11[%get3A_1170, %get3A_1171] {strides = array<i32>} : memref<80x128xf32, #tpu.memory_space<vmem>>, vector<1x16xf32>,
          %get3A_1173 = vector.shape_cast %get3A_1172 : vector<1x16xf32> to vector<16xf32>
          %mul3A_1174 = arith.mulf %get3A_1173, %broadcast_in_dim3A_1155 : vector<16xf32>
          %swap3A_1175 = arith.index_cast %add3A_1159 : i32 to index
          %swap3A_1176 = arith.constant 16 : index
          %swap3A_1177 = tpu.vector_load %arg11[%swap3A_1175, %swap3A_1176] {strides = array<i32>} : memref<80x128xf32, #tpu.memory_space<vmem>>, vector<1x16xf32>,
          %swap3A_1178 = vector.shape_cast %swap3A_1177 : vector<1x16xf32> to vector<16xf32>
          %swap3A_1179 = vector.shape_cast %mul3A_1174 : vector<16xf32> to vector<1x16xf32>
          tpu.vector_store %arg11[%swap3A_1175, %swap3A_1176], %swap3A_1179 {strides = array<i32>} : memref<80x128xf32, #tpu.memory_space<vmem>>, vector<1x16xf32>,
          %get3A_1180 = arith.index_cast %add3A_1159 : i32 to index
          %get3A_1181 = arith.constant 32 : index
          %get3A_1182 = tpu.vector_load %arg11[%get3A_1180, %get3A_1181] {strides = array<i32>} : memref<80x128xf32, #tpu.memory_space<vmem>>, vector<1x16xf32>,
          %get3A_1183 = vector.shape_cast %get3A_1182 : vector<1x16xf32> to vector<16xf32>
          %mul3A_1184 = arith.mulf %get3A_1183, %broadcast_in_dim3A_1155 : vector<16xf32>
          %swap3A_1185 = arith.index_cast %add3A_1159 : i32 to index
          %swap3A_1186 = arith.constant 32 : index
          %swap3A_1187 = tpu.vector_load %arg11[%swap3A_1185, %swap3A_1186] {strides = array<i32>} : memref<80x128xf32, #tpu.memory_space<vmem>>, vector<1x16xf32>,
          %swap3A_1188 = vector.shape_cast %swap3A_1187 : vector<1x16xf32> to vector<16xf32>
          %swap3A_1189 = vector.shape_cast %mul3A_1184 : vector<16xf32> to vector<1x16xf32>
          tpu.vector_store %arg11[%swap3A_1185, %swap3A_1186], %swap3A_1189 {strides = array<i32>} : memref<80x128xf32, #tpu.memory_space<vmem>>, vector<1x16xf32>,
          %get3A_1190 = arith.index_cast %add3A_1159 : i32 to index
          %get3A_1191 = arith.constant 48 : index
          %get3A_1192 = tpu.vector_load %arg11[%get3A_1190, %get3A_1191] {strides = array<i32>} : memref<80x128xf32, #tpu.memory_space<vmem>>, vector<1x16xf32>,
          %get3A_1193 = vector.shape_cast %get3A_1192 : vector<1x16xf32> to vector<16xf32>
          %mul3A_1194 = arith.mulf %get3A_1193, %broadcast_in_dim3A_1155 : vector<16xf32>
          %swap3A_1195 = arith.index_cast %add3A_1159 : i32 to index
          %swap3A_1196 = arith.constant 48 : index
          %swap3A_1197 = tpu.vector_load %arg11[%swap3A_1195, %swap3A_1196] {strides = array<i32>} : memref<80x128xf32, #tpu.memory_space<vmem>>, vector<1x16xf32>,
          %swap3A_1198 = vector.shape_cast %swap3A_1197 : vector<1x16xf32> to vector<16xf32>
          %swap3A_1199 = vector.shape_cast %mul3A_1194 : vector<16xf32> to vector<1x16xf32>
          tpu.vector_store %arg11[%swap3A_1195, %swap3A_1196], %swap3A_1199 {strides = array<i32>} : memref<80x128xf32, #tpu.memory_space<vmem>>, vector<1x16xf32>,
          %get3A_1200 = arith.index_cast %add3A_1159 : i32 to index
          %get3A_1201 = arith.constant 64 : index
          %get3A_1202 = tpu.vector_load %arg11[%get3A_1200, %get3A_1201] {strides = array<i32>} : memref<80x128xf32, #tpu.memory_space<vmem>>, vector<1x16xf32>,
          %get3A_1203 = vector.shape_cast %get3A_1202 : vector<1x16xf32> to vector<16xf32>
          %mul3A_1204 = arith.mulf %get3A_1203, %broadcast_in_dim3A_1155 : vector<16xf32>
          %swap3A_1205 = arith.index_cast %add3A_1159 : i32 to index
          %swap3A_1206 = arith.constant 64 : index
          %swap3A_1207 = tpu.vector_load %arg11[%swap3A_1205, %swap3A_1206] {strides = array<i32>} : memref<80x128xf32, #tpu.memory_space<vmem>>, vector<1x16xf32>,
          %swap3A_1208 = vector.shape_cast %swap3A_1207 : vector<1x16xf32> to vector<16xf32>
          %swap3A_1209 = vector.shape_cast %mul3A_1204 : vector<16xf32> to vector<1x16xf32>
          tpu.vector_store %arg11[%swap3A_1205, %swap3A_1206], %swap3A_1209 {strides = array<i32>} : memref<80x128xf32, #tpu.memory_space<vmem>>, vector<1x16xf32>,
          %get3A_1210 = arith.index_cast %add3A_1159 : i32 to index
          %get3A_1211 = arith.constant 80 : index
          %get3A_1212 = tpu.vector_load %arg11[%get3A_1210, %get3A_1211] {strides = array<i32>} : memref<80x128xf32, #tpu.memory_space<vmem>>, vector<1x16xf32>,
          %get3A_1213 = vector.shape_cast %get3A_1212 : vector<1x16xf32> to vector<16xf32>
          %mul3A_1214 = arith.mulf %get3A_1213, %broadcast_in_dim3A_1155 : vector<16xf32>
          %swap3A_1215 = arith.index_cast %add3A_1159 : i32 to index
          %swap3A_1216 = arith.constant 80 : index
          %swap3A_1217 = tpu.vector_load %arg11[%swap3A_1215, %swap3A_1216] {strides = array<i32>} : memref<80x128xf32, #tpu.memory_space<vmem>>, vector<1x16xf32>,
          %swap3A_1218 = vector.shape_cast %swap3A_1217 : vector<1x16xf32> to vector<16xf32>
          %swap3A_1219 = vector.shape_cast %mul3A_1214 : vector<16xf32> to vector<1x16xf32>
          tpu.vector_store %arg11[%swap3A_1215, %swap3A_1216], %swap3A_1219 {strides = array<i32>} : memref<80x128xf32, #tpu.memory_space<vmem>>, vector<1x16xf32>,
          %get3A_1220 = arith.index_cast %add3A_1159 : i32 to index
          %get3A_1221 = arith.constant 96 : index
          %get3A_1222 = tpu.vector_load %arg11[%get3A_1220, %get3A_1221] {strides = array<i32>} : memref<80x128xf32, #tpu.memory_space<vmem>>, vector<1x16xf32>,
          %get3A_1223 = vector.shape_cast %get3A_1222 : vector<1x16xf32> to vector<16xf32>
          %mul3A_1224 = arith.mulf %get3A_1223, %broadcast_in_dim3A_1155 : vector<16xf32>
          %swap3A_1225 = arith.index_cast %add3A_1159 : i32 to index
          %swap3A_1226 = arith.constant 96 : index
          %swap3A_1227 = tpu.vector_load %arg11[%swap3A_1225, %swap3A_1226] {strides = array<i32>} : memref<80x128xf32, #tpu.memory_space<vmem>>, vector<1x16xf32>,
          %swap3A_1228 = vector.shape_cast %swap3A_1227 : vector<1x16xf32> to vector<16xf32>
          %swap3A_1229 = vector.shape_cast %mul3A_1224 : vector<16xf32> to vector<1x16xf32>
          tpu.vector_store %arg11[%swap3A_1225, %swap3A_1226], %swap3A_1229 {strides = array<i32>} : memref<80x128xf32, #tpu.memory_space<vmem>>, vector<1x16xf32>,
          %get3A_1230 = arith.index_cast %add3A_1159 : i32 to index
          %get3A_1231 = arith.constant 112 : index
          %get3A_1232 = tpu.vector_load %arg11[%get3A_1230, %get3A_1231] {strides = array<i32>} : memref<80x128xf32, #tpu.memory_space<vmem>>, vector<1x16xf32>,
          %get3A_1233 = vector.shape_cast %get3A_1232 : vector<1x16xf32> to vector<16xf32>
          %mul3A_1234 = arith.mulf %get3A_1233, %broadcast_in_dim3A_1155 : vector<16xf32>
          %swap3A_1235 = arith.index_cast %add3A_1159 : i32 to index
          %swap3A_1236 = arith.constant 112 : index
          %swap3A_1237 = tpu.vector_load %arg11[%swap3A_1235, %swap3A_1236] {strides = array<i32>} : memref<80x128xf32, #tpu.memory_space<vmem>>, vector<1x16xf32>,
          %swap3A_1238 = vector.shape_cast %swap3A_1237 : vector<1x16xf32> to vector<16xf32>
          %swap3A_1239 = vector.shape_cast %mul3A_1234 : vector<16xf32> to vector<1x16xf32>
          tpu.vector_store %arg11[%swap3A_1235, %swap3A_1236], %swap3A_1239 {strides = array<i32>} : memref<80x128xf32, #tpu.memory_space<vmem>>, vector<1x16xf32>,
          %slice3A_1240 = vector.extract_strided_slice %get3A_198 {offsets = [12], sizes = [1], strides = [1]} : vector<16xf32> to vector<1xf32>
          %squeeze3A_1241 = vector.extract %slice3A_1240[0] : f32 from vector<1xf32>
          %broadcast_in_dim3A_1242 = vector.broadcast %squeeze3A_1241 : f32 to vector<16xf32>
          %mul3A_1243 = arith.constant 16 : i32
          %mul3A_1244 = arith.muli %scan3A_193, %mul3A_1243 : i32
          %add3A_1245 = arith.constant 12 : i32
          %add3A_1246 = arith.addi %mul3A_1244, %add3A_1245 : i32
          %get3A_1247 = arith.index_cast %add3A_1246 : i32 to index
          %get3A_1248 = arith.constant 0 : index
          %get3A_1249 = tpu.vector_load %arg11[%get3A_1247, %get3A_1248] {strides = array<i32>} : memref<80x128xf32, #tpu.memory_space<vmem>>, vector<1x16xf32>,
          %get3A_1250 = vector.shape_cast %get3A_1249 : vector<1x16xf32> to vector<16xf32>
          %mul3A_1251 = arith.mulf %get3A_1250, %broadcast_in_dim3A_1242 : vector<16xf32>
          %swap3A_1252 = arith.index_cast %add3A_1246 : i32 to index
          %swap3A_1253 = arith.constant 0 : index
          %swap3A_1254 = tpu.vector_load %arg11[%swap3A_1252, %swap3A_1253] {strides = array<i32>} : memref<80x128xf32, #tpu.memory_space<vmem>>, vector<1x16xf32>,
          %swap3A_1255 = vector.shape_cast %swap3A_1254 : vector<1x16xf32> to vector<16xf32>
          %swap3A_1256 = vector.shape_cast %mul3A_1251 : vector<16xf32> to vector<1x16xf32>
          tpu.vector_store %arg11[%swap3A_1252, %swap3A_1253], %swap3A_1256 {strides = array<i32>} : memref<80x128xf32, #tpu.memory_space<vmem>>, vector<1x16xf32>,
          %get3A_1257 = arith.index_cast %add3A_1246 : i32 to index
          %get3A_1258 = arith.constant 16 : index
          %get3A_1259 = tpu.vector_load %arg11[%get3A_1257, %get3A_1258] {strides = array<i32>} : memref<80x128xf32, #tpu.memory_space<vmem>>, vector<1x16xf32>,
          %get3A_1260 = vector.shape_cast %get3A_1259 : vector<1x16xf32> to vector<16xf32>
          %mul3A_1261 = arith.mulf %get3A_1260, %broadcast_in_dim3A_1242 : vector<16xf32>
          %swap3A_1262 = arith.index_cast %add3A_1246 : i32 to index
          %swap3A_1263 = arith.constant 16 : index
          %swap3A_1264 = tpu.vector_load %arg11[%swap3A_1262, %swap3A_1263] {strides = array<i32>} : memref<80x128xf32, #tpu.memory_space<vmem>>, vector<1x16xf32>,
          %swap3A_1265 = vector.shape_cast %swap3A_1264 : vector<1x16xf32> to vector<16xf32>
          %swap3A_1266 = vector.shape_cast %mul3A_1261 : vector<16xf32> to vector<1x16xf32>
          tpu.vector_store %arg11[%swap3A_1262, %swap3A_1263], %swap3A_1266 {strides = array<i32>} : memref<80x128xf32, #tpu.memory_space<vmem>>, vector<1x16xf32>,
          %get3A_1267 = arith.index_cast %add3A_1246 : i32 to index
          %get3A_1268 = arith.constant 32 : index
          %get3A_1269 = tpu.vector_load %arg11[%get3A_1267, %get3A_1268] {strides = array<i32>} : memref<80x128xf32, #tpu.memory_space<vmem>>, vector<1x16xf32>,
          %get3A_1270 = vector.shape_cast %get3A_1269 : vector<1x16xf32> to vector<16xf32>
          %mul3A_1271 = arith.mulf %get3A_1270, %broadcast_in_dim3A_1242 : vector<16xf32>
          %swap3A_1272 = arith.index_cast %add3A_1246 : i32 to index
          %swap3A_1273 = arith.constant 32 : index
          %swap3A_1274 = tpu.vector_load %arg11[%swap3A_1272, %swap3A_1273] {strides = array<i32>} : memref<80x128xf32, #tpu.memory_space<vmem>>, vector<1x16xf32>,
          %swap3A_1275 = vector.shape_cast %swap3A_1274 : vector<1x16xf32> to vector<16xf32>
          %swap3A_1276 = vector.shape_cast %mul3A_1271 : vector<16xf32> to vector<1x16xf32>
          tpu.vector_store %arg11[%swap3A_1272, %swap3A_1273], %swap3A_1276 {strides = array<i32>} : memref<80x128xf32, #tpu.memory_space<vmem>>, vector<1x16xf32>,
          %get3A_1277 = arith.index_cast %add3A_1246 : i32 to index
          %get3A_1278 = arith.constant 48 : index
          %get3A_1279 = tpu.vector_load %arg11[%get3A_1277, %get3A_1278] {strides = array<i32>} : memref<80x128xf32, #tpu.memory_space<vmem>>, vector<1x16xf32>,
          %get3A_1280 = vector.shape_cast %get3A_1279 : vector<1x16xf32> to vector<16xf32>
          %mul3A_1281 = arith.mulf %get3A_1280, %broadcast_in_dim3A_1242 : vector<16xf32>
          %swap3A_1282 = arith.index_cast %add3A_1246 : i32 to index
          %swap3A_1283 = arith.constant 48 : index
          %swap3A_1284 = tpu.vector_load %arg11[%swap3A_1282, %swap3A_1283] {strides = array<i32>} : memref<80x128xf32, #tpu.memory_space<vmem>>, vector<1x16xf32>,
          %swap3A_1285 = vector.shape_cast %swap3A_1284 : vector<1x16xf32> to vector<16xf32>
          %swap3A_1286 = vector.shape_cast %mul3A_1281 : vector<16xf32> to vector<1x16xf32>
          tpu.vector_store %arg11[%swap3A_1282, %swap3A_1283], %swap3A_1286 {strides = array<i32>} : memref<80x128xf32, #tpu.memory_space<vmem>>, vector<1x16xf32>,
          %get3A_1287 = arith.index_cast %add3A_1246 : i32 to index
          %get3A_1288 = arith.constant 64 : index
          %get3A_1289 = tpu.vector_load %arg11[%get3A_1287, %get3A_1288] {strides = array<i32>} : memref<80x128xf32, #tpu.memory_space<vmem>>, vector<1x16xf32>,
          %get3A_1290 = vector.shape_cast %get3A_1289 : vector<1x16xf32> to vector<16xf32>
          %mul3A_1291 = arith.mulf %get3A_1290, %broadcast_in_dim3A_1242 : vector<16xf32>
          %swap3A_1292 = arith.index_cast %add3A_1246 : i32 to index
          %swap3A_1293 = arith.constant 64 : index
          %swap3A_1294 = tpu.vector_load %arg11[%swap3A_1292, %swap3A_1293] {strides = array<i32>} : memref<80x128xf32, #tpu.memory_space<vmem>>, vector<1x16xf32>,
          %swap3A_1295 = vector.shape_cast %swap3A_1294 : vector<1x16xf32> to vector<16xf32>
          %swap3A_1296 = vector.shape_cast %mul3A_1291 : vector<16xf32> to vector<1x16xf32>
          tpu.vector_store %arg11[%swap3A_1292, %swap3A_1293], %swap3A_1296 {strides = array<i32>} : memref<80x128xf32, #tpu.memory_space<vmem>>, vector<1x16xf32>,
          %get3A_1297 = arith.index_cast %add3A_1246 : i32 to index
          %get3A_1298 = arith.constant 80 : index
          %get3A_1299 = tpu.vector_load %arg11[%get3A_1297, %get3A_1298] {strides = array<i32>} : memref<80x128xf32, #tpu.memory_space<vmem>>, vector<1x16xf32>,
          %get3A_1300 = vector.shape_cast %get3A_1299 : vector<1x16xf32> to vector<16xf32>
          %mul3A_1301 = arith.mulf %get3A_1300, %broadcast_in_dim3A_1242 : vector<16xf32>
          %swap3A_1302 = arith.index_cast %add3A_1246 : i32 to index
          %swap3A_1303 = arith.constant 80 : index
          %swap3A_1304 = tpu.vector_load %arg11[%swap3A_1302, %swap3A_1303] {strides = array<i32>} : memref<80x128xf32, #tpu.memory_space<vmem>>, vector<1x16xf32>,
          %swap3A_1305 = vector.shape_cast %swap3A_1304 : vector<1x16xf32> to vector<16xf32>
          %swap3A_1306 = vector.shape_cast %mul3A_1301 : vector<16xf32> to vector<1x16xf32>
          tpu.vector_store %arg11[%swap3A_1302, %swap3A_1303], %swap3A_1306 {strides = array<i32>} : memref<80x128xf32, #tpu.memory_space<vmem>>, vector<1x16xf32>,
          %get3A_1307 = arith.index_cast %add3A_1246 : i32 to index
          %get3A_1308 = arith.constant 96 : index
          %get3A_1309 = tpu.vector_load %arg11[%get3A_1307, %get3A_1308] {strides = array<i32>} : memref<80x128xf32, #tpu.memory_space<vmem>>, vector<1x16xf32>,
          %get3A_1310 = vector.shape_cast %get3A_1309 : vector<1x16xf32> to vector<16xf32>
          %mul3A_1311 = arith.mulf %get3A_1310, %broadcast_in_dim3A_1242 : vector<16xf32>
          %swap3A_1312 = arith.index_cast %add3A_1246 : i32 to index
          %swap3A_1313 = arith.constant 96 : index
          %swap3A_1314 = tpu.vector_load %arg11[%swap3A_1312, %swap3A_1313] {strides = array<i32>} : memref<80x128xf32, #tpu.memory_space<vmem>>, vector<1x16xf32>,
          %swap3A_1315 = vector.shape_cast %swap3A_1314 : vector<1x16xf32> to vector<16xf32>
          %swap3A_1316 = vector.shape_cast %mul3A_1311 : vector<16xf32> to vector<1x16xf32>
          tpu.vector_store %arg11[%swap3A_1312, %swap3A_1313], %swap3A_1316 {strides = array<i32>} : memref<80x128xf32, #tpu.memory_space<vmem>>, vector<1x16xf32>,
          %get3A_1317 = arith.index_cast %add3A_1246 : i32 to index
          %get3A_1318 = arith.constant 112 : index
          %get3A_1319 = tpu.vector_load %arg11[%get3A_1317, %get3A_1318] {strides = array<i32>} : memref<80x128xf32, #tpu.memory_space<vmem>>, vector<1x16xf32>,
          %get3A_1320 = vector.shape_cast %get3A_1319 : vector<1x16xf32> to vector<16xf32>
          %mul3A_1321 = arith.mulf %get3A_1320, %broadcast_in_dim3A_1242 : vector<16xf32>
          %swap3A_1322 = arith.index_cast %add3A_1246 : i32 to index
          %swap3A_1323 = arith.constant 112 : index
          %swap3A_1324 = tpu.vector_load %arg11[%swap3A_1322, %swap3A_1323] {strides = array<i32>} : memref<80x128xf32, #tpu.memory_space<vmem>>, vector<1x16xf32>,
          %swap3A_1325 = vector.shape_cast %swap3A_1324 : vector<1x16xf32> to vector<16xf32>
          %swap3A_1326 = vector.shape_cast %mul3A_1321 : vector<16xf32> to vector<1x16xf32>
          tpu.vector_store %arg11[%swap3A_1322, %swap3A_1323], %swap3A_1326 {strides = array<i32>} : memref<80x128xf32, #tpu.memory_space<vmem>>, vector<1x16xf32>,
          %slice3A_1327 = vector.extract_strided_slice %get3A_198 {offsets = [13], sizes = [1], strides = [1]} : vector<16xf32> to vector<1xf32>
          %squeeze3A_1328 = vector.extract %slice3A_1327[0] : f32 from vector<1xf32>
          %broadcast_in_dim3A_1329 = vector.broadcast %squeeze3A_1328 : f32 to vector<16xf32>
          %mul3A_1330 = arith.constant 16 : i32
          %mul3A_1331 = arith.muli %scan3A_193, %mul3A_1330 : i32
          %add3A_1332 = arith.constant 13 : i32
          %add3A_1333 = arith.addi %mul3A_1331, %add3A_1332 : i32
          %get3A_1334 = arith.index_cast %add3A_1333 : i32 to index
          %get3A_1335 = arith.constant 0 : index
          %get3A_1336 = tpu.vector_load %arg11[%get3A_1334, %get3A_1335] {strides = array<i32>} : memref<80x128xf32, #tpu.memory_space<vmem>>, vector<1x16xf32>,
          %get3A_1337 = vector.shape_cast %get3A_1336 : vector<1x16xf32> to vector<16xf32>
          %mul3A_1338 = arith.mulf %get3A_1337, %broadcast_in_dim3A_1329 : vector<16xf32>
          %swap3A_1339 = arith.index_cast %add3A_1333 : i32 to index
          %swap3A_1340 = arith.constant 0 : index
          %swap3A_1341 = tpu.vector_load %arg11[%swap3A_1339, %swap3A_1340] {strides = array<i32>} : memref<80x128xf32, #tpu.memory_space<vmem>>, vector<1x16xf32>,
          %swap3A_1342 = vector.shape_cast %swap3A_1341 : vector<1x16xf32> to vector<16xf32>
          %swap3A_1343 = vector.shape_cast %mul3A_1338 : vector<16xf32> to vector<1x16xf32>
          tpu.vector_store %arg11[%swap3A_1339, %swap3A_1340], %swap3A_1343 {strides = array<i32>} : memref<80x128xf32, #tpu.memory_space<vmem>>, vector<1x16xf32>,
          %get3A_1344 = arith.index_cast %add3A_1333 : i32 to index
          %get3A_1345 = arith.constant 16 : index
          %get3A_1346 = tpu.vector_load %arg11[%get3A_1344, %get3A_1345] {strides = array<i32>} : memref<80x128xf32, #tpu.memory_space<vmem>>, vector<1x16xf32>,
          %get3A_1347 = vector.shape_cast %get3A_1346 : vector<1x16xf32> to vector<16xf32>
          %mul3A_1348 = arith.mulf %get3A_1347, %broadcast_in_dim3A_1329 : vector<16xf32>
          %swap3A_1349 = arith.index_cast %add3A_1333 : i32 to index
          %swap3A_1350 = arith.constant 16 : index
          %swap3A_1351 = tpu.vector_load %arg11[%swap3A_1349, %swap3A_1350] {strides = array<i32>} : memref<80x128xf32, #tpu.memory_space<vmem>>, vector<1x16xf32>,
          %swap3A_1352 = vector.shape_cast %swap3A_1351 : vector<1x16xf32> to vector<16xf32>
          %swap3A_1353 = vector.shape_cast %mul3A_1348 : vector<16xf32> to vector<1x16xf32>
          tpu.vector_store %arg11[%swap3A_1349, %swap3A_1350], %swap3A_1353 {strides = array<i32>} : memref<80x128xf32, #tpu.memory_space<vmem>>, vector<1x16xf32>,
          %get3A_1354 = arith.index_cast %add3A_1333 : i32 to index
          %get3A_1355 = arith.constant 32 : index
          %get3A_1356 = tpu.vector_load %arg11[%get3A_1354, %get3A_1355] {strides = array<i32>} : memref<80x128xf32, #tpu.memory_space<vmem>>, vector<1x16xf32>,
          %get3A_1357 = vector.shape_cast %get3A_1356 : vector<1x16xf32> to vector<16xf32>
          %mul3A_1358 = arith.mulf %get3A_1357, %broadcast_in_dim3A_1329 : vector<16xf32>
          %swap3A_1359 = arith.index_cast %add3A_1333 : i32 to index
          %swap3A_1360 = arith.constant 32 : index
          %swap3A_1361 = tpu.vector_load %arg11[%swap3A_1359, %swap3A_1360] {strides = array<i32>} : memref<80x128xf32, #tpu.memory_space<vmem>>, vector<1x16xf32>,
          %swap3A_1362 = vector.shape_cast %swap3A_1361 : vector<1x16xf32> to vector<16xf32>
          %swap3A_1363 = vector.shape_cast %mul3A_1358 : vector<16xf32> to vector<1x16xf32>
          tpu.vector_store %arg11[%swap3A_1359, %swap3A_1360], %swap3A_1363 {strides = array<i32>} : memref<80x128xf32, #tpu.memory_space<vmem>>, vector<1x16xf32>,
          %get3A_1364 = arith.index_cast %add3A_1333 : i32 to index
          %get3A_1365 = arith.constant 48 : index
          %get3A_1366 = tpu.vector_load %arg11[%get3A_1364, %get3A_1365] {strides = array<i32>} : memref<80x128xf32, #tpu.memory_space<vmem>>, vector<1x16xf32>,
          %get3A_1367 = vector.shape_cast %get3A_1366 : vector<1x16xf32> to vector<16xf32>
          %mul3A_1368 = arith.mulf %get3A_1367, %broadcast_in_dim3A_1329 : vector<16xf32>
          %swap3A_1369 = arith.index_cast %add3A_1333 : i32 to index
          %swap3A_1370 = arith.constant 48 : index
          %swap3A_1371 = tpu.vector_load %arg11[%swap3A_1369, %swap3A_1370] {strides = array<i32>} : memref<80x128xf32, #tpu.memory_space<vmem>>, vector<1x16xf32>,
          %swap3A_1372 = vector.shape_cast %swap3A_1371 : vector<1x16xf32> to vector<16xf32>
          %swap3A_1373 = vector.shape_cast %mul3A_1368 : vector<16xf32> to vector<1x16xf32>
          tpu.vector_store %arg11[%swap3A_1369, %swap3A_1370], %swap3A_1373 {strides = array<i32>} : memref<80x128xf32, #tpu.memory_space<vmem>>, vector<1x16xf32>,
          %get3A_1374 = arith.index_cast %add3A_1333 : i32 to index
          %get3A_1375 = arith.constant 64 : index
          %get3A_1376 = tpu.vector_load %arg11[%get3A_1374, %get3A_1375] {strides = array<i32>} : memref<80x128xf32, #tpu.memory_space<vmem>>, vector<1x16xf32>,
          %get3A_1377 = vector.shape_cast %get3A_1376 : vector<1x16xf32> to vector<16xf32>
          %mul3A_1378 = arith.mulf %get3A_1377, %broadcast_in_dim3A_1329 : vector<16xf32>
          %swap3A_1379 = arith.index_cast %add3A_1333 : i32 to index
          %swap3A_1380 = arith.constant 64 : index
          %swap3A_1381 = tpu.vector_load %arg11[%swap3A_1379, %swap3A_1380] {strides = array<i32>} : memref<80x128xf32, #tpu.memory_space<vmem>>, vector<1x16xf32>,
          %swap3A_1382 = vector.shape_cast %swap3A_1381 : vector<1x16xf32> to vector<16xf32>
          %swap3A_1383 = vector.shape_cast %mul3A_1378 : vector<16xf32> to vector<1x16xf32>
          tpu.vector_store %arg11[%swap3A_1379, %swap3A_1380], %swap3A_1383 {strides = array<i32>} : memref<80x128xf32, #tpu.memory_space<vmem>>, vector<1x16xf32>,
          %get3A_1384 = arith.index_cast %add3A_1333 : i32 to index
          %get3A_1385 = arith.constant 80 : index
          %get3A_1386 = tpu.vector_load %arg11[%get3A_1384, %get3A_1385] {strides = array<i32>} : memref<80x128xf32, #tpu.memory_space<vmem>>, vector<1x16xf32>,
          %get3A_1387 = vector.shape_cast %get3A_1386 : vector<1x16xf32> to vector<16xf32>
          %mul3A_1388 = arith.mulf %get3A_1387, %broadcast_in_dim3A_1329 : vector<16xf32>
          %swap3A_1389 = arith.index_cast %add3A_1333 : i32 to index
          %swap3A_1390 = arith.constant 80 : index
          %swap3A_1391 = tpu.vector_load %arg11[%swap3A_1389, %swap3A_1390] {strides = array<i32>} : memref<80x128xf32, #tpu.memory_space<vmem>>, vector<1x16xf32>,
          %swap3A_1392 = vector.shape_cast %swap3A_1391 : vector<1x16xf32> to vector<16xf32>
          %swap3A_1393 = vector.shape_cast %mul3A_1388 : vector<16xf32> to vector<1x16xf32>
          tpu.vector_store %arg11[%swap3A_1389, %swap3A_1390], %swap3A_1393 {strides = array<i32>} : memref<80x128xf32, #tpu.memory_space<vmem>>, vector<1x16xf32>,
          %get3A_1394 = arith.index_cast %add3A_1333 : i32 to index
          %get3A_1395 = arith.constant 96 : index
          %get3A_1396 = tpu.vector_load %arg11[%get3A_1394, %get3A_1395] {strides = array<i32>} : memref<80x128xf32, #tpu.memory_space<vmem>>, vector<1x16xf32>,
          %get3A_1397 = vector.shape_cast %get3A_1396 : vector<1x16xf32> to vector<16xf32>
          %mul3A_1398 = arith.mulf %get3A_1397, %broadcast_in_dim3A_1329 : vector<16xf32>
          %swap3A_1399 = arith.index_cast %add3A_1333 : i32 to index
          %swap3A_1400 = arith.constant 96 : index
          %swap3A_1401 = tpu.vector_load %arg11[%swap3A_1399, %swap3A_1400] {strides = array<i32>} : memref<80x128xf32, #tpu.memory_space<vmem>>, vector<1x16xf32>,
          %swap3A_1402 = vector.shape_cast %swap3A_1401 : vector<1x16xf32> to vector<16xf32>
          %swap3A_1403 = vector.shape_cast %mul3A_1398 : vector<16xf32> to vector<1x16xf32>
          tpu.vector_store %arg11[%swap3A_1399, %swap3A_1400], %swap3A_1403 {strides = array<i32>} : memref<80x128xf32, #tpu.memory_space<vmem>>, vector<1x16xf32>,
          %get3A_1404 = arith.index_cast %add3A_1333 : i32 to index
          %get3A_1405 = arith.constant 112 : index
          %get3A_1406 = tpu.vector_load %arg11[%get3A_1404, %get3A_1405] {strides = array<i32>} : memref<80x128xf32, #tpu.memory_space<vmem>>, vector<1x16xf32>,
          %get3A_1407 = vector.shape_cast %get3A_1406 : vector<1x16xf32> to vector<16xf32>
          %mul3A_1408 = arith.mulf %get3A_1407, %broadcast_in_dim3A_1329 : vector<16xf32>
          %swap3A_1409 = arith.index_cast %add3A_1333 : i32 to index
          %swap3A_1410 = arith.constant 112 : index
          %swap3A_1411 = tpu.vector_load %arg11[%swap3A_1409, %swap3A_1410] {strides = array<i32>} : memref<80x128xf32, #tpu.memory_space<vmem>>, vector<1x16xf32>,
          %swap3A_1412 = vector.shape_cast %swap3A_1411 : vector<1x16xf32> to vector<16xf32>
          %swap3A_1413 = vector.shape_cast %mul3A_1408 : vector<16xf32> to vector<1x16xf32>
          tpu.vector_store %arg11[%swap3A_1409, %swap3A_1410], %swap3A_1413 {strides = array<i32>} : memref<80x128xf32, #tpu.memory_space<vmem>>, vector<1x16xf32>,
          %slice3A_1414 = vector.extract_strided_slice %get3A_198 {offsets = [14], sizes = [1], strides = [1]} : vector<16xf32> to vector<1xf32>
          %squeeze3A_1415 = vector.extract %slice3A_1414[0] : f32 from vector<1xf32>
          %broadcast_in_dim3A_1416 = vector.broadcast %squeeze3A_1415 : f32 to vector<16xf32>
          %mul3A_1417 = arith.constant 16 : i32
          %mul3A_1418 = arith.muli %scan3A_193, %mul3A_1417 : i32
          %add3A_1419 = arith.constant 14 : i32
          %add3A_1420 = arith.addi %mul3A_1418, %add3A_1419 : i32
          %get3A_1421 = arith.index_cast %add3A_1420 : i32 to index
          %get3A_1422 = arith.constant 0 : index
          %get3A_1423 = tpu.vector_load %arg11[%get3A_1421, %get3A_1422] {strides = array<i32>} : memref<80x128xf32, #tpu.memory_space<vmem>>, vector<1x16xf32>,
          %get3A_1424 = vector.shape_cast %get3A_1423 : vector<1x16xf32> to vector<16xf32>
          %mul3A_1425 = arith.mulf %get3A_1424, %broadcast_in_dim3A_1416 : vector<16xf32>
          %swap3A_1426 = arith.index_cast %add3A_1420 : i32 to index
          %swap3A_1427 = arith.constant 0 : index
          %swap3A_1428 = tpu.vector_load %arg11[%swap3A_1426, %swap3A_1427] {strides = array<i32>} : memref<80x128xf32, #tpu.memory_space<vmem>>, vector<1x16xf32>,
          %swap3A_1429 = vector.shape_cast %swap3A_1428 : vector<1x16xf32> to vector<16xf32>
          %swap3A_1430 = vector.shape_cast %mul3A_1425 : vector<16xf32> to vector<1x16xf32>
          tpu.vector_store %arg11[%swap3A_1426, %swap3A_1427], %swap3A_1430 {strides = array<i32>} : memref<80x128xf32, #tpu.memory_space<vmem>>, vector<1x16xf32>,
          %get3A_1431 = arith.index_cast %add3A_1420 : i32 to index
          %get3A_1432 = arith.constant 16 : index
          %get3A_1433 = tpu.vector_load %arg11[%get3A_1431, %get3A_1432] {strides = array<i32>} : memref<80x128xf32, #tpu.memory_space<vmem>>, vector<1x16xf32>,
          %get3A_1434 = vector.shape_cast %get3A_1433 : vector<1x16xf32> to vector<16xf32>
          %mul3A_1435 = arith.mulf %get3A_1434, %broadcast_in_dim3A_1416 : vector<16xf32>
          %swap3A_1436 = arith.index_cast %add3A_1420 : i32 to index
          %swap3A_1437 = arith.constant 16 : index
          %swap3A_1438 = tpu.vector_load %arg11[%swap3A_1436, %swap3A_1437] {strides = array<i32>} : memref<80x128xf32, #tpu.memory_space<vmem>>, vector<1x16xf32>,
          %swap3A_1439 = vector.shape_cast %swap3A_1438 : vector<1x16xf32> to vector<16xf32>
          %swap3A_1440 = vector.shape_cast %mul3A_1435 : vector<16xf32> to vector<1x16xf32>
          tpu.vector_store %arg11[%swap3A_1436, %swap3A_1437], %swap3A_1440 {strides = array<i32>} : memref<80x128xf32, #tpu.memory_space<vmem>>, vector<1x16xf32>,
          %get3A_1441 = arith.index_cast %add3A_1420 : i32 to index
          %get3A_1442 = arith.constant 32 : index
          %get3A_1443 = tpu.vector_load %arg11[%get3A_1441, %get3A_1442] {strides = array<i32>} : memref<80x128xf32, #tpu.memory_space<vmem>>, vector<1x16xf32>,
          %get3A_1444 = vector.shape_cast %get3A_1443 : vector<1x16xf32> to vector<16xf32>
          %mul3A_1445 = arith.mulf %get3A_1444, %broadcast_in_dim3A_1416 : vector<16xf32>
          %swap3A_1446 = arith.index_cast %add3A_1420 : i32 to index
          %swap3A_1447 = arith.constant 32 : index
          %swap3A_1448 = tpu.vector_load %arg11[%swap3A_1446, %swap3A_1447] {strides = array<i32>} : memref<80x128xf32, #tpu.memory_space<vmem>>, vector<1x16xf32>,
          %swap3A_1449 = vector.shape_cast %swap3A_1448 : vector<1x16xf32> to vector<16xf32>
          %swap3A_1450 = vector.shape_cast %mul3A_1445 : vector<16xf32> to vector<1x16xf32>
          tpu.vector_store %arg11[%swap3A_1446, %swap3A_1447], %swap3A_1450 {strides = array<i32>} : memref<80x128xf32, #tpu.memory_space<vmem>>, vector<1x16xf32>,
          %get3A_1451 = arith.index_cast %add3A_1420 : i32 to index
          %get3A_1452 = arith.constant 48 : index
          %get3A_1453 = tpu.vector_load %arg11[%get3A_1451, %get3A_1452] {strides = array<i32>} : memref<80x128xf32, #tpu.memory_space<vmem>>, vector<1x16xf32>,
          %get3A_1454 = vector.shape_cast %get3A_1453 : vector<1x16xf32> to vector<16xf32>
          %mul3A_1455 = arith.mulf %get3A_1454, %broadcast_in_dim3A_1416 : vector<16xf32>
          %swap3A_1456 = arith.index_cast %add3A_1420 : i32 to index
          %swap3A_1457 = arith.constant 48 : index
          %swap3A_1458 = tpu.vector_load %arg11[%swap3A_1456, %swap3A_1457] {strides = array<i32>} : memref<80x128xf32, #tpu.memory_space<vmem>>, vector<1x16xf32>,
          %swap3A_1459 = vector.shape_cast %swap3A_1458 : vector<1x16xf32> to vector<16xf32>
          %swap3A_1460 = vector.shape_cast %mul3A_1455 : vector<16xf32> to vector<1x16xf32>
          tpu.vector_store %arg11[%swap3A_1456, %swap3A_1457], %swap3A_1460 {strides = array<i32>} : memref<80x128xf32, #tpu.memory_space<vmem>>, vector<1x16xf32>,
          %get3A_1461 = arith.index_cast %add3A_1420 : i32 to index
          %get3A_1462 = arith.constant 64 : index
          %get3A_1463 = tpu.vector_load %arg11[%get3A_1461, %get3A_1462] {strides = array<i32>} : memref<80x128xf32, #tpu.memory_space<vmem>>, vector<1x16xf32>,
          %get3A_1464 = vector.shape_cast %get3A_1463 : vector<1x16xf32> to vector<16xf32>
          %mul3A_1465 = arith.mulf %get3A_1464, %broadcast_in_dim3A_1416 : vector<16xf32>
          %swap3A_1466 = arith.index_cast %add3A_1420 : i32 to index
          %swap3A_1467 = arith.constant 64 : index
          %swap3A_1468 = tpu.vector_load %arg11[%swap3A_1466, %swap3A_1467] {strides = array<i32>} : memref<80x128xf32, #tpu.memory_space<vmem>>, vector<1x16xf32>,
          %swap3A_1469 = vector.shape_cast %swap3A_1468 : vector<1x16xf32> to vector<16xf32>
          %swap3A_1470 = vector.shape_cast %mul3A_1465 : vector<16xf32> to vector<1x16xf32>
          tpu.vector_store %arg11[%swap3A_1466, %swap3A_1467], %swap3A_1470 {strides = array<i32>} : memref<80x128xf32, #tpu.memory_space<vmem>>, vector<1x16xf32>,
          %get3A_1471 = arith.index_cast %add3A_1420 : i32 to index
          %get3A_1472 = arith.constant 80 : index
          %get3A_1473 = tpu.vector_load %arg11[%get3A_1471, %get3A_1472] {strides = array<i32>} : memref<80x128xf32, #tpu.memory_space<vmem>>, vector<1x16xf32>,
          %get3A_1474 = vector.shape_cast %get3A_1473 : vector<1x16xf32> to vector<16xf32>
          %mul3A_1475 = arith.mulf %get3A_1474, %broadcast_in_dim3A_1416 : vector<16xf32>
          %swap3A_1476 = arith.index_cast %add3A_1420 : i32 to index
          %swap3A_1477 = arith.constant 80 : index
          %swap3A_1478 = tpu.vector_load %arg11[%swap3A_1476, %swap3A_1477] {strides = array<i32>} : memref<80x128xf32, #tpu.memory_space<vmem>>, vector<1x16xf32>,
          %swap3A_1479 = vector.shape_cast %swap3A_1478 : vector<1x16xf32> to vector<16xf32>
          %swap3A_1480 = vector.shape_cast %mul3A_1475 : vector<16xf32> to vector<1x16xf32>
          tpu.vector_store %arg11[%swap3A_1476, %swap3A_1477], %swap3A_1480 {strides = array<i32>} : memref<80x128xf32, #tpu.memory_space<vmem>>, vector<1x16xf32>,
          %get3A_1481 = arith.index_cast %add3A_1420 : i32 to index
          %get3A_1482 = arith.constant 96 : index
          %get3A_1483 = tpu.vector_load %arg11[%get3A_1481, %get3A_1482] {strides = array<i32>} : memref<80x128xf32, #tpu.memory_space<vmem>>, vector<1x16xf32>,
          %get3A_1484 = vector.shape_cast %get3A_1483 : vector<1x16xf32> to vector<16xf32>
          %mul3A_1485 = arith.mulf %get3A_1484, %broadcast_in_dim3A_1416 : vector<16xf32>
          %swap3A_1486 = arith.index_cast %add3A_1420 : i32 to index
          %swap3A_1487 = arith.constant 96 : index
          %swap3A_1488 = tpu.vector_load %arg11[%swap3A_1486, %swap3A_1487] {strides = array<i32>} : memref<80x128xf32, #tpu.memory_space<vmem>>, vector<1x16xf32>,
          %swap3A_1489 = vector.shape_cast %swap3A_1488 : vector<1x16xf32> to vector<16xf32>
          %swap3A_1490 = vector.shape_cast %mul3A_1485 : vector<16xf32> to vector<1x16xf32>
          tpu.vector_store %arg11[%swap3A_1486, %swap3A_1487], %swap3A_1490 {strides = array<i32>} : memref<80x128xf32, #tpu.memory_space<vmem>>, vector<1x16xf32>,
          %get3A_1491 = arith.index_cast %add3A_1420 : i32 to index
          %get3A_1492 = arith.constant 112 : index
          %get3A_1493 = tpu.vector_load %arg11[%get3A_1491, %get3A_1492] {strides = array<i32>} : memref<80x128xf32, #tpu.memory_space<vmem>>, vector<1x16xf32>,
          %get3A_1494 = vector.shape_cast %get3A_1493 : vector<1x16xf32> to vector<16xf32>
          %mul3A_1495 = arith.mulf %get3A_1494, %broadcast_in_dim3A_1416 : vector<16xf32>
          %swap3A_1496 = arith.index_cast %add3A_1420 : i32 to index
          %swap3A_1497 = arith.constant 112 : index
          %swap3A_1498 = tpu.vector_load %arg11[%swap3A_1496, %swap3A_1497] {strides = array<i32>} : memref<80x128xf32, #tpu.memory_space<vmem>>, vector<1x16xf32>,
          %swap3A_1499 = vector.shape_cast %swap3A_1498 : vector<1x16xf32> to vector<16xf32>
          %swap3A_1500 = vector.shape_cast %mul3A_1495 : vector<16xf32> to vector<1x16xf32>
          tpu.vector_store %arg11[%swap3A_1496, %swap3A_1497], %swap3A_1500 {strides = array<i32>} : memref<80x128xf32, #tpu.memory_space<vmem>>, vector<1x16xf32>,
          %slice3A_1501 = vector.extract_strided_slice %get3A_198 {offsets = [15], sizes = [1], strides = [1]} : vector<16xf32> to vector<1xf32>
          %squeeze3A_1502 = vector.extract %slice3A_1501[0] : f32 from vector<1xf32>
          %broadcast_in_dim3A_1503 = vector.broadcast %squeeze3A_1502 : f32 to vector<16xf32>
          %mul3A_1504 = arith.constant 16 : i32
          %mul3A_1505 = arith.muli %scan3A_193, %mul3A_1504 : i32
          %add3A_1506 = arith.constant 15 : i32
          %add3A_1507 = arith.addi %mul3A_1505, %add3A_1506 : i32
          %get3A_1508 = arith.index_cast %add3A_1507 : i32 to index
          %get3A_1509 = arith.constant 0 : index
          %get3A_1510 = tpu.vector_load %arg11[%get3A_1508, %get3A_1509] {strides = array<i32>} : memref<80x128xf32, #tpu.memory_space<vmem>>, vector<1x16xf32>,
          %get3A_1511 = vector.shape_cast %get3A_1510 : vector<1x16xf32> to vector<16xf32>
          %mul3A_1512 = arith.mulf %get3A_1511, %broadcast_in_dim3A_1503 : vector<16xf32>
          %swap3A_1513 = arith.index_cast %add3A_1507 : i32 to index
          %swap3A_1514 = arith.constant 0 : index
          %swap3A_1515 = tpu.vector_load %arg11[%swap3A_1513, %swap3A_1514] {strides = array<i32>} : memref<80x128xf32, #tpu.memory_space<vmem>>, vector<1x16xf32>,
          %swap3A_1516 = vector.shape_cast %swap3A_1515 : vector<1x16xf32> to vector<16xf32>
          %swap3A_1517 = vector.shape_cast %mul3A_1512 : vector<16xf32> to vector<1x16xf32>
          tpu.vector_store %arg11[%swap3A_1513, %swap3A_1514], %swap3A_1517 {strides = array<i32>} : memref<80x128xf32, #tpu.memory_space<vmem>>, vector<1x16xf32>,
          %get3A_1518 = arith.index_cast %add3A_1507 : i32 to index
          %get3A_1519 = arith.constant 16 : index
          %get3A_1520 = tpu.vector_load %arg11[%get3A_1518, %get3A_1519] {strides = array<i32>} : memref<80x128xf32, #tpu.memory_space<vmem>>, vector<1x16xf32>,
          %get3A_1521 = vector.shape_cast %get3A_1520 : vector<1x16xf32> to vector<16xf32>
          %mul3A_1522 = arith.mulf %get3A_1521, %broadcast_in_dim3A_1503 : vector<16xf32>
          %swap3A_1523 = arith.index_cast %add3A_1507 : i32 to index
          %swap3A_1524 = arith.constant 16 : index
          %swap3A_1525 = tpu.vector_load %arg11[%swap3A_1523, %swap3A_1524] {strides = array<i32>} : memref<80x128xf32, #tpu.memory_space<vmem>>, vector<1x16xf32>,
          %swap3A_1526 = vector.shape_cast %swap3A_1525 : vector<1x16xf32> to vector<16xf32>
          %swap3A_1527 = vector.shape_cast %mul3A_1522 : vector<16xf32> to vector<1x16xf32>
          tpu.vector_store %arg11[%swap3A_1523, %swap3A_1524], %swap3A_1527 {strides = array<i32>} : memref<80x128xf32, #tpu.memory_space<vmem>>, vector<1x16xf32>,
          %get3A_1528 = arith.index_cast %add3A_1507 : i32 to index
          %get3A_1529 = arith.constant 32 : index
          %get3A_1530 = tpu.vector_load %arg11[%get3A_1528, %get3A_1529] {strides = array<i32>} : memref<80x128xf32, #tpu.memory_space<vmem>>, vector<1x16xf32>,
          %get3A_1531 = vector.shape_cast %get3A_1530 : vector<1x16xf32> to vector<16xf32>
          %mul3A_1532 = arith.mulf %get3A_1531, %broadcast_in_dim3A_1503 : vector<16xf32>
          %swap3A_1533 = arith.index_cast %add3A_1507 : i32 to index
          %swap3A_1534 = arith.constant 32 : index
          %swap3A_1535 = tpu.vector_load %arg11[%swap3A_1533, %swap3A_1534] {strides = array<i32>} : memref<80x128xf32, #tpu.memory_space<vmem>>, vector<1x16xf32>,
          %swap3A_1536 = vector.shape_cast %swap3A_1535 : vector<1x16xf32> to vector<16xf32>
          %swap3A_1537 = vector.shape_cast %mul3A_1532 : vector<16xf32> to vector<1x16xf32>
          tpu.vector_store %arg11[%swap3A_1533, %swap3A_1534], %swap3A_1537 {strides = array<i32>} : memref<80x128xf32, #tpu.memory_space<vmem>>, vector<1x16xf32>,
          %get3A_1538 = arith.index_cast %add3A_1507 : i32 to index
          %get3A_1539 = arith.constant 48 : index
          %get3A_1540 = tpu.vector_load %arg11[%get3A_1538, %get3A_1539] {strides = array<i32>} : memref<80x128xf32, #tpu.memory_space<vmem>>, vector<1x16xf32>,
          %get3A_1541 = vector.shape_cast %get3A_1540 : vector<1x16xf32> to vector<16xf32>
          %mul3A_1542 = arith.mulf %get3A_1541, %broadcast_in_dim3A_1503 : vector<16xf32>
          %swap3A_1543 = arith.index_cast %add3A_1507 : i32 to index
          %swap3A_1544 = arith.constant 48 : index
          %swap3A_1545 = tpu.vector_load %arg11[%swap3A_1543, %swap3A_1544] {strides = array<i32>} : memref<80x128xf32, #tpu.memory_space<vmem>>, vector<1x16xf32>,
          %swap3A_1546 = vector.shape_cast %swap3A_1545 : vector<1x16xf32> to vector<16xf32>
          %swap3A_1547 = vector.shape_cast %mul3A_1542 : vector<16xf32> to vector<1x16xf32>
          tpu.vector_store %arg11[%swap3A_1543, %swap3A_1544], %swap3A_1547 {strides = array<i32>} : memref<80x128xf32, #tpu.memory_space<vmem>>, vector<1x16xf32>,
          %get3A_1548 = arith.index_cast %add3A_1507 : i32 to index
          %get3A_1549 = arith.constant 64 : index
          %get3A_1550 = tpu.vector_load %arg11[%get3A_1548, %get3A_1549] {strides = array<i32>} : memref<80x128xf32, #tpu.memory_space<vmem>>, vector<1x16xf32>,
          %get3A_1551 = vector.shape_cast %get3A_1550 : vector<1x16xf32> to vector<16xf32>
          %mul3A_1552 = arith.mulf %get3A_1551, %broadcast_in_dim3A_1503 : vector<16xf32>
          %swap3A_1553 = arith.index_cast %add3A_1507 : i32 to index
          %swap3A_1554 = arith.constant 64 : index
          %swap3A_1555 = tpu.vector_load %arg11[%swap3A_1553, %swap3A_1554] {strides = array<i32>} : memref<80x128xf32, #tpu.memory_space<vmem>>, vector<1x16xf32>,
          %swap3A_1556 = vector.shape_cast %swap3A_1555 : vector<1x16xf32> to vector<16xf32>
          %swap3A_1557 = vector.shape_cast %mul3A_1552 : vector<16xf32> to vector<1x16xf32>
          tpu.vector_store %arg11[%swap3A_1553, %swap3A_1554], %swap3A_1557 {strides = array<i32>} : memref<80x128xf32, #tpu.memory_space<vmem>>, vector<1x16xf32>,
          %get3A_1558 = arith.index_cast %add3A_1507 : i32 to index
          %get3A_1559 = arith.constant 80 : index
          %get3A_1560 = tpu.vector_load %arg11[%get3A_1558, %get3A_1559] {strides = array<i32>} : memref<80x128xf32, #tpu.memory_space<vmem>>, vector<1x16xf32>,
          %get3A_1561 = vector.shape_cast %get3A_1560 : vector<1x16xf32> to vector<16xf32>
          %mul3A_1562 = arith.mulf %get3A_1561, %broadcast_in_dim3A_1503 : vector<16xf32>
          %swap3A_1563 = arith.index_cast %add3A_1507 : i32 to index
          %swap3A_1564 = arith.constant 80 : index
          %swap3A_1565 = tpu.vector_load %arg11[%swap3A_1563, %swap3A_1564] {strides = array<i32>} : memref<80x128xf32, #tpu.memory_space<vmem>>, vector<1x16xf32>,
          %swap3A_1566 = vector.shape_cast %swap3A_1565 : vector<1x16xf32> to vector<16xf32>
          %swap3A_1567 = vector.shape_cast %mul3A_1562 : vector<16xf32> to vector<1x16xf32>
          tpu.vector_store %arg11[%swap3A_1563, %swap3A_1564], %swap3A_1567 {strides = array<i32>} : memref<80x128xf32, #tpu.memory_space<vmem>>, vector<1x16xf32>,
          %get3A_1568 = arith.index_cast %add3A_1507 : i32 to index
          %get3A_1569 = arith.constant 96 : index
          %get3A_1570 = tpu.vector_load %arg11[%get3A_1568, %get3A_1569] {strides = array<i32>} : memref<80x128xf32, #tpu.memory_space<vmem>>, vector<1x16xf32>,
          %get3A_1571 = vector.shape_cast %get3A_1570 : vector<1x16xf32> to vector<16xf32>
          %mul3A_1572 = arith.mulf %get3A_1571, %broadcast_in_dim3A_1503 : vector<16xf32>
          %swap3A_1573 = arith.index_cast %add3A_1507 : i32 to index
          %swap3A_1574 = arith.constant 96 : index
          %swap3A_1575 = tpu.vector_load %arg11[%swap3A_1573, %swap3A_1574] {strides = array<i32>} : memref<80x128xf32, #tpu.memory_space<vmem>>, vector<1x16xf32>,
          %swap3A_1576 = vector.shape_cast %swap3A_1575 : vector<1x16xf32> to vector<16xf32>
          %swap3A_1577 = vector.shape_cast %mul3A_1572 : vector<16xf32> to vector<1x16xf32>
          tpu.vector_store %arg11[%swap3A_1573, %swap3A_1574], %swap3A_1577 {strides = array<i32>} : memref<80x128xf32, #tpu.memory_space<vmem>>, vector<1x16xf32>,
          %get3A_1578 = arith.index_cast %add3A_1507 : i32 to index
          %get3A_1579 = arith.constant 112 : index
          %get3A_1580 = tpu.vector_load %arg11[%get3A_1578, %get3A_1579] {strides = array<i32>} : memref<80x128xf32, #tpu.memory_space<vmem>>, vector<1x16xf32>,
          %get3A_1581 = vector.shape_cast %get3A_1580 : vector<1x16xf32> to vector<16xf32>
          %mul3A_1582 = arith.mulf %get3A_1581, %broadcast_in_dim3A_1503 : vector<16xf32>
          %swap3A_1583 = arith.index_cast %add3A_1507 : i32 to index
          %swap3A_1584 = arith.constant 112 : index
          %swap3A_1585 = tpu.vector_load %arg11[%swap3A_1583, %swap3A_1584] {strides = array<i32>} : memref<80x128xf32, #tpu.memory_space<vmem>>, vector<1x16xf32>,
          %swap3A_1586 = vector.shape_cast %swap3A_1585 : vector<1x16xf32> to vector<16xf32>
          %swap3A_1587 = vector.shape_cast %mul3A_1582 : vector<16xf32> to vector<1x16xf32>
          tpu.vector_store %arg11[%swap3A_1583, %swap3A_1584], %swap3A_1587 {strides = array<i32>} : memref<80x128xf32, #tpu.memory_space<vmem>>, vector<1x16xf32>,
        }
        %scan3A_186 = arith.constant 5 : i32
        %dma_start3A_187 = arith.constant 0 : i32
        %dma_start3A_188 = tpu.memref_slice %arg8[%add3A_97, %dma_start3A_187] : memref<25x80xi32, #tpu.memory_space<vmem>> -> memref<1x80xi32, #tpu.memory_space<vmem>>
        %dma_start3A_189 = tpu.memref_squeeze %dma_start3A_188 : memref<1x80xi32, #tpu.memory_space<vmem>> -> memref<80xi32, #tpu.memory_space<vmem>>
        %dma_start3A_190 = arith.constant 0 : i32
        %dma_start3A_191 = arith.constant 0 : i32
        %dma_start3A_192 = tpu.memref_slice %arg13[%dma_start3A_190, %dma_start3A_191] : memref<10000x128xf32, #tpu.memory_space<vmem_shared>> -> memref<10000x128xf32, #tpu.memory_space<vmem_shared>>
        tpu.enqueue_indirect_dma source(%arg11 : memref<80x128xf32, #tpu.memory_space<vmem>>) target(%dma_start3A_192 : memref<10000x128xf32, #tpu.memory_space<vmem_shared>>) offsets(%dma_start3A_189 : memref<80xi32, #tpu.memory_space<vmem>>) semaphore(%arg17 : memref<!tpu.dma_semaphore, #tpu.memory_space<semaphore_mem>>) {add = true}
      }
      %scan3A_46 = arith.constant 12 : i32
      %dma_wait3A = arith.constant 23 : i32
      %dma_wait3A_47 = arith.constant 0 : i32
      %dma_wait3A_48 = tpu.memref_slice %arg8[%dma_wait3A, %dma_wait3A_47] : memref<25x80xi32, #tpu.memory_space<vmem>> -> memref<1x80xi32, #tpu.memory_space<vmem>>
      %dma_wait3A_49 = tpu.memref_squeeze %dma_wait3A_48 : memref<1x80xi32, #tpu.memory_space<vmem>> -> memref<80xi32, #tpu.memory_space<vmem>>
      %dma_wait3A_50 = arith.constant 0 : i32
      %dma_wait3A_51 = arith.constant 0 : i32
      %dma_wait3A_52 = tpu.memref_slice %arg13[%dma_wait3A_50, %dma_wait3A_51] : memref<10000x128xf32, #tpu.memory_space<vmem_shared>> -> memref<10000x128xf32, #tpu.memory_space<vmem_shared>>
      tpu.wait_indirect_dma semaphore(%arg17 : memref<!tpu.dma_semaphore, #tpu.memory_space<semaphore_mem>>) src(%arg11 : memref<80x128xf32, #tpu.memory_space<vmem>>) dst(%dma_wait3A_52 : memref<10000x128xf32, #tpu.memory_space<vmem_shared>>)
      %dma_wait3A_53 = arith.constant 24 : i32
      %dma_wait3A_54 = arith.constant 0 : i32
      %dma_wait3A_55 = arith.constant 0 : i32
      %dma_wait3A_56 = tpu.memref_slice %arg10[%dma_wait3A_54, %dma_wait3A_55] : memref<80x128xf32, #tpu.memory_space<vmem>> -> memref<40x128xf32, #tpu.memory_space<vmem>>
      %dma_wait3A_57 = arith.constant 0 : i32
      %dma_wait3A_58 = tpu.memref_slice %arg7[%dma_wait3A_53, %dma_wait3A_57] : memref<25x80xi32, #tpu.memory_space<vmem>> -> memref<1x40xi32, #tpu.memory_space<vmem>>
      %dma_wait3A_59 = tpu.memref_squeeze %dma_wait3A_58 : memref<1x40xi32, #tpu.memory_space<vmem>> -> memref<40xi32, #tpu.memory_space<vmem>>
      %dma_wait3A_60 = arith.constant 0 : i32
      %dma_wait3A_61 = arith.constant 0 : i32
      %dma_wait3A_62 = tpu.memref_slice %arg2[%dma_wait3A_60, %dma_wait3A_61] : memref<10000x128xf32, #tpu.memory_space<hbm>> -> memref<10000x128xf32, #tpu.memory_space<hbm>>
      tpu.wait_indirect_dma semaphore(%arg14 : memref<!tpu.dma_semaphore, #tpu.memory_space<semaphore_mem>>) src(%dma_wait3A_62 : memref<10000x128xf32, #tpu.memory_space<hbm>>) dst(%dma_wait3A_56 : memref<40x128xf32, #tpu.memory_space<vmem>>)
      %dma_wait3A_63 = arith.constant 24 : i32
      %dma_wait3A_64 = arith.constant 40 : i32
      %dma_wait3A_65 = arith.constant 0 : i32
      %dma_wait3A_66 = tpu.memref_slice %arg10[%dma_wait3A_64, %dma_wait3A_65] : memref<80x128xf32, #tpu.memory_space<vmem>> -> memref<40x128xf32, #tpu.memory_space<vmem>>
      %dma_wait3A_67 = arith.constant 40 : i32
      %dma_wait3A_68 = tpu.memref_slice %arg7[%dma_wait3A_63, %dma_wait3A_67] : memref<25x80xi32, #tpu.memory_space<vmem>> -> memref<1x40xi32, #tpu.memory_space<vmem>>
      %dma_wait3A_69 = tpu.memref_squeeze %dma_wait3A_68 : memref<1x40xi32, #tpu.memory_space<vmem>> -> memref<40xi32, #tpu.memory_space<vmem>>
      %dma_wait3A_70 = arith.constant 0 : i32
      %dma_wait3A_71 = arith.constant 0 : i32
      %dma_wait3A_72 = tpu.memref_slice %arg2[%dma_wait3A_70, %dma_wait3A_71] : memref<10000x128xf32, #tpu.memory_space<hbm>> -> memref<10000x128xf32, #tpu.memory_space<hbm>>
      tpu.wait_indirect_dma semaphore(%arg14 : memref<!tpu.dma_semaphore, #tpu.memory_space<semaphore_mem>>) src(%dma_wait3A_72 : memref<10000x128xf32, #tpu.memory_space<hbm>>) dst(%dma_wait3A_66 : memref<40x128xf32, #tpu.memory_space<vmem>>)
      %scan3A_73 = arith.constant 0 : i32
      %scan3A_74 = arith.constant 0 : i32
      %scan3A_75 = arith.constant 5 : i32
      %scan3A_76 = arith.addi %scan3A_74, %scan3A_75 : i32
      %scan3A_77 = arith.constant 1 : i32
      scf.for %scan3A_93 = %scan3A_74 to %scan3A_76 step %scan3A_77  : i32 {
        %mul3A_94 = arith.constant 16 : i32
        %mul3A_95 = arith.muli %scan3A_93, %mul3A_94 : i32
        %get3A = arith.constant 24 : i32
        %get3A_96 = arith.index_cast %get3A : i32 to index
        %get3A_97 = arith.index_cast %mul3A_95 : i32 to index
        %get3A_98 = tpu.vector_load %arg9[%get3A_96, %get3A_97] {strides = array<i32>} : memref<25x80xf32, #tpu.memory_space<vmem>>, vector<1x16xf32>,
        %get3A_99 = vector.shape_cast %get3A_98 : vector<1x16xf32> to vector<16xf32>
        %slice3A = vector.extract_strided_slice %get3A_99 {offsets = [0], sizes = [1], strides = [1]} : vector<16xf32> to vector<1xf32>
        %squeeze3A = vector.extract %slice3A[0] : f32 from vector<1xf32>
        %broadcast_in_dim3A_100 = vector.broadcast %squeeze3A : f32 to vector<16xf32>
        %mul3A_101 = arith.constant 16 : i32
        %mul3A_102 = arith.muli %scan3A_93, %mul3A_101 : i32
        %add3A_103 = arith.constant 0 : i32
        %add3A_104 = arith.addi %mul3A_102, %add3A_103 : i32
        %get3A_105 = arith.index_cast %add3A_104 : i32 to index
        %get3A_106 = arith.constant 0 : index
        %get3A_107 = tpu.vector_load %arg10[%get3A_105, %get3A_106] {strides = array<i32>} : memref<80x128xf32, #tpu.memory_space<vmem>>, vector<1x16xf32>,
        %get3A_108 = vector.shape_cast %get3A_107 : vector<1x16xf32> to vector<16xf32>
        %mul3A_109 = arith.mulf %get3A_108, %broadcast_in_dim3A_100 : vector<16xf32>
        %swap3A = arith.index_cast %add3A_104 : i32 to index
        %swap3A_110 = arith.constant 0 : index
        %swap3A_111 = tpu.vector_load %arg10[%swap3A, %swap3A_110] {strides = array<i32>} : memref<80x128xf32, #tpu.memory_space<vmem>>, vector<1x16xf32>,
        %swap3A_112 = vector.shape_cast %swap3A_111 : vector<1x16xf32> to vector<16xf32>
        %swap3A_113 = vector.shape_cast %mul3A_109 : vector<16xf32> to vector<1x16xf32>
        tpu.vector_store %arg10[%swap3A, %swap3A_110], %swap3A_113 {strides = array<i32>} : memref<80x128xf32, #tpu.memory_space<vmem>>, vector<1x16xf32>,
        %get3A_114 = arith.index_cast %add3A_104 : i32 to index
        %get3A_115 = arith.constant 16 : index
        %get3A_116 = tpu.vector_load %arg10[%get3A_114, %get3A_115] {strides = array<i32>} : memref<80x128xf32, #tpu.memory_space<vmem>>, vector<1x16xf32>,
        %get3A_117 = vector.shape_cast %get3A_116 : vector<1x16xf32> to vector<16xf32>
        %mul3A_118 = arith.mulf %get3A_117, %broadcast_in_dim3A_100 : vector<16xf32>
        %swap3A_119 = arith.index_cast %add3A_104 : i32 to index
        %swap3A_120 = arith.constant 16 : index
        %swap3A_121 = tpu.vector_load %arg10[%swap3A_119, %swap3A_120] {strides = array<i32>} : memref<80x128xf32, #tpu.memory_space<vmem>>, vector<1x16xf32>,
        %swap3A_122 = vector.shape_cast %swap3A_121 : vector<1x16xf32> to vector<16xf32>
        %swap3A_123 = vector.shape_cast %mul3A_118 : vector<16xf32> to vector<1x16xf32>
        tpu.vector_store %arg10[%swap3A_119, %swap3A_120], %swap3A_123 {strides = array<i32>} : memref<80x128xf32, #tpu.memory_space<vmem>>, vector<1x16xf32>,
        %get3A_124 = arith.index_cast %add3A_104 : i32 to index
        %get3A_125 = arith.constant 32 : index
        %get3A_126 = tpu.vector_load %arg10[%get3A_124, %get3A_125] {strides = array<i32>} : memref<80x128xf32, #tpu.memory_space<vmem>>, vector<1x16xf32>,
        %get3A_127 = vector.shape_cast %get3A_126 : vector<1x16xf32> to vector<16xf32>
        %mul3A_128 = arith.mulf %get3A_127, %broadcast_in_dim3A_100 : vector<16xf32>
        %swap3A_129 = arith.index_cast %add3A_104 : i32 to index
        %swap3A_130 = arith.constant 32 : index
        %swap3A_131 = tpu.vector_load %arg10[%swap3A_129, %swap3A_130] {strides = array<i32>} : memref<80x128xf32, #tpu.memory_space<vmem>>, vector<1x16xf32>,
        %swap3A_132 = vector.shape_cast %swap3A_131 : vector<1x16xf32> to vector<16xf32>
        %swap3A_133 = vector.shape_cast %mul3A_128 : vector<16xf32> to vector<1x16xf32>
        tpu.vector_store %arg10[%swap3A_129, %swap3A_130], %swap3A_133 {strides = array<i32>} : memref<80x128xf32, #tpu.memory_space<vmem>>, vector<1x16xf32>,
        %get3A_134 = arith.index_cast %add3A_104 : i32 to index
        %get3A_135 = arith.constant 48 : index
        %get3A_136 = tpu.vector_load %arg10[%get3A_134, %get3A_135] {strides = array<i32>} : memref<80x128xf32, #tpu.memory_space<vmem>>, vector<1x16xf32>,
        %get3A_137 = vector.shape_cast %get3A_136 : vector<1x16xf32> to vector<16xf32>
        %mul3A_138 = arith.mulf %get3A_137, %broadcast_in_dim3A_100 : vector<16xf32>
        %swap3A_139 = arith.index_cast %add3A_104 : i32 to index
        %swap3A_140 = arith.constant 48 : index
        %swap3A_141 = tpu.vector_load %arg10[%swap3A_139, %swap3A_140] {strides = array<i32>} : memref<80x128xf32, #tpu.memory_space<vmem>>, vector<1x16xf32>,
        %swap3A_142 = vector.shape_cast %swap3A_141 : vector<1x16xf32> to vector<16xf32>
        %swap3A_143 = vector.shape_cast %mul3A_138 : vector<16xf32> to vector<1x16xf32>
        tpu.vector_store %arg10[%swap3A_139, %swap3A_140], %swap3A_143 {strides = array<i32>} : memref<80x128xf32, #tpu.memory_space<vmem>>, vector<1x16xf32>,
        %get3A_144 = arith.index_cast %add3A_104 : i32 to index
        %get3A_145 = arith.constant 64 : index
        %get3A_146 = tpu.vector_load %arg10[%get3A_144, %get3A_145] {strides = array<i32>} : memref<80x128xf32, #tpu.memory_space<vmem>>, vector<1x16xf32>,
        %get3A_147 = vector.shape_cast %get3A_146 : vector<1x16xf32> to vector<16xf32>
        %mul3A_148 = arith.mulf %get3A_147, %broadcast_in_dim3A_100 : vector<16xf32>
        %swap3A_149 = arith.index_cast %add3A_104 : i32 to index
        %swap3A_150 = arith.constant 64 : index
        %swap3A_151 = tpu.vector_load %arg10[%swap3A_149, %swap3A_150] {strides = array<i32>} : memref<80x128xf32, #tpu.memory_space<vmem>>, vector<1x16xf32>,
        %swap3A_152 = vector.shape_cast %swap3A_151 : vector<1x16xf32> to vector<16xf32>
        %swap3A_153 = vector.shape_cast %mul3A_148 : vector<16xf32> to vector<1x16xf32>
        tpu.vector_store %arg10[%swap3A_149, %swap3A_150], %swap3A_153 {strides = array<i32>} : memref<80x128xf32, #tpu.memory_space<vmem>>, vector<1x16xf32>,
        %get3A_154 = arith.index_cast %add3A_104 : i32 to index
        %get3A_155 = arith.constant 80 : index
        %get3A_156 = tpu.vector_load %arg10[%get3A_154, %get3A_155] {strides = array<i32>} : memref<80x128xf32, #tpu.memory_space<vmem>>, vector<1x16xf32>,
        %get3A_157 = vector.shape_cast %get3A_156 : vector<1x16xf32> to vector<16xf32>
        %mul3A_158 = arith.mulf %get3A_157, %broadcast_in_dim3A_100 : vector<16xf32>
        %swap3A_159 = arith.index_cast %add3A_104 : i32 to index
        %swap3A_160 = arith.constant 80 : index
        %swap3A_161 = tpu.vector_load %arg10[%swap3A_159, %swap3A_160] {strides = array<i32>} : memref<80x128xf32, #tpu.memory_space<vmem>>, vector<1x16xf32>,
        %swap3A_162 = vector.shape_cast %swap3A_161 : vector<1x16xf32> to vector<16xf32>
        %swap3A_163 = vector.shape_cast %mul3A_158 : vector<16xf32> to vector<1x16xf32>
        tpu.vector_store %arg10[%swap3A_159, %swap3A_160], %swap3A_163 {strides = array<i32>} : memref<80x128xf32, #tpu.memory_space<vmem>>, vector<1x16xf32>,
        %get3A_164 = arith.index_cast %add3A_104 : i32 to index
        %get3A_165 = arith.constant 96 : index
        %get3A_166 = tpu.vector_load %arg10[%get3A_164, %get3A_165] {strides = array<i32>} : memref<80x128xf32, #tpu.memory_space<vmem>>, vector<1x16xf32>,
        %get3A_167 = vector.shape_cast %get3A_166 : vector<1x16xf32> to vector<16xf32>
        %mul3A_168 = arith.mulf %get3A_167, %broadcast_in_dim3A_100 : vector<16xf32>
        %swap3A_169 = arith.index_cast %add3A_104 : i32 to index
        %swap3A_170 = arith.constant 96 : index
        %swap3A_171 = tpu.vector_load %arg10[%swap3A_169, %swap3A_170] {strides = array<i32>} : memref<80x128xf32, #tpu.memory_space<vmem>>, vector<1x16xf32>,
        %swap3A_172 = vector.shape_cast %swap3A_171 : vector<1x16xf32> to vector<16xf32>
        %swap3A_173 = vector.shape_cast %mul3A_168 : vector<16xf32> to vector<1x16xf32>
        tpu.vector_store %arg10[%swap3A_169, %swap3A_170], %swap3A_173 {strides = array<i32>} : memref<80x128xf32, #tpu.memory_space<vmem>>, vector<1x16xf32>,
        %get3A_174 = arith.index_cast %add3A_104 : i32 to index
        %get3A_175 = arith.constant 112 : index
        %get3A_176 = tpu.vector_load %arg10[%get3A_174, %get3A_175] {strides = array<i32>} : memref<80x128xf32, #tpu.memory_space<vmem>>, vector<1x16xf32>,
        %get3A_177 = vector.shape_cast %get3A_176 : vector<1x16xf32> to vector<16xf32>
        %mul3A_178 = arith.mulf %get3A_177, %broadcast_in_dim3A_100 : vector<16xf32>
        %swap3A_179 = arith.index_cast %add3A_104 : i32 to index
        %swap3A_180 = arith.constant 112 : index
        %swap3A_181 = tpu.vector_load %arg10[%swap3A_179, %swap3A_180] {strides = array<i32>} : memref<80x128xf32, #tpu.memory_space<vmem>>, vector<1x16xf32>,
        %swap3A_182 = vector.shape_cast %swap3A_181 : vector<1x16xf32> to vector<16xf32>
        %swap3A_183 = vector.shape_cast %mul3A_178 : vector<16xf32> to vector<1x16xf32>
        tpu.vector_store %arg10[%swap3A_179, %swap3A_180], %swap3A_183 {strides = array<i32>} : memref<80x128xf32, #tpu.memory_space<vmem>>, vector<1x16xf32>,
        %slice3A_184 = vector.extract_strided_slice %get3A_99 {offsets = [1], sizes = [1], strides = [1]} : vector<16xf32> to vector<1xf32>
        %squeeze3A_185 = vector.extract %slice3A_184[0] : f32 from vector<1xf32>
        %broadcast_in_dim3A_186 = vector.broadcast %squeeze3A_185 : f32 to vector<16xf32>
        %mul3A_187 = arith.constant 16 : i32
        %mul3A_188 = arith.muli %scan3A_93, %mul3A_187 : i32
        %add3A_189 = arith.constant 1 : i32
        %add3A_190 = arith.addi %mul3A_188, %add3A_189 : i32
        %get3A_191 = arith.index_cast %add3A_190 : i32 to index
        %get3A_192 = arith.constant 0 : index
        %get3A_193 = tpu.vector_load %arg10[%get3A_191, %get3A_192] {strides = array<i32>} : memref<80x128xf32, #tpu.memory_space<vmem>>, vector<1x16xf32>,
        %get3A_194 = vector.shape_cast %get3A_193 : vector<1x16xf32> to vector<16xf32>
        %mul3A_195 = arith.mulf %get3A_194, %broadcast_in_dim3A_186 : vector<16xf32>
        %swap3A_196 = arith.index_cast %add3A_190 : i32 to index
        %swap3A_197 = arith.constant 0 : index
        %swap3A_198 = tpu.vector_load %arg10[%swap3A_196, %swap3A_197] {strides = array<i32>} : memref<80x128xf32, #tpu.memory_space<vmem>>, vector<1x16xf32>,
        %swap3A_199 = vector.shape_cast %swap3A_198 : vector<1x16xf32> to vector<16xf32>
        %swap3A_200 = vector.shape_cast %mul3A_195 : vector<16xf32> to vector<1x16xf32>
        tpu.vector_store %arg10[%swap3A_196, %swap3A_197], %swap3A_200 {strides = array<i32>} : memref<80x128xf32, #tpu.memory_space<vmem>>, vector<1x16xf32>,
        %get3A_201 = arith.index_cast %add3A_190 : i32 to index
        %get3A_202 = arith.constant 16 : index
        %get3A_203 = tpu.vector_load %arg10[%get3A_201, %get3A_202] {strides = array<i32>} : memref<80x128xf32, #tpu.memory_space<vmem>>, vector<1x16xf32>,
        %get3A_204 = vector.shape_cast %get3A_203 : vector<1x16xf32> to vector<16xf32>
        %mul3A_205 = arith.mulf %get3A_204, %broadcast_in_dim3A_186 : vector<16xf32>
        %swap3A_206 = arith.index_cast %add3A_190 : i32 to index
        %swap3A_207 = arith.constant 16 : index
        %swap3A_208 = tpu.vector_load %arg10[%swap3A_206, %swap3A_207] {strides = array<i32>} : memref<80x128xf32, #tpu.memory_space<vmem>>, vector<1x16xf32>,
        %swap3A_209 = vector.shape_cast %swap3A_208 : vector<1x16xf32> to vector<16xf32>
        %swap3A_210 = vector.shape_cast %mul3A_205 : vector<16xf32> to vector<1x16xf32>
        tpu.vector_store %arg10[%swap3A_206, %swap3A_207], %swap3A_210 {strides = array<i32>} : memref<80x128xf32, #tpu.memory_space<vmem>>, vector<1x16xf32>,
        %get3A_211 = arith.index_cast %add3A_190 : i32 to index
        %get3A_212 = arith.constant 32 : index
        %get3A_213 = tpu.vector_load %arg10[%get3A_211, %get3A_212] {strides = array<i32>} : memref<80x128xf32, #tpu.memory_space<vmem>>, vector<1x16xf32>,
        %get3A_214 = vector.shape_cast %get3A_213 : vector<1x16xf32> to vector<16xf32>
        %mul3A_215 = arith.mulf %get3A_214, %broadcast_in_dim3A_186 : vector<16xf32>
        %swap3A_216 = arith.index_cast %add3A_190 : i32 to index
        %swap3A_217 = arith.constant 32 : index
        %swap3A_218 = tpu.vector_load %arg10[%swap3A_216, %swap3A_217] {strides = array<i32>} : memref<80x128xf32, #tpu.memory_space<vmem>>, vector<1x16xf32>,
        %swap3A_219 = vector.shape_cast %swap3A_218 : vector<1x16xf32> to vector<16xf32>
        %swap3A_220 = vector.shape_cast %mul3A_215 : vector<16xf32> to vector<1x16xf32>
        tpu.vector_store %arg10[%swap3A_216, %swap3A_217], %swap3A_220 {strides = array<i32>} : memref<80x128xf32, #tpu.memory_space<vmem>>, vector<1x16xf32>,
        %get3A_221 = arith.index_cast %add3A_190 : i32 to index
        %get3A_222 = arith.constant 48 : index
        %get3A_223 = tpu.vector_load %arg10[%get3A_221, %get3A_222] {strides = array<i32>} : memref<80x128xf32, #tpu.memory_space<vmem>>, vector<1x16xf32>,
        %get3A_224 = vector.shape_cast %get3A_223 : vector<1x16xf32> to vector<16xf32>
        %mul3A_225 = arith.mulf %get3A_224, %broadcast_in_dim3A_186 : vector<16xf32>
        %swap3A_226 = arith.index_cast %add3A_190 : i32 to index
        %swap3A_227 = arith.constant 48 : index
        %swap3A_228 = tpu.vector_load %arg10[%swap3A_226, %swap3A_227] {strides = array<i32>} : memref<80x128xf32, #tpu.memory_space<vmem>>, vector<1x16xf32>,
        %swap3A_229 = vector.shape_cast %swap3A_228 : vector<1x16xf32> to vector<16xf32>
        %swap3A_230 = vector.shape_cast %mul3A_225 : vector<16xf32> to vector<1x16xf32>
        tpu.vector_store %arg10[%swap3A_226, %swap3A_227], %swap3A_230 {strides = array<i32>} : memref<80x128xf32, #tpu.memory_space<vmem>>, vector<1x16xf32>,
        %get3A_231 = arith.index_cast %add3A_190 : i32 to index
        %get3A_232 = arith.constant 64 : index
        %get3A_233 = tpu.vector_load %arg10[%get3A_231, %get3A_232] {strides = array<i32>} : memref<80x128xf32, #tpu.memory_space<vmem>>, vector<1x16xf32>,
        %get3A_234 = vector.shape_cast %get3A_233 : vector<1x16xf32> to vector<16xf32>
        %mul3A_235 = arith.mulf %get3A_234, %broadcast_in_dim3A_186 : vector<16xf32>
        %swap3A_236 = arith.index_cast %add3A_190 : i32 to index
        %swap3A_237 = arith.constant 64 : index
        %swap3A_238 = tpu.vector_load %arg10[%swap3A_236, %swap3A_237] {strides = array<i32>} : memref<80x128xf32, #tpu.memory_space<vmem>>, vector<1x16xf32>,
        %swap3A_239 = vector.shape_cast %swap3A_238 : vector<1x16xf32> to vector<16xf32>
        %swap3A_240 = vector.shape_cast %mul3A_235 : vector<16xf32> to vector<1x16xf32>
        tpu.vector_store %arg10[%swap3A_236, %swap3A_237], %swap3A_240 {strides = array<i32>} : memref<80x128xf32, #tpu.memory_space<vmem>>, vector<1x16xf32>,
        %get3A_241 = arith.index_cast %add3A_190 : i32 to index
        %get3A_242 = arith.constant 80 : index
        %get3A_243 = tpu.vector_load %arg10[%get3A_241, %get3A_242] {strides = array<i32>} : memref<80x128xf32, #tpu.memory_space<vmem>>, vector<1x16xf32>,
        %get3A_244 = vector.shape_cast %get3A_243 : vector<1x16xf32> to vector<16xf32>
        %mul3A_245 = arith.mulf %get3A_244, %broadcast_in_dim3A_186 : vector<16xf32>
        %swap3A_246 = arith.index_cast %add3A_190 : i32 to index
        %swap3A_247 = arith.constant 80 : index
        %swap3A_248 = tpu.vector_load %arg10[%swap3A_246, %swap3A_247] {strides = array<i32>} : memref<80x128xf32, #tpu.memory_space<vmem>>, vector<1x16xf32>,
        %swap3A_249 = vector.shape_cast %swap3A_248 : vector<1x16xf32> to vector<16xf32>
        %swap3A_250 = vector.shape_cast %mul3A_245 : vector<16xf32> to vector<1x16xf32>
        tpu.vector_store %arg10[%swap3A_246, %swap3A_247], %swap3A_250 {strides = array<i32>} : memref<80x128xf32, #tpu.memory_space<vmem>>, vector<1x16xf32>,
        %get3A_251 = arith.index_cast %add3A_190 : i32 to index
        %get3A_252 = arith.constant 96 : index
        %get3A_253 = tpu.vector_load %arg10[%get3A_251, %get3A_252] {strides = array<i32>} : memref<80x128xf32, #tpu.memory_space<vmem>>, vector<1x16xf32>,
        %get3A_254 = vector.shape_cast %get3A_253 : vector<1x16xf32> to vector<16xf32>
        %mul3A_255 = arith.mulf %get3A_254, %broadcast_in_dim3A_186 : vector<16xf32>
        %swap3A_256 = arith.index_cast %add3A_190 : i32 to index
        %swap3A_257 = arith.constant 96 : index
        %swap3A_258 = tpu.vector_load %arg10[%swap3A_256, %swap3A_257] {strides = array<i32>} : memref<80x128xf32, #tpu.memory_space<vmem>>, vector<1x16xf32>,
        %swap3A_259 = vector.shape_cast %swap3A_258 : vector<1x16xf32> to vector<16xf32>
        %swap3A_260 = vector.shape_cast %mul3A_255 : vector<16xf32> to vector<1x16xf32>
        tpu.vector_store %arg10[%swap3A_256, %swap3A_257], %swap3A_260 {strides = array<i32>} : memref<80x128xf32, #tpu.memory_space<vmem>>, vector<1x16xf32>,
        %get3A_261 = arith.index_cast %add3A_190 : i32 to index
        %get3A_262 = arith.constant 112 : index
        %get3A_263 = tpu.vector_load %arg10[%get3A_261, %get3A_262] {strides = array<i32>} : memref<80x128xf32, #tpu.memory_space<vmem>>, vector<1x16xf32>,
        %get3A_264 = vector.shape_cast %get3A_263 : vector<1x16xf32> to vector<16xf32>
        %mul3A_265 = arith.mulf %get3A_264, %broadcast_in_dim3A_186 : vector<16xf32>
        %swap3A_266 = arith.index_cast %add3A_190 : i32 to index
        %swap3A_267 = arith.constant 112 : index
        %swap3A_268 = tpu.vector_load %arg10[%swap3A_266, %swap3A_267] {strides = array<i32>} : memref<80x128xf32, #tpu.memory_space<vmem>>, vector<1x16xf32>,
        %swap3A_269 = vector.shape_cast %swap3A_268 : vector<1x16xf32> to vector<16xf32>
        %swap3A_270 = vector.shape_cast %mul3A_265 : vector<16xf32> to vector<1x16xf32>
        tpu.vector_store %arg10[%swap3A_266, %swap3A_267], %swap3A_270 {strides = array<i32>} : memref<80x128xf32, #tpu.memory_space<vmem>>, vector<1x16xf32>,
        %slice3A_271 = vector.extract_strided_slice %get3A_99 {offsets = [2], sizes = [1], strides = [1]} : vector<16xf32> to vector<1xf32>
        %squeeze3A_272 = vector.extract %slice3A_271[0] : f32 from vector<1xf32>
        %broadcast_in_dim3A_273 = vector.broadcast %squeeze3A_272 : f32 to vector<16xf32>
        %mul3A_274 = arith.constant 16 : i32
        %mul3A_275 = arith.muli %scan3A_93, %mul3A_274 : i32
        %add3A_276 = arith.constant 2 : i32
        %add3A_277 = arith.addi %mul3A_275, %add3A_276 : i32
        %get3A_278 = arith.index_cast %add3A_277 : i32 to index
        %get3A_279 = arith.constant 0 : index
        %get3A_280 = tpu.vector_load %arg10[%get3A_278, %get3A_279] {strides = array<i32>} : memref<80x128xf32, #tpu.memory_space<vmem>>, vector<1x16xf32>,
        %get3A_281 = vector.shape_cast %get3A_280 : vector<1x16xf32> to vector<16xf32>
        %mul3A_282 = arith.mulf %get3A_281, %broadcast_in_dim3A_273 : vector<16xf32>
        %swap3A_283 = arith.index_cast %add3A_277 : i32 to index
        %swap3A_284 = arith.constant 0 : index
        %swap3A_285 = tpu.vector_load %arg10[%swap3A_283, %swap3A_284] {strides = array<i32>} : memref<80x128xf32, #tpu.memory_space<vmem>>, vector<1x16xf32>,
        %swap3A_286 = vector.shape_cast %swap3A_285 : vector<1x16xf32> to vector<16xf32>
        %swap3A_287 = vector.shape_cast %mul3A_282 : vector<16xf32> to vector<1x16xf32>
        tpu.vector_store %arg10[%swap3A_283, %swap3A_284], %swap3A_287 {strides = array<i32>} : memref<80x128xf32, #tpu.memory_space<vmem>>, vector<1x16xf32>,
        %get3A_288 = arith.index_cast %add3A_277 : i32 to index
        %get3A_289 = arith.constant 16 : index
        %get3A_290 = tpu.vector_load %arg10[%get3A_288, %get3A_289] {strides = array<i32>} : memref<80x128xf32, #tpu.memory_space<vmem>>, vector<1x16xf32>,
        %get3A_291 = vector.shape_cast %get3A_290 : vector<1x16xf32> to vector<16xf32>
        %mul3A_292 = arith.mulf %get3A_291, %broadcast_in_dim3A_273 : vector<16xf32>
        %swap3A_293 = arith.index_cast %add3A_277 : i32 to index
        %swap3A_294 = arith.constant 16 : index
        %swap3A_295 = tpu.vector_load %arg10[%swap3A_293, %swap3A_294] {strides = array<i32>} : memref<80x128xf32, #tpu.memory_space<vmem>>, vector<1x16xf32>,
        %swap3A_296 = vector.shape_cast %swap3A_295 : vector<1x16xf32> to vector<16xf32>
        %swap3A_297 = vector.shape_cast %mul3A_292 : vector<16xf32> to vector<1x16xf32>
        tpu.vector_store %arg10[%swap3A_293, %swap3A_294], %swap3A_297 {strides = array<i32>} : memref<80x128xf32, #tpu.memory_space<vmem>>, vector<1x16xf32>,
        %get3A_298 = arith.index_cast %add3A_277 : i32 to index
        %get3A_299 = arith.constant 32 : index
        %get3A_300 = tpu.vector_load %arg10[%get3A_298, %get3A_299] {strides = array<i32>} : memref<80x128xf32, #tpu.memory_space<vmem>>, vector<1x16xf32>,
        %get3A_301 = vector.shape_cast %get3A_300 : vector<1x16xf32> to vector<16xf32>
        %mul3A_302 = arith.mulf %get3A_301, %broadcast_in_dim3A_273 : vector<16xf32>
        %swap3A_303 = arith.index_cast %add3A_277 : i32 to index
        %swap3A_304 = arith.constant 32 : index
        %swap3A_305 = tpu.vector_load %arg10[%swap3A_303, %swap3A_304] {strides = array<i32>} : memref<80x128xf32, #tpu.memory_space<vmem>>, vector<1x16xf32>,
        %swap3A_306 = vector.shape_cast %swap3A_305 : vector<1x16xf32> to vector<16xf32>
        %swap3A_307 = vector.shape_cast %mul3A_302 : vector<16xf32> to vector<1x16xf32>
        tpu.vector_store %arg10[%swap3A_303, %swap3A_304], %swap3A_307 {strides = array<i32>} : memref<80x128xf32, #tpu.memory_space<vmem>>, vector<1x16xf32>,
        %get3A_308 = arith.index_cast %add3A_277 : i32 to index
        %get3A_309 = arith.constant 48 : index
        %get3A_310 = tpu.vector_load %arg10[%get3A_308, %get3A_309] {strides = array<i32>} : memref<80x128xf32, #tpu.memory_space<vmem>>, vector<1x16xf32>,
        %get3A_311 = vector.shape_cast %get3A_310 : vector<1x16xf32> to vector<16xf32>
        %mul3A_312 = arith.mulf %get3A_311, %broadcast_in_dim3A_273 : vector<16xf32>
        %swap3A_313 = arith.index_cast %add3A_277 : i32 to index
        %swap3A_314 = arith.constant 48 : index
        %swap3A_315 = tpu.vector_load %arg10[%swap3A_313, %swap3A_314] {strides = array<i32>} : memref<80x128xf32, #tpu.memory_space<vmem>>, vector<1x16xf32>,
        %swap3A_316 = vector.shape_cast %swap3A_315 : vector<1x16xf32> to vector<16xf32>
        %swap3A_317 = vector.shape_cast %mul3A_312 : vector<16xf32> to vector<1x16xf32>
        tpu.vector_store %arg10[%swap3A_313, %swap3A_314], %swap3A_317 {strides = array<i32>} : memref<80x128xf32, #tpu.memory_space<vmem>>, vector<1x16xf32>,
        %get3A_318 = arith.index_cast %add3A_277 : i32 to index
        %get3A_319 = arith.constant 64 : index
        %get3A_320 = tpu.vector_load %arg10[%get3A_318, %get3A_319] {strides = array<i32>} : memref<80x128xf32, #tpu.memory_space<vmem>>, vector<1x16xf32>,
        %get3A_321 = vector.shape_cast %get3A_320 : vector<1x16xf32> to vector<16xf32>
        %mul3A_322 = arith.mulf %get3A_321, %broadcast_in_dim3A_273 : vector<16xf32>
        %swap3A_323 = arith.index_cast %add3A_277 : i32 to index
        %swap3A_324 = arith.constant 64 : index
        %swap3A_325 = tpu.vector_load %arg10[%swap3A_323, %swap3A_324] {strides = array<i32>} : memref<80x128xf32, #tpu.memory_space<vmem>>, vector<1x16xf32>,
        %swap3A_326 = vector.shape_cast %swap3A_325 : vector<1x16xf32> to vector<16xf32>
        %swap3A_327 = vector.shape_cast %mul3A_322 : vector<16xf32> to vector<1x16xf32>
        tpu.vector_store %arg10[%swap3A_323, %swap3A_324], %swap3A_327 {strides = array<i32>} : memref<80x128xf32, #tpu.memory_space<vmem>>, vector<1x16xf32>,
        %get3A_328 = arith.index_cast %add3A_277 : i32 to index
        %get3A_329 = arith.constant 80 : index
        %get3A_330 = tpu.vector_load %arg10[%get3A_328, %get3A_329] {strides = array<i32>} : memref<80x128xf32, #tpu.memory_space<vmem>>, vector<1x16xf32>,
        %get3A_331 = vector.shape_cast %get3A_330 : vector<1x16xf32> to vector<16xf32>
        %mul3A_332 = arith.mulf %get3A_331, %broadcast_in_dim3A_273 : vector<16xf32>
        %swap3A_333 = arith.index_cast %add3A_277 : i32 to index
        %swap3A_334 = arith.constant 80 : index
        %swap3A_335 = tpu.vector_load %arg10[%swap3A_333, %swap3A_334] {strides = array<i32>} : memref<80x128xf32, #tpu.memory_space<vmem>>, vector<1x16xf32>,
        %swap3A_336 = vector.shape_cast %swap3A_335 : vector<1x16xf32> to vector<16xf32>
        %swap3A_337 = vector.shape_cast %mul3A_332 : vector<16xf32> to vector<1x16xf32>
        tpu.vector_store %arg10[%swap3A_333, %swap3A_334], %swap3A_337 {strides = array<i32>} : memref<80x128xf32, #tpu.memory_space<vmem>>, vector<1x16xf32>,
        %get3A_338 = arith.index_cast %add3A_277 : i32 to index
        %get3A_339 = arith.constant 96 : index
        %get3A_340 = tpu.vector_load %arg10[%get3A_338, %get3A_339] {strides = array<i32>} : memref<80x128xf32, #tpu.memory_space<vmem>>, vector<1x16xf32>,
        %get3A_341 = vector.shape_cast %get3A_340 : vector<1x16xf32> to vector<16xf32>
        %mul3A_342 = arith.mulf %get3A_341, %broadcast_in_dim3A_273 : vector<16xf32>
        %swap3A_343 = arith.index_cast %add3A_277 : i32 to index
        %swap3A_344 = arith.constant 96 : index
        %swap3A_345 = tpu.vector_load %arg10[%swap3A_343, %swap3A_344] {strides = array<i32>} : memref<80x128xf32, #tpu.memory_space<vmem>>, vector<1x16xf32>,
        %swap3A_346 = vector.shape_cast %swap3A_345 : vector<1x16xf32> to vector<16xf32>
        %swap3A_347 = vector.shape_cast %mul3A_342 : vector<16xf32> to vector<1x16xf32>
        tpu.vector_store %arg10[%swap3A_343, %swap3A_344], %swap3A_347 {strides = array<i32>} : memref<80x128xf32, #tpu.memory_space<vmem>>, vector<1x16xf32>,
        %get3A_348 = arith.index_cast %add3A_277 : i32 to index
        %get3A_349 = arith.constant 112 : index
        %get3A_350 = tpu.vector_load %arg10[%get3A_348, %get3A_349] {strides = array<i32>} : memref<80x128xf32, #tpu.memory_space<vmem>>, vector<1x16xf32>,
        %get3A_351 = vector.shape_cast %get3A_350 : vector<1x16xf32> to vector<16xf32>
        %mul3A_352 = arith.mulf %get3A_351, %broadcast_in_dim3A_273 : vector<16xf32>
        %swap3A_353 = arith.index_cast %add3A_277 : i32 to index
        %swap3A_354 = arith.constant 112 : index
        %swap3A_355 = tpu.vector_load %arg10[%swap3A_353, %swap3A_354] {strides = array<i32>} : memref<80x128xf32, #tpu.memory_space<vmem>>, vector<1x16xf32>,
        %swap3A_356 = vector.shape_cast %swap3A_355 : vector<1x16xf32> to vector<16xf32>
        %swap3A_357 = vector.shape_cast %mul3A_352 : vector<16xf32> to vector<1x16xf32>
        tpu.vector_store %arg10[%swap3A_353, %swap3A_354], %swap3A_357 {strides = array<i32>} : memref<80x128xf32, #tpu.memory_space<vmem>>, vector<1x16xf32>,
        %slice3A_358 = vector.extract_strided_slice %get3A_99 {offsets = [3], sizes = [1], strides = [1]} : vector<16xf32> to vector<1xf32>
        %squeeze3A_359 = vector.extract %slice3A_358[0] : f32 from vector<1xf32>
        %broadcast_in_dim3A_360 = vector.broadcast %squeeze3A_359 : f32 to vector<16xf32>
        %mul3A_361 = arith.constant 16 : i32
        %mul3A_362 = arith.muli %scan3A_93, %mul3A_361 : i32
        %add3A_363 = arith.constant 3 : i32
        %add3A_364 = arith.addi %mul3A_362, %add3A_363 : i32
        %get3A_365 = arith.index_cast %add3A_364 : i32 to index
        %get3A_366 = arith.constant 0 : index
        %get3A_367 = tpu.vector_load %arg10[%get3A_365, %get3A_366] {strides = array<i32>} : memref<80x128xf32, #tpu.memory_space<vmem>>, vector<1x16xf32>,
        %get3A_368 = vector.shape_cast %get3A_367 : vector<1x16xf32> to vector<16xf32>
        %mul3A_369 = arith.mulf %get3A_368, %broadcast_in_dim3A_360 : vector<16xf32>
        %swap3A_370 = arith.index_cast %add3A_364 : i32 to index
        %swap3A_371 = arith.constant 0 : index
        %swap3A_372 = tpu.vector_load %arg10[%swap3A_370, %swap3A_371] {strides = array<i32>} : memref<80x128xf32, #tpu.memory_space<vmem>>, vector<1x16xf32>,
        %swap3A_373 = vector.shape_cast %swap3A_372 : vector<1x16xf32> to vector<16xf32>
        %swap3A_374 = vector.shape_cast %mul3A_369 : vector<16xf32> to vector<1x16xf32>
        tpu.vector_store %arg10[%swap3A_370, %swap3A_371], %swap3A_374 {strides = array<i32>} : memref<80x128xf32, #tpu.memory_space<vmem>>, vector<1x16xf32>,
        %get3A_375 = arith.index_cast %add3A_364 : i32 to index
        %get3A_376 = arith.constant 16 : index
        %get3A_377 = tpu.vector_load %arg10[%get3A_375, %get3A_376] {strides = array<i32>} : memref<80x128xf32, #tpu.memory_space<vmem>>, vector<1x16xf32>,
        %get3A_378 = vector.shape_cast %get3A_377 : vector<1x16xf32> to vector<16xf32>
        %mul3A_379 = arith.mulf %get3A_378, %broadcast_in_dim3A_360 : vector<16xf32>
        %swap3A_380 = arith.index_cast %add3A_364 : i32 to index
        %swap3A_381 = arith.constant 16 : index
        %swap3A_382 = tpu.vector_load %arg10[%swap3A_380, %swap3A_381] {strides = array<i32>} : memref<80x128xf32, #tpu.memory_space<vmem>>, vector<1x16xf32>,
        %swap3A_383 = vector.shape_cast %swap3A_382 : vector<1x16xf32> to vector<16xf32>
        %swap3A_384 = vector.shape_cast %mul3A_379 : vector<16xf32> to vector<1x16xf32>
        tpu.vector_store %arg10[%swap3A_380, %swap3A_381], %swap3A_384 {strides = array<i32>} : memref<80x128xf32, #tpu.memory_space<vmem>>, vector<1x16xf32>,
        %get3A_385 = arith.index_cast %add3A_364 : i32 to index
        %get3A_386 = arith.constant 32 : index
        %get3A_387 = tpu.vector_load %arg10[%get3A_385, %get3A_386] {strides = array<i32>} : memref<80x128xf32, #tpu.memory_space<vmem>>, vector<1x16xf32>,
        %get3A_388 = vector.shape_cast %get3A_387 : vector<1x16xf32> to vector<16xf32>
        %mul3A_389 = arith.mulf %get3A_388, %broadcast_in_dim3A_360 : vector<16xf32>
        %swap3A_390 = arith.index_cast %add3A_364 : i32 to index
        %swap3A_391 = arith.constant 32 : index
        %swap3A_392 = tpu.vector_load %arg10[%swap3A_390, %swap3A_391] {strides = array<i32>} : memref<80x128xf32, #tpu.memory_space<vmem>>, vector<1x16xf32>,
        %swap3A_393 = vector.shape_cast %swap3A_392 : vector<1x16xf32> to vector<16xf32>
        %swap3A_394 = vector.shape_cast %mul3A_389 : vector<16xf32> to vector<1x16xf32>
        tpu.vector_store %arg10[%swap3A_390, %swap3A_391], %swap3A_394 {strides = array<i32>} : memref<80x128xf32, #tpu.memory_space<vmem>>, vector<1x16xf32>,
        %get3A_395 = arith.index_cast %add3A_364 : i32 to index
        %get3A_396 = arith.constant 48 : index
        %get3A_397 = tpu.vector_load %arg10[%get3A_395, %get3A_396] {strides = array<i32>} : memref<80x128xf32, #tpu.memory_space<vmem>>, vector<1x16xf32>,
        %get3A_398 = vector.shape_cast %get3A_397 : vector<1x16xf32> to vector<16xf32>
        %mul3A_399 = arith.mulf %get3A_398, %broadcast_in_dim3A_360 : vector<16xf32>
        %swap3A_400 = arith.index_cast %add3A_364 : i32 to index
        %swap3A_401 = arith.constant 48 : index
        %swap3A_402 = tpu.vector_load %arg10[%swap3A_400, %swap3A_401] {strides = array<i32>} : memref<80x128xf32, #tpu.memory_space<vmem>>, vector<1x16xf32>,
        %swap3A_403 = vector.shape_cast %swap3A_402 : vector<1x16xf32> to vector<16xf32>
        %swap3A_404 = vector.shape_cast %mul3A_399 : vector<16xf32> to vector<1x16xf32>
        tpu.vector_store %arg10[%swap3A_400, %swap3A_401], %swap3A_404 {strides = array<i32>} : memref<80x128xf32, #tpu.memory_space<vmem>>, vector<1x16xf32>,
        %get3A_405 = arith.index_cast %add3A_364 : i32 to index
        %get3A_406 = arith.constant 64 : index
        %get3A_407 = tpu.vector_load %arg10[%get3A_405, %get3A_406] {strides = array<i32>} : memref<80x128xf32, #tpu.memory_space<vmem>>, vector<1x16xf32>,
        %get3A_408 = vector.shape_cast %get3A_407 : vector<1x16xf32> to vector<16xf32>
        %mul3A_409 = arith.mulf %get3A_408, %broadcast_in_dim3A_360 : vector<16xf32>
        %swap3A_410 = arith.index_cast %add3A_364 : i32 to index
        %swap3A_411 = arith.constant 64 : index
        %swap3A_412 = tpu.vector_load %arg10[%swap3A_410, %swap3A_411] {strides = array<i32>} : memref<80x128xf32, #tpu.memory_space<vmem>>, vector<1x16xf32>,
        %swap3A_413 = vector.shape_cast %swap3A_412 : vector<1x16xf32> to vector<16xf32>
        %swap3A_414 = vector.shape_cast %mul3A_409 : vector<16xf32> to vector<1x16xf32>
        tpu.vector_store %arg10[%swap3A_410, %swap3A_411], %swap3A_414 {strides = array<i32>} : memref<80x128xf32, #tpu.memory_space<vmem>>, vector<1x16xf32>,
        %get3A_415 = arith.index_cast %add3A_364 : i32 to index
        %get3A_416 = arith.constant 80 : index
        %get3A_417 = tpu.vector_load %arg10[%get3A_415, %get3A_416] {strides = array<i32>} : memref<80x128xf32, #tpu.memory_space<vmem>>, vector<1x16xf32>,
        %get3A_418 = vector.shape_cast %get3A_417 : vector<1x16xf32> to vector<16xf32>
        %mul3A_419 = arith.mulf %get3A_418, %broadcast_in_dim3A_360 : vector<16xf32>
        %swap3A_420 = arith.index_cast %add3A_364 : i32 to index
        %swap3A_421 = arith.constant 80 : index
        %swap3A_422 = tpu.vector_load %arg10[%swap3A_420, %swap3A_421] {strides = array<i32>} : memref<80x128xf32, #tpu.memory_space<vmem>>, vector<1x16xf32>,
        %swap3A_423 = vector.shape_cast %swap3A_422 : vector<1x16xf32> to vector<16xf32>
        %swap3A_424 = vector.shape_cast %mul3A_419 : vector<16xf32> to vector<1x16xf32>
        tpu.vector_store %arg10[%swap3A_420, %swap3A_421], %swap3A_424 {strides = array<i32>} : memref<80x128xf32, #tpu.memory_space<vmem>>, vector<1x16xf32>,
        %get3A_425 = arith.index_cast %add3A_364 : i32 to index
        %get3A_426 = arith.constant 96 : index
        %get3A_427 = tpu.vector_load %arg10[%get3A_425, %get3A_426] {strides = array<i32>} : memref<80x128xf32, #tpu.memory_space<vmem>>, vector<1x16xf32>,
        %get3A_428 = vector.shape_cast %get3A_427 : vector<1x16xf32> to vector<16xf32>
        %mul3A_429 = arith.mulf %get3A_428, %broadcast_in_dim3A_360 : vector<16xf32>
        %swap3A_430 = arith.index_cast %add3A_364 : i32 to index
        %swap3A_431 = arith.constant 96 : index
        %swap3A_432 = tpu.vector_load %arg10[%swap3A_430, %swap3A_431] {strides = array<i32>} : memref<80x128xf32, #tpu.memory_space<vmem>>, vector<1x16xf32>,
        %swap3A_433 = vector.shape_cast %swap3A_432 : vector<1x16xf32> to vector<16xf32>
        %swap3A_434 = vector.shape_cast %mul3A_429 : vector<16xf32> to vector<1x16xf32>
        tpu.vector_store %arg10[%swap3A_430, %swap3A_431], %swap3A_434 {strides = array<i32>} : memref<80x128xf32, #tpu.memory_space<vmem>>, vector<1x16xf32>,
        %get3A_435 = arith.index_cast %add3A_364 : i32 to index
        %get3A_436 = arith.constant 112 : index
        %get3A_437 = tpu.vector_load %arg10[%get3A_435, %get3A_436] {strides = array<i32>} : memref<80x128xf32, #tpu.memory_space<vmem>>, vector<1x16xf32>,
        %get3A_438 = vector.shape_cast %get3A_437 : vector<1x16xf32> to vector<16xf32>
        %mul3A_439 = arith.mulf %get3A_438, %broadcast_in_dim3A_360 : vector<16xf32>
        %swap3A_440 = arith.index_cast %add3A_364 : i32 to index
        %swap3A_441 = arith.constant 112 : index
        %swap3A_442 = tpu.vector_load %arg10[%swap3A_440, %swap3A_441] {strides = array<i32>} : memref<80x128xf32, #tpu.memory_space<vmem>>, vector<1x16xf32>,
        %swap3A_443 = vector.shape_cast %swap3A_442 : vector<1x16xf32> to vector<16xf32>
        %swap3A_444 = vector.shape_cast %mul3A_439 : vector<16xf32> to vector<1x16xf32>
        tpu.vector_store %arg10[%swap3A_440, %swap3A_441], %swap3A_444 {strides = array<i32>} : memref<80x128xf32, #tpu.memory_space<vmem>>, vector<1x16xf32>,
        %slice3A_445 = vector.extract_strided_slice %get3A_99 {offsets = [4], sizes = [1], strides = [1]} : vector<16xf32> to vector<1xf32>
        %squeeze3A_446 = vector.extract %slice3A_445[0] : f32 from vector<1xf32>
        %broadcast_in_dim3A_447 = vector.broadcast %squeeze3A_446 : f32 to vector<16xf32>
        %mul3A_448 = arith.constant 16 : i32
        %mul3A_449 = arith.muli %scan3A_93, %mul3A_448 : i32
        %add3A_450 = arith.constant 4 : i32
        %add3A_451 = arith.addi %mul3A_449, %add3A_450 : i32
        %get3A_452 = arith.index_cast %add3A_451 : i32 to index
        %get3A_453 = arith.constant 0 : index
        %get3A_454 = tpu.vector_load %arg10[%get3A_452, %get3A_453] {strides = array<i32>} : memref<80x128xf32, #tpu.memory_space<vmem>>, vector<1x16xf32>,
        %get3A_455 = vector.shape_cast %get3A_454 : vector<1x16xf32> to vector<16xf32>
        %mul3A_456 = arith.mulf %get3A_455, %broadcast_in_dim3A_447 : vector<16xf32>
        %swap3A_457 = arith.index_cast %add3A_451 : i32 to index
        %swap3A_458 = arith.constant 0 : index
        %swap3A_459 = tpu.vector_load %arg10[%swap3A_457, %swap3A_458] {strides = array<i32>} : memref<80x128xf32, #tpu.memory_space<vmem>>, vector<1x16xf32>,
        %swap3A_460 = vector.shape_cast %swap3A_459 : vector<1x16xf32> to vector<16xf32>
        %swap3A_461 = vector.shape_cast %mul3A_456 : vector<16xf32> to vector<1x16xf32>
        tpu.vector_store %arg10[%swap3A_457, %swap3A_458], %swap3A_461 {strides = array<i32>} : memref<80x128xf32, #tpu.memory_space<vmem>>, vector<1x16xf32>,
        %get3A_462 = arith.index_cast %add3A_451 : i32 to index
        %get3A_463 = arith.constant 16 : index
        %get3A_464 = tpu.vector_load %arg10[%get3A_462, %get3A_463] {strides = array<i32>} : memref<80x128xf32, #tpu.memory_space<vmem>>, vector<1x16xf32>,
        %get3A_465 = vector.shape_cast %get3A_464 : vector<1x16xf32> to vector<16xf32>
        %mul3A_466 = arith.mulf %get3A_465, %broadcast_in_dim3A_447 : vector<16xf32>
        %swap3A_467 = arith.index_cast %add3A_451 : i32 to index
        %swap3A_468 = arith.constant 16 : index
        %swap3A_469 = tpu.vector_load %arg10[%swap3A_467, %swap3A_468] {strides = array<i32>} : memref<80x128xf32, #tpu.memory_space<vmem>>, vector<1x16xf32>,
        %swap3A_470 = vector.shape_cast %swap3A_469 : vector<1x16xf32> to vector<16xf32>
        %swap3A_471 = vector.shape_cast %mul3A_466 : vector<16xf32> to vector<1x16xf32>
        tpu.vector_store %arg10[%swap3A_467, %swap3A_468], %swap3A_471 {strides = array<i32>} : memref<80x128xf32, #tpu.memory_space<vmem>>, vector<1x16xf32>,
        %get3A_472 = arith.index_cast %add3A_451 : i32 to index
        %get3A_473 = arith.constant 32 : index
        %get3A_474 = tpu.vector_load %arg10[%get3A_472, %get3A_473] {strides = array<i32>} : memref<80x128xf32, #tpu.memory_space<vmem>>, vector<1x16xf32>,
        %get3A_475 = vector.shape_cast %get3A_474 : vector<1x16xf32> to vector<16xf32>
        %mul3A_476 = arith.mulf %get3A_475, %broadcast_in_dim3A_447 : vector<16xf32>
        %swap3A_477 = arith.index_cast %add3A_451 : i32 to index
        %swap3A_478 = arith.constant 32 : index
        %swap3A_479 = tpu.vector_load %arg10[%swap3A_477, %swap3A_478] {strides = array<i32>} : memref<80x128xf32, #tpu.memory_space<vmem>>, vector<1x16xf32>,
        %swap3A_480 = vector.shape_cast %swap3A_479 : vector<1x16xf32> to vector<16xf32>
        %swap3A_481 = vector.shape_cast %mul3A_476 : vector<16xf32> to vector<1x16xf32>
        tpu.vector_store %arg10[%swap3A_477, %swap3A_478], %swap3A_481 {strides = array<i32>} : memref<80x128xf32, #tpu.memory_space<vmem>>, vector<1x16xf32>,
        %get3A_482 = arith.index_cast %add3A_451 : i32 to index
        %get3A_483 = arith.constant 48 : index
        %get3A_484 = tpu.vector_load %arg10[%get3A_482, %get3A_483] {strides = array<i32>} : memref<80x128xf32, #tpu.memory_space<vmem>>, vector<1x16xf32>,
        %get3A_485 = vector.shape_cast %get3A_484 : vector<1x16xf32> to vector<16xf32>
        %mul3A_486 = arith.mulf %get3A_485, %broadcast_in_dim3A_447 : vector<16xf32>
        %swap3A_487 = arith.index_cast %add3A_451 : i32 to index
        %swap3A_488 = arith.constant 48 : index
        %swap3A_489 = tpu.vector_load %arg10[%swap3A_487, %swap3A_488] {strides = array<i32>} : memref<80x128xf32, #tpu.memory_space<vmem>>, vector<1x16xf32>,
        %swap3A_490 = vector.shape_cast %swap3A_489 : vector<1x16xf32> to vector<16xf32>
        %swap3A_491 = vector.shape_cast %mul3A_486 : vector<16xf32> to vector<1x16xf32>
        tpu.vector_store %arg10[%swap3A_487, %swap3A_488], %swap3A_491 {strides = array<i32>} : memref<80x128xf32, #tpu.memory_space<vmem>>, vector<1x16xf32>,
        %get3A_492 = arith.index_cast %add3A_451 : i32 to index
        %get3A_493 = arith.constant 64 : index
        %get3A_494 = tpu.vector_load %arg10[%get3A_492, %get3A_493] {strides = array<i32>} : memref<80x128xf32, #tpu.memory_space<vmem>>, vector<1x16xf32>,
        %get3A_495 = vector.shape_cast %get3A_494 : vector<1x16xf32> to vector<16xf32>
        %mul3A_496 = arith.mulf %get3A_495, %broadcast_in_dim3A_447 : vector<16xf32>
        %swap3A_497 = arith.index_cast %add3A_451 : i32 to index
        %swap3A_498 = arith.constant 64 : index
        %swap3A_499 = tpu.vector_load %arg10[%swap3A_497, %swap3A_498] {strides = array<i32>} : memref<80x128xf32, #tpu.memory_space<vmem>>, vector<1x16xf32>,
        %swap3A_500 = vector.shape_cast %swap3A_499 : vector<1x16xf32> to vector<16xf32>
        %swap3A_501 = vector.shape_cast %mul3A_496 : vector<16xf32> to vector<1x16xf32>
        tpu.vector_store %arg10[%swap3A_497, %swap3A_498], %swap3A_501 {strides = array<i32>} : memref<80x128xf32, #tpu.memory_space<vmem>>, vector<1x16xf32>,
        %get3A_502 = arith.index_cast %add3A_451 : i32 to index
        %get3A_503 = arith.constant 80 : index
        %get3A_504 = tpu.vector_load %arg10[%get3A_502, %get3A_503] {strides = array<i32>} : memref<80x128xf32, #tpu.memory_space<vmem>>, vector<1x16xf32>,
        %get3A_505 = vector.shape_cast %get3A_504 : vector<1x16xf32> to vector<16xf32>
        %mul3A_506 = arith.mulf %get3A_505, %broadcast_in_dim3A_447 : vector<16xf32>
        %swap3A_507 = arith.index_cast %add3A_451 : i32 to index
        %swap3A_508 = arith.constant 80 : index
        %swap3A_509 = tpu.vector_load %arg10[%swap3A_507, %swap3A_508] {strides = array<i32>} : memref<80x128xf32, #tpu.memory_space<vmem>>, vector<1x16xf32>,
        %swap3A_510 = vector.shape_cast %swap3A_509 : vector<1x16xf32> to vector<16xf32>
        %swap3A_511 = vector.shape_cast %mul3A_506 : vector<16xf32> to vector<1x16xf32>
        tpu.vector_store %arg10[%swap3A_507, %swap3A_508], %swap3A_511 {strides = array<i32>} : memref<80x128xf32, #tpu.memory_space<vmem>>, vector<1x16xf32>,
        %get3A_512 = arith.index_cast %add3A_451 : i32 to index
        %get3A_513 = arith.constant 96 : index
        %get3A_514 = tpu.vector_load %arg10[%get3A_512, %get3A_513] {strides = array<i32>} : memref<80x128xf32, #tpu.memory_space<vmem>>, vector<1x16xf32>,
        %get3A_515 = vector.shape_cast %get3A_514 : vector<1x16xf32> to vector<16xf32>
        %mul3A_516 = arith.mulf %get3A_515, %broadcast_in_dim3A_447 : vector<16xf32>
        %swap3A_517 = arith.index_cast %add3A_451 : i32 to index
        %swap3A_518 = arith.constant 96 : index
        %swap3A_519 = tpu.vector_load %arg10[%swap3A_517, %swap3A_518] {strides = array<i32>} : memref<80x128xf32, #tpu.memory_space<vmem>>, vector<1x16xf32>,
        %swap3A_520 = vector.shape_cast %swap3A_519 : vector<1x16xf32> to vector<16xf32>
        %swap3A_521 = vector.shape_cast %mul3A_516 : vector<16xf32> to vector<1x16xf32>
        tpu.vector_store %arg10[%swap3A_517, %swap3A_518], %swap3A_521 {strides = array<i32>} : memref<80x128xf32, #tpu.memory_space<vmem>>, vector<1x16xf32>,
        %get3A_522 = arith.index_cast %add3A_451 : i32 to index
        %get3A_523 = arith.constant 112 : index
        %get3A_524 = tpu.vector_load %arg10[%get3A_522, %get3A_523] {strides = array<i32>} : memref<80x128xf32, #tpu.memory_space<vmem>>, vector<1x16xf32>,
        %get3A_525 = vector.shape_cast %get3A_524 : vector<1x16xf32> to vector<16xf32>
        %mul3A_526 = arith.mulf %get3A_525, %broadcast_in_dim3A_447 : vector<16xf32>
        %swap3A_527 = arith.index_cast %add3A_451 : i32 to index
        %swap3A_528 = arith.constant 112 : index
        %swap3A_529 = tpu.vector_load %arg10[%swap3A_527, %swap3A_528] {strides = array<i32>} : memref<80x128xf32, #tpu.memory_space<vmem>>, vector<1x16xf32>,
        %swap3A_530 = vector.shape_cast %swap3A_529 : vector<1x16xf32> to vector<16xf32>
        %swap3A_531 = vector.shape_cast %mul3A_526 : vector<16xf32> to vector<1x16xf32>
        tpu.vector_store %arg10[%swap3A_527, %swap3A_528], %swap3A_531 {strides = array<i32>} : memref<80x128xf32, #tpu.memory_space<vmem>>, vector<1x16xf32>,
        %slice3A_532 = vector.extract_strided_slice %get3A_99 {offsets = [5], sizes = [1], strides = [1]} : vector<16xf32> to vector<1xf32>
        %squeeze3A_533 = vector.extract %slice3A_532[0] : f32 from vector<1xf32>
        %broadcast_in_dim3A_534 = vector.broadcast %squeeze3A_533 : f32 to vector<16xf32>
        %mul3A_535 = arith.constant 16 : i32
        %mul3A_536 = arith.muli %scan3A_93, %mul3A_535 : i32
        %add3A_537 = arith.constant 5 : i32
        %add3A_538 = arith.addi %mul3A_536, %add3A_537 : i32
        %get3A_539 = arith.index_cast %add3A_538 : i32 to index
        %get3A_540 = arith.constant 0 : index
        %get3A_541 = tpu.vector_load %arg10[%get3A_539, %get3A_540] {strides = array<i32>} : memref<80x128xf32, #tpu.memory_space<vmem>>, vector<1x16xf32>,
        %get3A_542 = vector.shape_cast %get3A_541 : vector<1x16xf32> to vector<16xf32>
        %mul3A_543 = arith.mulf %get3A_542, %broadcast_in_dim3A_534 : vector<16xf32>
        %swap3A_544 = arith.index_cast %add3A_538 : i32 to index
        %swap3A_545 = arith.constant 0 : index
        %swap3A_546 = tpu.vector_load %arg10[%swap3A_544, %swap3A_545] {strides = array<i32>} : memref<80x128xf32, #tpu.memory_space<vmem>>, vector<1x16xf32>,
        %swap3A_547 = vector.shape_cast %swap3A_546 : vector<1x16xf32> to vector<16xf32>
        %swap3A_548 = vector.shape_cast %mul3A_543 : vector<16xf32> to vector<1x16xf32>
        tpu.vector_store %arg10[%swap3A_544, %swap3A_545], %swap3A_548 {strides = array<i32>} : memref<80x128xf32, #tpu.memory_space<vmem>>, vector<1x16xf32>,
        %get3A_549 = arith.index_cast %add3A_538 : i32 to index
        %get3A_550 = arith.constant 16 : index
        %get3A_551 = tpu.vector_load %arg10[%get3A_549, %get3A_550] {strides = array<i32>} : memref<80x128xf32, #tpu.memory_space<vmem>>, vector<1x16xf32>,
        %get3A_552 = vector.shape_cast %get3A_551 : vector<1x16xf32> to vector<16xf32>
        %mul3A_553 = arith.mulf %get3A_552, %broadcast_in_dim3A_534 : vector<16xf32>
        %swap3A_554 = arith.index_cast %add3A_538 : i32 to index
        %swap3A_555 = arith.constant 16 : index
        %swap3A_556 = tpu.vector_load %arg10[%swap3A_554, %swap3A_555] {strides = array<i32>} : memref<80x128xf32, #tpu.memory_space<vmem>>, vector<1x16xf32>,
        %swap3A_557 = vector.shape_cast %swap3A_556 : vector<1x16xf32> to vector<16xf32>
        %swap3A_558 = vector.shape_cast %mul3A_553 : vector<16xf32> to vector<1x16xf32>
        tpu.vector_store %arg10[%swap3A_554, %swap3A_555], %swap3A_558 {strides = array<i32>} : memref<80x128xf32, #tpu.memory_space<vmem>>, vector<1x16xf32>,
        %get3A_559 = arith.index_cast %add3A_538 : i32 to index
        %get3A_560 = arith.constant 32 : index
        %get3A_561 = tpu.vector_load %arg10[%get3A_559, %get3A_560] {strides = array<i32>} : memref<80x128xf32, #tpu.memory_space<vmem>>, vector<1x16xf32>,
        %get3A_562 = vector.shape_cast %get3A_561 : vector<1x16xf32> to vector<16xf32>
        %mul3A_563 = arith.mulf %get3A_562, %broadcast_in_dim3A_534 : vector<16xf32>
        %swap3A_564 = arith.index_cast %add3A_538 : i32 to index
        %swap3A_565 = arith.constant 32 : index
        %swap3A_566 = tpu.vector_load %arg10[%swap3A_564, %swap3A_565] {strides = array<i32>} : memref<80x128xf32, #tpu.memory_space<vmem>>, vector<1x16xf32>,
        %swap3A_567 = vector.shape_cast %swap3A_566 : vector<1x16xf32> to vector<16xf32>
        %swap3A_568 = vector.shape_cast %mul3A_563 : vector<16xf32> to vector<1x16xf32>
        tpu.vector_store %arg10[%swap3A_564, %swap3A_565], %swap3A_568 {strides = array<i32>} : memref<80x128xf32, #tpu.memory_space<vmem>>, vector<1x16xf32>,
        %get3A_569 = arith.index_cast %add3A_538 : i32 to index
        %get3A_570 = arith.constant 48 : index
        %get3A_571 = tpu.vector_load %arg10[%get3A_569, %get3A_570] {strides = array<i32>} : memref<80x128xf32, #tpu.memory_space<vmem>>, vector<1x16xf32>,
        %get3A_572 = vector.shape_cast %get3A_571 : vector<1x16xf32> to vector<16xf32>
        %mul3A_573 = arith.mulf %get3A_572, %broadcast_in_dim3A_534 : vector<16xf32>
        %swap3A_574 = arith.index_cast %add3A_538 : i32 to index
        %swap3A_575 = arith.constant 48 : index
        %swap3A_576 = tpu.vector_load %arg10[%swap3A_574, %swap3A_575] {strides = array<i32>} : memref<80x128xf32, #tpu.memory_space<vmem>>, vector<1x16xf32>,
        %swap3A_577 = vector.shape_cast %swap3A_576 : vector<1x16xf32> to vector<16xf32>
        %swap3A_578 = vector.shape_cast %mul3A_573 : vector<16xf32> to vector<1x16xf32>
        tpu.vector_store %arg10[%swap3A_574, %swap3A_575], %swap3A_578 {strides = array<i32>} : memref<80x128xf32, #tpu.memory_space<vmem>>, vector<1x16xf32>,
        %get3A_579 = arith.index_cast %add3A_538 : i32 to index
        %get3A_580 = arith.constant 64 : index
        %get3A_581 = tpu.vector_load %arg10[%get3A_579, %get3A_580] {strides = array<i32>} : memref<80x128xf32, #tpu.memory_space<vmem>>, vector<1x16xf32>,
        %get3A_582 = vector.shape_cast %get3A_581 : vector<1x16xf32> to vector<16xf32>
        %mul3A_583 = arith.mulf %get3A_582, %broadcast_in_dim3A_534 : vector<16xf32>
        %swap3A_584 = arith.index_cast %add3A_538 : i32 to index
        %swap3A_585 = arith.constant 64 : index
        %swap3A_586 = tpu.vector_load %arg10[%swap3A_584, %swap3A_585] {strides = array<i32>} : memref<80x128xf32, #tpu.memory_space<vmem>>, vector<1x16xf32>,
        %swap3A_587 = vector.shape_cast %swap3A_586 : vector<1x16xf32> to vector<16xf32>
        %swap3A_588 = vector.shape_cast %mul3A_583 : vector<16xf32> to vector<1x16xf32>
        tpu.vector_store %arg10[%swap3A_584, %swap3A_585], %swap3A_588 {strides = array<i32>} : memref<80x128xf32, #tpu.memory_space<vmem>>, vector<1x16xf32>,
        %get3A_589 = arith.index_cast %add3A_538 : i32 to index
        %get3A_590 = arith.constant 80 : index
        %get3A_591 = tpu.vector_load %arg10[%get3A_589, %get3A_590] {strides = array<i32>} : memref<80x128xf32, #tpu.memory_space<vmem>>, vector<1x16xf32>,
        %get3A_592 = vector.shape_cast %get3A_591 : vector<1x16xf32> to vector<16xf32>
        %mul3A_593 = arith.mulf %get3A_592, %broadcast_in_dim3A_534 : vector<16xf32>
        %swap3A_594 = arith.index_cast %add3A_538 : i32 to index
        %swap3A_595 = arith.constant 80 : index
        %swap3A_596 = tpu.vector_load %arg10[%swap3A_594, %swap3A_595] {strides = array<i32>} : memref<80x128xf32, #tpu.memory_space<vmem>>, vector<1x16xf32>,
        %swap3A_597 = vector.shape_cast %swap3A_596 : vector<1x16xf32> to vector<16xf32>
        %swap3A_598 = vector.shape_cast %mul3A_593 : vector<16xf32> to vector<1x16xf32>
        tpu.vector_store %arg10[%swap3A_594, %swap3A_595], %swap3A_598 {strides = array<i32>} : memref<80x128xf32, #tpu.memory_space<vmem>>, vector<1x16xf32>,
        %get3A_599 = arith.index_cast %add3A_538 : i32 to index
        %get3A_600 = arith.constant 96 : index
        %get3A_601 = tpu.vector_load %arg10[%get3A_599, %get3A_600] {strides = array<i32>} : memref<80x128xf32, #tpu.memory_space<vmem>>, vector<1x16xf32>,
        %get3A_602 = vector.shape_cast %get3A_601 : vector<1x16xf32> to vector<16xf32>
        %mul3A_603 = arith.mulf %get3A_602, %broadcast_in_dim3A_534 : vector<16xf32>
        %swap3A_604 = arith.index_cast %add3A_538 : i32 to index
        %swap3A_605 = arith.constant 96 : index
        %swap3A_606 = tpu.vector_load %arg10[%swap3A_604, %swap3A_605] {strides = array<i32>} : memref<80x128xf32, #tpu.memory_space<vmem>>, vector<1x16xf32>,
        %swap3A_607 = vector.shape_cast %swap3A_606 : vector<1x16xf32> to vector<16xf32>
        %swap3A_608 = vector.shape_cast %mul3A_603 : vector<16xf32> to vector<1x16xf32>
        tpu.vector_store %arg10[%swap3A_604, %swap3A_605], %swap3A_608 {strides = array<i32>} : memref<80x128xf32, #tpu.memory_space<vmem>>, vector<1x16xf32>,
        %get3A_609 = arith.index_cast %add3A_538 : i32 to index
        %get3A_610 = arith.constant 112 : index
        %get3A_611 = tpu.vector_load %arg10[%get3A_609, %get3A_610] {strides = array<i32>} : memref<80x128xf32, #tpu.memory_space<vmem>>, vector<1x16xf32>,
        %get3A_612 = vector.shape_cast %get3A_611 : vector<1x16xf32> to vector<16xf32>
        %mul3A_613 = arith.mulf %get3A_612, %broadcast_in_dim3A_534 : vector<16xf32>
        %swap3A_614 = arith.index_cast %add3A_538 : i32 to index
        %swap3A_615 = arith.constant 112 : index
        %swap3A_616 = tpu.vector_load %arg10[%swap3A_614, %swap3A_615] {strides = array<i32>} : memref<80x128xf32, #tpu.memory_space<vmem>>, vector<1x16xf32>,
        %swap3A_617 = vector.shape_cast %swap3A_616 : vector<1x16xf32> to vector<16xf32>
        %swap3A_618 = vector.shape_cast %mul3A_613 : vector<16xf32> to vector<1x16xf32>
        tpu.vector_store %arg10[%swap3A_614, %swap3A_615], %swap3A_618 {strides = array<i32>} : memref<80x128xf32, #tpu.memory_space<vmem>>, vector<1x16xf32>,
        %slice3A_619 = vector.extract_strided_slice %get3A_99 {offsets = [6], sizes = [1], strides = [1]} : vector<16xf32> to vector<1xf32>
        %squeeze3A_620 = vector.extract %slice3A_619[0] : f32 from vector<1xf32>
        %broadcast_in_dim3A_621 = vector.broadcast %squeeze3A_620 : f32 to vector<16xf32>
        %mul3A_622 = arith.constant 16 : i32
        %mul3A_623 = arith.muli %scan3A_93, %mul3A_622 : i32
        %add3A_624 = arith.constant 6 : i32
        %add3A_625 = arith.addi %mul3A_623, %add3A_624 : i32
        %get3A_626 = arith.index_cast %add3A_625 : i32 to index
        %get3A_627 = arith.constant 0 : index
        %get3A_628 = tpu.vector_load %arg10[%get3A_626, %get3A_627] {strides = array<i32>} : memref<80x128xf32, #tpu.memory_space<vmem>>, vector<1x16xf32>,
        %get3A_629 = vector.shape_cast %get3A_628 : vector<1x16xf32> to vector<16xf32>
        %mul3A_630 = arith.mulf %get3A_629, %broadcast_in_dim3A_621 : vector<16xf32>
        %swap3A_631 = arith.index_cast %add3A_625 : i32 to index
        %swap3A_632 = arith.constant 0 : index
        %swap3A_633 = tpu.vector_load %arg10[%swap3A_631, %swap3A_632] {strides = array<i32>} : memref<80x128xf32, #tpu.memory_space<vmem>>, vector<1x16xf32>,
        %swap3A_634 = vector.shape_cast %swap3A_633 : vector<1x16xf32> to vector<16xf32>
        %swap3A_635 = vector.shape_cast %mul3A_630 : vector<16xf32> to vector<1x16xf32>
        tpu.vector_store %arg10[%swap3A_631, %swap3A_632], %swap3A_635 {strides = array<i32>} : memref<80x128xf32, #tpu.memory_space<vmem>>, vector<1x16xf32>,
        %get3A_636 = arith.index_cast %add3A_625 : i32 to index
        %get3A_637 = arith.constant 16 : index
        %get3A_638 = tpu.vector_load %arg10[%get3A_636, %get3A_637] {strides = array<i32>} : memref<80x128xf32, #tpu.memory_space<vmem>>, vector<1x16xf32>,
        %get3A_639 = vector.shape_cast %get3A_638 : vector<1x16xf32> to vector<16xf32>
        %mul3A_640 = arith.mulf %get3A_639, %broadcast_in_dim3A_621 : vector<16xf32>
        %swap3A_641 = arith.index_cast %add3A_625 : i32 to index
        %swap3A_642 = arith.constant 16 : index
        %swap3A_643 = tpu.vector_load %arg10[%swap3A_641, %swap3A_642] {strides = array<i32>} : memref<80x128xf32, #tpu.memory_space<vmem>>, vector<1x16xf32>,
        %swap3A_644 = vector.shape_cast %swap3A_643 : vector<1x16xf32> to vector<16xf32>
        %swap3A_645 = vector.shape_cast %mul3A_640 : vector<16xf32> to vector<1x16xf32>
        tpu.vector_store %arg10[%swap3A_641, %swap3A_642], %swap3A_645 {strides = array<i32>} : memref<80x128xf32, #tpu.memory_space<vmem>>, vector<1x16xf32>,
        %get3A_646 = arith.index_cast %add3A_625 : i32 to index
        %get3A_647 = arith.constant 32 : index
        %get3A_648 = tpu.vector_load %arg10[%get3A_646, %get3A_647] {strides = array<i32>} : memref<80x128xf32, #tpu.memory_space<vmem>>, vector<1x16xf32>,
        %get3A_649 = vector.shape_cast %get3A_648 : vector<1x16xf32> to vector<16xf32>
        %mul3A_650 = arith.mulf %get3A_649, %broadcast_in_dim3A_621 : vector<16xf32>
        %swap3A_651 = arith.index_cast %add3A_625 : i32 to index
        %swap3A_652 = arith.constant 32 : index
        %swap3A_653 = tpu.vector_load %arg10[%swap3A_651, %swap3A_652] {strides = array<i32>} : memref<80x128xf32, #tpu.memory_space<vmem>>, vector<1x16xf32>,
        %swap3A_654 = vector.shape_cast %swap3A_653 : vector<1x16xf32> to vector<16xf32>
        %swap3A_655 = vector.shape_cast %mul3A_650 : vector<16xf32> to vector<1x16xf32>
        tpu.vector_store %arg10[%swap3A_651, %swap3A_652], %swap3A_655 {strides = array<i32>} : memref<80x128xf32, #tpu.memory_space<vmem>>, vector<1x16xf32>,
        %get3A_656 = arith.index_cast %add3A_625 : i32 to index
        %get3A_657 = arith.constant 48 : index
        %get3A_658 = tpu.vector_load %arg10[%get3A_656, %get3A_657] {strides = array<i32>} : memref<80x128xf32, #tpu.memory_space<vmem>>, vector<1x16xf32>,
        %get3A_659 = vector.shape_cast %get3A_658 : vector<1x16xf32> to vector<16xf32>
        %mul3A_660 = arith.mulf %get3A_659, %broadcast_in_dim3A_621 : vector<16xf32>
        %swap3A_661 = arith.index_cast %add3A_625 : i32 to index
        %swap3A_662 = arith.constant 48 : index
        %swap3A_663 = tpu.vector_load %arg10[%swap3A_661, %swap3A_662] {strides = array<i32>} : memref<80x128xf32, #tpu.memory_space<vmem>>, vector<1x16xf32>,
        %swap3A_664 = vector.shape_cast %swap3A_663 : vector<1x16xf32> to vector<16xf32>
        %swap3A_665 = vector.shape_cast %mul3A_660 : vector<16xf32> to vector<1x16xf32>
        tpu.vector_store %arg10[%swap3A_661, %swap3A_662], %swap3A_665 {strides = array<i32>} : memref<80x128xf32, #tpu.memory_space<vmem>>, vector<1x16xf32>,
        %get3A_666 = arith.index_cast %add3A_625 : i32 to index
        %get3A_667 = arith.constant 64 : index
        %get3A_668 = tpu.vector_load %arg10[%get3A_666, %get3A_667] {strides = array<i32>} : memref<80x128xf32, #tpu.memory_space<vmem>>, vector<1x16xf32>,
        %get3A_669 = vector.shape_cast %get3A_668 : vector<1x16xf32> to vector<16xf32>
        %mul3A_670 = arith.mulf %get3A_669, %broadcast_in_dim3A_621 : vector<16xf32>
        %swap3A_671 = arith.index_cast %add3A_625 : i32 to index
        %swap3A_672 = arith.constant 64 : index
        %swap3A_673 = tpu.vector_load %arg10[%swap3A_671, %swap3A_672] {strides = array<i32>} : memref<80x128xf32, #tpu.memory_space<vmem>>, vector<1x16xf32>,
        %swap3A_674 = vector.shape_cast %swap3A_673 : vector<1x16xf32> to vector<16xf32>
        %swap3A_675 = vector.shape_cast %mul3A_670 : vector<16xf32> to vector<1x16xf32>
        tpu.vector_store %arg10[%swap3A_671, %swap3A_672], %swap3A_675 {strides = array<i32>} : memref<80x128xf32, #tpu.memory_space<vmem>>, vector<1x16xf32>,
        %get3A_676 = arith.index_cast %add3A_625 : i32 to index
        %get3A_677 = arith.constant 80 : index
        %get3A_678 = tpu.vector_load %arg10[%get3A_676, %get3A_677] {strides = array<i32>} : memref<80x128xf32, #tpu.memory_space<vmem>>, vector<1x16xf32>,
        %get3A_679 = vector.shape_cast %get3A_678 : vector<1x16xf32> to vector<16xf32>
        %mul3A_680 = arith.mulf %get3A_679, %broadcast_in_dim3A_621 : vector<16xf32>
        %swap3A_681 = arith.index_cast %add3A_625 : i32 to index
        %swap3A_682 = arith.constant 80 : index
        %swap3A_683 = tpu.vector_load %arg10[%swap3A_681, %swap3A_682] {strides = array<i32>} : memref<80x128xf32, #tpu.memory_space<vmem>>, vector<1x16xf32>,
        %swap3A_684 = vector.shape_cast %swap3A_683 : vector<1x16xf32> to vector<16xf32>
        %swap3A_685 = vector.shape_cast %mul3A_680 : vector<16xf32> to vector<1x16xf32>
        tpu.vector_store %arg10[%swap3A_681, %swap3A_682], %swap3A_685 {strides = array<i32>} : memref<80x128xf32, #tpu.memory_space<vmem>>, vector<1x16xf32>,
        %get3A_686 = arith.index_cast %add3A_625 : i32 to index
        %get3A_687 = arith.constant 96 : index
        %get3A_688 = tpu.vector_load %arg10[%get3A_686, %get3A_687] {strides = array<i32>} : memref<80x128xf32, #tpu.memory_space<vmem>>, vector<1x16xf32>,
        %get3A_689 = vector.shape_cast %get3A_688 : vector<1x16xf32> to vector<16xf32>
        %mul3A_690 = arith.mulf %get3A_689, %broadcast_in_dim3A_621 : vector<16xf32>
        %swap3A_691 = arith.index_cast %add3A_625 : i32 to index
        %swap3A_692 = arith.constant 96 : index
        %swap3A_693 = tpu.vector_load %arg10[%swap3A_691, %swap3A_692] {strides = array<i32>} : memref<80x128xf32, #tpu.memory_space<vmem>>, vector<1x16xf32>,
        %swap3A_694 = vector.shape_cast %swap3A_693 : vector<1x16xf32> to vector<16xf32>
        %swap3A_695 = vector.shape_cast %mul3A_690 : vector<16xf32> to vector<1x16xf32>
        tpu.vector_store %arg10[%swap3A_691, %swap3A_692], %swap3A_695 {strides = array<i32>} : memref<80x128xf32, #tpu.memory_space<vmem>>, vector<1x16xf32>,
        %get3A_696 = arith.index_cast %add3A_625 : i32 to index
        %get3A_697 = arith.constant 112 : index
        %get3A_698 = tpu.vector_load %arg10[%get3A_696, %get3A_697] {strides = array<i32>} : memref<80x128xf32, #tpu.memory_space<vmem>>, vector<1x16xf32>,
        %get3A_699 = vector.shape_cast %get3A_698 : vector<1x16xf32> to vector<16xf32>
        %mul3A_700 = arith.mulf %get3A_699, %broadcast_in_dim3A_621 : vector<16xf32>
        %swap3A_701 = arith.index_cast %add3A_625 : i32 to index
        %swap3A_702 = arith.constant 112 : index
        %swap3A_703 = tpu.vector_load %arg10[%swap3A_701, %swap3A_702] {strides = array<i32>} : memref<80x128xf32, #tpu.memory_space<vmem>>, vector<1x16xf32>,
        %swap3A_704 = vector.shape_cast %swap3A_703 : vector<1x16xf32> to vector<16xf32>
        %swap3A_705 = vector.shape_cast %mul3A_700 : vector<16xf32> to vector<1x16xf32>
        tpu.vector_store %arg10[%swap3A_701, %swap3A_702], %swap3A_705 {strides = array<i32>} : memref<80x128xf32, #tpu.memory_space<vmem>>, vector<1x16xf32>,
        %slice3A_706 = vector.extract_strided_slice %get3A_99 {offsets = [7], sizes = [1], strides = [1]} : vector<16xf32> to vector<1xf32>
        %squeeze3A_707 = vector.extract %slice3A_706[0] : f32 from vector<1xf32>
        %broadcast_in_dim3A_708 = vector.broadcast %squeeze3A_707 : f32 to vector<16xf32>
        %mul3A_709 = arith.constant 16 : i32
        %mul3A_710 = arith.muli %scan3A_93, %mul3A_709 : i32
        %add3A_711 = arith.constant 7 : i32
        %add3A_712 = arith.addi %mul3A_710, %add3A_711 : i32
        %get3A_713 = arith.index_cast %add3A_712 : i32 to index
        %get3A_714 = arith.constant 0 : index
        %get3A_715 = tpu.vector_load %arg10[%get3A_713, %get3A_714] {strides = array<i32>} : memref<80x128xf32, #tpu.memory_space<vmem>>, vector<1x16xf32>,
        %get3A_716 = vector.shape_cast %get3A_715 : vector<1x16xf32> to vector<16xf32>
        %mul3A_717 = arith.mulf %get3A_716, %broadcast_in_dim3A_708 : vector<16xf32>
        %swap3A_718 = arith.index_cast %add3A_712 : i32 to index
        %swap3A_719 = arith.constant 0 : index
        %swap3A_720 = tpu.vector_load %arg10[%swap3A_718, %swap3A_719] {strides = array<i32>} : memref<80x128xf32, #tpu.memory_space<vmem>>, vector<1x16xf32>,
        %swap3A_721 = vector.shape_cast %swap3A_720 : vector<1x16xf32> to vector<16xf32>
        %swap3A_722 = vector.shape_cast %mul3A_717 : vector<16xf32> to vector<1x16xf32>
        tpu.vector_store %arg10[%swap3A_718, %swap3A_719], %swap3A_722 {strides = array<i32>} : memref<80x128xf32, #tpu.memory_space<vmem>>, vector<1x16xf32>,
        %get3A_723 = arith.index_cast %add3A_712 : i32 to index
        %get3A_724 = arith.constant 16 : index
        %get3A_725 = tpu.vector_load %arg10[%get3A_723, %get3A_724] {strides = array<i32>} : memref<80x128xf32, #tpu.memory_space<vmem>>, vector<1x16xf32>,
        %get3A_726 = vector.shape_cast %get3A_725 : vector<1x16xf32> to vector<16xf32>
        %mul3A_727 = arith.mulf %get3A_726, %broadcast_in_dim3A_708 : vector<16xf32>
        %swap3A_728 = arith.index_cast %add3A_712 : i32 to index
        %swap3A_729 = arith.constant 16 : index
        %swap3A_730 = tpu.vector_load %arg10[%swap3A_728, %swap3A_729] {strides = array<i32>} : memref<80x128xf32, #tpu.memory_space<vmem>>, vector<1x16xf32>,
        %swap3A_731 = vector.shape_cast %swap3A_730 : vector<1x16xf32> to vector<16xf32>
        %swap3A_732 = vector.shape_cast %mul3A_727 : vector<16xf32> to vector<1x16xf32>
        tpu.vector_store %arg10[%swap3A_728, %swap3A_729], %swap3A_732 {strides = array<i32>} : memref<80x128xf32, #tpu.memory_space<vmem>>, vector<1x16xf32>,
        %get3A_733 = arith.index_cast %add3A_712 : i32 to index
        %get3A_734 = arith.constant 32 : index
        %get3A_735 = tpu.vector_load %arg10[%get3A_733, %get3A_734] {strides = array<i32>} : memref<80x128xf32, #tpu.memory_space<vmem>>, vector<1x16xf32>,
        %get3A_736 = vector.shape_cast %get3A_735 : vector<1x16xf32> to vector<16xf32>
        %mul3A_737 = arith.mulf %get3A_736, %broadcast_in_dim3A_708 : vector<16xf32>
        %swap3A_738 = arith.index_cast %add3A_712 : i32 to index
        %swap3A_739 = arith.constant 32 : index
        %swap3A_740 = tpu.vector_load %arg10[%swap3A_738, %swap3A_739] {strides = array<i32>} : memref<80x128xf32, #tpu.memory_space<vmem>>, vector<1x16xf32>,
        %swap3A_741 = vector.shape_cast %swap3A_740 : vector<1x16xf32> to vector<16xf32>
        %swap3A_742 = vector.shape_cast %mul3A_737 : vector<16xf32> to vector<1x16xf32>
        tpu.vector_store %arg10[%swap3A_738, %swap3A_739], %swap3A_742 {strides = array<i32>} : memref<80x128xf32, #tpu.memory_space<vmem>>, vector<1x16xf32>,
        %get3A_743 = arith.index_cast %add3A_712 : i32 to index
        %get3A_744 = arith.constant 48 : index
        %get3A_745 = tpu.vector_load %arg10[%get3A_743, %get3A_744] {strides = array<i32>} : memref<80x128xf32, #tpu.memory_space<vmem>>, vector<1x16xf32>,
        %get3A_746 = vector.shape_cast %get3A_745 : vector<1x16xf32> to vector<16xf32>
        %mul3A_747 = arith.mulf %get3A_746, %broadcast_in_dim3A_708 : vector<16xf32>
        %swap3A_748 = arith.index_cast %add3A_712 : i32 to index
        %swap3A_749 = arith.constant 48 : index
        %swap3A_750 = tpu.vector_load %arg10[%swap3A_748, %swap3A_749] {strides = array<i32>} : memref<80x128xf32, #tpu.memory_space<vmem>>, vector<1x16xf32>,
        %swap3A_751 = vector.shape_cast %swap3A_750 : vector<1x16xf32> to vector<16xf32>
        %swap3A_752 = vector.shape_cast %mul3A_747 : vector<16xf32> to vector<1x16xf32>
        tpu.vector_store %arg10[%swap3A_748, %swap3A_749], %swap3A_752 {strides = array<i32>} : memref<80x128xf32, #tpu.memory_space<vmem>>, vector<1x16xf32>,
        %get3A_753 = arith.index_cast %add3A_712 : i32 to index
        %get3A_754 = arith.constant 64 : index
        %get3A_755 = tpu.vector_load %arg10[%get3A_753, %get3A_754] {strides = array<i32>} : memref<80x128xf32, #tpu.memory_space<vmem>>, vector<1x16xf32>,
        %get3A_756 = vector.shape_cast %get3A_755 : vector<1x16xf32> to vector<16xf32>
        %mul3A_757 = arith.mulf %get3A_756, %broadcast_in_dim3A_708 : vector<16xf32>
        %swap3A_758 = arith.index_cast %add3A_712 : i32 to index
        %swap3A_759 = arith.constant 64 : index
        %swap3A_760 = tpu.vector_load %arg10[%swap3A_758, %swap3A_759] {strides = array<i32>} : memref<80x128xf32, #tpu.memory_space<vmem>>, vector<1x16xf32>,
        %swap3A_761 = vector.shape_cast %swap3A_760 : vector<1x16xf32> to vector<16xf32>
        %swap3A_762 = vector.shape_cast %mul3A_757 : vector<16xf32> to vector<1x16xf32>
        tpu.vector_store %arg10[%swap3A_758, %swap3A_759], %swap3A_762 {strides = array<i32>} : memref<80x128xf32, #tpu.memory_space<vmem>>, vector<1x16xf32>,
        %get3A_763 = arith.index_cast %add3A_712 : i32 to index
        %get3A_764 = arith.constant 80 : index
        %get3A_765 = tpu.vector_load %arg10[%get3A_763, %get3A_764] {strides = array<i32>} : memref<80x128xf32, #tpu.memory_space<vmem>>, vector<1x16xf32>,
        %get3A_766 = vector.shape_cast %get3A_765 : vector<1x16xf32> to vector<16xf32>
        %mul3A_767 = arith.mulf %get3A_766, %broadcast_in_dim3A_708 : vector<16xf32>
        %swap3A_768 = arith.index_cast %add3A_712 : i32 to index
        %swap3A_769 = arith.constant 80 : index
        %swap3A_770 = tpu.vector_load %arg10[%swap3A_768, %swap3A_769] {strides = array<i32>} : memref<80x128xf32, #tpu.memory_space<vmem>>, vector<1x16xf32>,
        %swap3A_771 = vector.shape_cast %swap3A_770 : vector<1x16xf32> to vector<16xf32>
        %swap3A_772 = vector.shape_cast %mul3A_767 : vector<16xf32> to vector<1x16xf32>
        tpu.vector_store %arg10[%swap3A_768, %swap3A_769], %swap3A_772 {strides = array<i32>} : memref<80x128xf32, #tpu.memory_space<vmem>>, vector<1x16xf32>,
        %get3A_773 = arith.index_cast %add3A_712 : i32 to index
        %get3A_774 = arith.constant 96 : index
        %get3A_775 = tpu.vector_load %arg10[%get3A_773, %get3A_774] {strides = array<i32>} : memref<80x128xf32, #tpu.memory_space<vmem>>, vector<1x16xf32>,
        %get3A_776 = vector.shape_cast %get3A_775 : vector<1x16xf32> to vector<16xf32>
        %mul3A_777 = arith.mulf %get3A_776, %broadcast_in_dim3A_708 : vector<16xf32>
        %swap3A_778 = arith.index_cast %add3A_712 : i32 to index
        %swap3A_779 = arith.constant 96 : index
        %swap3A_780 = tpu.vector_load %arg10[%swap3A_778, %swap3A_779] {strides = array<i32>} : memref<80x128xf32, #tpu.memory_space<vmem>>, vector<1x16xf32>,
        %swap3A_781 = vector.shape_cast %swap3A_780 : vector<1x16xf32> to vector<16xf32>
        %swap3A_782 = vector.shape_cast %mul3A_777 : vector<16xf32> to vector<1x16xf32>
        tpu.vector_store %arg10[%swap3A_778, %swap3A_779], %swap3A_782 {strides = array<i32>} : memref<80x128xf32, #tpu.memory_space<vmem>>, vector<1x16xf32>,
        %get3A_783 = arith.index_cast %add3A_712 : i32 to index
        %get3A_784 = arith.constant 112 : index
        %get3A_785 = tpu.vector_load %arg10[%get3A_783, %get3A_784] {strides = array<i32>} : memref<80x128xf32, #tpu.memory_space<vmem>>, vector<1x16xf32>,
        %get3A_786 = vector.shape_cast %get3A_785 : vector<1x16xf32> to vector<16xf32>
        %mul3A_787 = arith.mulf %get3A_786, %broadcast_in_dim3A_708 : vector<16xf32>
        %swap3A_788 = arith.index_cast %add3A_712 : i32 to index
        %swap3A_789 = arith.constant 112 : index
        %swap3A_790 = tpu.vector_load %arg10[%swap3A_788, %swap3A_789] {strides = array<i32>} : memref<80x128xf32, #tpu.memory_space<vmem>>, vector<1x16xf32>,
        %swap3A_791 = vector.shape_cast %swap3A_790 : vector<1x16xf32> to vector<16xf32>
        %swap3A_792 = vector.shape_cast %mul3A_787 : vector<16xf32> to vector<1x16xf32>
        tpu.vector_store %arg10[%swap3A_788, %swap3A_789], %swap3A_792 {strides = array<i32>} : memref<80x128xf32, #tpu.memory_space<vmem>>, vector<1x16xf32>,
        %slice3A_793 = vector.extract_strided_slice %get3A_99 {offsets = [8], sizes = [1], strides = [1]} : vector<16xf32> to vector<1xf32>
        %squeeze3A_794 = vector.extract %slice3A_793[0] : f32 from vector<1xf32>
        %broadcast_in_dim3A_795 = vector.broadcast %squeeze3A_794 : f32 to vector<16xf32>
        %mul3A_796 = arith.constant 16 : i32
        %mul3A_797 = arith.muli %scan3A_93, %mul3A_796 : i32
        %add3A_798 = arith.constant 8 : i32
        %add3A_799 = arith.addi %mul3A_797, %add3A_798 : i32
        %get3A_800 = arith.index_cast %add3A_799 : i32 to index
        %get3A_801 = arith.constant 0 : index
        %get3A_802 = tpu.vector_load %arg10[%get3A_800, %get3A_801] {strides = array<i32>} : memref<80x128xf32, #tpu.memory_space<vmem>>, vector<1x16xf32>,
        %get3A_803 = vector.shape_cast %get3A_802 : vector<1x16xf32> to vector<16xf32>
        %mul3A_804 = arith.mulf %get3A_803, %broadcast_in_dim3A_795 : vector<16xf32>
        %swap3A_805 = arith.index_cast %add3A_799 : i32 to index
        %swap3A_806 = arith.constant 0 : index
        %swap3A_807 = tpu.vector_load %arg10[%swap3A_805, %swap3A_806] {strides = array<i32>} : memref<80x128xf32, #tpu.memory_space<vmem>>, vector<1x16xf32>,
        %swap3A_808 = vector.shape_cast %swap3A_807 : vector<1x16xf32> to vector<16xf32>
        %swap3A_809 = vector.shape_cast %mul3A_804 : vector<16xf32> to vector<1x16xf32>
        tpu.vector_store %arg10[%swap3A_805, %swap3A_806], %swap3A_809 {strides = array<i32>} : memref<80x128xf32, #tpu.memory_space<vmem>>, vector<1x16xf32>,
        %get3A_810 = arith.index_cast %add3A_799 : i32 to index
        %get3A_811 = arith.constant 16 : index
        %get3A_812 = tpu.vector_load %arg10[%get3A_810, %get3A_811] {strides = array<i32>} : memref<80x128xf32, #tpu.memory_space<vmem>>, vector<1x16xf32>,
        %get3A_813 = vector.shape_cast %get3A_812 : vector<1x16xf32> to vector<16xf32>
        %mul3A_814 = arith.mulf %get3A_813, %broadcast_in_dim3A_795 : vector<16xf32>
        %swap3A_815 = arith.index_cast %add3A_799 : i32 to index
        %swap3A_816 = arith.constant 16 : index
        %swap3A_817 = tpu.vector_load %arg10[%swap3A_815, %swap3A_816] {strides = array<i32>} : memref<80x128xf32, #tpu.memory_space<vmem>>, vector<1x16xf32>,
        %swap3A_818 = vector.shape_cast %swap3A_817 : vector<1x16xf32> to vector<16xf32>
        %swap3A_819 = vector.shape_cast %mul3A_814 : vector<16xf32> to vector<1x16xf32>
        tpu.vector_store %arg10[%swap3A_815, %swap3A_816], %swap3A_819 {strides = array<i32>} : memref<80x128xf32, #tpu.memory_space<vmem>>, vector<1x16xf32>,
        %get3A_820 = arith.index_cast %add3A_799 : i32 to index
        %get3A_821 = arith.constant 32 : index
        %get3A_822 = tpu.vector_load %arg10[%get3A_820, %get3A_821] {strides = array<i32>} : memref<80x128xf32, #tpu.memory_space<vmem>>, vector<1x16xf32>,
        %get3A_823 = vector.shape_cast %get3A_822 : vector<1x16xf32> to vector<16xf32>
        %mul3A_824 = arith.mulf %get3A_823, %broadcast_in_dim3A_795 : vector<16xf32>
        %swap3A_825 = arith.index_cast %add3A_799 : i32 to index
        %swap3A_826 = arith.constant 32 : index
        %swap3A_827 = tpu.vector_load %arg10[%swap3A_825, %swap3A_826] {strides = array<i32>} : memref<80x128xf32, #tpu.memory_space<vmem>>, vector<1x16xf32>,
        %swap3A_828 = vector.shape_cast %swap3A_827 : vector<1x16xf32> to vector<16xf32>
        %swap3A_829 = vector.shape_cast %mul3A_824 : vector<16xf32> to vector<1x16xf32>
        tpu.vector_store %arg10[%swap3A_825, %swap3A_826], %swap3A_829 {strides = array<i32>} : memref<80x128xf32, #tpu.memory_space<vmem>>, vector<1x16xf32>,
        %get3A_830 = arith.index_cast %add3A_799 : i32 to index
        %get3A_831 = arith.constant 48 : index
        %get3A_832 = tpu.vector_load %arg10[%get3A_830, %get3A_831] {strides = array<i32>} : memref<80x128xf32, #tpu.memory_space<vmem>>, vector<1x16xf32>,
        %get3A_833 = vector.shape_cast %get3A_832 : vector<1x16xf32> to vector<16xf32>
        %mul3A_834 = arith.mulf %get3A_833, %broadcast_in_dim3A_795 : vector<16xf32>
        %swap3A_835 = arith.index_cast %add3A_799 : i32 to index
        %swap3A_836 = arith.constant 48 : index
        %swap3A_837 = tpu.vector_load %arg10[%swap3A_835, %swap3A_836] {strides = array<i32>} : memref<80x128xf32, #tpu.memory_space<vmem>>, vector<1x16xf32>,
        %swap3A_838 = vector.shape_cast %swap3A_837 : vector<1x16xf32> to vector<16xf32>
        %swap3A_839 = vector.shape_cast %mul3A_834 : vector<16xf32> to vector<1x16xf32>
        tpu.vector_store %arg10[%swap3A_835, %swap3A_836], %swap3A_839 {strides = array<i32>} : memref<80x128xf32, #tpu.memory_space<vmem>>, vector<1x16xf32>,
        %get3A_840 = arith.index_cast %add3A_799 : i32 to index
        %get3A_841 = arith.constant 64 : index
        %get3A_842 = tpu.vector_load %arg10[%get3A_840, %get3A_841] {strides = array<i32>} : memref<80x128xf32, #tpu.memory_space<vmem>>, vector<1x16xf32>,
        %get3A_843 = vector.shape_cast %get3A_842 : vector<1x16xf32> to vector<16xf32>
        %mul3A_844 = arith.mulf %get3A_843, %broadcast_in_dim3A_795 : vector<16xf32>
        %swap3A_845 = arith.index_cast %add3A_799 : i32 to index
        %swap3A_846 = arith.constant 64 : index
        %swap3A_847 = tpu.vector_load %arg10[%swap3A_845, %swap3A_846] {strides = array<i32>} : memref<80x128xf32, #tpu.memory_space<vmem>>, vector<1x16xf32>,
        %swap3A_848 = vector.shape_cast %swap3A_847 : vector<1x16xf32> to vector<16xf32>
        %swap3A_849 = vector.shape_cast %mul3A_844 : vector<16xf32> to vector<1x16xf32>
        tpu.vector_store %arg10[%swap3A_845, %swap3A_846], %swap3A_849 {strides = array<i32>} : memref<80x128xf32, #tpu.memory_space<vmem>>, vector<1x16xf32>,
        %get3A_850 = arith.index_cast %add3A_799 : i32 to index
        %get3A_851 = arith.constant 80 : index
        %get3A_852 = tpu.vector_load %arg10[%get3A_850, %get3A_851] {strides = array<i32>} : memref<80x128xf32, #tpu.memory_space<vmem>>, vector<1x16xf32>,
        %get3A_853 = vector.shape_cast %get3A_852 : vector<1x16xf32> to vector<16xf32>
        %mul3A_854 = arith.mulf %get3A_853, %broadcast_in_dim3A_795 : vector<16xf32>
        %swap3A_855 = arith.index_cast %add3A_799 : i32 to index
        %swap3A_856 = arith.constant 80 : index
        %swap3A_857 = tpu.vector_load %arg10[%swap3A_855, %swap3A_856] {strides = array<i32>} : memref<80x128xf32, #tpu.memory_space<vmem>>, vector<1x16xf32>,
        %swap3A_858 = vector.shape_cast %swap3A_857 : vector<1x16xf32> to vector<16xf32>
        %swap3A_859 = vector.shape_cast %mul3A_854 : vector<16xf32> to vector<1x16xf32>
        tpu.vector_store %arg10[%swap3A_855, %swap3A_856], %swap3A_859 {strides = array<i32>} : memref<80x128xf32, #tpu.memory_space<vmem>>, vector<1x16xf32>,
        %get3A_860 = arith.index_cast %add3A_799 : i32 to index
        %get3A_861 = arith.constant 96 : index
        %get3A_862 = tpu.vector_load %arg10[%get3A_860, %get3A_861] {strides = array<i32>} : memref<80x128xf32, #tpu.memory_space<vmem>>, vector<1x16xf32>,
        %get3A_863 = vector.shape_cast %get3A_862 : vector<1x16xf32> to vector<16xf32>
        %mul3A_864 = arith.mulf %get3A_863, %broadcast_in_dim3A_795 : vector<16xf32>
        %swap3A_865 = arith.index_cast %add3A_799 : i32 to index
        %swap3A_866 = arith.constant 96 : index
        %swap3A_867 = tpu.vector_load %arg10[%swap3A_865, %swap3A_866] {strides = array<i32>} : memref<80x128xf32, #tpu.memory_space<vmem>>, vector<1x16xf32>,
        %swap3A_868 = vector.shape_cast %swap3A_867 : vector<1x16xf32> to vector<16xf32>
        %swap3A_869 = vector.shape_cast %mul3A_864 : vector<16xf32> to vector<1x16xf32>
        tpu.vector_store %arg10[%swap3A_865, %swap3A_866], %swap3A_869 {strides = array<i32>} : memref<80x128xf32, #tpu.memory_space<vmem>>, vector<1x16xf32>,
        %get3A_870 = arith.index_cast %add3A_799 : i32 to index
        %get3A_871 = arith.constant 112 : index
        %get3A_872 = tpu.vector_load %arg10[%get3A_870, %get3A_871] {strides = array<i32>} : memref<80x128xf32, #tpu.memory_space<vmem>>, vector<1x16xf32>,
        %get3A_873 = vector.shape_cast %get3A_872 : vector<1x16xf32> to vector<16xf32>
        %mul3A_874 = arith.mulf %get3A_873, %broadcast_in_dim3A_795 : vector<16xf32>
        %swap3A_875 = arith.index_cast %add3A_799 : i32 to index
        %swap3A_876 = arith.constant 112 : index
        %swap3A_877 = tpu.vector_load %arg10[%swap3A_875, %swap3A_876] {strides = array<i32>} : memref<80x128xf32, #tpu.memory_space<vmem>>, vector<1x16xf32>,
        %swap3A_878 = vector.shape_cast %swap3A_877 : vector<1x16xf32> to vector<16xf32>
        %swap3A_879 = vector.shape_cast %mul3A_874 : vector<16xf32> to vector<1x16xf32>
        tpu.vector_store %arg10[%swap3A_875, %swap3A_876], %swap3A_879 {strides = array<i32>} : memref<80x128xf32, #tpu.memory_space<vmem>>, vector<1x16xf32>,
        %slice3A_880 = vector.extract_strided_slice %get3A_99 {offsets = [9], sizes = [1], strides = [1]} : vector<16xf32> to vector<1xf32>
        %squeeze3A_881 = vector.extract %slice3A_880[0] : f32 from vector<1xf32>
        %broadcast_in_dim3A_882 = vector.broadcast %squeeze3A_881 : f32 to vector<16xf32>
        %mul3A_883 = arith.constant 16 : i32
        %mul3A_884 = arith.muli %scan3A_93, %mul3A_883 : i32
        %add3A_885 = arith.constant 9 : i32
        %add3A_886 = arith.addi %mul3A_884, %add3A_885 : i32
        %get3A_887 = arith.index_cast %add3A_886 : i32 to index
        %get3A_888 = arith.constant 0 : index
        %get3A_889 = tpu.vector_load %arg10[%get3A_887, %get3A_888] {strides = array<i32>} : memref<80x128xf32, #tpu.memory_space<vmem>>, vector<1x16xf32>,
        %get3A_890 = vector.shape_cast %get3A_889 : vector<1x16xf32> to vector<16xf32>
        %mul3A_891 = arith.mulf %get3A_890, %broadcast_in_dim3A_882 : vector<16xf32>
        %swap3A_892 = arith.index_cast %add3A_886 : i32 to index
        %swap3A_893 = arith.constant 0 : index
        %swap3A_894 = tpu.vector_load %arg10[%swap3A_892, %swap3A_893] {strides = array<i32>} : memref<80x128xf32, #tpu.memory_space<vmem>>, vector<1x16xf32>,
        %swap3A_895 = vector.shape_cast %swap3A_894 : vector<1x16xf32> to vector<16xf32>
        %swap3A_896 = vector.shape_cast %mul3A_891 : vector<16xf32> to vector<1x16xf32>
        tpu.vector_store %arg10[%swap3A_892, %swap3A_893], %swap3A_896 {strides = array<i32>} : memref<80x128xf32, #tpu.memory_space<vmem>>, vector<1x16xf32>,
        %get3A_897 = arith.index_cast %add3A_886 : i32 to index
        %get3A_898 = arith.constant 16 : index
        %get3A_899 = tpu.vector_load %arg10[%get3A_897, %get3A_898] {strides = array<i32>} : memref<80x128xf32, #tpu.memory_space<vmem>>, vector<1x16xf32>,
        %get3A_900 = vector.shape_cast %get3A_899 : vector<1x16xf32> to vector<16xf32>
        %mul3A_901 = arith.mulf %get3A_900, %broadcast_in_dim3A_882 : vector<16xf32>
        %swap3A_902 = arith.index_cast %add3A_886 : i32 to index
        %swap3A_903 = arith.constant 16 : index
        %swap3A_904 = tpu.vector_load %arg10[%swap3A_902, %swap3A_903] {strides = array<i32>} : memref<80x128xf32, #tpu.memory_space<vmem>>, vector<1x16xf32>,
        %swap3A_905 = vector.shape_cast %swap3A_904 : vector<1x16xf32> to vector<16xf32>
        %swap3A_906 = vector.shape_cast %mul3A_901 : vector<16xf32> to vector<1x16xf32>
        tpu.vector_store %arg10[%swap3A_902, %swap3A_903], %swap3A_906 {strides = array<i32>} : memref<80x128xf32, #tpu.memory_space<vmem>>, vector<1x16xf32>,
        %get3A_907 = arith.index_cast %add3A_886 : i32 to index
        %get3A_908 = arith.constant 32 : index
        %get3A_909 = tpu.vector_load %arg10[%get3A_907, %get3A_908] {strides = array<i32>} : memref<80x128xf32, #tpu.memory_space<vmem>>, vector<1x16xf32>,
        %get3A_910 = vector.shape_cast %get3A_909 : vector<1x16xf32> to vector<16xf32>
        %mul3A_911 = arith.mulf %get3A_910, %broadcast_in_dim3A_882 : vector<16xf32>
        %swap3A_912 = arith.index_cast %add3A_886 : i32 to index
        %swap3A_913 = arith.constant 32 : index
        %swap3A_914 = tpu.vector_load %arg10[%swap3A_912, %swap3A_913] {strides = array<i32>} : memref<80x128xf32, #tpu.memory_space<vmem>>, vector<1x16xf32>,
        %swap3A_915 = vector.shape_cast %swap3A_914 : vector<1x16xf32> to vector<16xf32>
        %swap3A_916 = vector.shape_cast %mul3A_911 : vector<16xf32> to vector<1x16xf32>
        tpu.vector_store %arg10[%swap3A_912, %swap3A_913], %swap3A_916 {strides = array<i32>} : memref<80x128xf32, #tpu.memory_space<vmem>>, vector<1x16xf32>,
        %get3A_917 = arith.index_cast %add3A_886 : i32 to index
        %get3A_918 = arith.constant 48 : index
        %get3A_919 = tpu.vector_load %arg10[%get3A_917, %get3A_918] {strides = array<i32>} : memref<80x128xf32, #tpu.memory_space<vmem>>, vector<1x16xf32>,
        %get3A_920 = vector.shape_cast %get3A_919 : vector<1x16xf32> to vector<16xf32>
        %mul3A_921 = arith.mulf %get3A_920, %broadcast_in_dim3A_882 : vector<16xf32>
        %swap3A_922 = arith.index_cast %add3A_886 : i32 to index
        %swap3A_923 = arith.constant 48 : index
        %swap3A_924 = tpu.vector_load %arg10[%swap3A_922, %swap3A_923] {strides = array<i32>} : memref<80x128xf32, #tpu.memory_space<vmem>>, vector<1x16xf32>,
        %swap3A_925 = vector.shape_cast %swap3A_924 : vector<1x16xf32> to vector<16xf32>
        %swap3A_926 = vector.shape_cast %mul3A_921 : vector<16xf32> to vector<1x16xf32>
        tpu.vector_store %arg10[%swap3A_922, %swap3A_923], %swap3A_926 {strides = array<i32>} : memref<80x128xf32, #tpu.memory_space<vmem>>, vector<1x16xf32>,
        %get3A_927 = arith.index_cast %add3A_886 : i32 to index
        %get3A_928 = arith.constant 64 : index
        %get3A_929 = tpu.vector_load %arg10[%get3A_927, %get3A_928] {strides = array<i32>} : memref<80x128xf32, #tpu.memory_space<vmem>>, vector<1x16xf32>,
        %get3A_930 = vector.shape_cast %get3A_929 : vector<1x16xf32> to vector<16xf32>
        %mul3A_931 = arith.mulf %get3A_930, %broadcast_in_dim3A_882 : vector<16xf32>
        %swap3A_932 = arith.index_cast %add3A_886 : i32 to index
        %swap3A_933 = arith.constant 64 : index
        %swap3A_934 = tpu.vector_load %arg10[%swap3A_932, %swap3A_933] {strides = array<i32>} : memref<80x128xf32, #tpu.memory_space<vmem>>, vector<1x16xf32>,
        %swap3A_935 = vector.shape_cast %swap3A_934 : vector<1x16xf32> to vector<16xf32>
        %swap3A_936 = vector.shape_cast %mul3A_931 : vector<16xf32> to vector<1x16xf32>
        tpu.vector_store %arg10[%swap3A_932, %swap3A_933], %swap3A_936 {strides = array<i32>} : memref<80x128xf32, #tpu.memory_space<vmem>>, vector<1x16xf32>,
        %get3A_937 = arith.index_cast %add3A_886 : i32 to index
        %get3A_938 = arith.constant 80 : index
        %get3A_939 = tpu.vector_load %arg10[%get3A_937, %get3A_938] {strides = array<i32>} : memref<80x128xf32, #tpu.memory_space<vmem>>, vector<1x16xf32>,
        %get3A_940 = vector.shape_cast %get3A_939 : vector<1x16xf32> to vector<16xf32>
        %mul3A_941 = arith.mulf %get3A_940, %broadcast_in_dim3A_882 : vector<16xf32>
        %swap3A_942 = arith.index_cast %add3A_886 : i32 to index
        %swap3A_943 = arith.constant 80 : index
        %swap3A_944 = tpu.vector_load %arg10[%swap3A_942, %swap3A_943] {strides = array<i32>} : memref<80x128xf32, #tpu.memory_space<vmem>>, vector<1x16xf32>,
        %swap3A_945 = vector.shape_cast %swap3A_944 : vector<1x16xf32> to vector<16xf32>
        %swap3A_946 = vector.shape_cast %mul3A_941 : vector<16xf32> to vector<1x16xf32>
        tpu.vector_store %arg10[%swap3A_942, %swap3A_943], %swap3A_946 {strides = array<i32>} : memref<80x128xf32, #tpu.memory_space<vmem>>, vector<1x16xf32>,
        %get3A_947 = arith.index_cast %add3A_886 : i32 to index
        %get3A_948 = arith.constant 96 : index
        %get3A_949 = tpu.vector_load %arg10[%get3A_947, %get3A_948] {strides = array<i32>} : memref<80x128xf32, #tpu.memory_space<vmem>>, vector<1x16xf32>,
        %get3A_950 = vector.shape_cast %get3A_949 : vector<1x16xf32> to vector<16xf32>
        %mul3A_951 = arith.mulf %get3A_950, %broadcast_in_dim3A_882 : vector<16xf32>
        %swap3A_952 = arith.index_cast %add3A_886 : i32 to index
        %swap3A_953 = arith.constant 96 : index
        %swap3A_954 = tpu.vector_load %arg10[%swap3A_952, %swap3A_953] {strides = array<i32>} : memref<80x128xf32, #tpu.memory_space<vmem>>, vector<1x16xf32>,
        %swap3A_955 = vector.shape_cast %swap3A_954 : vector<1x16xf32> to vector<16xf32>
        %swap3A_956 = vector.shape_cast %mul3A_951 : vector<16xf32> to vector<1x16xf32>
        tpu.vector_store %arg10[%swap3A_952, %swap3A_953], %swap3A_956 {strides = array<i32>} : memref<80x128xf32, #tpu.memory_space<vmem>>, vector<1x16xf32>,
        %get3A_957 = arith.index_cast %add3A_886 : i32 to index
        %get3A_958 = arith.constant 112 : index
        %get3A_959 = tpu.vector_load %arg10[%get3A_957, %get3A_958] {strides = array<i32>} : memref<80x128xf32, #tpu.memory_space<vmem>>, vector<1x16xf32>,
        %get3A_960 = vector.shape_cast %get3A_959 : vector<1x16xf32> to vector<16xf32>
        %mul3A_961 = arith.mulf %get3A_960, %broadcast_in_dim3A_882 : vector<16xf32>
        %swap3A_962 = arith.index_cast %add3A_886 : i32 to index
        %swap3A_963 = arith.constant 112 : index
        %swap3A_964 = tpu.vector_load %arg10[%swap3A_962, %swap3A_963] {strides = array<i32>} : memref<80x128xf32, #tpu.memory_space<vmem>>, vector<1x16xf32>,
        %swap3A_965 = vector.shape_cast %swap3A_964 : vector<1x16xf32> to vector<16xf32>
        %swap3A_966 = vector.shape_cast %mul3A_961 : vector<16xf32> to vector<1x16xf32>
        tpu.vector_store %arg10[%swap3A_962, %swap3A_963], %swap3A_966 {strides = array<i32>} : memref<80x128xf32, #tpu.memory_space<vmem>>, vector<1x16xf32>,
        %slice3A_967 = vector.extract_strided_slice %get3A_99 {offsets = [10], sizes = [1], strides = [1]} : vector<16xf32> to vector<1xf32>
        %squeeze3A_968 = vector.extract %slice3A_967[0] : f32 from vector<1xf32>
        %broadcast_in_dim3A_969 = vector.broadcast %squeeze3A_968 : f32 to vector<16xf32>
        %mul3A_970 = arith.constant 16 : i32
        %mul3A_971 = arith.muli %scan3A_93, %mul3A_970 : i32
        %add3A_972 = arith.constant 10 : i32
        %add3A_973 = arith.addi %mul3A_971, %add3A_972 : i32
        %get3A_974 = arith.index_cast %add3A_973 : i32 to index
        %get3A_975 = arith.constant 0 : index
        %get3A_976 = tpu.vector_load %arg10[%get3A_974, %get3A_975] {strides = array<i32>} : memref<80x128xf32, #tpu.memory_space<vmem>>, vector<1x16xf32>,
        %get3A_977 = vector.shape_cast %get3A_976 : vector<1x16xf32> to vector<16xf32>
        %mul3A_978 = arith.mulf %get3A_977, %broadcast_in_dim3A_969 : vector<16xf32>
        %swap3A_979 = arith.index_cast %add3A_973 : i32 to index
        %swap3A_980 = arith.constant 0 : index
        %swap3A_981 = tpu.vector_load %arg10[%swap3A_979, %swap3A_980] {strides = array<i32>} : memref<80x128xf32, #tpu.memory_space<vmem>>, vector<1x16xf32>,
        %swap3A_982 = vector.shape_cast %swap3A_981 : vector<1x16xf32> to vector<16xf32>
        %swap3A_983 = vector.shape_cast %mul3A_978 : vector<16xf32> to vector<1x16xf32>
        tpu.vector_store %arg10[%swap3A_979, %swap3A_980], %swap3A_983 {strides = array<i32>} : memref<80x128xf32, #tpu.memory_space<vmem>>, vector<1x16xf32>,
        %get3A_984 = arith.index_cast %add3A_973 : i32 to index
        %get3A_985 = arith.constant 16 : index
        %get3A_986 = tpu.vector_load %arg10[%get3A_984, %get3A_985] {strides = array<i32>} : memref<80x128xf32, #tpu.memory_space<vmem>>, vector<1x16xf32>,
        %get3A_987 = vector.shape_cast %get3A_986 : vector<1x16xf32> to vector<16xf32>
        %mul3A_988 = arith.mulf %get3A_987, %broadcast_in_dim3A_969 : vector<16xf32>
        %swap3A_989 = arith.index_cast %add3A_973 : i32 to index
        %swap3A_990 = arith.constant 16 : index
        %swap3A_991 = tpu.vector_load %arg10[%swap3A_989, %swap3A_990] {strides = array<i32>} : memref<80x128xf32, #tpu.memory_space<vmem>>, vector<1x16xf32>,
        %swap3A_992 = vector.shape_cast %swap3A_991 : vector<1x16xf32> to vector<16xf32>
        %swap3A_993 = vector.shape_cast %mul3A_988 : vector<16xf32> to vector<1x16xf32>
        tpu.vector_store %arg10[%swap3A_989, %swap3A_990], %swap3A_993 {strides = array<i32>} : memref<80x128xf32, #tpu.memory_space<vmem>>, vector<1x16xf32>,
        %get3A_994 = arith.index_cast %add3A_973 : i32 to index
        %get3A_995 = arith.constant 32 : index
        %get3A_996 = tpu.vector_load %arg10[%get3A_994, %get3A_995] {strides = array<i32>} : memref<80x128xf32, #tpu.memory_space<vmem>>, vector<1x16xf32>,
        %get3A_997 = vector.shape_cast %get3A_996 : vector<1x16xf32> to vector<16xf32>
        %mul3A_998 = arith.mulf %get3A_997, %broadcast_in_dim3A_969 : vector<16xf32>
        %swap3A_999 = arith.index_cast %add3A_973 : i32 to index
        %swap3A_1000 = arith.constant 32 : index
        %swap3A_1001 = tpu.vector_load %arg10[%swap3A_999, %swap3A_1000] {strides = array<i32>} : memref<80x128xf32, #tpu.memory_space<vmem>>, vector<1x16xf32>,
        %swap3A_1002 = vector.shape_cast %swap3A_1001 : vector<1x16xf32> to vector<16xf32>
        %swap3A_1003 = vector.shape_cast %mul3A_998 : vector<16xf32> to vector<1x16xf32>
        tpu.vector_store %arg10[%swap3A_999, %swap3A_1000], %swap3A_1003 {strides = array<i32>} : memref<80x128xf32, #tpu.memory_space<vmem>>, vector<1x16xf32>,
        %get3A_1004 = arith.index_cast %add3A_973 : i32 to index
        %get3A_1005 = arith.constant 48 : index
        %get3A_1006 = tpu.vector_load %arg10[%get3A_1004, %get3A_1005] {strides = array<i32>} : memref<80x128xf32, #tpu.memory_space<vmem>>, vector<1x16xf32>,
        %get3A_1007 = vector.shape_cast %get3A_1006 : vector<1x16xf32> to vector<16xf32>
        %mul3A_1008 = arith.mulf %get3A_1007, %broadcast_in_dim3A_969 : vector<16xf32>
        %swap3A_1009 = arith.index_cast %add3A_973 : i32 to index
        %swap3A_1010 = arith.constant 48 : index
        %swap3A_1011 = tpu.vector_load %arg10[%swap3A_1009, %swap3A_1010] {strides = array<i32>} : memref<80x128xf32, #tpu.memory_space<vmem>>, vector<1x16xf32>,
        %swap3A_1012 = vector.shape_cast %swap3A_1011 : vector<1x16xf32> to vector<16xf32>
        %swap3A_1013 = vector.shape_cast %mul3A_1008 : vector<16xf32> to vector<1x16xf32>
        tpu.vector_store %arg10[%swap3A_1009, %swap3A_1010], %swap3A_1013 {strides = array<i32>} : memref<80x128xf32, #tpu.memory_space<vmem>>, vector<1x16xf32>,
        %get3A_1014 = arith.index_cast %add3A_973 : i32 to index
        %get3A_1015 = arith.constant 64 : index
        %get3A_1016 = tpu.vector_load %arg10[%get3A_1014, %get3A_1015] {strides = array<i32>} : memref<80x128xf32, #tpu.memory_space<vmem>>, vector<1x16xf32>,
        %get3A_1017 = vector.shape_cast %get3A_1016 : vector<1x16xf32> to vector<16xf32>
        %mul3A_1018 = arith.mulf %get3A_1017, %broadcast_in_dim3A_969 : vector<16xf32>
        %swap3A_1019 = arith.index_cast %add3A_973 : i32 to index
        %swap3A_1020 = arith.constant 64 : index
        %swap3A_1021 = tpu.vector_load %arg10[%swap3A_1019, %swap3A_1020] {strides = array<i32>} : memref<80x128xf32, #tpu.memory_space<vmem>>, vector<1x16xf32>,
        %swap3A_1022 = vector.shape_cast %swap3A_1021 : vector<1x16xf32> to vector<16xf32>
        %swap3A_1023 = vector.shape_cast %mul3A_1018 : vector<16xf32> to vector<1x16xf32>
        tpu.vector_store %arg10[%swap3A_1019, %swap3A_1020], %swap3A_1023 {strides = array<i32>} : memref<80x128xf32, #tpu.memory_space<vmem>>, vector<1x16xf32>,
        %get3A_1024 = arith.index_cast %add3A_973 : i32 to index
        %get3A_1025 = arith.constant 80 : index
        %get3A_1026 = tpu.vector_load %arg10[%get3A_1024, %get3A_1025] {strides = array<i32>} : memref<80x128xf32, #tpu.memory_space<vmem>>, vector<1x16xf32>,
        %get3A_1027 = vector.shape_cast %get3A_1026 : vector<1x16xf32> to vector<16xf32>
        %mul3A_1028 = arith.mulf %get3A_1027, %broadcast_in_dim3A_969 : vector<16xf32>
        %swap3A_1029 = arith.index_cast %add3A_973 : i32 to index
        %swap3A_1030 = arith.constant 80 : index
        %swap3A_1031 = tpu.vector_load %arg10[%swap3A_1029, %swap3A_1030] {strides = array<i32>} : memref<80x128xf32, #tpu.memory_space<vmem>>, vector<1x16xf32>,
        %swap3A_1032 = vector.shape_cast %swap3A_1031 : vector<1x16xf32> to vector<16xf32>
        %swap3A_1033 = vector.shape_cast %mul3A_1028 : vector<16xf32> to vector<1x16xf32>
        tpu.vector_store %arg10[%swap3A_1029, %swap3A_1030], %swap3A_1033 {strides = array<i32>} : memref<80x128xf32, #tpu.memory_space<vmem>>, vector<1x16xf32>,
        %get3A_1034 = arith.index_cast %add3A_973 : i32 to index
        %get3A_1035 = arith.constant 96 : index
        %get3A_1036 = tpu.vector_load %arg10[%get3A_1034, %get3A_1035] {strides = array<i32>} : memref<80x128xf32, #tpu.memory_space<vmem>>, vector<1x16xf32>,
        %get3A_1037 = vector.shape_cast %get3A_1036 : vector<1x16xf32> to vector<16xf32>
        %mul3A_1038 = arith.mulf %get3A_1037, %broadcast_in_dim3A_969 : vector<16xf32>
        %swap3A_1039 = arith.index_cast %add3A_973 : i32 to index
        %swap3A_1040 = arith.constant 96 : index
        %swap3A_1041 = tpu.vector_load %arg10[%swap3A_1039, %swap3A_1040] {strides = array<i32>} : memref<80x128xf32, #tpu.memory_space<vmem>>, vector<1x16xf32>,
        %swap3A_1042 = vector.shape_cast %swap3A_1041 : vector<1x16xf32> to vector<16xf32>
        %swap3A_1043 = vector.shape_cast %mul3A_1038 : vector<16xf32> to vector<1x16xf32>
        tpu.vector_store %arg10[%swap3A_1039, %swap3A_1040], %swap3A_1043 {strides = array<i32>} : memref<80x128xf32, #tpu.memory_space<vmem>>, vector<1x16xf32>,
        %get3A_1044 = arith.index_cast %add3A_973 : i32 to index
        %get3A_1045 = arith.constant 112 : index
        %get3A_1046 = tpu.vector_load %arg10[%get3A_1044, %get3A_1045] {strides = array<i32>} : memref<80x128xf32, #tpu.memory_space<vmem>>, vector<1x16xf32>,
        %get3A_1047 = vector.shape_cast %get3A_1046 : vector<1x16xf32> to vector<16xf32>
        %mul3A_1048 = arith.mulf %get3A_1047, %broadcast_in_dim3A_969 : vector<16xf32>
        %swap3A_1049 = arith.index_cast %add3A_973 : i32 to index
        %swap3A_1050 = arith.constant 112 : index
        %swap3A_1051 = tpu.vector_load %arg10[%swap3A_1049, %swap3A_1050] {strides = array<i32>} : memref<80x128xf32, #tpu.memory_space<vmem>>, vector<1x16xf32>,
        %swap3A_1052 = vector.shape_cast %swap3A_1051 : vector<1x16xf32> to vector<16xf32>
        %swap3A_1053 = vector.shape_cast %mul3A_1048 : vector<16xf32> to vector<1x16xf32>
        tpu.vector_store %arg10[%swap3A_1049, %swap3A_1050], %swap3A_1053 {strides = array<i32>} : memref<80x128xf32, #tpu.memory_space<vmem>>, vector<1x16xf32>,
        %slice3A_1054 = vector.extract_strided_slice %get3A_99 {offsets = [11], sizes = [1], strides = [1]} : vector<16xf32> to vector<1xf32>
        %squeeze3A_1055 = vector.extract %slice3A_1054[0] : f32 from vector<1xf32>
        %broadcast_in_dim3A_1056 = vector.broadcast %squeeze3A_1055 : f32 to vector<16xf32>
        %mul3A_1057 = arith.constant 16 : i32
        %mul3A_1058 = arith.muli %scan3A_93, %mul3A_1057 : i32
        %add3A_1059 = arith.constant 11 : i32
        %add3A_1060 = arith.addi %mul3A_1058, %add3A_1059 : i32
        %get3A_1061 = arith.index_cast %add3A_1060 : i32 to index
        %get3A_1062 = arith.constant 0 : index
        %get3A_1063 = tpu.vector_load %arg10[%get3A_1061, %get3A_1062] {strides = array<i32>} : memref<80x128xf32, #tpu.memory_space<vmem>>, vector<1x16xf32>,
        %get3A_1064 = vector.shape_cast %get3A_1063 : vector<1x16xf32> to vector<16xf32>
        %mul3A_1065 = arith.mulf %get3A_1064, %broadcast_in_dim3A_1056 : vector<16xf32>
        %swap3A_1066 = arith.index_cast %add3A_1060 : i32 to index
        %swap3A_1067 = arith.constant 0 : index
        %swap3A_1068 = tpu.vector_load %arg10[%swap3A_1066, %swap3A_1067] {strides = array<i32>} : memref<80x128xf32, #tpu.memory_space<vmem>>, vector<1x16xf32>,
        %swap3A_1069 = vector.shape_cast %swap3A_1068 : vector<1x16xf32> to vector<16xf32>
        %swap3A_1070 = vector.shape_cast %mul3A_1065 : vector<16xf32> to vector<1x16xf32>
        tpu.vector_store %arg10[%swap3A_1066, %swap3A_1067], %swap3A_1070 {strides = array<i32>} : memref<80x128xf32, #tpu.memory_space<vmem>>, vector<1x16xf32>,
        %get3A_1071 = arith.index_cast %add3A_1060 : i32 to index
        %get3A_1072 = arith.constant 16 : index
        %get3A_1073 = tpu.vector_load %arg10[%get3A_1071, %get3A_1072] {strides = array<i32>} : memref<80x128xf32, #tpu.memory_space<vmem>>, vector<1x16xf32>,
        %get3A_1074 = vector.shape_cast %get3A_1073 : vector<1x16xf32> to vector<16xf32>
        %mul3A_1075 = arith.mulf %get3A_1074, %broadcast_in_dim3A_1056 : vector<16xf32>
        %swap3A_1076 = arith.index_cast %add3A_1060 : i32 to index
        %swap3A_1077 = arith.constant 16 : index
        %swap3A_1078 = tpu.vector_load %arg10[%swap3A_1076, %swap3A_1077] {strides = array<i32>} : memref<80x128xf32, #tpu.memory_space<vmem>>, vector<1x16xf32>,
        %swap3A_1079 = vector.shape_cast %swap3A_1078 : vector<1x16xf32> to vector<16xf32>
        %swap3A_1080 = vector.shape_cast %mul3A_1075 : vector<16xf32> to vector<1x16xf32>
        tpu.vector_store %arg10[%swap3A_1076, %swap3A_1077], %swap3A_1080 {strides = array<i32>} : memref<80x128xf32, #tpu.memory_space<vmem>>, vector<1x16xf32>,
        %get3A_1081 = arith.index_cast %add3A_1060 : i32 to index
        %get3A_1082 = arith.constant 32 : index
        %get3A_1083 = tpu.vector_load %arg10[%get3A_1081, %get3A_1082] {strides = array<i32>} : memref<80x128xf32, #tpu.memory_space<vmem>>, vector<1x16xf32>,
        %get3A_1084 = vector.shape_cast %get3A_1083 : vector<1x16xf32> to vector<16xf32>
        %mul3A_1085 = arith.mulf %get3A_1084, %broadcast_in_dim3A_1056 : vector<16xf32>
        %swap3A_1086 = arith.index_cast %add3A_1060 : i32 to index
        %swap3A_1087 = arith.constant 32 : index
        %swap3A_1088 = tpu.vector_load %arg10[%swap3A_1086, %swap3A_1087] {strides = array<i32>} : memref<80x128xf32, #tpu.memory_space<vmem>>, vector<1x16xf32>,
        %swap3A_1089 = vector.shape_cast %swap3A_1088 : vector<1x16xf32> to vector<16xf32>
        %swap3A_1090 = vector.shape_cast %mul3A_1085 : vector<16xf32> to vector<1x16xf32>
        tpu.vector_store %arg10[%swap3A_1086, %swap3A_1087], %swap3A_1090 {strides = array<i32>} : memref<80x128xf32, #tpu.memory_space<vmem>>, vector<1x16xf32>,
        %get3A_1091 = arith.index_cast %add3A_1060 : i32 to index
        %get3A_1092 = arith.constant 48 : index
        %get3A_1093 = tpu.vector_load %arg10[%get3A_1091, %get3A_1092] {strides = array<i32>} : memref<80x128xf32, #tpu.memory_space<vmem>>, vector<1x16xf32>,
        %get3A_1094 = vector.shape_cast %get3A_1093 : vector<1x16xf32> to vector<16xf32>
        %mul3A_1095 = arith.mulf %get3A_1094, %broadcast_in_dim3A_1056 : vector<16xf32>
        %swap3A_1096 = arith.index_cast %add3A_1060 : i32 to index
        %swap3A_1097 = arith.constant 48 : index
        %swap3A_1098 = tpu.vector_load %arg10[%swap3A_1096, %swap3A_1097] {strides = array<i32>} : memref<80x128xf32, #tpu.memory_space<vmem>>, vector<1x16xf32>,
        %swap3A_1099 = vector.shape_cast %swap3A_1098 : vector<1x16xf32> to vector<16xf32>
        %swap3A_1100 = vector.shape_cast %mul3A_1095 : vector<16xf32> to vector<1x16xf32>
        tpu.vector_store %arg10[%swap3A_1096, %swap3A_1097], %swap3A_1100 {strides = array<i32>} : memref<80x128xf32, #tpu.memory_space<vmem>>, vector<1x16xf32>,
        %get3A_1101 = arith.index_cast %add3A_1060 : i32 to index
        %get3A_1102 = arith.constant 64 : index
        %get3A_1103 = tpu.vector_load %arg10[%get3A_1101, %get3A_1102] {strides = array<i32>} : memref<80x128xf32, #tpu.memory_space<vmem>>, vector<1x16xf32>,
        %get3A_1104 = vector.shape_cast %get3A_1103 : vector<1x16xf32> to vector<16xf32>
        %mul3A_1105 = arith.mulf %get3A_1104, %broadcast_in_dim3A_1056 : vector<16xf32>
        %swap3A_1106 = arith.index_cast %add3A_1060 : i32 to index
        %swap3A_1107 = arith.constant 64 : index
        %swap3A_1108 = tpu.vector_load %arg10[%swap3A_1106, %swap3A_1107] {strides = array<i32>} : memref<80x128xf32, #tpu.memory_space<vmem>>, vector<1x16xf32>,
        %swap3A_1109 = vector.shape_cast %swap3A_1108 : vector<1x16xf32> to vector<16xf32>
        %swap3A_1110 = vector.shape_cast %mul3A_1105 : vector<16xf32> to vector<1x16xf32>
        tpu.vector_store %arg10[%swap3A_1106, %swap3A_1107], %swap3A_1110 {strides = array<i32>} : memref<80x128xf32, #tpu.memory_space<vmem>>, vector<1x16xf32>,
        %get3A_1111 = arith.index_cast %add3A_1060 : i32 to index
        %get3A_1112 = arith.constant 80 : index
        %get3A_1113 = tpu.vector_load %arg10[%get3A_1111, %get3A_1112] {strides = array<i32>} : memref<80x128xf32, #tpu.memory_space<vmem>>, vector<1x16xf32>,
        %get3A_1114 = vector.shape_cast %get3A_1113 : vector<1x16xf32> to vector<16xf32>
        %mul3A_1115 = arith.mulf %get3A_1114, %broadcast_in_dim3A_1056 : vector<16xf32>
        %swap3A_1116 = arith.index_cast %add3A_1060 : i32 to index
        %swap3A_1117 = arith.constant 80 : index
        %swap3A_1118 = tpu.vector_load %arg10[%swap3A_1116, %swap3A_1117] {strides = array<i32>} : memref<80x128xf32, #tpu.memory_space<vmem>>, vector<1x16xf32>,
        %swap3A_1119 = vector.shape_cast %swap3A_1118 : vector<1x16xf32> to vector<16xf32>
        %swap3A_1120 = vector.shape_cast %mul3A_1115 : vector<16xf32> to vector<1x16xf32>
        tpu.vector_store %arg10[%swap3A_1116, %swap3A_1117], %swap3A_1120 {strides = array<i32>} : memref<80x128xf32, #tpu.memory_space<vmem>>, vector<1x16xf32>,
        %get3A_1121 = arith.index_cast %add3A_1060 : i32 to index
        %get3A_1122 = arith.constant 96 : index
        %get3A_1123 = tpu.vector_load %arg10[%get3A_1121, %get3A_1122] {strides = array<i32>} : memref<80x128xf32, #tpu.memory_space<vmem>>, vector<1x16xf32>,
        %get3A_1124 = vector.shape_cast %get3A_1123 : vector<1x16xf32> to vector<16xf32>
        %mul3A_1125 = arith.mulf %get3A_1124, %broadcast_in_dim3A_1056 : vector<16xf32>
        %swap3A_1126 = arith.index_cast %add3A_1060 : i32 to index
        %swap3A_1127 = arith.constant 96 : index
        %swap3A_1128 = tpu.vector_load %arg10[%swap3A_1126, %swap3A_1127] {strides = array<i32>} : memref<80x128xf32, #tpu.memory_space<vmem>>, vector<1x16xf32>,
        %swap3A_1129 = vector.shape_cast %swap3A_1128 : vector<1x16xf32> to vector<16xf32>
        %swap3A_1130 = vector.shape_cast %mul3A_1125 : vector<16xf32> to vector<1x16xf32>
        tpu.vector_store %arg10[%swap3A_1126, %swap3A_1127], %swap3A_1130 {strides = array<i32>} : memref<80x128xf32, #tpu.memory_space<vmem>>, vector<1x16xf32>,
        %get3A_1131 = arith.index_cast %add3A_1060 : i32 to index
        %get3A_1132 = arith.constant 112 : index
        %get3A_1133 = tpu.vector_load %arg10[%get3A_1131, %get3A_1132] {strides = array<i32>} : memref<80x128xf32, #tpu.memory_space<vmem>>, vector<1x16xf32>,
        %get3A_1134 = vector.shape_cast %get3A_1133 : vector<1x16xf32> to vector<16xf32>
        %mul3A_1135 = arith.mulf %get3A_1134, %broadcast_in_dim3A_1056 : vector<16xf32>
        %swap3A_1136 = arith.index_cast %add3A_1060 : i32 to index
        %swap3A_1137 = arith.constant 112 : index
        %swap3A_1138 = tpu.vector_load %arg10[%swap3A_1136, %swap3A_1137] {strides = array<i32>} : memref<80x128xf32, #tpu.memory_space<vmem>>, vector<1x16xf32>,
        %swap3A_1139 = vector.shape_cast %swap3A_1138 : vector<1x16xf32> to vector<16xf32>
        %swap3A_1140 = vector.shape_cast %mul3A_1135 : vector<16xf32> to vector<1x16xf32>
        tpu.vector_store %arg10[%swap3A_1136, %swap3A_1137], %swap3A_1140 {strides = array<i32>} : memref<80x128xf32, #tpu.memory_space<vmem>>, vector<1x16xf32>,
        %slice3A_1141 = vector.extract_strided_slice %get3A_99 {offsets = [12], sizes = [1], strides = [1]} : vector<16xf32> to vector<1xf32>
        %squeeze3A_1142 = vector.extract %slice3A_1141[0] : f32 from vector<1xf32>
        %broadcast_in_dim3A_1143 = vector.broadcast %squeeze3A_1142 : f32 to vector<16xf32>
        %mul3A_1144 = arith.constant 16 : i32
        %mul3A_1145 = arith.muli %scan3A_93, %mul3A_1144 : i32
        %add3A_1146 = arith.constant 12 : i32
        %add3A_1147 = arith.addi %mul3A_1145, %add3A_1146 : i32
        %get3A_1148 = arith.index_cast %add3A_1147 : i32 to index
        %get3A_1149 = arith.constant 0 : index
        %get3A_1150 = tpu.vector_load %arg10[%get3A_1148, %get3A_1149] {strides = array<i32>} : memref<80x128xf32, #tpu.memory_space<vmem>>, vector<1x16xf32>,
        %get3A_1151 = vector.shape_cast %get3A_1150 : vector<1x16xf32> to vector<16xf32>
        %mul3A_1152 = arith.mulf %get3A_1151, %broadcast_in_dim3A_1143 : vector<16xf32>
        %swap3A_1153 = arith.index_cast %add3A_1147 : i32 to index
        %swap3A_1154 = arith.constant 0 : index
        %swap3A_1155 = tpu.vector_load %arg10[%swap3A_1153, %swap3A_1154] {strides = array<i32>} : memref<80x128xf32, #tpu.memory_space<vmem>>, vector<1x16xf32>,
        %swap3A_1156 = vector.shape_cast %swap3A_1155 : vector<1x16xf32> to vector<16xf32>
        %swap3A_1157 = vector.shape_cast %mul3A_1152 : vector<16xf32> to vector<1x16xf32>
        tpu.vector_store %arg10[%swap3A_1153, %swap3A_1154], %swap3A_1157 {strides = array<i32>} : memref<80x128xf32, #tpu.memory_space<vmem>>, vector<1x16xf32>,
        %get3A_1158 = arith.index_cast %add3A_1147 : i32 to index
        %get3A_1159 = arith.constant 16 : index
        %get3A_1160 = tpu.vector_load %arg10[%get3A_1158, %get3A_1159] {strides = array<i32>} : memref<80x128xf32, #tpu.memory_space<vmem>>, vector<1x16xf32>,
        %get3A_1161 = vector.shape_cast %get3A_1160 : vector<1x16xf32> to vector<16xf32>
        %mul3A_1162 = arith.mulf %get3A_1161, %broadcast_in_dim3A_1143 : vector<16xf32>
        %swap3A_1163 = arith.index_cast %add3A_1147 : i32 to index
        %swap3A_1164 = arith.constant 16 : index
        %swap3A_1165 = tpu.vector_load %arg10[%swap3A_1163, %swap3A_1164] {strides = array<i32>} : memref<80x128xf32, #tpu.memory_space<vmem>>, vector<1x16xf32>,
        %swap3A_1166 = vector.shape_cast %swap3A_1165 : vector<1x16xf32> to vector<16xf32>
        %swap3A_1167 = vector.shape_cast %mul3A_1162 : vector<16xf32> to vector<1x16xf32>
        tpu.vector_store %arg10[%swap3A_1163, %swap3A_1164], %swap3A_1167 {strides = array<i32>} : memref<80x128xf32, #tpu.memory_space<vmem>>, vector<1x16xf32>,
        %get3A_1168 = arith.index_cast %add3A_1147 : i32 to index
        %get3A_1169 = arith.constant 32 : index
        %get3A_1170 = tpu.vector_load %arg10[%get3A_1168, %get3A_1169] {strides = array<i32>} : memref<80x128xf32, #tpu.memory_space<vmem>>, vector<1x16xf32>,
        %get3A_1171 = vector.shape_cast %get3A_1170 : vector<1x16xf32> to vector<16xf32>
        %mul3A_1172 = arith.mulf %get3A_1171, %broadcast_in_dim3A_1143 : vector<16xf32>
        %swap3A_1173 = arith.index_cast %add3A_1147 : i32 to index
        %swap3A_1174 = arith.constant 32 : index
        %swap3A_1175 = tpu.vector_load %arg10[%swap3A_1173, %swap3A_1174] {strides = array<i32>} : memref<80x128xf32, #tpu.memory_space<vmem>>, vector<1x16xf32>,
        %swap3A_1176 = vector.shape_cast %swap3A_1175 : vector<1x16xf32> to vector<16xf32>
        %swap3A_1177 = vector.shape_cast %mul3A_1172 : vector<16xf32> to vector<1x16xf32>
        tpu.vector_store %arg10[%swap3A_1173, %swap3A_1174], %swap3A_1177 {strides = array<i32>} : memref<80x128xf32, #tpu.memory_space<vmem>>, vector<1x16xf32>,
        %get3A_1178 = arith.index_cast %add3A_1147 : i32 to index
        %get3A_1179 = arith.constant 48 : index
        %get3A_1180 = tpu.vector_load %arg10[%get3A_1178, %get3A_1179] {strides = array<i32>} : memref<80x128xf32, #tpu.memory_space<vmem>>, vector<1x16xf32>,
        %get3A_1181 = vector.shape_cast %get3A_1180 : vector<1x16xf32> to vector<16xf32>
        %mul3A_1182 = arith.mulf %get3A_1181, %broadcast_in_dim3A_1143 : vector<16xf32>
        %swap3A_1183 = arith.index_cast %add3A_1147 : i32 to index
        %swap3A_1184 = arith.constant 48 : index
        %swap3A_1185 = tpu.vector_load %arg10[%swap3A_1183, %swap3A_1184] {strides = array<i32>} : memref<80x128xf32, #tpu.memory_space<vmem>>, vector<1x16xf32>,
        %swap3A_1186 = vector.shape_cast %swap3A_1185 : vector<1x16xf32> to vector<16xf32>
        %swap3A_1187 = vector.shape_cast %mul3A_1182 : vector<16xf32> to vector<1x16xf32>
        tpu.vector_store %arg10[%swap3A_1183, %swap3A_1184], %swap3A_1187 {strides = array<i32>} : memref<80x128xf32, #tpu.memory_space<vmem>>, vector<1x16xf32>,
        %get3A_1188 = arith.index_cast %add3A_1147 : i32 to index
        %get3A_1189 = arith.constant 64 : index
        %get3A_1190 = tpu.vector_load %arg10[%get3A_1188, %get3A_1189] {strides = array<i32>} : memref<80x128xf32, #tpu.memory_space<vmem>>, vector<1x16xf32>,
        %get3A_1191 = vector.shape_cast %get3A_1190 : vector<1x16xf32> to vector<16xf32>
        %mul3A_1192 = arith.mulf %get3A_1191, %broadcast_in_dim3A_1143 : vector<16xf32>
        %swap3A_1193 = arith.index_cast %add3A_1147 : i32 to index
        %swap3A_1194 = arith.constant 64 : index
        %swap3A_1195 = tpu.vector_load %arg10[%swap3A_1193, %swap3A_1194] {strides = array<i32>} : memref<80x128xf32, #tpu.memory_space<vmem>>, vector<1x16xf32>,
        %swap3A_1196 = vector.shape_cast %swap3A_1195 : vector<1x16xf32> to vector<16xf32>
        %swap3A_1197 = vector.shape_cast %mul3A_1192 : vector<16xf32> to vector<1x16xf32>
        tpu.vector_store %arg10[%swap3A_1193, %swap3A_1194], %swap3A_1197 {strides = array<i32>} : memref<80x128xf32, #tpu.memory_space<vmem>>, vector<1x16xf32>,
        %get3A_1198 = arith.index_cast %add3A_1147 : i32 to index
        %get3A_1199 = arith.constant 80 : index
        %get3A_1200 = tpu.vector_load %arg10[%get3A_1198, %get3A_1199] {strides = array<i32>} : memref<80x128xf32, #tpu.memory_space<vmem>>, vector<1x16xf32>,
        %get3A_1201 = vector.shape_cast %get3A_1200 : vector<1x16xf32> to vector<16xf32>
        %mul3A_1202 = arith.mulf %get3A_1201, %broadcast_in_dim3A_1143 : vector<16xf32>
        %swap3A_1203 = arith.index_cast %add3A_1147 : i32 to index
        %swap3A_1204 = arith.constant 80 : index
        %swap3A_1205 = tpu.vector_load %arg10[%swap3A_1203, %swap3A_1204] {strides = array<i32>} : memref<80x128xf32, #tpu.memory_space<vmem>>, vector<1x16xf32>,
        %swap3A_1206 = vector.shape_cast %swap3A_1205 : vector<1x16xf32> to vector<16xf32>
        %swap3A_1207 = vector.shape_cast %mul3A_1202 : vector<16xf32> to vector<1x16xf32>
        tpu.vector_store %arg10[%swap3A_1203, %swap3A_1204], %swap3A_1207 {strides = array<i32>} : memref<80x128xf32, #tpu.memory_space<vmem>>, vector<1x16xf32>,
        %get3A_1208 = arith.index_cast %add3A_1147 : i32 to index
        %get3A_1209 = arith.constant 96 : index
        %get3A_1210 = tpu.vector_load %arg10[%get3A_1208, %get3A_1209] {strides = array<i32>} : memref<80x128xf32, #tpu.memory_space<vmem>>, vector<1x16xf32>,
        %get3A_1211 = vector.shape_cast %get3A_1210 : vector<1x16xf32> to vector<16xf32>
        %mul3A_1212 = arith.mulf %get3A_1211, %broadcast_in_dim3A_1143 : vector<16xf32>
        %swap3A_1213 = arith.index_cast %add3A_1147 : i32 to index
        %swap3A_1214 = arith.constant 96 : index
        %swap3A_1215 = tpu.vector_load %arg10[%swap3A_1213, %swap3A_1214] {strides = array<i32>} : memref<80x128xf32, #tpu.memory_space<vmem>>, vector<1x16xf32>,
        %swap3A_1216 = vector.shape_cast %swap3A_1215 : vector<1x16xf32> to vector<16xf32>
        %swap3A_1217 = vector.shape_cast %mul3A_1212 : vector<16xf32> to vector<1x16xf32>
        tpu.vector_store %arg10[%swap3A_1213, %swap3A_1214], %swap3A_1217 {strides = array<i32>} : memref<80x128xf32, #tpu.memory_space<vmem>>, vector<1x16xf32>,
        %get3A_1218 = arith.index_cast %add3A_1147 : i32 to index
        %get3A_1219 = arith.constant 112 : index
        %get3A_1220 = tpu.vector_load %arg10[%get3A_1218, %get3A_1219] {strides = array<i32>} : memref<80x128xf32, #tpu.memory_space<vmem>>, vector<1x16xf32>,
        %get3A_1221 = vector.shape_cast %get3A_1220 : vector<1x16xf32> to vector<16xf32>
        %mul3A_1222 = arith.mulf %get3A_1221, %broadcast_in_dim3A_1143 : vector<16xf32>
        %swap3A_1223 = arith.index_cast %add3A_1147 : i32 to index
        %swap3A_1224 = arith.constant 112 : index
        %swap3A_1225 = tpu.vector_load %arg10[%swap3A_1223, %swap3A_1224] {strides = array<i32>} : memref<80x128xf32, #tpu.memory_space<vmem>>, vector<1x16xf32>,
        %swap3A_1226 = vector.shape_cast %swap3A_1225 : vector<1x16xf32> to vector<16xf32>
        %swap3A_1227 = vector.shape_cast %mul3A_1222 : vector<16xf32> to vector<1x16xf32>
        tpu.vector_store %arg10[%swap3A_1223, %swap3A_1224], %swap3A_1227 {strides = array<i32>} : memref<80x128xf32, #tpu.memory_space<vmem>>, vector<1x16xf32>,
        %slice3A_1228 = vector.extract_strided_slice %get3A_99 {offsets = [13], sizes = [1], strides = [1]} : vector<16xf32> to vector<1xf32>
        %squeeze3A_1229 = vector.extract %slice3A_1228[0] : f32 from vector<1xf32>
        %broadcast_in_dim3A_1230 = vector.broadcast %squeeze3A_1229 : f32 to vector<16xf32>
        %mul3A_1231 = arith.constant 16 : i32
        %mul3A_1232 = arith.muli %scan3A_93, %mul3A_1231 : i32
        %add3A_1233 = arith.constant 13 : i32
        %add3A_1234 = arith.addi %mul3A_1232, %add3A_1233 : i32
        %get3A_1235 = arith.index_cast %add3A_1234 : i32 to index
        %get3A_1236 = arith.constant 0 : index
        %get3A_1237 = tpu.vector_load %arg10[%get3A_1235, %get3A_1236] {strides = array<i32>} : memref<80x128xf32, #tpu.memory_space<vmem>>, vector<1x16xf32>,
        %get3A_1238 = vector.shape_cast %get3A_1237 : vector<1x16xf32> to vector<16xf32>
        %mul3A_1239 = arith.mulf %get3A_1238, %broadcast_in_dim3A_1230 : vector<16xf32>
        %swap3A_1240 = arith.index_cast %add3A_1234 : i32 to index
        %swap3A_1241 = arith.constant 0 : index
        %swap3A_1242 = tpu.vector_load %arg10[%swap3A_1240, %swap3A_1241] {strides = array<i32>} : memref<80x128xf32, #tpu.memory_space<vmem>>, vector<1x16xf32>,
        %swap3A_1243 = vector.shape_cast %swap3A_1242 : vector<1x16xf32> to vector<16xf32>
        %swap3A_1244 = vector.shape_cast %mul3A_1239 : vector<16xf32> to vector<1x16xf32>
        tpu.vector_store %arg10[%swap3A_1240, %swap3A_1241], %swap3A_1244 {strides = array<i32>} : memref<80x128xf32, #tpu.memory_space<vmem>>, vector<1x16xf32>,
        %get3A_1245 = arith.index_cast %add3A_1234 : i32 to index
        %get3A_1246 = arith.constant 16 : index
        %get3A_1247 = tpu.vector_load %arg10[%get3A_1245, %get3A_1246] {strides = array<i32>} : memref<80x128xf32, #tpu.memory_space<vmem>>, vector<1x16xf32>,
        %get3A_1248 = vector.shape_cast %get3A_1247 : vector<1x16xf32> to vector<16xf32>
        %mul3A_1249 = arith.mulf %get3A_1248, %broadcast_in_dim3A_1230 : vector<16xf32>
        %swap3A_1250 = arith.index_cast %add3A_1234 : i32 to index
        %swap3A_1251 = arith.constant 16 : index
        %swap3A_1252 = tpu.vector_load %arg10[%swap3A_1250, %swap3A_1251] {strides = array<i32>} : memref<80x128xf32, #tpu.memory_space<vmem>>, vector<1x16xf32>,
        %swap3A_1253 = vector.shape_cast %swap3A_1252 : vector<1x16xf32> to vector<16xf32>
        %swap3A_1254 = vector.shape_cast %mul3A_1249 : vector<16xf32> to vector<1x16xf32>
        tpu.vector_store %arg10[%swap3A_1250, %swap3A_1251], %swap3A_1254 {strides = array<i32>} : memref<80x128xf32, #tpu.memory_space<vmem>>, vector<1x16xf32>,
        %get3A_1255 = arith.index_cast %add3A_1234 : i32 to index
        %get3A_1256 = arith.constant 32 : index
        %get3A_1257 = tpu.vector_load %arg10[%get3A_1255, %get3A_1256] {strides = array<i32>} : memref<80x128xf32, #tpu.memory_space<vmem>>, vector<1x16xf32>,
        %get3A_1258 = vector.shape_cast %get3A_1257 : vector<1x16xf32> to vector<16xf32>
        %mul3A_1259 = arith.mulf %get3A_1258, %broadcast_in_dim3A_1230 : vector<16xf32>
        %swap3A_1260 = arith.index_cast %add3A_1234 : i32 to index
        %swap3A_1261 = arith.constant 32 : index
        %swap3A_1262 = tpu.vector_load %arg10[%swap3A_1260, %swap3A_1261] {strides = array<i32>} : memref<80x128xf32, #tpu.memory_space<vmem>>, vector<1x16xf32>,
        %swap3A_1263 = vector.shape_cast %swap3A_1262 : vector<1x16xf32> to vector<16xf32>
        %swap3A_1264 = vector.shape_cast %mul3A_1259 : vector<16xf32> to vector<1x16xf32>
        tpu.vector_store %arg10[%swap3A_1260, %swap3A_1261], %swap3A_1264 {strides = array<i32>} : memref<80x128xf32, #tpu.memory_space<vmem>>, vector<1x16xf32>,
        %get3A_1265 = arith.index_cast %add3A_1234 : i32 to index
        %get3A_1266 = arith.constant 48 : index
        %get3A_1267 = tpu.vector_load %arg10[%get3A_1265, %get3A_1266] {strides = array<i32>} : memref<80x128xf32, #tpu.memory_space<vmem>>, vector<1x16xf32>,
        %get3A_1268 = vector.shape_cast %get3A_1267 : vector<1x16xf32> to vector<16xf32>
        %mul3A_1269 = arith.mulf %get3A_1268, %broadcast_in_dim3A_1230 : vector<16xf32>
        %swap3A_1270 = arith.index_cast %add3A_1234 : i32 to index
        %swap3A_1271 = arith.constant 48 : index
        %swap3A_1272 = tpu.vector_load %arg10[%swap3A_1270, %swap3A_1271] {strides = array<i32>} : memref<80x128xf32, #tpu.memory_space<vmem>>, vector<1x16xf32>,
        %swap3A_1273 = vector.shape_cast %swap3A_1272 : vector<1x16xf32> to vector<16xf32>
        %swap3A_1274 = vector.shape_cast %mul3A_1269 : vector<16xf32> to vector<1x16xf32>
        tpu.vector_store %arg10[%swap3A_1270, %swap3A_1271], %swap3A_1274 {strides = array<i32>} : memref<80x128xf32, #tpu.memory_space<vmem>>, vector<1x16xf32>,
        %get3A_1275 = arith.index_cast %add3A_1234 : i32 to index
        %get3A_1276 = arith.constant 64 : index
        %get3A_1277 = tpu.vector_load %arg10[%get3A_1275, %get3A_1276] {strides = array<i32>} : memref<80x128xf32, #tpu.memory_space<vmem>>, vector<1x16xf32>,
        %get3A_1278 = vector.shape_cast %get3A_1277 : vector<1x16xf32> to vector<16xf32>
        %mul3A_1279 = arith.mulf %get3A_1278, %broadcast_in_dim3A_1230 : vector<16xf32>
        %swap3A_1280 = arith.index_cast %add3A_1234 : i32 to index
        %swap3A_1281 = arith.constant 64 : index
        %swap3A_1282 = tpu.vector_load %arg10[%swap3A_1280, %swap3A_1281] {strides = array<i32>} : memref<80x128xf32, #tpu.memory_space<vmem>>, vector<1x16xf32>,
        %swap3A_1283 = vector.shape_cast %swap3A_1282 : vector<1x16xf32> to vector<16xf32>
        %swap3A_1284 = vector.shape_cast %mul3A_1279 : vector<16xf32> to vector<1x16xf32>
        tpu.vector_store %arg10[%swap3A_1280, %swap3A_1281], %swap3A_1284 {strides = array<i32>} : memref<80x128xf32, #tpu.memory_space<vmem>>, vector<1x16xf32>,
        %get3A_1285 = arith.index_cast %add3A_1234 : i32 to index
        %get3A_1286 = arith.constant 80 : index
        %get3A_1287 = tpu.vector_load %arg10[%get3A_1285, %get3A_1286] {strides = array<i32>} : memref<80x128xf32, #tpu.memory_space<vmem>>, vector<1x16xf32>,
        %get3A_1288 = vector.shape_cast %get3A_1287 : vector<1x16xf32> to vector<16xf32>
        %mul3A_1289 = arith.mulf %get3A_1288, %broadcast_in_dim3A_1230 : vector<16xf32>
        %swap3A_1290 = arith.index_cast %add3A_1234 : i32 to index
        %swap3A_1291 = arith.constant 80 : index
        %swap3A_1292 = tpu.vector_load %arg10[%swap3A_1290, %swap3A_1291] {strides = array<i32>} : memref<80x128xf32, #tpu.memory_space<vmem>>, vector<1x16xf32>,
        %swap3A_1293 = vector.shape_cast %swap3A_1292 : vector<1x16xf32> to vector<16xf32>
        %swap3A_1294 = vector.shape_cast %mul3A_1289 : vector<16xf32> to vector<1x16xf32>
        tpu.vector_store %arg10[%swap3A_1290, %swap3A_1291], %swap3A_1294 {strides = array<i32>} : memref<80x128xf32, #tpu.memory_space<vmem>>, vector<1x16xf32>,
        %get3A_1295 = arith.index_cast %add3A_1234 : i32 to index
        %get3A_1296 = arith.constant 96 : index
        %get3A_1297 = tpu.vector_load %arg10[%get3A_1295, %get3A_1296] {strides = array<i32>} : memref<80x128xf32, #tpu.memory_space<vmem>>, vector<1x16xf32>,
        %get3A_1298 = vector.shape_cast %get3A_1297 : vector<1x16xf32> to vector<16xf32>
        %mul3A_1299 = arith.mulf %get3A_1298, %broadcast_in_dim3A_1230 : vector<16xf32>
        %swap3A_1300 = arith.index_cast %add3A_1234 : i32 to index
        %swap3A_1301 = arith.constant 96 : index
        %swap3A_1302 = tpu.vector_load %arg10[%swap3A_1300, %swap3A_1301] {strides = array<i32>} : memref<80x128xf32, #tpu.memory_space<vmem>>, vector<1x16xf32>,
        %swap3A_1303 = vector.shape_cast %swap3A_1302 : vector<1x16xf32> to vector<16xf32>
        %swap3A_1304 = vector.shape_cast %mul3A_1299 : vector<16xf32> to vector<1x16xf32>
        tpu.vector_store %arg10[%swap3A_1300, %swap3A_1301], %swap3A_1304 {strides = array<i32>} : memref<80x128xf32, #tpu.memory_space<vmem>>, vector<1x16xf32>,
        %get3A_1305 = arith.index_cast %add3A_1234 : i32 to index
        %get3A_1306 = arith.constant 112 : index
        %get3A_1307 = tpu.vector_load %arg10[%get3A_1305, %get3A_1306] {strides = array<i32>} : memref<80x128xf32, #tpu.memory_space<vmem>>, vector<1x16xf32>,
        %get3A_1308 = vector.shape_cast %get3A_1307 : vector<1x16xf32> to vector<16xf32>
        %mul3A_1309 = arith.mulf %get3A_1308, %broadcast_in_dim3A_1230 : vector<16xf32>
        %swap3A_1310 = arith.index_cast %add3A_1234 : i32 to index
        %swap3A_1311 = arith.constant 112 : index
        %swap3A_1312 = tpu.vector_load %arg10[%swap3A_1310, %swap3A_1311] {strides = array<i32>} : memref<80x128xf32, #tpu.memory_space<vmem>>, vector<1x16xf32>,
        %swap3A_1313 = vector.shape_cast %swap3A_1312 : vector<1x16xf32> to vector<16xf32>
        %swap3A_1314 = vector.shape_cast %mul3A_1309 : vector<16xf32> to vector<1x16xf32>
        tpu.vector_store %arg10[%swap3A_1310, %swap3A_1311], %swap3A_1314 {strides = array<i32>} : memref<80x128xf32, #tpu.memory_space<vmem>>, vector<1x16xf32>,
        %slice3A_1315 = vector.extract_strided_slice %get3A_99 {offsets = [14], sizes = [1], strides = [1]} : vector<16xf32> to vector<1xf32>
        %squeeze3A_1316 = vector.extract %slice3A_1315[0] : f32 from vector<1xf32>
        %broadcast_in_dim3A_1317 = vector.broadcast %squeeze3A_1316 : f32 to vector<16xf32>
        %mul3A_1318 = arith.constant 16 : i32
        %mul3A_1319 = arith.muli %scan3A_93, %mul3A_1318 : i32
        %add3A_1320 = arith.constant 14 : i32
        %add3A_1321 = arith.addi %mul3A_1319, %add3A_1320 : i32
        %get3A_1322 = arith.index_cast %add3A_1321 : i32 to index
        %get3A_1323 = arith.constant 0 : index
        %get3A_1324 = tpu.vector_load %arg10[%get3A_1322, %get3A_1323] {strides = array<i32>} : memref<80x128xf32, #tpu.memory_space<vmem>>, vector<1x16xf32>,
        %get3A_1325 = vector.shape_cast %get3A_1324 : vector<1x16xf32> to vector<16xf32>
        %mul3A_1326 = arith.mulf %get3A_1325, %broadcast_in_dim3A_1317 : vector<16xf32>
        %swap3A_1327 = arith.index_cast %add3A_1321 : i32 to index
        %swap3A_1328 = arith.constant 0 : index
        %swap3A_1329 = tpu.vector_load %arg10[%swap3A_1327, %swap3A_1328] {strides = array<i32>} : memref<80x128xf32, #tpu.memory_space<vmem>>, vector<1x16xf32>,
        %swap3A_1330 = vector.shape_cast %swap3A_1329 : vector<1x16xf32> to vector<16xf32>
        %swap3A_1331 = vector.shape_cast %mul3A_1326 : vector<16xf32> to vector<1x16xf32>
        tpu.vector_store %arg10[%swap3A_1327, %swap3A_1328], %swap3A_1331 {strides = array<i32>} : memref<80x128xf32, #tpu.memory_space<vmem>>, vector<1x16xf32>,
        %get3A_1332 = arith.index_cast %add3A_1321 : i32 to index
        %get3A_1333 = arith.constant 16 : index
        %get3A_1334 = tpu.vector_load %arg10[%get3A_1332, %get3A_1333] {strides = array<i32>} : memref<80x128xf32, #tpu.memory_space<vmem>>, vector<1x16xf32>,
        %get3A_1335 = vector.shape_cast %get3A_1334 : vector<1x16xf32> to vector<16xf32>
        %mul3A_1336 = arith.mulf %get3A_1335, %broadcast_in_dim3A_1317 : vector<16xf32>
        %swap3A_1337 = arith.index_cast %add3A_1321 : i32 to index
        %swap3A_1338 = arith.constant 16 : index
        %swap3A_1339 = tpu.vector_load %arg10[%swap3A_1337, %swap3A_1338] {strides = array<i32>} : memref<80x128xf32, #tpu.memory_space<vmem>>, vector<1x16xf32>,
        %swap3A_1340 = vector.shape_cast %swap3A_1339 : vector<1x16xf32> to vector<16xf32>
        %swap3A_1341 = vector.shape_cast %mul3A_1336 : vector<16xf32> to vector<1x16xf32>
        tpu.vector_store %arg10[%swap3A_1337, %swap3A_1338], %swap3A_1341 {strides = array<i32>} : memref<80x128xf32, #tpu.memory_space<vmem>>, vector<1x16xf32>,
        %get3A_1342 = arith.index_cast %add3A_1321 : i32 to index
        %get3A_1343 = arith.constant 32 : index
        %get3A_1344 = tpu.vector_load %arg10[%get3A_1342, %get3A_1343] {strides = array<i32>} : memref<80x128xf32, #tpu.memory_space<vmem>>, vector<1x16xf32>,
        %get3A_1345 = vector.shape_cast %get3A_1344 : vector<1x16xf32> to vector<16xf32>
        %mul3A_1346 = arith.mulf %get3A_1345, %broadcast_in_dim3A_1317 : vector<16xf32>
        %swap3A_1347 = arith.index_cast %add3A_1321 : i32 to index
        %swap3A_1348 = arith.constant 32 : index
        %swap3A_1349 = tpu.vector_load %arg10[%swap3A_1347, %swap3A_1348] {strides = array<i32>} : memref<80x128xf32, #tpu.memory_space<vmem>>, vector<1x16xf32>,
        %swap3A_1350 = vector.shape_cast %swap3A_1349 : vector<1x16xf32> to vector<16xf32>
        %swap3A_1351 = vector.shape_cast %mul3A_1346 : vector<16xf32> to vector<1x16xf32>
        tpu.vector_store %arg10[%swap3A_1347, %swap3A_1348], %swap3A_1351 {strides = array<i32>} : memref<80x128xf32, #tpu.memory_space<vmem>>, vector<1x16xf32>,
        %get3A_1352 = arith.index_cast %add3A_1321 : i32 to index
        %get3A_1353 = arith.constant 48 : index
        %get3A_1354 = tpu.vector_load %arg10[%get3A_1352, %get3A_1353] {strides = array<i32>} : memref<80x128xf32, #tpu.memory_space<vmem>>, vector<1x16xf32>,
        %get3A_1355 = vector.shape_cast %get3A_1354 : vector<1x16xf32> to vector<16xf32>
        %mul3A_1356 = arith.mulf %get3A_1355, %broadcast_in_dim3A_1317 : vector<16xf32>
        %swap3A_1357 = arith.index_cast %add3A_1321 : i32 to index
        %swap3A_1358 = arith.constant 48 : index
        %swap3A_1359 = tpu.vector_load %arg10[%swap3A_1357, %swap3A_1358] {strides = array<i32>} : memref<80x128xf32, #tpu.memory_space<vmem>>, vector<1x16xf32>,
        %swap3A_1360 = vector.shape_cast %swap3A_1359 : vector<1x16xf32> to vector<16xf32>
        %swap3A_1361 = vector.shape_cast %mul3A_1356 : vector<16xf32> to vector<1x16xf32>
        tpu.vector_store %arg10[%swap3A_1357, %swap3A_1358], %swap3A_1361 {strides = array<i32>} : memref<80x128xf32, #tpu.memory_space<vmem>>, vector<1x16xf32>,
        %get3A_1362 = arith.index_cast %add3A_1321 : i32 to index
        %get3A_1363 = arith.constant 64 : index
        %get3A_1364 = tpu.vector_load %arg10[%get3A_1362, %get3A_1363] {strides = array<i32>} : memref<80x128xf32, #tpu.memory_space<vmem>>, vector<1x16xf32>,
        %get3A_1365 = vector.shape_cast %get3A_1364 : vector<1x16xf32> to vector<16xf32>
        %mul3A_1366 = arith.mulf %get3A_1365, %broadcast_in_dim3A_1317 : vector<16xf32>
        %swap3A_1367 = arith.index_cast %add3A_1321 : i32 to index
        %swap3A_1368 = arith.constant 64 : index
        %swap3A_1369 = tpu.vector_load %arg10[%swap3A_1367, %swap3A_1368] {strides = array<i32>} : memref<80x128xf32, #tpu.memory_space<vmem>>, vector<1x16xf32>,
        %swap3A_1370 = vector.shape_cast %swap3A_1369 : vector<1x16xf32> to vector<16xf32>
        %swap3A_1371 = vector.shape_cast %mul3A_1366 : vector<16xf32> to vector<1x16xf32>
        tpu.vector_store %arg10[%swap3A_1367, %swap3A_1368], %swap3A_1371 {strides = array<i32>} : memref<80x128xf32, #tpu.memory_space<vmem>>, vector<1x16xf32>,
        %get3A_1372 = arith.index_cast %add3A_1321 : i32 to index
        %get3A_1373 = arith.constant 80 : index
        %get3A_1374 = tpu.vector_load %arg10[%get3A_1372, %get3A_1373] {strides = array<i32>} : memref<80x128xf32, #tpu.memory_space<vmem>>, vector<1x16xf32>,
        %get3A_1375 = vector.shape_cast %get3A_1374 : vector<1x16xf32> to vector<16xf32>
        %mul3A_1376 = arith.mulf %get3A_1375, %broadcast_in_dim3A_1317 : vector<16xf32>
        %swap3A_1377 = arith.index_cast %add3A_1321 : i32 to index
        %swap3A_1378 = arith.constant 80 : index
        %swap3A_1379 = tpu.vector_load %arg10[%swap3A_1377, %swap3A_1378] {strides = array<i32>} : memref<80x128xf32, #tpu.memory_space<vmem>>, vector<1x16xf32>,
        %swap3A_1380 = vector.shape_cast %swap3A_1379 : vector<1x16xf32> to vector<16xf32>
        %swap3A_1381 = vector.shape_cast %mul3A_1376 : vector<16xf32> to vector<1x16xf32>
        tpu.vector_store %arg10[%swap3A_1377, %swap3A_1378], %swap3A_1381 {strides = array<i32>} : memref<80x128xf32, #tpu.memory_space<vmem>>, vector<1x16xf32>,
        %get3A_1382 = arith.index_cast %add3A_1321 : i32 to index
        %get3A_1383 = arith.constant 96 : index
        %get3A_1384 = tpu.vector_load %arg10[%get3A_1382, %get3A_1383] {strides = array<i32>} : memref<80x128xf32, #tpu.memory_space<vmem>>, vector<1x16xf32>,
        %get3A_1385 = vector.shape_cast %get3A_1384 : vector<1x16xf32> to vector<16xf32>
        %mul3A_1386 = arith.mulf %get3A_1385, %broadcast_in_dim3A_1317 : vector<16xf32>
        %swap3A_1387 = arith.index_cast %add3A_1321 : i32 to index
        %swap3A_1388 = arith.constant 96 : index
        %swap3A_1389 = tpu.vector_load %arg10[%swap3A_1387, %swap3A_1388] {strides = array<i32>} : memref<80x128xf32, #tpu.memory_space<vmem>>, vector<1x16xf32>,
        %swap3A_1390 = vector.shape_cast %swap3A_1389 : vector<1x16xf32> to vector<16xf32>
        %swap3A_1391 = vector.shape_cast %mul3A_1386 : vector<16xf32> to vector<1x16xf32>
        tpu.vector_store %arg10[%swap3A_1387, %swap3A_1388], %swap3A_1391 {strides = array<i32>} : memref<80x128xf32, #tpu.memory_space<vmem>>, vector<1x16xf32>,
        %get3A_1392 = arith.index_cast %add3A_1321 : i32 to index
        %get3A_1393 = arith.constant 112 : index
        %get3A_1394 = tpu.vector_load %arg10[%get3A_1392, %get3A_1393] {strides = array<i32>} : memref<80x128xf32, #tpu.memory_space<vmem>>, vector<1x16xf32>,
        %get3A_1395 = vector.shape_cast %get3A_1394 : vector<1x16xf32> to vector<16xf32>
        %mul3A_1396 = arith.mulf %get3A_1395, %broadcast_in_dim3A_1317 : vector<16xf32>
        %swap3A_1397 = arith.index_cast %add3A_1321 : i32 to index
        %swap3A_1398 = arith.constant 112 : index
        %swap3A_1399 = tpu.vector_load %arg10[%swap3A_1397, %swap3A_1398] {strides = array<i32>} : memref<80x128xf32, #tpu.memory_space<vmem>>, vector<1x16xf32>,
        %swap3A_1400 = vector.shape_cast %swap3A_1399 : vector<1x16xf32> to vector<16xf32>
        %swap3A_1401 = vector.shape_cast %mul3A_1396 : vector<16xf32> to vector<1x16xf32>
        tpu.vector_store %arg10[%swap3A_1397, %swap3A_1398], %swap3A_1401 {strides = array<i32>} : memref<80x128xf32, #tpu.memory_space<vmem>>, vector<1x16xf32>,
        %slice3A_1402 = vector.extract_strided_slice %get3A_99 {offsets = [15], sizes = [1], strides = [1]} : vector<16xf32> to vector<1xf32>
        %squeeze3A_1403 = vector.extract %slice3A_1402[0] : f32 from vector<1xf32>
        %broadcast_in_dim3A_1404 = vector.broadcast %squeeze3A_1403 : f32 to vector<16xf32>
        %mul3A_1405 = arith.constant 16 : i32
        %mul3A_1406 = arith.muli %scan3A_93, %mul3A_1405 : i32
        %add3A_1407 = arith.constant 15 : i32
        %add3A_1408 = arith.addi %mul3A_1406, %add3A_1407 : i32
        %get3A_1409 = arith.index_cast %add3A_1408 : i32 to index
        %get3A_1410 = arith.constant 0 : index
        %get3A_1411 = tpu.vector_load %arg10[%get3A_1409, %get3A_1410] {strides = array<i32>} : memref<80x128xf32, #tpu.memory_space<vmem>>, vector<1x16xf32>,
        %get3A_1412 = vector.shape_cast %get3A_1411 : vector<1x16xf32> to vector<16xf32>
        %mul3A_1413 = arith.mulf %get3A_1412, %broadcast_in_dim3A_1404 : vector<16xf32>
        %swap3A_1414 = arith.index_cast %add3A_1408 : i32 to index
        %swap3A_1415 = arith.constant 0 : index
        %swap3A_1416 = tpu.vector_load %arg10[%swap3A_1414, %swap3A_1415] {strides = array<i32>} : memref<80x128xf32, #tpu.memory_space<vmem>>, vector<1x16xf32>,
        %swap3A_1417 = vector.shape_cast %swap3A_1416 : vector<1x16xf32> to vector<16xf32>
        %swap3A_1418 = vector.shape_cast %mul3A_1413 : vector<16xf32> to vector<1x16xf32>
        tpu.vector_store %arg10[%swap3A_1414, %swap3A_1415], %swap3A_1418 {strides = array<i32>} : memref<80x128xf32, #tpu.memory_space<vmem>>, vector<1x16xf32>,
        %get3A_1419 = arith.index_cast %add3A_1408 : i32 to index
        %get3A_1420 = arith.constant 16 : index
        %get3A_1421 = tpu.vector_load %arg10[%get3A_1419, %get3A_1420] {strides = array<i32>} : memref<80x128xf32, #tpu.memory_space<vmem>>, vector<1x16xf32>,
        %get3A_1422 = vector.shape_cast %get3A_1421 : vector<1x16xf32> to vector<16xf32>
        %mul3A_1423 = arith.mulf %get3A_1422, %broadcast_in_dim3A_1404 : vector<16xf32>
        %swap3A_1424 = arith.index_cast %add3A_1408 : i32 to index
        %swap3A_1425 = arith.constant 16 : index
        %swap3A_1426 = tpu.vector_load %arg10[%swap3A_1424, %swap3A_1425] {strides = array<i32>} : memref<80x128xf32, #tpu.memory_space<vmem>>, vector<1x16xf32>,
        %swap3A_1427 = vector.shape_cast %swap3A_1426 : vector<1x16xf32> to vector<16xf32>
        %swap3A_1428 = vector.shape_cast %mul3A_1423 : vector<16xf32> to vector<1x16xf32>
        tpu.vector_store %arg10[%swap3A_1424, %swap3A_1425], %swap3A_1428 {strides = array<i32>} : memref<80x128xf32, #tpu.memory_space<vmem>>, vector<1x16xf32>,
        %get3A_1429 = arith.index_cast %add3A_1408 : i32 to index
        %get3A_1430 = arith.constant 32 : index
        %get3A_1431 = tpu.vector_load %arg10[%get3A_1429, %get3A_1430] {strides = array<i32>} : memref<80x128xf32, #tpu.memory_space<vmem>>, vector<1x16xf32>,
        %get3A_1432 = vector.shape_cast %get3A_1431 : vector<1x16xf32> to vector<16xf32>
        %mul3A_1433 = arith.mulf %get3A_1432, %broadcast_in_dim3A_1404 : vector<16xf32>
        %swap3A_1434 = arith.index_cast %add3A_1408 : i32 to index
        %swap3A_1435 = arith.constant 32 : index
        %swap3A_1436 = tpu.vector_load %arg10[%swap3A_1434, %swap3A_1435] {strides = array<i32>} : memref<80x128xf32, #tpu.memory_space<vmem>>, vector<1x16xf32>,
        %swap3A_1437 = vector.shape_cast %swap3A_1436 : vector<1x16xf32> to vector<16xf32>
        %swap3A_1438 = vector.shape_cast %mul3A_1433 : vector<16xf32> to vector<1x16xf32>
        tpu.vector_store %arg10[%swap3A_1434, %swap3A_1435], %swap3A_1438 {strides = array<i32>} : memref<80x128xf32, #tpu.memory_space<vmem>>, vector<1x16xf32>,
        %get3A_1439 = arith.index_cast %add3A_1408 : i32 to index
        %get3A_1440 = arith.constant 48 : index
        %get3A_1441 = tpu.vector_load %arg10[%get3A_1439, %get3A_1440] {strides = array<i32>} : memref<80x128xf32, #tpu.memory_space<vmem>>, vector<1x16xf32>,
        %get3A_1442 = vector.shape_cast %get3A_1441 : vector<1x16xf32> to vector<16xf32>
        %mul3A_1443 = arith.mulf %get3A_1442, %broadcast_in_dim3A_1404 : vector<16xf32>
        %swap3A_1444 = arith.index_cast %add3A_1408 : i32 to index
        %swap3A_1445 = arith.constant 48 : index
        %swap3A_1446 = tpu.vector_load %arg10[%swap3A_1444, %swap3A_1445] {strides = array<i32>} : memref<80x128xf32, #tpu.memory_space<vmem>>, vector<1x16xf32>,
        %swap3A_1447 = vector.shape_cast %swap3A_1446 : vector<1x16xf32> to vector<16xf32>
        %swap3A_1448 = vector.shape_cast %mul3A_1443 : vector<16xf32> to vector<1x16xf32>
        tpu.vector_store %arg10[%swap3A_1444, %swap3A_1445], %swap3A_1448 {strides = array<i32>} : memref<80x128xf32, #tpu.memory_space<vmem>>, vector<1x16xf32>,
        %get3A_1449 = arith.index_cast %add3A_1408 : i32 to index
        %get3A_1450 = arith.constant 64 : index
        %get3A_1451 = tpu.vector_load %arg10[%get3A_1449, %get3A_1450] {strides = array<i32>} : memref<80x128xf32, #tpu.memory_space<vmem>>, vector<1x16xf32>,
        %get3A_1452 = vector.shape_cast %get3A_1451 : vector<1x16xf32> to vector<16xf32>
        %mul3A_1453 = arith.mulf %get3A_1452, %broadcast_in_dim3A_1404 : vector<16xf32>
        %swap3A_1454 = arith.index_cast %add3A_1408 : i32 to index
        %swap3A_1455 = arith.constant 64 : index
        %swap3A_1456 = tpu.vector_load %arg10[%swap3A_1454, %swap3A_1455] {strides = array<i32>} : memref<80x128xf32, #tpu.memory_space<vmem>>, vector<1x16xf32>,
        %swap3A_1457 = vector.shape_cast %swap3A_1456 : vector<1x16xf32> to vector<16xf32>
        %swap3A_1458 = vector.shape_cast %mul3A_1453 : vector<16xf32> to vector<1x16xf32>
        tpu.vector_store %arg10[%swap3A_1454, %swap3A_1455], %swap3A_1458 {strides = array<i32>} : memref<80x128xf32, #tpu.memory_space<vmem>>, vector<1x16xf32>,
        %get3A_1459 = arith.index_cast %add3A_1408 : i32 to index
        %get3A_1460 = arith.constant 80 : index
        %get3A_1461 = tpu.vector_load %arg10[%get3A_1459, %get3A_1460] {strides = array<i32>} : memref<80x128xf32, #tpu.memory_space<vmem>>, vector<1x16xf32>,
        %get3A_1462 = vector.shape_cast %get3A_1461 : vector<1x16xf32> to vector<16xf32>
        %mul3A_1463 = arith.mulf %get3A_1462, %broadcast_in_dim3A_1404 : vector<16xf32>
        %swap3A_1464 = arith.index_cast %add3A_1408 : i32 to index
        %swap3A_1465 = arith.constant 80 : index
        %swap3A_1466 = tpu.vector_load %arg10[%swap3A_1464, %swap3A_1465] {strides = array<i32>} : memref<80x128xf32, #tpu.memory_space<vmem>>, vector<1x16xf32>,
        %swap3A_1467 = vector.shape_cast %swap3A_1466 : vector<1x16xf32> to vector<16xf32>
        %swap3A_1468 = vector.shape_cast %mul3A_1463 : vector<16xf32> to vector<1x16xf32>
        tpu.vector_store %arg10[%swap3A_1464, %swap3A_1465], %swap3A_1468 {strides = array<i32>} : memref<80x128xf32, #tpu.memory_space<vmem>>, vector<1x16xf32>,
        %get3A_1469 = arith.index_cast %add3A_1408 : i32 to index
        %get3A_1470 = arith.constant 96 : index
        %get3A_1471 = tpu.vector_load %arg10[%get3A_1469, %get3A_1470] {strides = array<i32>} : memref<80x128xf32, #tpu.memory_space<vmem>>, vector<1x16xf32>,
        %get3A_1472 = vector.shape_cast %get3A_1471 : vector<1x16xf32> to vector<16xf32>
        %mul3A_1473 = arith.mulf %get3A_1472, %broadcast_in_dim3A_1404 : vector<16xf32>
        %swap3A_1474 = arith.index_cast %add3A_1408 : i32 to index
        %swap3A_1475 = arith.constant 96 : index
        %swap3A_1476 = tpu.vector_load %arg10[%swap3A_1474, %swap3A_1475] {strides = array<i32>} : memref<80x128xf32, #tpu.memory_space<vmem>>, vector<1x16xf32>,
        %swap3A_1477 = vector.shape_cast %swap3A_1476 : vector<1x16xf32> to vector<16xf32>
        %swap3A_1478 = vector.shape_cast %mul3A_1473 : vector<16xf32> to vector<1x16xf32>
        tpu.vector_store %arg10[%swap3A_1474, %swap3A_1475], %swap3A_1478 {strides = array<i32>} : memref<80x128xf32, #tpu.memory_space<vmem>>, vector<1x16xf32>,
        %get3A_1479 = arith.index_cast %add3A_1408 : i32 to index
        %get3A_1480 = arith.constant 112 : index
        %get3A_1481 = tpu.vector_load %arg10[%get3A_1479, %get3A_1480] {strides = array<i32>} : memref<80x128xf32, #tpu.memory_space<vmem>>, vector<1x16xf32>,
        %get3A_1482 = vector.shape_cast %get3A_1481 : vector<1x16xf32> to vector<16xf32>
        %mul3A_1483 = arith.mulf %get3A_1482, %broadcast_in_dim3A_1404 : vector<16xf32>
        %swap3A_1484 = arith.index_cast %add3A_1408 : i32 to index
        %swap3A_1485 = arith.constant 112 : index
        %swap3A_1486 = tpu.vector_load %arg10[%swap3A_1484, %swap3A_1485] {strides = array<i32>} : memref<80x128xf32, #tpu.memory_space<vmem>>, vector<1x16xf32>,
        %swap3A_1487 = vector.shape_cast %swap3A_1486 : vector<1x16xf32> to vector<16xf32>
        %swap3A_1488 = vector.shape_cast %mul3A_1483 : vector<16xf32> to vector<1x16xf32>
        tpu.vector_store %arg10[%swap3A_1484, %swap3A_1485], %swap3A_1488 {strides = array<i32>} : memref<80x128xf32, #tpu.memory_space<vmem>>, vector<1x16xf32>,
      }
      %scan3A_78 = arith.constant 5 : i32
      %dma_start3A_79 = arith.constant 24 : i32
      %dma_start3A_80 = arith.constant 0 : i32
      %dma_start3A_81 = tpu.memref_slice %arg8[%dma_start3A_79, %dma_start3A_80] : memref<25x80xi32, #tpu.memory_space<vmem>> -> memref<1x80xi32, #tpu.memory_space<vmem>>
      %dma_start3A_82 = tpu.memref_squeeze %dma_start3A_81 : memref<1x80xi32, #tpu.memory_space<vmem>> -> memref<80xi32, #tpu.memory_space<vmem>>
      %dma_start3A_83 = arith.constant 0 : i32
      %dma_start3A_84 = arith.constant 0 : i32
      %dma_start3A_85 = tpu.memref_slice %arg13[%dma_start3A_83, %dma_start3A_84] : memref<10000x128xf32, #tpu.memory_space<vmem_shared>> -> memref<10000x128xf32, #tpu.memory_space<vmem_shared>>
      tpu.enqueue_indirect_dma source(%arg10 : memref<80x128xf32, #tpu.memory_space<vmem>>) target(%dma_start3A_85 : memref<10000x128xf32, #tpu.memory_space<vmem_shared>>) offsets(%dma_start3A_82 : memref<80xi32, #tpu.memory_space<vmem>>) semaphore(%arg16 : memref<!tpu.dma_semaphore, #tpu.memory_space<semaphore_mem>>) {add = true}
      %dma_wait3A_86 = arith.constant 24 : i32
      %dma_wait3A_87 = arith.constant 0 : i32
      %dma_wait3A_88 = tpu.memref_slice %arg8[%dma_wait3A_86, %dma_wait3A_87] : memref<25x80xi32, #tpu.memory_space<vmem>> -> memref<1x80xi32, #tpu.memory_space<vmem>>
      %dma_wait3A_89 = tpu.memref_squeeze %dma_wait3A_88 : memref<1x80xi32, #tpu.memory_space<vmem>> -> memref<80xi32, #tpu.memory_space<vmem>>
      %dma_wait3A_90 = arith.constant 0 : i32
      %dma_wait3A_91 = arith.constant 0 : i32
      %dma_wait3A_92 = tpu.memref_slice %arg13[%dma_wait3A_90, %dma_wait3A_91] : memref<10000x128xf32, #tpu.memory_space<vmem_shared>> -> memref<10000x128xf32, #tpu.memory_space<vmem_shared>>
      tpu.wait_indirect_dma semaphore(%arg16 : memref<!tpu.dma_semaphore, #tpu.memory_space<semaphore_mem>>) src(%arg10 : memref<80x128xf32, #tpu.memory_space<vmem>>) dst(%dma_wait3A_92 : memref<10000x128xf32, #tpu.memory_space<vmem_shared>>)
    }
    %scan3A_14 = arith.constant 5 : i32
    %barrier3A_15 = arith.constant 0 : index
    tpu.barrier barrier_id(%barrier3A_15)
    %lt3A_16 = arith.constant 10 : i32
    %lt3A_17 = arith.cmpi slt, %arg1, %lt3A_16 : i32
    %convert_element_type3A_18 = arith.extui %lt3A_17 : i1 to i32
    %cond3A_19 = arith.constant 0 : i32
    %cond3A_20 = arith.cmpi ne, %convert_element_type3A_18, %cond3A_19 : i32
    scf.if %cond3A_20 {
      %mul3A_21 = arith.constant 1000 : i32
      %mul3A_22 = arith.muli %arg1, %mul3A_21 : i32
      %mul3A_23 = arith.constant 1000 : i32
      %mul3A_24 = arith.muli %arg1, %mul3A_23 : i32
      "tpu.region"() ({
        %run_scoped3A = tpu.sem_alloc : memref<!tpu.dma_semaphore, #tpu.memory_space<semaphore_mem>>
        %dma_start3A = arith.constant 0 : i32
        %dma_start3A_25 = tpu.memref_slice %arg6[%arg0, %mul3A_24, %dma_start3A] : memref<2x10000x128xf32, #tpu.memory_space<hbm>> -> memref<1x1000x128xf32, #tpu.memory_space<hbm>>
        %dma_start3A_26 = tpu.memref_squeeze %dma_start3A_25 : memref<1x1000x128xf32, #tpu.memory_space<hbm>> -> memref<1000x128xf32, #tpu.memory_space<hbm>>
        %dma_start3A_27 = arith.constant 0 : i32
        %dma_start3A_28 = tpu.memref_slice %arg13[%mul3A_22, %dma_start3A_27] : memref<10000x128xf32, #tpu.memory_space<vmem_shared>> -> memref<1000x128xf32, #tpu.memory_space<vmem_shared>>
        tpu.enqueue_dma source(%dma_start3A_28 : memref<1000x128xf32, #tpu.memory_space<vmem_shared>>) target(%dma_start3A_26 : memref<1000x128xf32, #tpu.memory_space<hbm>>) target_semaphore(%run_scoped3A : memref<!tpu.dma_semaphore, #tpu.memory_space<semaphore_mem>>)
        %dma_wait3A = arith.constant 0 : i32
        %dma_wait3A_29 = tpu.memref_slice %arg6[%arg0, %mul3A_24, %dma_wait3A] : memref<2x10000x128xf32, #tpu.memory_space<hbm>> -> memref<1x1000x128xf32, #tpu.memory_space<hbm>>
        %dma_wait3A_30 = tpu.memref_squeeze %dma_wait3A_29 : memref<1x1000x128xf32, #tpu.memory_space<hbm>> -> memref<1000x128xf32, #tpu.memory_space<hbm>>
        %dma_wait3A_31 = arith.constant 0 : i32
        %dma_wait3A_32 = tpu.memref_slice %arg13[%mul3A_22, %dma_wait3A_31] : memref<10000x128xf32, #tpu.memory_space<vmem_shared>> -> memref<1000x128xf32, #tpu.memory_space<vmem_shared>>
        tpu.wait_dma2 semaphore(%run_scoped3A : memref<!tpu.dma_semaphore, #tpu.memory_space<semaphore_mem>>) src(%dma_wait3A_32 : memref<1000x128xf32, #tpu.memory_space<vmem_shared>>) dst(%dma_wait3A_30 : memref<1000x128xf32, #tpu.memory_space<hbm>>)
        tpu.yield
      }) : () -> ()
    } else {
    }
    return
  }
}

module attributes {stable_mosaic.version = 14 : i64} {
  func.func @_mlp_body(%arg0: memref<2x10000x128xf32, #tpu.memory_space<vmem>>, %arg1: memref<10000x128xf32, #tpu.memory_space<vmem>>, %arg2: memref<1x1xf32, #tpu.memory_space<vmem>>, %arg3: memref<128x128xf32, #tpu.memory_space<vmem>>, %arg4: memref<1x128xf32, #tpu.memory_space<vmem>>, %arg5: memref<1x128xf32, #tpu.memory_space<vmem>>, %arg6: memref<1x128xf32, #tpu.memory_space<vmem>>, %arg7: memref<128x128xf32, #tpu.memory_space<vmem>>, %arg8: memref<1x128xf32, #tpu.memory_space<vmem>>, %arg9: memref<1x128xf32, #tpu.memory_space<vmem>>, %arg10: memref<1x128xf32, #tpu.memory_space<vmem>>, %arg11: memref<10000x128xf32, #tpu.memory_space<vmem>>) attributes {dimension_semantics = [], scalar_prefetch = 0 : i64, scratch_operands = 0 : i64, tpu.core_type = #tpu.core_type<tc>} {
    %get3A = arith.constant 0 : index
    %get3A_0 = arith.constant 0 : index
    %get3A_1 = arith.constant 0 : index
    %get3A_2 = vector.load %arg0[%get3A, %get3A_0, %get3A_1] : memref<2x10000x128xf32, #tpu.memory_space<vmem>>, vector<1x10000x128xf32>
    %get3A_3 = vector.shape_cast %get3A_2 : vector<1x10000x128xf32> to vector<10000x128xf32>
    %get3A_4 = arith.constant 1 : index
    %get3A_5 = arith.constant 0 : index
    %get3A_6 = arith.constant 0 : index
    %get3A_7 = vector.load %arg0[%get3A_4, %get3A_5, %get3A_6] : memref<2x10000x128xf32, #tpu.memory_space<vmem>>, vector<1x10000x128xf32>
    %get3A_8 = vector.shape_cast %get3A_7 : vector<1x10000x128xf32> to vector<10000x128xf32>
    %add3A = arith.addf %get3A_3, %get3A_8 : vector<10000x128xf32>
    %get3A_9 = arith.constant 0 : index
    %get3A_10 = arith.constant 0 : index
    %get3A_11 = vector.load %arg2[%get3A_9, %get3A_10] : memref<1x1xf32, #tpu.memory_space<vmem>>, vector<1x1xf32>
    %get3A_12 = arith.constant 0 : index
    %get3A_13 = arith.constant 0 : index
    %get3A_14 = vector.load %arg1[%get3A_12, %get3A_13] : memref<10000x128xf32, #tpu.memory_space<vmem>>, vector<10000x128xf32>
    %mul3A = vector.broadcast %get3A_11 : vector<1x1xf32> to vector<10000x128xf32>
    %mul3A_15 = arith.mulf %mul3A, %get3A_14 : vector<10000x128xf32>
    %add3A_16 = arith.addf %add3A, %mul3A_15 : vector<10000x128xf32>
    %get3A_17 = arith.constant 0 : index
    %get3A_18 = arith.constant 0 : index
    %get3A_19 = vector.load %arg3[%get3A_17, %get3A_18] : memref<128x128xf32, #tpu.memory_space<vmem>>, vector<128x128xf32>
    %dot_general3A = arith.constant dense<0.000000e+00> : vector<10000x128xf32>
    %dot_general3A_20 = tpu.matmul %add3A_16, %get3A_19, %dot_general3A {dimension_numbers = #tpu.dot_dimension_numbers<[1], [1], [0], [0], [0, 0, 1, 0], [], []>, transpose_lhs_hint = false} : vector<10000x128xf32>, vector<128x128xf32>, vector<10000x128xf32> -> vector<10000x128xf32>
    %get3A_21 = arith.constant 0 : index
    %get3A_22 = arith.constant 0 : index
    %get3A_23 = vector.load %arg4[%get3A_21, %get3A_22] : memref<1x128xf32, #tpu.memory_space<vmem>>, vector<1x128xf32>
    %add3A_24 = vector.broadcast %get3A_23 : vector<1x128xf32> to vector<10000x128xf32>
    %add3A_25 = arith.addf %dot_general3A_20, %add3A_24 : vector<10000x128xf32>
    %reduce_sum3A = arith.constant dense<0.000000e+00> : vector<128xf32>
    %reduce_sum3A_26 = vector.multi_reduction <add>, %add3A_25, %reduce_sum3A [0] : vector<10000x128xf32> to vector<128xf32>
    %broadcast_in_dim3A = vector.shape_cast %reduce_sum3A_26 : vector<128xf32> to vector<1x128xf32>
    %div3A = arith.constant 1.000000e+04 : f32
    %div3A_27 = vector.broadcast %div3A : f32 to vector<1x128xf32>
    %div3A_28 = arith.divf %broadcast_in_dim3A, %div3A_27 : vector<1x128xf32>
    %sub3A = vector.broadcast %div3A_28 : vector<1x128xf32> to vector<10000x128xf32>
    %sub3A_29 = arith.subf %add3A_25, %sub3A : vector<10000x128xf32>
    %integer_pow3A = arith.mulf %sub3A_29, %sub3A_29 : vector<10000x128xf32>
    %reduce_sum3A_30 = arith.constant dense<0.000000e+00> : vector<128xf32>
    %reduce_sum3A_31 = vector.multi_reduction <add>, %integer_pow3A, %reduce_sum3A_30 [0] : vector<10000x128xf32> to vector<128xf32>
    %broadcast_in_dim3A_32 = vector.shape_cast %reduce_sum3A_31 : vector<128xf32> to vector<1x128xf32>
    %div3A_33 = arith.constant 1.000000e+04 : f32
    %div3A_34 = vector.broadcast %div3A_33 : f32 to vector<1x128xf32>
    %div3A_35 = arith.divf %broadcast_in_dim3A_32, %div3A_34 : vector<1x128xf32>
    %sub3A_36 = vector.broadcast %div3A_28 : vector<1x128xf32> to vector<10000x128xf32>
    %sub3A_37 = arith.subf %add3A_25, %sub3A_36 : vector<10000x128xf32>
    %add3A_38 = arith.constant 9.99999974E-6 : f32
    %add3A_39 = vector.broadcast %add3A_38 : f32 to vector<1x128xf32>
    %add3A_40 = arith.addf %div3A_35, %add3A_39 : vector<1x128xf32>
    %rsqrt3A = math.rsqrt %add3A_40 : vector<1x128xf32>
    %mul3A_41 = vector.broadcast %rsqrt3A : vector<1x128xf32> to vector<10000x128xf32>
    %mul3A_42 = arith.mulf %sub3A_37, %mul3A_41 : vector<10000x128xf32>
    %get3A_43 = arith.constant 0 : index
    %get3A_44 = arith.constant 0 : index
    %get3A_45 = vector.load %arg5[%get3A_43, %get3A_44] : memref<1x128xf32, #tpu.memory_space<vmem>>, vector<1x128xf32>
    %mul3A_46 = vector.broadcast %get3A_45 : vector<1x128xf32> to vector<10000x128xf32>
    %mul3A_47 = arith.mulf %mul3A_42, %mul3A_46 : vector<10000x128xf32>
    %get3A_48 = arith.constant 0 : index
    %get3A_49 = arith.constant 0 : index
    %get3A_50 = vector.load %arg6[%get3A_48, %get3A_49] : memref<1x128xf32, #tpu.memory_space<vmem>>, vector<1x128xf32>
    %add3A_51 = vector.broadcast %get3A_50 : vector<1x128xf32> to vector<10000x128xf32>
    %add3A_52 = arith.addf %mul3A_47, %add3A_51 : vector<10000x128xf32>
    %max3A = arith.constant 0.000000e+00 : f32
    %max3A_53 = vector.broadcast %max3A : f32 to vector<10000x128xf32>
    %max3A_54 = arith.maximumf %add3A_52, %max3A_53 : vector<10000x128xf32>
    %get3A_55 = arith.constant 0 : index
    %get3A_56 = arith.constant 0 : index
    %get3A_57 = vector.load %arg7[%get3A_55, %get3A_56] : memref<128x128xf32, #tpu.memory_space<vmem>>, vector<128x128xf32>
    %dot_general3A_58 = arith.constant dense<0.000000e+00> : vector<10000x128xf32>
    %dot_general3A_59 = tpu.matmul %max3A_54, %get3A_57, %dot_general3A_58 {dimension_numbers = #tpu.dot_dimension_numbers<[1], [1], [0], [0], [0, 0, 1, 0], [], []>, transpose_lhs_hint = false} : vector<10000x128xf32>, vector<128x128xf32>, vector<10000x128xf32> -> vector<10000x128xf32>
    %get3A_60 = arith.constant 0 : index
    %get3A_61 = arith.constant 0 : index
    %get3A_62 = vector.load %arg8[%get3A_60, %get3A_61] : memref<1x128xf32, #tpu.memory_space<vmem>>, vector<1x128xf32>
    %add3A_63 = vector.broadcast %get3A_62 : vector<1x128xf32> to vector<10000x128xf32>
    %add3A_64 = arith.addf %dot_general3A_59, %add3A_63 : vector<10000x128xf32>
    %reduce_sum3A_65 = arith.constant dense<0.000000e+00> : vector<128xf32>
    %reduce_sum3A_66 = vector.multi_reduction <add>, %add3A_64, %reduce_sum3A_65 [0] : vector<10000x128xf32> to vector<128xf32>
    %broadcast_in_dim3A_67 = vector.shape_cast %reduce_sum3A_66 : vector<128xf32> to vector<1x128xf32>
    %div3A_68 = arith.constant 1.000000e+04 : f32
    %div3A_69 = vector.broadcast %div3A_68 : f32 to vector<1x128xf32>
    %div3A_70 = arith.divf %broadcast_in_dim3A_67, %div3A_69 : vector<1x128xf32>
    %sub3A_71 = vector.broadcast %div3A_70 : vector<1x128xf32> to vector<10000x128xf32>
    %sub3A_72 = arith.subf %add3A_64, %sub3A_71 : vector<10000x128xf32>
    %integer_pow3A_73 = arith.mulf %sub3A_72, %sub3A_72 : vector<10000x128xf32>
    %reduce_sum3A_74 = arith.constant dense<0.000000e+00> : vector<128xf32>
    %reduce_sum3A_75 = vector.multi_reduction <add>, %integer_pow3A_73, %reduce_sum3A_74 [0] : vector<10000x128xf32> to vector<128xf32>
    %broadcast_in_dim3A_76 = vector.shape_cast %reduce_sum3A_75 : vector<128xf32> to vector<1x128xf32>
    %div3A_77 = arith.constant 1.000000e+04 : f32
    %div3A_78 = vector.broadcast %div3A_77 : f32 to vector<1x128xf32>
    %div3A_79 = arith.divf %broadcast_in_dim3A_76, %div3A_78 : vector<1x128xf32>
    %sub3A_80 = vector.broadcast %div3A_70 : vector<1x128xf32> to vector<10000x128xf32>
    %sub3A_81 = arith.subf %add3A_64, %sub3A_80 : vector<10000x128xf32>
    %add3A_82 = arith.constant 9.99999974E-6 : f32
    %add3A_83 = vector.broadcast %add3A_82 : f32 to vector<1x128xf32>
    %add3A_84 = arith.addf %div3A_79, %add3A_83 : vector<1x128xf32>
    %rsqrt3A_85 = math.rsqrt %add3A_84 : vector<1x128xf32>
    %mul3A_86 = vector.broadcast %rsqrt3A_85 : vector<1x128xf32> to vector<10000x128xf32>
    %mul3A_87 = arith.mulf %sub3A_81, %mul3A_86 : vector<10000x128xf32>
    %get3A_88 = arith.constant 0 : index
    %get3A_89 = arith.constant 0 : index
    %get3A_90 = vector.load %arg9[%get3A_88, %get3A_89] : memref<1x128xf32, #tpu.memory_space<vmem>>, vector<1x128xf32>
    %mul3A_91 = vector.broadcast %get3A_90 : vector<1x128xf32> to vector<10000x128xf32>
    %mul3A_92 = arith.mulf %mul3A_87, %mul3A_91 : vector<10000x128xf32>
    %get3A_93 = arith.constant 0 : index
    %get3A_94 = arith.constant 0 : index
    %get3A_95 = vector.load %arg10[%get3A_93, %get3A_94] : memref<1x128xf32, #tpu.memory_space<vmem>>, vector<1x128xf32>
    %add3A_96 = vector.broadcast %get3A_95 : vector<1x128xf32> to vector<10000x128xf32>
    %add3A_97 = arith.addf %mul3A_92, %add3A_96 : vector<10000x128xf32>
    %max3A_98 = arith.constant 0.000000e+00 : f32
    %max3A_99 = vector.broadcast %max3A_98 : f32 to vector<10000x128xf32>
    %max3A_100 = arith.maximumf %add3A_97, %max3A_99 : vector<10000x128xf32>
    %swap3A = arith.constant 0 : index
    %swap3A_101 = arith.constant 0 : index
    %swap3A_102 = vector.load %arg11[%swap3A, %swap3A_101] : memref<10000x128xf32, #tpu.memory_space<vmem>>, vector<10000x128xf32>
    tpu.vector_store %arg11[%swap3A, %swap3A_101], %max3A_100 {strides = array<i32>} : memref<10000x128xf32, #tpu.memory_space<vmem>>, vector<10000x128xf32>,
    return
  }
}

</mosaic_0001>

<sc_bundles>
// kernel: kernel.4.cloned.1.call-start
scs
__scs_entry_jumppad:
0x0: {  	(pc) =	sbr.rel $0x88, $3  }
0x1: {  	(tag) =	ssettag $0x0;
	lr =	simm.s32 $0x1  }
0x2: {  	[smem:$0x3F95] =	sst lr;
	_ =	strace $0xD0000000  }
0x3: {  	_ = 	snop  }
0x4: {  	_ = 	snop  }
0x5: {  	_ = 	snop  }
0x6: {  	_ = 	snop  }
0x7: {  	_ = 	snop  }
__scs_overlays_trampoline_lowered:
0x8: {  	[smem:$0x3FA4] =	sst s0  }
0x9: {  	[smem:$0x3FA5] =	sst s1  }
0xa: {  	[smem:$0x3FA6] =	sst s2  }
0xb: {  	[smem:$0x3FA7] =	sst s3  }
0xc: {  	[smem:$0x3FA8] =	sst s4  }
0xd: {  	[smem:$0x3FA9] =	sst s5  }
0xe: {  	[smem:$0x3FAA] =	sst s6  }
0xf: {  	[smem:$0x3FAB] =	sst s7  }
0x10: {  	[smem:$0x3FAC] =	sst s8  }
0x11: {  	[smem:$0x3FAD] =	sst s9;
	s0 =	simm.s32 @!p0 $0x0  }
0x12: {  	s1 =	sld [smem:$0x3F93];
	s0 =	simm.s32 @p0 $0x1  }
0x13: {  	[smem:$0x3FAE] =	sst s0;
	s0 =	simm.s32 @!p1 $0x0  }
0x14: {  	s2 =	sld [smem:$0x3F92];
	s0 =	simm.s32 @p1 $0x1  }
0x15: {  	[smem:$0x3FAF] =	sst s0;
	s0 =	simm.s32 @!p2 $0x0  }
0x16: {  	s3 =	sld [smem:$0x3FDB];
	s0 =	simm.s32 @p2 $0x1  }
0x17: {  	s4 =	simm.s32 $0x1BF5;
	[smem:$0x3FB1] =	sst s0  }
0x18: {  	s0 =	sld [smem:$0x3F94];
	_ =	swait.ge [sflag:s4], $0x0  }
0x19: {  	s7 =	sld [smem:$0x3F95]  }
0x1a: {  	s8 =	sadd.s32 $0xFFFFE003, lr  }
0x1b: {  	s9 =	sadd.s32 $0xFFFFFEF7, lr;
	s5 =	simm.s32 $0xFFFFFFFF;
	p2 =	slt.u32 s8, $0xFFFFF086  }
0x1c: {  	p1 =	slt.u32 s9, $0xF7A;
	s5 =	simm.s32 @!p2 $0x0  }
0x1d: {  	s5 =	simm.s32 @p1 $0x1;
	p0 =	seq.s32 s7, s2  }
0x1e: {  	s7 =	smul.u32 @!p0 $0xF7A, s2;
	p2 =	seq.s32 @!p0 s5, $0x0  }
0x1f: {  	s9 =	smul.u32 $0xF7A, s1;
	s8 =	simm.s32 @!p0 $0x1BF5;
	p2 =	por !p2, p0  }
0x20: {  	[sflag:s8] =	ssyncset.s32 @!p0 $0xFFFFF086;
	s6 =	sadd.s32 @!p0 s3, s7;
	s7 =	simm.s32 @!p0 $0x108  }
0x21: {  	s3 =	sadd.s32 s3, s9;
	s6 =	sadd.s32 @!p0 $0x88, s6;
	s7 =	simm.s32 @p2 $0x1082  }
0x22: {  	[simem:s7], [sflag:s8] =	dma.local @!p0 [hbm:s6], $0xF7A  }
0x23: {  	s9 =	sor.u32 $0xD0000000, s2;
	s6 =	simm.s32 $0x108;
	_ =	swait.ge @!p0 [sflag:s8], $0x0  }
0x24: {  	s3 =	sadd.s32 $0x88, s3;
	s6 =	simm.s32 @!p1 $0x1082;
	[sflag:s4] =	ssyncset.s32 $0xFFFFF086  }
0x25: {  	[simem:s6], [sflag:s4] =	dma.local [hbm:s3], $0xF7A  }
0x26: {  	[smem:$0x3F95] =	sst s1;
	(tag) =	ssettag s2;
	_ =	strace s9  }
0x27: {  	s1 =	sld [smem:$0x3FA5]  }
0x28: {  	s2 =	sld [smem:$0x3FA6]  }
0x29: {  	s4 =	sld [smem:$0x3FA8]  }
0x2a: {  	p0 =	seq.s32 s5, $0x0;
	s5 =	sld [smem:$0x3FA9]  }
0x2b: {  	s6 =	sld [smem:$0x3FAA]  }
0x2c: {  	s7 =	sld [smem:$0x3FAB]  }
0x2d: {  	s3 =	simm.s32 $0x108;
	s8 =	sld [smem:$0x3FAC]  }
0x2e: {  	s3 =	simm.s32 @!p0 $0x1082;
	s9 =	sld [smem:$0x3FAD]  }
0x2f: {  	lr =	sadd.s32 s0, s3;
	s0 =	sld [smem:$0x3FA4]  }
0x30: {  	s3 =	sld [smem:$0x3FA7]  }
0x31: {  	[smem:$0x3FB0] =	sst s10  }
0x32: {  	s10 =	sld [smem:$0x3FAE];
	_ =	sdelay $0x3  }
0x33: {  	p0 =	seq.s32 s10, $0x1;
	s10 =	sld [smem:$0x3FB0];
	_ =	sdelay $0x3  }
0x34: {  	[smem:$0x3FB0] =	sst s10  }
0x35: {  	s10 =	sld [smem:$0x3FAF];
	_ =	sdelay $0x3  }
0x36: {  	p1 =	seq.s32 s10, $0x1;
	s10 =	sld [smem:$0x3FB0];
	_ =	sdelay $0x3  }
0x37: {  	[smem:$0x3FB0] =	sst s10  }
0x38: {  	s10 =	sld [smem:$0x3FB1]  }
0x39: {  	_ = 	snop;
	(pc) =	sbr.ind lr, $3  }
0x3a: {  	_ = 	snop  }
0x3b: {  	_ = 	snop  }
0x3c: {  	p2 =	seq.s32 s10, $0x1;
	s10 =	sld [smem:$0x3FB0]  }
0x3d: {  	_ =	shalt  }
0x3e: {  	_ =	shalt  }
0x3f: {  	_ =	shalt  }
0x40: {  	_ =	shalt  }
0x41: {  	_ =	shalt  }
0x42: {  	_ =	shalt  }
0x43: {  	_ =	shalt  }
0x44: {  	_ =	shalt  }
0x45: {  	_ =	shalt  }
0x46: {  	_ =	shalt  }
0x47: {  	_ =	shalt  }
0x48: {  	_ =	shalt  }
0x49: {  	_ =	shalt  }
0x4a: {  	_ =	shalt  }
0x4b: {  	_ =	shalt  }
0x4c: {  	_ =	shalt  }
0x4d: {  	_ =	shalt  }
0x4e: {  	_ =	shalt  }
0x4f: {  	_ =	shalt  }
0x50: {  	_ =	shalt  }
0x51: {  	_ =	shalt  }
0x52: {  	_ =	shalt  }
0x53: {  	_ =	shalt  }
0x54: {  	_ =	shalt  }
0x55: {  	_ =	shalt  }
0x56: {  	_ =	shalt  }
0x57: {  	_ =	shalt  }
0x58: {  	_ =	shalt  }
0x59: {  	_ =	shalt  }
0x5a: {  	_ =	shalt  }
0x5b: {  	_ =	shalt  }
0x5c: {  	_ =	shalt  }
0x5d: {  	_ =	shalt  }
0x5e: {  	_ =	shalt  }
0x5f: {  	_ =	shalt  }
0x60: {  	_ =	shalt  }
0x61: {  	_ =	shalt  }
0x62: {  	_ =	shalt  }
0x63: {  	_ =	shalt  }
0x64: {  	_ =	shalt  }
0x65: {  	_ =	shalt  }
0x66: {  	_ =	shalt  }
0x67: {  	_ =	shalt  }
0x68: {  	_ =	shalt  }
0x69: {  	_ =	shalt  }
0x6a: {  	_ =	shalt  }
0x6b: {  	_ =	shalt  }
0x6c: {  	_ =	shalt  }
0x6d: {  	_ =	shalt  }
0x6e: {  	_ =	shalt  }
0x6f: {  	_ =	shalt  }
0x70: {  	_ =	shalt  }
0x71: {  	_ =	shalt  }
0x72: {  	_ =	shalt  }
0x73: {  	_ =	shalt  }
0x74: {  	_ =	shalt  }
0x75: {  	_ =	shalt  }
0x76: {  	_ =	shalt  }
0x77: {  	_ =	shalt  }
0x78: {  	_ =	shalt  }
0x79: {  	_ =	shalt  }
0x7a: {  	_ =	shalt  }
0x7b: {  	_ =	shalt  }
0x7c: {  	_ =	shalt  }
0x7d: {  	_ =	shalt  }
0x7e: {  	_ =	shalt  }
0x7f: {  	_ =	shalt  }
0x80: {  	_ =	shalt  }
0x81: {  	_ =	shalt  }
0x82: {  	_ =	shalt  }
0x83: {  	_ =	shalt  }
0x84: {  	_ =	shalt  }
0x85: {  	_ =	shalt  }
0x86: {  	_ =	shalt  }
0x87: {  	_ =	shalt  }
.Lfunc_end0:
.L_simem_size_0:
called_computation_lowered:
.L_overlay_start_0:
0x88: {  	s2 =	sld [smem:$0x3FD9]  }
0x89: {  	s3 =	sld [smem:$0x3FFE];
	_ =	sdelay $0x1  }
0x8a: {  	s1 =	srdreg.scid  }
0x8b: {  	s0 =	sand.u32 $0x1, s1  }
0x8c: {  	s17 =	sshll.u32 s0, $0xA;
	s2 =	sadd.s32 s3, s2  }
0x8d: {  	s2 =	sadd.s32 s2, s17  }
0x8e: {  	[smem:$0x3FBC] =	sst s2  }
0x8f: {  	_ = 	snop  }
0x90: {  	s2 =	sld [smem:$0x3FC9]  }
0x91: {  	s18 =	sld [smem:$0x3FD0];
	(tm) =	ssettm $0x1  }
0x92: {  	s4 =	sld [smem:$0x3FFB];
	_ =	sdelay $0x3  }
0x93: {  	_ =	strace s4  }
0x94: {  	s4 =	sld [smem:$0x3FFC];
	_ =	sdelay $0x3  }
0x95: {  	_ =	strace s4  }
0x96: {  	s4 =	sld [smem:$0x3FFD];
	_ =	sdelay $0x3  }
0x97: {  	_ =	strace s4  }
0x98: {  	_ =	strace $0x8FFFFFFF  }
0x99: {  	s19 =	sld [smem:$0x3FDB];
	_ =	sdelay $0x1  }
0x9a: {  	s5 =	simm.s32 $_scs_section_size  }
0x9b: {  	s6 =	simm.s32 $_size__tile_overlayer_lowered;
	s7 =	simm.s32 $_tile_overlayer_lowered  }
0x9c: {  	s22 =	simm.s32 $0x1BFF;
	s21 =	sshll.u32 s7, $0x1;
	s4 =	sadd.s32 s5, s19  }
0x9d: {  	s8 =	simm.s32 $0x0;
	s20 =	sshll.u32 s6, $0x1;
	s6 =	sadd.s32 s21, s4  }
0x9e: {  	[timem:s8], [sflag:s22] =	dma.local [hbm:s6], s20  }
0x9f: {  	_ =	swait.ge [sflag:s22], s20  }
0xa0: {  	s5 =	ssub.s32 $0x0, s20;
	[sflag:s22] =	ssyncset.done $0x0  }
0xa1: {  	[sflag:s22] =	ssyncadd.s32 s5;
	_ =	sdelay $0x1  }
0xa2: {  	s23 =	simm.s32 $0x1B8B  }
0xa3: {  	_ =	swait.ge [sflag:s23], $0x1  }
0xa4: {  	[sflag:s23] =	ssyncset.done $0x0  }
0xa5: {  	s25 =	simm.s32 $0x1B8E;
	s24 =	sld [smem:$0x3FFE];
	[sflag:s23] =	ssyncadd.s32 $0xFFFFFFFF  }
0xa6: {  	s26 =	simm.s32 $execute0_lowered;
	[smem:$0x3FD2] =	sst s25  }
0xa7: {  	s6 =	sshll.u32 s26, $0x1;
	_ =	strace $0x80000046;
	[dreg:$0x1] =	wrdreg $0xFFFFFFFF  }
0xa8: {  	s28 =	simm.s32 $_size_execute0_lowered;
	s4 =	sadd.s32 s4, s6;
	[dreg:$0x0] =	wrdreg $0x0  }
0xa9: {  	s6 =	sshll.u32 s28, $0x1;
	[dreg:$0x2] =	wrdreg s4  }
0xaa: {  	[dreg:$0x3] =	wrdreg s6  }
0xab: {  	[dreg:$0x4] =	wrdreg $0xC0  }
0xac: {  	_ =	task [dreg:s8], $0x5FFFF  }
0xad: {  	[dreg:$0x1] =	wrdreg $0xFFFFFFFF  }
0xae: {  	[dreg:$0x0] =	wrdreg $0x60  }
0xaf: {  	[dreg:$0x2] =	wrdreg s2  }
0xb0: {  	[dreg:$0x3] =	wrdreg s18  }
0xb1: {  	[dreg:$0x4] =	wrdreg s24  }
0xb2: {  	[dreg:$0x5] =	wrdreg $0x94000  }
0xb3: {  	[dreg:$0x6] =	wrdreg $0x9  }
0xb4: {  	_ =	task.clear_ibuf [dreg:s8], $0x7FFFF;
	_ =	strace $0x90000046  }
0xb5: {  	s29 =	simm.s32 $0x9;
	_ =	strace $0x80000048  }
0xb6: {  	_ =	swait.ge [sflag:s29], $0x1  }
0xb7: {  	[sflag:s29] =	ssyncadd.s32 $0xFFFFFFFF  }
0xb8: {  	_ =	strace $0x90000048  }
0xb9: {  	_ =	sfence  }
0xba: {  	s30 =	sld [smem:$0x0];
	_ =	sdelay $0x2  }
0xbb: {  	s31 =	sshll.u32 s1, $0xD;
	s1 =	sshrl.u32 s1, $0x2  }
0xbc: {  	s3 =	sand.u32 $0x4000, s31;
	s1 =	sadd.s32 s1, s30  }
0xbd: {  	s0 =	sor.u32 s3, s0;
	s1 =	sshll.u32 s1, $0x11  }
0xbe: {  	s0 =	sor.u32 s1, s0  }
0xbf: {  	s0 =	sadd.s32 $0x8F2B, s0  }
0xc0: {  	[sflag:s0] =	ssyncadd.remote.s32 $0x1  }
0xc1: {  	_ =	sfence.sel $0xFFFF  }
0xc2: {  	[dreg:$0x0] =	wrdreg $0xFFFFFFFF;
	(pc) =	sbr.abs _section_cstart, $3  }
0xc3: {  	[dreg:$0x1] =	wrdreg $0xFFFFFFFF  }
0xc4: {  	_ =	task.clear_ibuf [dreg:s8], $0x2FFFF;
	_ =	strace $0x9FFFFFFF  }
0xc5: {  	(tm) =	ssettm $0x7FFFFFFF  }
tec
execute0_lowered:
.L_overlay_start_1:
0x0: {  	(tag) =	ssettag $0x1  }
0x1: {  	s0 =	rddreg [dreg:$0x0]  }
0x2: {  	s1 =	rddreg [dreg:$0x1]  }
0x3: {  	s2 =	rddreg [dreg:$0x2]  }
0x4: {  	s3 =	srdreg.scid;
	s4 =	rddreg [dreg:$0x3]  }
0x5: {  	s12 =	stileid.u32;
	s5 =	simm.s32 $0x0;
	s13 =	simm.s32 $0x5  }
0x6: {  	s14 =	simm.s32 $0x1000;
	s15 =	simm.s32 $0x2000;
	s16 =	simm.s32 $0x28  }
0x7: {  	s17 =	simm.s32 $0x3000;
	s18 =	simm.s32 $0x4400;
	s19 =	simm.s32 $0x1  }
0x8: {  	s20 =	simm.s32 $0x5800;
	s21 =	simm.s32 $0x6C00;
	s22 =	simm.s32 $0x50  }
0x9: {  	s23 =	simm.s32 $0x2;
	s24 =	simm.s32 $0x3;
	s25 =	simm.s32 $0x4  }
0xa: {  	s26 =	simm.s32 $0x1C00;
	s28 =	simm.s32 $0x0;
	s8 =	smul.u32 $0x1F400, s12  }
0xb: {  	s3 =	sand.u32 $0x1, s3;
	[smem:$0x7FF] =	sst s5;
	s11 =	smul.u32 $0x7D000, s12  }
0xc: {  	s6 =	sadd.s32 $0x1800, s2;
	p0 =	sgt.u32 s12, $0x9;
	s7 =	smul.u32 $0x138800, s3  }
0xd: {  	_ =	strace $0x80000047;
	s9 =	ssub.s32 $0x2, s3;
	s3 =	sshll.u32 s3, $0x4  }
0xe: {  	s10 =	sshrl.u32 s9, $0x1;
	s3 =	sor.u32 s12, s3;
	s8 =	sadd.s32 s8, s7  }
0xf: {  	s30 =	sshrl.u32 s11, $0x2;
	s9 =	ssub.s32 s9, s10;
	s8 =	sshrl.u32 s8, $0x3  }
0x10: {  	s7 =	sadd.s32 $0x15800, s2;
	s31 =	smax.u32 s9, $0x1;
	s2 =	sadd.s32 s8, s2  }
0x11: {  	s12 =	simm.s32 $0x8000;
	[dreg:$0x6] =	wrdreg s31;
	s2 =	sadd.s32 $0x29800, s2  }
0x12: {  	v0 =	vimm.f32 $0.0e+00;
	s10 =	sadd.s32 s30, s4;
	s8 =	smul.u32 $0x5000, s3;
	[dreg:$0x5] =	wrdreg s2  }
.LBB2_1:
0x13: {  	s2 =	simm.s32 $0x0;
	s3 =	simm.s32 $0x200  }
.LBB2_2:
0x14: {  	p1 =	sne.s32 s3, $0x4E00;
	[tilespmem:s2+$0x8070] =	vst v0  }
0x15: {  	[tilespmem:s2+$0x8000] =	vst v0  }
0x16: {  	[tilespmem:s2+$0x8010] =	vst v0  }
.Ltmp0:
0x17: {  	[tilespmem:s2+$0x8020] =	vst v0;
	(pc) =	sbr.rel @p1 .LBB2_2-.Ltmp0, $4  }
0x18: {  	[tilespmem:s2+$0x8030] =	vst v0  }
0x19: {  	[tilespmem:s2+$0x8040] =	vst v0  }
0x1a: {  	[tilespmem:s2+$0x8050] =	vst v0  }
0x1b: {  	[tilespmem:s2+$0x8060] =	vst v0;
	s2 =	sshra.s32 s3, $0x2;
	s3 =	sadd.s32 $0x200, s3  }
0x1c: {  	[tilespmem:s2+$0x8070] =	vst v0  }
0x1d: {  	[tilespmem:s2+$0x8000] =	vst v0  }
0x1e: {  	[tilespmem:s2+$0x8010] =	vst v0  }
.Ltmp1:
0x1f: {  	[tilespmem:s2+$0x8020] =	vst v0;
	(pc) =	sbr.rel @p0 .LBB2_7-.Ltmp1, $4  }
0x20: {  	[tilespmem:s2+$0x8030] =	vst v0  }
0x21: {  	[tilespmem:s2+$0x8040] =	vst v0  }
0x22: {  	[tilespmem:s2+$0x8050] =	vst v0  }
0x23: {  	[tilespmem:s2+$0x8060] =	vst v0  }
0x24: {  	s2 =	sadd.s32 $0x0, s10  }
0x25: {  	[spmem:s2] =	stream.linear.scatter [tilespmem:s12], [sflag:$0x5], $0x1400, $0x38;
	[tilespmem:$0x1CC80] =	vst v63  }
0x26: {  	s2 =	simm.s32 $0x5000;
	_ =	swait.ge [sflag:s13], $0x1400  }
.LBB2_5:
0x27: {  	s3 =	sshra.s32 s2, $0x2;
	[sflag:s13] =	ssyncset.done $0x0;
	p1 =	sne.s32 s2, $0x78000  }
.Ltmp2:
0x28: {  	s3 =	sadd.s32 s3, s10;
	[sflag:s13] =	ssyncadd.s32 $0xFFFFEC00;
	(pc) =	sbr.rel @p1 .LBB2_5-.Ltmp2, $3  }
0x29: {  	[spmem:s3] =	stream.linear.scatter [tilespmem:s12], [sflag:$0x5], $0x1400, $0x38;
	[tilespmem:$0x1CC80] =	vst v63  }
0x2a: {  	s2 =	sadd.s32 $0x5000, s2;
	_ =	sdelay $0x1  }
0x2b: {  	_ =	swait.ge [sflag:s13], $0x1400  }
0x2c: {  	[sflag:s13] =	ssyncset.done $0x0  }
0x2d: {  	[sflag:s13] =	ssyncadd.s32 $0xFFFFEC00  }
.LBB2_7:
0x2e: {  	[bflag:$0x0] =	sbarrier.arrive $0xFFFF;
	s29 =	simm.s32 $0x0  }
.LBB2_8:
0x2f: {  	s2 =	sshll.u32 s29, $0xC  }
0x30: {  	s2 =	sadd.s32 s8, s2  }
0x31: {  	s2 =	sshrl.u32 s2, $0x3  }
0x32: {  	s3 =	sadd.s32 s1, s2  }
0x33: {  	[tilespmem:s28], [sflag:$0x5] =	stream.linear.gather [hbm4b:s3+s28], $0xC80, $0x38;
	[tilespmem:$0x1CC80] =	vst v63  }
0x34: {  	_ =	swait.ge [sflag:s13], $0xC80  }
0x35: {  	[sflag:s13] =	ssyncset.done $0x0  }
0x36: {  	s31 =	sadd.s32 s6, s2;
	[sflag:s13] =	ssyncadd.s32 $0xFFFFF380  }
0x37: {  	[tilespmem:s14], [sflag:$0x5] =	stream.linear.gather [hbm4b:s31+s28], $0xC80, $0x38;
	[tilespmem:$0x1CC80] =	vst v63  }
0x38: {  	_ =	swait.ge [sflag:s13], $0xC80  }
0x39: {  	[sflag:s13] =	ssyncset.done $0x0  }
0x3a: {  	s2 =	sadd.s32 s7, s2;
	[sflag:s13] =	ssyncadd.s32 $0xFFFFF380  }
0x3b: {  	[tilespmem:s15], [sflag:$0x5] =	stream.linear.gather [hbm4b:s2+s28], $0xC80, $0x38;
	[tilespmem:$0x1CC80] =	vst v63  }
0x3c: {  	_ =	swait.ge [sflag:s13], $0xC80  }
0x3d: {  	[sflag:s13] =	ssyncset.done $0x0  }
0x3e: {  	[sflag:s13] =	ssyncadd.s32 $0xFFFFF380  }
0x3f: {  	[tilespmem:s17], [sflag:$0x1] =	stream.indirect.gather [hbm4b:s0+s16], $0x80, s28, s16, $0xb8;
	[tilespmem:$0x1CC80] =	vst v63  }
0x40: {  	s30 =	simm.s32 $0x0  }
0x41: {  	[tilespmem:s18], [sflag:$0x1] =	stream.indirect.gather [hbm4b:s0+s16], $0x80, s16, s16, $0xb8;
	[tilespmem:$0x1CC80] =	vst v63  }
.LBB2_9:
0x42: {  	_ =	swait.ge [sflag:s19], $0x1400  }
0x43: {  	[sflag:s19] =	ssyncset.done $0x0  }
0x44: {  	[sflag:s19] =	ssyncadd.s32 $0xFFFFEC00  }
0x45: {  	_ =	swait.ge [sflag:s19], $0x1400  }
0x46: {  	p1 =	seq.s32 s30, $0x0;
	[sflag:s19] =	ssyncset.done $0x0  }
0x47: {  	s3 =	simm.s32 @!p1 $0x4;
	[sflag:s19] =	ssyncadd.s32 $0xFFFFEC00  }
0x48: {  	_ =	swait.ge @!p1 [sflag:s3], $0x2800  }
0x49: {  	s2 =	sshll.u32 s30, $0x8;
	s11 =	sshll.u32 s30, $0xA;
	[sflag:s3] =	ssyncset.done @!p1 $0x0  }
0x4a: {  	s31 =	sor.u32 $0x80, s2;
	[sflag:s3] =	ssyncadd.s32 @!p1 $0xFFFFD800;
	s3 =	sshrl.u32 s11, $0x2  }
0x4b: {  	[tilespmem:s20], [sflag:$0x2] =	stream.indirect.gather [hbm4b:s0+s16], $0x80, s31, s16, $0xb8;
	[tilespmem:$0x1CC80] =	vst v63  }
0x4c: {  	s11 =	sadd.s32 $0x2000, s3  }
0x4d: {  	s9 =	sadd.s32 $0xA8, s2;
	v1 =	vmov s11  }
0x4e: {  	[tilespmem:s21], [sflag:$0x2] =	stream.indirect.gather [hbm4b:s0+s16], $0x80, s9, s16, $0xb8;
	[tilespmem:$0x1CC80] =	vst v63  }
0x4f: {  	s9 =	simm.s32 $0x0  }
.LBB2_10:
0x50: {  	s11 =	sshll.u32 s9, $0x4  }
0x51: {  	s11 =	sand.u32 $0x3FFFFFF0, s11  }
0x52: {  	v2 =	vld.idx.msk [tilespmem:v1+s11+$0x0 ss:$0x1], $0xffff;
	s11 =	sshll.u32 s9, $0xB  }
0x53: {  	s11 =	sand.u32 $0x3FFFF800, s11  }
0x54: {  	v3 =	vld [tilespmem:s11+$0x3000]  }
0x55: {  	v4 =	vld [tilespmem:s11+$0x3010]  }
0x56: {  	v5 =	vld [tilespmem:s11+$0x3020]  }
0x57: {  	v7 =	vld [tilespmem:s11+$0x3030];
	v6 =	vbroadcast v2, $0x0  }
0x58: {  	v8 =	vld [tilespmem:s11+$0x3040]  }
0x59: {  	v9 =	vld [tilespmem:s11+$0x3050];
	v3 =	vmul.f32 v6, v3  }
0x5a: {  	v10 =	vld [tilespmem:s11+$0x3060];
	v4 =	vmul.f32 v4, v6  }
0x5b: {  	v24 =	vld [tilespmem:s11+$0x3070];
	[tilespmem:s11+$0x3000] =	vst v3;
	v3 =	vmul.f32 v5, v6  }
0x5c: {  	v26 =	vld [tilespmem:s11+$0x3080];
	v25 =	vmul.f32 v7, v6;
	[tilespmem:s11+$0x3010] =	vst v4  }
0x5d: {  	v27 =	vld [tilespmem:s11+$0x3090];
	[tilespmem:s11+$0x3020] =	vst v3;
	v3 =	vmul.f32 v8, v6  }
0x5e: {  	v29 =	vld [tilespmem:s11+$0x30A0];
	v28 =	vmul.f32 v9, v6;
	[tilespmem:s11+$0x3030] =	vst v25  }
0x5f: {  	v11 =	vld [tilespmem:s11+$0x30B0];
	v30 =	vbroadcast v2, $0x1;
	[tilespmem:s11+$0x3040] =	vst v3;
	v3 =	vmul.f32 v10, v6  }
0x60: {  	v32 =	vld [tilespmem:s11+$0x30C0];
	v31 =	vmul.f32 v24, v6;
	[tilespmem:s11+$0x3050] =	vst v28  }
0x61: {  	v33 =	vld [tilespmem:s11+$0x30D0];
	[tilespmem:s11+$0x3060] =	vst v3;
	v3 =	vmul.f32 v26, v30  }
0x62: {  	v35 =	vld [tilespmem:s11+$0x30E0];
	v34 =	vmul.f32 v27, v30;
	[tilespmem:s11+$0x3070] =	vst v31  }
0x63: {  	v36 =	vld [tilespmem:s11+$0x30F0];
	[tilespmem:s11+$0x3080] =	vst v3;
	v3 =	vmul.f32 v29, v30  }
0x64: {  	v38 =	vld [tilespmem:s11+$0x3100];
	v37 =	vmul.f32 v11, v30;
	[tilespmem:s11+$0x3090] =	vst v34  }
0x65: {  	v39 =	vld [tilespmem:s11+$0x3110];
	[tilespmem:s11+$0x30A0] =	vst v3;
	v3 =	vmul.f32 v32, v30  }
0x66: {  	v41 =	vld [tilespmem:s11+$0x3120];
	v40 =	vmul.f32 v33, v30;
	[tilespmem:s11+$0x30B0] =	vst v37  }
0x67: {  	v43 =	vld [tilespmem:s11+$0x3130];
	v42 =	vbroadcast v2, $0x2;
	[tilespmem:s11+$0x30C0] =	vst v3;
	v3 =	vmul.f32 v35, v30  }
0x68: {  	v45 =	vld [tilespmem:s11+$0x3140];
	v44 =	vmul.f32 v36, v30;
	[tilespmem:s11+$0x30D0] =	vst v40  }
0x69: {  	v46 =	vld [tilespmem:s11+$0x3150];
	[tilespmem:s11+$0x30E0] =	vst v3;
	v3 =	vmul.f32 v38, v42  }
0x6a: {  	v48 =	vld [tilespmem:s11+$0x3160];
	v47 =	vmul.f32 v39, v42;
	[tilespmem:s11+$0x30F0] =	vst v44  }
0x6b: {  	v49 =	vld [tilespmem:s11+$0x3170];
	[tilespmem:s11+$0x3100] =	vst v3;
	v3 =	vmul.f32 v41, v42  }
0x6c: {  	v51 =	vld [tilespmem:s11+$0x3180];
	v50 =	vmul.f32 v43, v42;
	[tilespmem:s11+$0x3110] =	vst v47  }
0x6d: {  	v52 =	vld [tilespmem:s11+$0x3190];
	[tilespmem:s11+$0x3120] =	vst v3;
	v3 =	vmul.f32 v45, v42  }
0x6e: {  	v54 =	vld [tilespmem:s11+$0x31A0];
	v53 =	vmul.f32 v46, v42;
	[tilespmem:s11+$0x3130] =	vst v50  }
0x6f: {  	v56 =	vld [tilespmem:s11+$0x31B0];
	v55 =	vbroadcast v2, $0x3;
	[tilespmem:s11+$0x3140] =	vst v3;
	v3 =	vmul.f32 v48, v42  }
0x70: {  	v58 =	vld [tilespmem:s11+$0x31C0];
	v57 =	vmul.f32 v49, v42;
	[tilespmem:s11+$0x3150] =	vst v53  }
0x71: {  	v59 =	vld [tilespmem:s11+$0x31D0];
	[tilespmem:s11+$0x3160] =	vst v3;
	v3 =	vmul.f32 v51, v55  }
0x72: {  	v61 =	vld [tilespmem:s11+$0x31E0];
	v60 =	vmul.f32 v52, v55;
	[tilespmem:s11+$0x3170] =	vst v57  }
0x73: {  	v62 =	vld [tilespmem:s11+$0x31F0];
	[tilespmem:s11+$0x3180] =	vst v3;
	v3 =	vmul.f32 v54, v55  }
0x74: {  	v12 =	vld [tilespmem:s11+$0x3200];
	v63 =	vmul.f32 v56, v55;
	[tilespmem:s11+$0x3190] =	vst v60  }
0x75: {  	v13 =	vld [tilespmem:s11+$0x3210];
	[tilespmem:s11+$0x31A0] =	vst v3;
	v3 =	vmul.f32 v58, v55  }
0x76: {  	v15 =	vld [tilespmem:s11+$0x3220];
	v14 =	vmul.f32 v59, v55;
	[tilespmem:s11+$0x31B0] =	vst v63  }
0x77: {  	v17 =	vld [tilespmem:s11+$0x3230];
	v16 =	vbroadcast v2, $0x4;
	[tilespmem:s11+$0x31C0] =	vst v3;
	v3 =	vmul.f32 v61, v55  }
0x78: {  	v19 =	vld [tilespmem:s11+$0x3240];
	v18 =	vmul.f32 v62, v55;
	[tilespmem:s11+$0x31D0] =	vst v14  }
0x79: {  	v20 =	vld [tilespmem:s11+$0x3250];
	[tilespmem:s11+$0x31E0] =	vst v3;
	v3 =	vmul.f32 v12, v16  }
0x7a: {  	v22 =	vld [tilespmem:s11+$0x3260];
	v21 =	vmul.f32 v13, v16;
	[tilespmem:s11+$0x31F0] =	vst v18  }
0x7b: {  	v23 =	vld [tilespmem:s11+$0x3270];
	[tilespmem:s11+$0x3200] =	vst v3;
	v3 =	vmul.f32 v15, v16  }
0x7c: {  	v24 =	vmul.f32 v17, v16;
	[tilespmem:s11+$0x3210] =	vst v21;
	v25 =	vld [tilespmem:s11+$0x3280]  }
0x7d: {  	v33 =	vld [tilespmem:s11+$0x32D0];
	[tilespmem:s11+$0x3220] =	vst v3;
	v3 =	vmul.f32 v19, v16  }
0x7e: {  	v27 =	vmul.f32 v20, v16;
	[tilespmem:s11+$0x3230] =	vst v24;
	v28 =	vld [tilespmem:s11+$0x32A0]  }
0x7f: {  	v36 =	vld [tilespmem:s11+$0x32F0];
	v29 =	vbroadcast v2, $0x5;
	[tilespmem:s11+$0x3240] =	vst v3;
	v3 =	vmul.f32 v22, v16  }
0x80: {  	[tilespmem:s11+$0x3250] =	vst v27;
	v31 =	vmul.f32 v23, v16;
	v32 =	vld [tilespmem:s11+$0x32C0]  }
0x81: {  	v26 =	vld [tilespmem:s11+$0x3290];
	[tilespmem:s11+$0x3260] =	vst v3;
	v3 =	vmul.f32 v25, v29  }
0x82: {  	[tilespmem:s11+$0x3270] =	vst v31;
	v40 =	vmul.f32 v33, v29;
	v35 =	vld [tilespmem:s11+$0x32E0]  }
0x83: {  	v30 =	vld [tilespmem:s11+$0x32B0];
	[tilespmem:s11+$0x3280] =	vst v3;
	v3 =	vmul.f32 v28, v29  }
0x84: {  	v44 =	vmul.f32 v36, v29;
	[tilespmem:s11+$0x32D0] =	vst v40;
	v38 =	vld [tilespmem:s11+$0x3300]  }
0x85: {  	v39 =	vld [tilespmem:s11+$0x3310];
	[tilespmem:s11+$0x32A0] =	vst v3;
	v3 =	vmul.f32 v32, v29  }
0x86: {  	v34 =	vmul.f32 v26, v29;
	[tilespmem:s11+$0x32F0] =	vst v44;
	v41 =	vld [tilespmem:s11+$0x3320]  }
0x87: {  	v43 =	vld [tilespmem:s11+$0x3330];
	v42 =	vbroadcast v2, $0x6;
	[tilespmem:s11+$0x32C0] =	vst v3;
	v3 =	vmul.f32 v35, v29  }
0x88: {  	[tilespmem:s11+$0x3290] =	vst v34;
	v37 =	vmul.f32 v30, v29;
	v45 =	vld [tilespmem:s11+$0x3340]  }
0x89: {  	v46 =	vld [tilespmem:s11+$0x3350];
	[tilespmem:s11+$0x32E0] =	vst v3;
	v3 =	vmul.f32 v38, v42  }
0x8a: {  	[tilespmem:s11+$0x32B0] =	vst v37;
	v48 =	vld [tilespmem:s11+$0x3360];
	v47 =	vmul.f32 v39, v42  }
0x8b: {  	v49 =	vld [tilespmem:s11+$0x3370];
	[tilespmem:s11+$0x3300] =	vst v3;
	v3 =	vmul.f32 v41, v42  }
0x8c: {  	v50 =	vmul.f32 v43, v42;
	v51 =	vld [tilespmem:s11+$0x3380];
	[tilespmem:s11+$0x3310] =	vst v47  }
0x8d: {  	v52 =	vld [tilespmem:s11+$0x3390];
	[tilespmem:s11+$0x3320] =	vst v3;
	v3 =	vmul.f32 v45, v42  }
0x8e: {  	v53 =	vmul.f32 v46, v42;
	[tilespmem:s11+$0x3330] =	vst v50;
	v54 =	vld [tilespmem:s11+$0x33A0]  }
0x8f: {  	v56 =	vld [tilespmem:s11+$0x33B0];
	v55 =	vbroadcast v2, $0x7;
	[tilespmem:s11+$0x3340] =	vst v3;
	v3 =	vmul.f32 v48, v42  }
0x90: {  	v57 =	vmul.f32 v49, v42;
	[tilespmem:s11+$0x3350] =	vst v53;
	v58 =	vld [tilespmem:s11+$0x33C0]  }
0x91: {  	v59 =	vld [tilespmem:s11+$0x33D0];
	[tilespmem:s11+$0x3360] =	vst v3;
	v3 =	vmul.f32 v51, v55  }
0x92: {  	[tilespmem:s11+$0x3370] =	vst v57;
	v61 =	vld [tilespmem:s11+$0x33E0];
	v60 =	vmul.f32 v52, v55  }
0x93: {  	v62 =	vld [tilespmem:s11+$0x33F0];
	[tilespmem:s11+$0x3380] =	vst v3;
	v3 =	vmul.f32 v54, v55  }
0x94: {  	v63 =	vmul.f32 v56, v55;
	v12 =	vld [tilespmem:s11+$0x3400];
	[tilespmem:s11+$0x3390] =	vst v60  }
0x95: {  	v13 =	vld [tilespmem:s11+$0x3410];
	[tilespmem:s11+$0x33A0] =	vst v3;
	v3 =	vmul.f32 v58, v55  }
0x96: {  	v14 =	vmul.f32 v59, v55;
	[tilespmem:s11+$0x33B0] =	vst v63;
	v15 =	vld [tilespmem:s11+$0x3420]  }
0x97: {  	v17 =	vld [tilespmem:s11+$0x3430];
	v16 =	vbroadcast v2, $0x8;
	[tilespmem:s11+$0x33C0] =	vst v3;
	v3 =	vmul.f32 v61, v55  }
0x98: {  	v18 =	vmul.f32 v62, v55;
	[tilespmem:s11+$0x33D0] =	vst v14;
	v19 =	vld [tilespmem:s11+$0x3440]  }
0x99: {  	v20 =	vld [tilespmem:s11+$0x3450];
	[tilespmem:s11+$0x33E0] =	vst v3;
	v3 =	vmul.f32 v12, v16  }
0x9a: {  	[tilespmem:s11+$0x33F0] =	vst v18;
	v22 =	vld [tilespmem:s11+$0x3460];
	v21 =	vmul.f32 v13, v16  }
0x9b: {  	v23 =	vld [tilespmem:s11+$0x3470];
	[tilespmem:s11+$0x3400] =	vst v3;
	v3 =	vmul.f32 v15, v16  }
0x9c: {  	v24 =	vmul.f32 v17, v16;
	v25 =	vld [tilespmem:s11+$0x3480];
	[tilespmem:s11+$0x3410] =	vst v21  }
0x9d: {  	v26 =	vld [tilespmem:s11+$0x3490];
	[tilespmem:s11+$0x3420] =	vst v3;
	v3 =	vmul.f32 v19, v16  }
0x9e: {  	v27 =	vmul.f32 v20, v16;
	[tilespmem:s11+$0x3430] =	vst v24;
	v28 =	vld [tilespmem:s11+$0x34A0]  }
0x9f: {  	v30 =	vld [tilespmem:s11+$0x34B0];
	v29 =	vbroadcast v2, $0x9;
	[tilespmem:s11+$0x3440] =	vst v3;
	v3 =	vmul.f32 v22, v16  }
0xa0: {  	v31 =	vmul.f32 v23, v16;
	[tilespmem:s11+$0x3450] =	vst v27;
	v32 =	vld [tilespmem:s11+$0x34C0]  }
0xa1: {  	v33 =	vld [tilespmem:s11+$0x34D0];
	[tilespmem:s11+$0x3460] =	vst v3;
	v3 =	vmul.f32 v25, v29  }
0xa2: {  	[tilespmem:s11+$0x3470] =	vst v31;
	v35 =	vld [tilespmem:s11+$0x34E0];
	v34 =	vmul.f32 v26, v29  }
0xa3: {  	v36 =	vld [tilespmem:s11+$0x34F0];
	[tilespmem:s11+$0x3480] =	vst v3;
	v3 =	vmul.f32 v28, v29  }
0xa4: {  	v37 =	vmul.f32 v30, v29;
	v38 =	vld [tilespmem:s11+$0x3500];
	[tilespmem:s11+$0x3490] =	vst v34  }
0xa5: {  	v39 =	vld [tilespmem:s11+$0x3510];
	[tilespmem:s11+$0x34A0] =	vst v3;
	v3 =	vmul.f32 v32, v29  }
0xa6: {  	v40 =	vmul.f32 v33, v29;
	[tilespmem:s11+$0x34B0] =	vst v37;
	v41 =	vld [tilespmem:s11+$0x3520]  }
0xa7: {  	v43 =	vld [tilespmem:s11+$0x3530];
	v42 =	vbroadcast v2, $0xA;
	[tilespmem:s11+$0x34C0] =	vst v3;
	v3 =	vmul.f32 v35, v29  }
0xa8: {  	v44 =	vmul.f32 v36, v29;
	[tilespmem:s11+$0x34D0] =	vst v40;
	v45 =	vld [tilespmem:s11+$0x3540]  }
0xa9: {  	v46 =	vld [tilespmem:s11+$0x3550];
	[tilespmem:s11+$0x34E0] =	vst v3;
	v3 =	vmul.f32 v38, v42  }
0xaa: {  	[tilespmem:s11+$0x34F0] =	vst v44;
	v48 =	vld [tilespmem:s11+$0x3560];
	v47 =	vmul.f32 v39, v42  }
0xab: {  	v49 =	vld [tilespmem:s11+$0x3570];
	[tilespmem:s11+$0x3500] =	vst v3;
	v3 =	vmul.f32 v41, v42  }
0xac: {  	v50 =	vmul.f32 v43, v42;
	v51 =	vld [tilespmem:s11+$0x3580];
	[tilespmem:s11+$0x3510] =	vst v47  }
0xad: {  	v52 =	vld [tilespmem:s11+$0x3590];
	[tilespmem:s11+$0x3520] =	vst v3;
	v3 =	vmul.f32 v45, v42  }
0xae: {  	v53 =	vmul.f32 v46, v42;
	[tilespmem:s11+$0x3530] =	vst v50;
	v54 =	vld [tilespmem:s11+$0x35A0]  }
0xaf: {  	v56 =	vld [tilespmem:s11+$0x35B0];
	v55 =	vbroadcast v2, $0xB;
	[tilespmem:s11+$0x3540] =	vst v3;
	v3 =	vmul.f32 v48, v42  }
0xb0: {  	v57 =	vmul.f32 v49, v42;
	[tilespmem:s11+$0x3550] =	vst v53;
	v58 =	vld [tilespmem:s11+$0x35C0]  }
0xb1: {  	v59 =	vld [tilespmem:s11+$0x35D0];
	[tilespmem:s11+$0x3560] =	vst v3;
	v3 =	vmul.f32 v51, v55  }
0xb2: {  	[tilespmem:s11+$0x3570] =	vst v57;
	v61 =	vld [tilespmem:s11+$0x35E0];
	v60 =	vmul.f32 v52, v55  }
0xb3: {  	v62 =	vld [tilespmem:s11+$0x35F0];
	[tilespmem:s11+$0x3580] =	vst v3;
	v3 =	vmul.f32 v54, v55  }
0xb4: {  	v63 =	vmul.f32 v56, v55;
	v12 =	vld [tilespmem:s11+$0x3600];
	[tilespmem:s11+$0x3590] =	vst v60  }
0xb5: {  	v13 =	vld [tilespmem:s11+$0x3610];
	[tilespmem:s11+$0x35A0] =	vst v3;
	v3 =	vmul.f32 v58, v55  }
0xb6: {  	v14 =	vmul.f32 v59, v55;
	[tilespmem:s11+$0x35B0] =	vst v63;
	v15 =	vld [tilespmem:s11+$0x3620]  }
0xb7: {  	v17 =	vld [tilespmem:s11+$0x3630];
	v16 =	vbroadcast v2, $0xC;
	[tilespmem:s11+$0x35C0] =	vst v3;
	v3 =	vmul.f32 v61, v55  }
0xb8: {  	v18 =	vmul.f32 v62, v55;
	[tilespmem:s11+$0x35D0] =	vst v14;
	v19 =	vld [tilespmem:s11+$0x3640]  }
0xb9: {  	v20 =	vld [tilespmem:s11+$0x3650];
	[tilespmem:s11+$0x35E0] =	vst v3;
	v3 =	vmul.f32 v12, v16  }
0xba: {  	[tilespmem:s11+$0x35F0] =	vst v18;
	v22 =	vld [tilespmem:s11+$0x3660];
	v21 =	vmul.f32 v13, v16  }
0xbb: {  	v23 =	vld [tilespmem:s11+$0x3670];
	[tilespmem:s11+$0x3600] =	vst v3;
	v3 =	vmul.f32 v15, v16  }
0xbc: {  	v24 =	vmul.f32 v17, v16;
	v25 =	vld [tilespmem:s11+$0x3680];
	[tilespmem:s11+$0x3610] =	vst v21  }
0xbd: {  	v26 =	vld [tilespmem:s11+$0x3690];
	[tilespmem:s11+$0x3620] =	vst v3;
	v3 =	vmul.f32 v19, v16  }
0xbe: {  	v27 =	vmul.f32 v20, v16;
	[tilespmem:s11+$0x3630] =	vst v24;
	v28 =	vld [tilespmem:s11+$0x36A0]  }
0xbf: {  	v30 =	vld [tilespmem:s11+$0x36B0];
	v29 =	vbroadcast v2, $0xD;
	[tilespmem:s11+$0x3640] =	vst v3;
	v3 =	vmul.f32 v22, v16  }
0xc0: {  	v31 =	vmul.f32 v23, v16;
	[tilespmem:s11+$0x3650] =	vst v27;
	v32 =	vld [tilespmem:s11+$0x36C0]  }
0xc1: {  	v33 =	vld [tilespmem:s11+$0x36D0];
	[tilespmem:s11+$0x3660] =	vst v3;
	v3 =	vmul.f32 v25, v29  }
0xc2: {  	[tilespmem:s11+$0x3670] =	vst v31;
	v35 =	vld [tilespmem:s11+$0x36E0];
	v34 =	vmul.f32 v26, v29  }
0xc3: {  	v36 =	vld [tilespmem:s11+$0x36F0];
	[tilespmem:s11+$0x3680] =	vst v3;
	v3 =	vmul.f32 v28, v29  }
0xc4: {  	v37 =	vmul.f32 v30, v29;
	v38 =	vld [tilespmem:s11+$0x3700];
	[tilespmem:s11+$0x3690] =	vst v34  }
0xc5: {  	v39 =	vld [tilespmem:s11+$0x3710];
	[tilespmem:s11+$0x36A0] =	vst v3;
	v3 =	vmul.f32 v32, v29  }
0xc6: {  	v40 =	vmul.f32 v33, v29;
	[tilespmem:s11+$0x36B0] =	vst v37;
	v41 =	vld [tilespmem:s11+$0x3720]  }
0xc7: {  	v43 =	vld [tilespmem:s11+$0x3730];
	v42 =	vbroadcast v2, $0xE;
	[tilespmem:s11+$0x36C0] =	vst v3;
	v3 =	vmul.f32 v35, v29  }
0xc8: {  	v44 =	vmul.f32 v36, v29;
	[tilespmem:s11+$0x36D0] =	vst v40;
	v45 =	vld [tilespmem:s11+$0x3740]  }
0xc9: {  	v46 =	vld [tilespmem:s11+$0x3750];
	[tilespmem:s11+$0x36E0] =	vst v3;
	v3 =	vmul.f32 v38, v42  }
0xca: {  	[tilespmem:s11+$0x36F0] =	vst v44;
	v48 =	vld [tilespmem:s11+$0x3760];
	v47 =	vmul.f32 v39, v42  }
0xcb: {  	v49 =	vld [tilespmem:s11+$0x3770];
	[tilespmem:s11+$0x3700] =	vst v3;
	v3 =	vmul.f32 v41, v42  }
0xcc: {  	v50 =	vmul.f32 v43, v42;
	v51 =	vld [tilespmem:s11+$0x3780];
	[tilespmem:s11+$0x3710] =	vst v47  }
0xcd: {  	v52 =	vld [tilespmem:s11+$0x3790];
	[tilespmem:s11+$0x3720] =	vst v3;
	v3 =	vmul.f32 v45, v42  }
0xce: {  	v53 =	vmul.f32 v46, v42;
	[tilespmem:s11+$0x3730] =	vst v50;
	v54 =	vld [tilespmem:s11+$0x37A0]  }
0xcf: {  	v2 =	vbroadcast v2, $0xF;
	v58 =	vld [tilespmem:s11+$0x37D0];
	[tilespmem:s11+$0x3740] =	vst v3;
	v3 =	vmul.f32 v48, v42  }
0xd0: {  	v57 =	vld [tilespmem:s11+$0x37C0];
	v56 =	vmul.f32 v49, v42;
	[tilespmem:s11+$0x3750] =	vst v53  }
0xd1: {  	v55 =	vld [tilespmem:s11+$0x37B0];
	[tilespmem:s11+$0x3760] =	vst v3;
	v3 =	vmul.f32 v51, v2  }
0xd2: {  	v60 =	vld [tilespmem:s11+$0x37E0];
	v59 =	vmul.f32 v52, v2;
	[tilespmem:s11+$0x3770] =	vst v56  }
0xd3: {  	v61 =	vld [tilespmem:s11+$0x37F0];
	[tilespmem:s11+$0x3780] =	vst v3;
	v3 =	vmul.f32 v54, v2  }
0xd4: {  	[tilespmem:s11+$0x3790] =	vst v59;
	v63 =	vmul.f32 v58, v2  }
0xd5: {  	p1 =	sne.s32 s9, $0x4;
	[tilespmem:s11+$0x37A0] =	vst v3;
	v3 =	vmul.f32 v57, v2  }
.Ltmp3:
0xd6: {  	v62 =	vmul.f32 v55, v2;
	[tilespmem:s11+$0x37D0] =	vst v63;
	(pc) =	sbr.rel @p1 .LBB2_10-.Ltmp3, $4  }
0xd7: {  	[tilespmem:s11+$0x37C0] =	vst v3;
	v3 =	vmul.f32 v60, v2  }
0xd8: {  	[tilespmem:s11+$0x37B0] =	vst v62;
	v2 =	vmul.f32 v61, v2  }
0xd9: {  	[tilespmem:s11+$0x37E0] =	vst v3  }
0xda: {  	s9 =	sadd.s32 $0x1, s9;
	[tilespmem:s11+$0x37F0] =	vst v2  }
0xdb: {  	s3 =	sadd.s32 $0x1000, s3  }
0xdc: {  	[spmem:s4] =	stream.indirect.scatter.add.f32 [tilespmem:s17], [sflag:$0x3], $0x80, s3, s22, $0xb8;
	[tilespmem:$0x1CC80] =	vst v63  }
0xdd: {  	_ =	swait.ge [sflag:s23], $0x1400  }
0xde: {  	[sflag:s23] =	ssyncset.done $0x0  }
0xdf: {  	[sflag:s23] =	ssyncadd.s32 $0xFFFFEC00  }
0xe0: {  	_ =	swait.ge [sflag:s23], $0x1400  }
0xe1: {  	[sflag:s23] =	ssyncset.done $0x0  }
0xe2: {  	[sflag:s23] =	ssyncadd.s32 $0xFFFFEC00  }
0xe3: {  	_ =	swait.ge [sflag:s24], $0x2800  }
0xe4: {  	[sflag:s24] =	ssyncset.done $0x0  }
0xe5: {  	s11 =	sadd.s32 $0x100, s2;
	[sflag:s24] =	ssyncadd.s32 $0xFFFFD800  }
0xe6: {  	[tilespmem:s17], [sflag:$0x1] =	stream.indirect.gather [hbm4b:s0+s16], $0x80, s11, s16, $0xb8;
	[tilespmem:$0x1CC80] =	vst v63  }
0xe7: {  	s11 =	sadd.s32 $0x2000, s31  }
0xe8: {  	v1 =	vmov s11  }
0xe9: {  	s9 =	sadd.s32 $0x128, s2;
	s2 =	simm.s32 $0x0  }
0xea: {  	[tilespmem:s18], [sflag:$0x1] =	stream.indirect.gather [hbm4b:s0+s16], $0x80, s9, s16, $0xb8;
	[tilespmem:$0x1CC80] =	vst v63  }
.LBB2_12:
0xeb: {  	s3 =	sshll.u32 s2, $0x4  }
0xec: {  	s3 =	sand.u32 $0x3FFFFFF0, s3  }
0xed: {  	s11 =	sshll.u32 s2, $0xB;
	v2 =	vld.idx.msk [tilespmem:v1+s3+$0x0 ss:$0x1], $0xffff  }
0xee: {  	s3 =	sand.u32 $0x3FFFF800, s11  }
0xef: {  	v3 =	vld [tilespmem:s3+$0x5800]  }
0xf0: {  	v4 =	vld [tilespmem:s3+$0x5810]  }
0xf1: {  	v5 =	vld [tilespmem:s3+$0x5820]  }
0xf2: {  	v7 =	vld [tilespmem:s3+$0x5830];
	v6 =	vbroadcast v2, $0x0  }
0xf3: {  	v8 =	vld [tilespmem:s3+$0x5840]  }
0xf4: {  	v9 =	vld [tilespmem:s3+$0x5850];
	v3 =	vmul.f32 v6, v3  }
0xf5: {  	v10 =	vld [tilespmem:s3+$0x5860];
	v4 =	vmul.f32 v4, v6  }
0xf6: {  	v24 =	vld [tilespmem:s3+$0x5870];
	[tilespmem:s3+$0x5800] =	vst v3;
	v3 =	vmul.f32 v5, v6  }
0xf7: {  	v26 =	vld [tilespmem:s3+$0x5880];
	v25 =	vmul.f32 v7, v6;
	[tilespmem:s3+$0x5810] =	vst v4  }
0xf8: {  	v27 =	vld [tilespmem:s3+$0x5890];
	[tilespmem:s3+$0x5820] =	vst v3;
	v3 =	vmul.f32 v8, v6  }
0xf9: {  	v29 =	vld [tilespmem:s3+$0x58A0];
	v28 =	vmul.f32 v9, v6;
	[tilespmem:s3+$0x5830] =	vst v25  }
0xfa: {  	v11 =	vld [tilespmem:s3+$0x58B0];
	v30 =	vbroadcast v2, $0x1;
	[tilespmem:s3+$0x5840] =	vst v3;
	v3 =	vmul.f32 v10, v6  }
0xfb: {  	v32 =	vld [tilespmem:s3+$0x58C0];
	v31 =	vmul.f32 v24, v6;
	[tilespmem:s3+$0x5850] =	vst v28  }
0xfc: {  	v33 =	vld [tilespmem:s3+$0x58D0];
	[tilespmem:s3+$0x5860] =	vst v3;
	v3 =	vmul.f32 v26, v30  }
0xfd: {  	v35 =	vld [tilespmem:s3+$0x58E0];
	v34 =	vmul.f32 v27, v30;
	[tilespmem:s3+$0x5870] =	vst v31  }
0xfe: {  	v36 =	vld [tilespmem:s3+$0x58F0];
	[tilespmem:s3+$0x5880] =	vst v3;
	v3 =	vmul.f32 v29, v30  }
0xff: {  	v38 =	vld [tilespmem:s3+$0x5900];
	v37 =	vmul.f32 v11, v30;
	[tilespmem:s3+$0x5890] =	vst v34  }
0x100: {  	v39 =	vld [tilespmem:s3+$0x5910];
	[tilespmem:s3+$0x58A0] =	vst v3;
	v3 =	vmul.f32 v32, v30  }
0x101: {  	v41 =	vld [tilespmem:s3+$0x5920];
	v40 =	vmul.f32 v33, v30;
	[tilespmem:s3+$0x58B0] =	vst v37  }
0x102: {  	v43 =	vld [tilespmem:s3+$0x5930];
	v42 =	vbroadcast v2, $0x2;
	[tilespmem:s3+$0x58C0] =	vst v3;
	v3 =	vmul.f32 v35, v30  }
0x103: {  	v45 =	vld [tilespmem:s3+$0x5940];
	v44 =	vmul.f32 v36, v30;
	[tilespmem:s3+$0x58D0] =	vst v40  }
0x104: {  	v46 =	vld [tilespmem:s3+$0x5950];
	[tilespmem:s3+$0x58E0] =	vst v3;
	v3 =	vmul.f32 v38, v42  }
0x105: {  	v48 =	vld [tilespmem:s3+$0x5960];
	v47 =	vmul.f32 v39, v42;
	[tilespmem:s3+$0x58F0] =	vst v44  }
0x106: {  	v49 =	vld [tilespmem:s3+$0x5970];
	[tilespmem:s3+$0x5900] =	vst v3;
	v3 =	vmul.f32 v41, v42  }
0x107: {  	v51 =	vld [tilespmem:s3+$0x5980];
	v50 =	vmul.f32 v43, v42;
	[tilespmem:s3+$0x5910] =	vst v47  }
0x108: {  	v52 =	vld [tilespmem:s3+$0x5990];
	[tilespmem:s3+$0x5920] =	vst v3;
	v3 =	vmul.f32 v45, v42  }
0x109: {  	v54 =	vld [tilespmem:s3+$0x59A0];
	v53 =	vmul.f32 v46, v42;
	[tilespmem:s3+$0x5930] =	vst v50  }
0x10a: {  	v56 =	vld [tilespmem:s3+$0x59B0];
	v55 =	vbroadcast v2, $0x3;
	[tilespmem:s3+$0x5940] =	vst v3;
	v3 =	vmul.f32 v48, v42  }
0x10b: {  	v58 =	vld [tilespmem:s3+$0x59C0];
	v57 =	vmul.f32 v49, v42;
	[tilespmem:s3+$0x5950] =	vst v53  }
0x10c: {  	v59 =	vld [tilespmem:s3+$0x59D0];
	[tilespmem:s3+$0x5960] =	vst v3;
	v3 =	vmul.f32 v51, v55  }
0x10d: {  	v61 =	vld [tilespmem:s3+$0x59E0];
	v60 =	vmul.f32 v52, v55;
	[tilespmem:s3+$0x5970] =	vst v57  }
0x10e: {  	v62 =	vld [tilespmem:s3+$0x59F0];
	[tilespmem:s3+$0x5980] =	vst v3;
	v3 =	vmul.f32 v54, v55  }
0x10f: {  	v12 =	vld [tilespmem:s3+$0x5A00];
	v63 =	vmul.f32 v56, v55;
	[tilespmem:s3+$0x5990] =	vst v60  }
0x110: {  	v13 =	vld [tilespmem:s3+$0x5A10];
	[tilespmem:s3+$0x59A0] =	vst v3;
	v3 =	vmul.f32 v58, v55  }
0x111: {  	v15 =	vld [tilespmem:s3+$0x5A20];
	v14 =	vmul.f32 v59, v55;
	[tilespmem:s3+$0x59B0] =	vst v63  }
0x112: {  	v17 =	vld [tilespmem:s3+$0x5A30];
	v16 =	vbroadcast v2, $0x4;
	[tilespmem:s3+$0x59C0] =	vst v3;
	v3 =	vmul.f32 v61, v55  }
0x113: {  	v19 =	vld [tilespmem:s3+$0x5A40];
	v18 =	vmul.f32 v62, v55;
	[tilespmem:s3+$0x59D0] =	vst v14  }
0x114: {  	v20 =	vld [tilespmem:s3+$0x5A50];
	[tilespmem:s3+$0x59E0] =	vst v3;
	v3 =	vmul.f32 v12, v16  }
0x115: {  	v22 =	vld [tilespmem:s3+$0x5A60];
	v21 =	vmul.f32 v13, v16;
	[tilespmem:s3+$0x59F0] =	vst v18  }
0x116: {  	v23 =	vld [tilespmem:s3+$0x5A70];
	[tilespmem:s3+$0x5A00] =	vst v3;
	v3 =	vmul.f32 v15, v16  }
0x117: {  	v24 =	vmul.f32 v17, v16;
	[tilespmem:s3+$0x5A10] =	vst v21;
	v25 =	vld [tilespmem:s3+$0x5A80]  }
0x118: {  	v33 =	vld [tilespmem:s3+$0x5AD0];
	[tilespmem:s3+$0x5A20] =	vst v3;
	v3 =	vmul.f32 v19, v16  }
0x119: {  	v27 =	vmul.f32 v20, v16;
	[tilespmem:s3+$0x5A30] =	vst v24;
	v28 =	vld [tilespmem:s3+$0x5AA0]  }
0x11a: {  	v36 =	vld [tilespmem:s3+$0x5AF0];
	v29 =	vbroadcast v2, $0x5;
	[tilespmem:s3+$0x5A40] =	vst v3;
	v3 =	vmul.f32 v22, v16  }
0x11b: {  	[tilespmem:s3+$0x5A50] =	vst v27;
	v31 =	vmul.f32 v23, v16;
	v32 =	vld [tilespmem:s3+$0x5AC0]  }
0x11c: {  	v26 =	vld [tilespmem:s3+$0x5A90];
	[tilespmem:s3+$0x5A60] =	vst v3;
	v3 =	vmul.f32 v25, v29  }
0x11d: {  	[tilespmem:s3+$0x5A70] =	vst v31;
	v40 =	vmul.f32 v33, v29;
	v35 =	vld [tilespmem:s3+$0x5AE0]  }
0x11e: {  	v30 =	vld [tilespmem:s3+$0x5AB0];
	[tilespmem:s3+$0x5A80] =	vst v3;
	v3 =	vmul.f32 v28, v29  }
0x11f: {  	v44 =	vmul.f32 v36, v29;
	[tilespmem:s3+$0x5AD0] =	vst v40;
	v38 =	vld [tilespmem:s3+$0x5B00]  }
0x120: {  	v39 =	vld [tilespmem:s3+$0x5B10];
	[tilespmem:s3+$0x5AA0] =	vst v3;
	v3 =	vmul.f32 v32, v29  }
0x121: {  	v34 =	vmul.f32 v26, v29;
	[tilespmem:s3+$0x5AF0] =	vst v44;
	v41 =	vld [tilespmem:s3+$0x5B20]  }
0x122: {  	v43 =	vld [tilespmem:s3+$0x5B30];
	v42 =	vbroadcast v2, $0x6;
	[tilespmem:s3+$0x5AC0] =	vst v3;
	v3 =	vmul.f32 v35, v29  }
0x123: {  	[tilespmem:s3+$0x5A90] =	vst v34;
	v37 =	vmul.f32 v30, v29;
	v45 =	vld [tilespmem:s3+$0x5B40]  }
0x124: {  	v46 =	vld [tilespmem:s3+$0x5B50];
	[tilespmem:s3+$0x5AE0] =	vst v3;
	v3 =	vmul.f32 v38, v42  }
0x125: {  	[tilespmem:s3+$0x5AB0] =	vst v37;
	v48 =	vld [tilespmem:s3+$0x5B60];
	v47 =	vmul.f32 v39, v42  }
0x126: {  	v49 =	vld [tilespmem:s3+$0x5B70];
	[tilespmem:s3+$0x5B00] =	vst v3;
	v3 =	vmul.f32 v41, v42  }
0x127: {  	v50 =	vmul.f32 v43, v42;
	v51 =	vld [tilespmem:s3+$0x5B80];
	[tilespmem:s3+$0x5B10] =	vst v47  }
0x128: {  	v52 =	vld [tilespmem:s3+$0x5B90];
	[tilespmem:s3+$0x5B20] =	vst v3;
	v3 =	vmul.f32 v45, v42  }
0x129: {  	v53 =	vmul.f32 v46, v42;
	[tilespmem:s3+$0x5B30] =	vst v50;
	v54 =	vld [tilespmem:s3+$0x5BA0]  }
0x12a: {  	v56 =	vld [tilespmem:s3+$0x5BB0];
	v55 =	vbroadcast v2, $0x7;
	[tilespmem:s3+$0x5B40] =	vst v3;
	v3 =	vmul.f32 v48, v42  }
0x12b: {  	v57 =	vmul.f32 v49, v42;
	[tilespmem:s3+$0x5B50] =	vst v53;
	v58 =	vld [tilespmem:s3+$0x5BC0]  }
0x12c: {  	v59 =	vld [tilespmem:s3+$0x5BD0];
	[tilespmem:s3+$0x5B60] =	vst v3;
	v3 =	vmul.f32 v51, v55  }
0x12d: {  	[tilespmem:s3+$0x5B70] =	vst v57;
	v61 =	vld [tilespmem:s3+$0x5BE0];
	v60 =	vmul.f32 v52, v55  }
0x12e: {  	v62 =	vld [tilespmem:s3+$0x5BF0];
	[tilespmem:s3+$0x5B80] =	vst v3;
	v3 =	vmul.f32 v54, v55  }
0x12f: {  	v63 =	vmul.f32 v56, v55;
	v12 =	vld [tilespmem:s3+$0x5C00];
	[tilespmem:s3+$0x5B90] =	vst v60  }
0x130: {  	v13 =	vld [tilespmem:s3+$0x5C10];
	[tilespmem:s3+$0x5BA0] =	vst v3;
	v3 =	vmul.f32 v58, v55  }
0x131: {  	v14 =	vmul.f32 v59, v55;
	[tilespmem:s3+$0x5BB0] =	vst v63;
	v15 =	vld [tilespmem:s3+$0x5C20]  }
0x132: {  	v17 =	vld [tilespmem:s3+$0x5C30];
	v16 =	vbroadcast v2, $0x8;
	[tilespmem:s3+$0x5BC0] =	vst v3;
	v3 =	vmul.f32 v61, v55  }
0x133: {  	v18 =	vmul.f32 v62, v55;
	[tilespmem:s3+$0x5BD0] =	vst v14;
	v19 =	vld [tilespmem:s3+$0x5C40]  }
0x134: {  	v20 =	vld [tilespmem:s3+$0x5C50];
	[tilespmem:s3+$0x5BE0] =	vst v3;
	v3 =	vmul.f32 v12, v16  }
0x135: {  	[tilespmem:s3+$0x5BF0] =	vst v18;
	v22 =	vld [tilespmem:s3+$0x5C60];
	v21 =	vmul.f32 v13, v16  }
0x136: {  	v23 =	vld [tilespmem:s3+$0x5C70];
	[tilespmem:s3+$0x5C00] =	vst v3;
	v3 =	vmul.f32 v15, v16  }
0x137: {  	v24 =	vmul.f32 v17, v16;
	v25 =	vld [tilespmem:s3+$0x5C80];
	[tilespmem:s3+$0x5C10] =	vst v21  }
0x138: {  	v26 =	vld [tilespmem:s3+$0x5C90];
	[tilespmem:s3+$0x5C20] =	vst v3;
	v3 =	vmul.f32 v19, v16  }
0x139: {  	v27 =	vmul.f32 v20, v16;
	[tilespmem:s3+$0x5C30] =	vst v24;
	v28 =	vld [tilespmem:s3+$0x5CA0]  }
0x13a: {  	v30 =	vld [tilespmem:s3+$0x5CB0];
	v29 =	vbroadcast v2, $0x9;
	[tilespmem:s3+$0x5C40] =	vst v3;
	v3 =	vmul.f32 v22, v16  }
0x13b: {  	v31 =	vmul.f32 v23, v16;
	[tilespmem:s3+$0x5C50] =	vst v27;
	v32 =	vld [tilespmem:s3+$0x5CC0]  }
0x13c: {  	v33 =	vld [tilespmem:s3+$0x5CD0];
	[tilespmem:s3+$0x5C60] =	vst v3;
	v3 =	vmul.f32 v25, v29  }
0x13d: {  	[tilespmem:s3+$0x5C70] =	vst v31;
	v35 =	vld [tilespmem:s3+$0x5CE0];
	v34 =	vmul.f32 v26, v29  }
0x13e: {  	v36 =	vld [tilespmem:s3+$0x5CF0];
	[tilespmem:s3+$0x5C80] =	vst v3;
	v3 =	vmul.f32 v28, v29  }
0x13f: {  	v37 =	vmul.f32 v30, v29;
	v38 =	vld [tilespmem:s3+$0x5D00];
	[tilespmem:s3+$0x5C90] =	vst v34  }
0x140: {  	v39 =	vld [tilespmem:s3+$0x5D10];
	[tilespmem:s3+$0x5CA0] =	vst v3;
	v3 =	vmul.f32 v32, v29  }
0x141: {  	v40 =	vmul.f32 v33, v29;
	[tilespmem:s3+$0x5CB0] =	vst v37;
	v41 =	vld [tilespmem:s3+$0x5D20]  }
0x142: {  	v43 =	vld [tilespmem:s3+$0x5D30];
	v42 =	vbroadcast v2, $0xA;
	[tilespmem:s3+$0x5CC0] =	vst v3;
	v3 =	vmul.f32 v35, v29  }
0x143: {  	v44 =	vmul.f32 v36, v29;
	[tilespmem:s3+$0x5CD0] =	vst v40;
	v45 =	vld [tilespmem:s3+$0x5D40]  }
0x144: {  	v46 =	vld [tilespmem:s3+$0x5D50];
	[tilespmem:s3+$0x5CE0] =	vst v3;
	v3 =	vmul.f32 v38, v42  }
0x145: {  	[tilespmem:s3+$0x5CF0] =	vst v44;
	v48 =	vld [tilespmem:s3+$0x5D60];
	v47 =	vmul.f32 v39, v42  }
0x146: {  	v49 =	vld [tilespmem:s3+$0x5D70];
	[tilespmem:s3+$0x5D00] =	vst v3;
	v3 =	vmul.f32 v41, v42  }
0x147: {  	v50 =	vmul.f32 v43, v42;
	v51 =	vld [tilespmem:s3+$0x5D80];
	[tilespmem:s3+$0x5D10] =	vst v47  }
0x148: {  	v52 =	vld [tilespmem:s3+$0x5D90];
	[tilespmem:s3+$0x5D20] =	vst v3;
	v3 =	vmul.f32 v45, v42  }
0x149: {  	v53 =	vmul.f32 v46, v42;
	[tilespmem:s3+$0x5D30] =	vst v50;
	v54 =	vld [tilespmem:s3+$0x5DA0]  }
0x14a: {  	v56 =	vld [tilespmem:s3+$0x5DB0];
	v55 =	vbroadcast v2, $0xB;
	[tilespmem:s3+$0x5D40] =	vst v3;
	v3 =	vmul.f32 v48, v42  }
0x14b: {  	v57 =	vmul.f32 v49, v42;
	[tilespmem:s3+$0x5D50] =	vst v53;
	v58 =	vld [tilespmem:s3+$0x5DC0]  }
0x14c: {  	v59 =	vld [tilespmem:s3+$0x5DD0];
	[tilespmem:s3+$0x5D60] =	vst v3;
	v3 =	vmul.f32 v51, v55  }
0x14d: {  	[tilespmem:s3+$0x5D70] =	vst v57;
	v61 =	vld [tilespmem:s3+$0x5DE0];
	v60 =	vmul.f32 v52, v55  }
0x14e: {  	v62 =	vld [tilespmem:s3+$0x5DF0];
	[tilespmem:s3+$0x5D80] =	vst v3;
	v3 =	vmul.f32 v54, v55  }
0x14f: {  	v63 =	vmul.f32 v56, v55;
	v12 =	vld [tilespmem:s3+$0x5E00];
	[tilespmem:s3+$0x5D90] =	vst v60  }
0x150: {  	v13 =	vld [tilespmem:s3+$0x5E10];
	[tilespmem:s3+$0x5DA0] =	vst v3;
	v3 =	vmul.f32 v58, v55  }
0x151: {  	v14 =	vmul.f32 v59, v55;
	[tilespmem:s3+$0x5DB0] =	vst v63;
	v15 =	vld [tilespmem:s3+$0x5E20]  }
0x152: {  	v17 =	vld [tilespmem:s3+$0x5E30];
	v16 =	vbroadcast v2, $0xC;
	[tilespmem:s3+$0x5DC0] =	vst v3;
	v3 =	vmul.f32 v61, v55  }
0x153: {  	v18 =	vmul.f32 v62, v55;
	[tilespmem:s3+$0x5DD0] =	vst v14;
	v19 =	vld [tilespmem:s3+$0x5E40]  }
0x154: {  	v20 =	vld [tilespmem:s3+$0x5E50];
	[tilespmem:s3+$0x5DE0] =	vst v3;
	v3 =	vmul.f32 v12, v16  }
0x155: {  	[tilespmem:s3+$0x5DF0] =	vst v18;
	v22 =	vld [tilespmem:s3+$0x5E60];
	v21 =	vmul.f32 v13, v16  }
0x156: {  	v23 =	vld [tilespmem:s3+$0x5E70];
	[tilespmem:s3+$0x5E00] =	vst v3;
	v3 =	vmul.f32 v15, v16  }
0x157: {  	v24 =	vmul.f32 v17, v16;
	v25 =	vld [tilespmem:s3+$0x5E80];
	[tilespmem:s3+$0x5E10] =	vst v21  }
0x158: {  	v26 =	vld [tilespmem:s3+$0x5E90];
	[tilespmem:s3+$0x5E20] =	vst v3;
	v3 =	vmul.f32 v19, v16  }
0x159: {  	v27 =	vmul.f32 v20, v16;
	[tilespmem:s3+$0x5E30] =	vst v24;
	v28 =	vld [tilespmem:s3+$0x5EA0]  }
0x15a: {  	v30 =	vld [tilespmem:s3+$0x5EB0];
	v29 =	vbroadcast v2, $0xD;
	[tilespmem:s3+$0x5E40] =	vst v3;
	v3 =	vmul.f32 v22, v16  }
0x15b: {  	v31 =	vmul.f32 v23, v16;
	[tilespmem:s3+$0x5E50] =	vst v27;
	v32 =	vld [tilespmem:s3+$0x5EC0]  }
0x15c: {  	v33 =	vld [tilespmem:s3+$0x5ED0];
	[tilespmem:s3+$0x5E60] =	vst v3;
	v3 =	vmul.f32 v25, v29  }
0x15d: {  	[tilespmem:s3+$0x5E70] =	vst v31;
	v35 =	vld [tilespmem:s3+$0x5EE0];
	v34 =	vmul.f32 v26, v29  }
0x15e: {  	v36 =	vld [tilespmem:s3+$0x5EF0];
	[tilespmem:s3+$0x5E80] =	vst v3;
	v3 =	vmul.f32 v28, v29  }
0x15f: {  	v37 =	vmul.f32 v30, v29;
	v38 =	vld [tilespmem:s3+$0x5F00];
	[tilespmem:s3+$0x5E90] =	vst v34  }
0x160: {  	v39 =	vld [tilespmem:s3+$0x5F10];
	[tilespmem:s3+$0x5EA0] =	vst v3;
	v3 =	vmul.f32 v32, v29  }
0x161: {  	v40 =	vmul.f32 v33, v29;
	[tilespmem:s3+$0x5EB0] =	vst v37;
	v41 =	vld [tilespmem:s3+$0x5F20]  }
0x162: {  	v43 =	vld [tilespmem:s3+$0x5F30];
	v42 =	vbroadcast v2, $0xE;
	[tilespmem:s3+$0x5EC0] =	vst v3;
	v3 =	vmul.f32 v35, v29  }
0x163: {  	v44 =	vmul.f32 v36, v29;
	[tilespmem:s3+$0x5ED0] =	vst v40;
	v45 =	vld [tilespmem:s3+$0x5F40]  }
0x164: {  	v46 =	vld [tilespmem:s3+$0x5F50];
	[tilespmem:s3+$0x5EE0] =	vst v3;
	v3 =	vmul.f32 v38, v42  }
0x165: {  	[tilespmem:s3+$0x5EF0] =	vst v44;
	v48 =	vld [tilespmem:s3+$0x5F60];
	v47 =	vmul.f32 v39, v42  }
0x166: {  	v49 =	vld [tilespmem:s3+$0x5F70];
	[tilespmem:s3+$0x5F00] =	vst v3;
	v3 =	vmul.f32 v41, v42  }
0x167: {  	v50 =	vmul.f32 v43, v42;
	v51 =	vld [tilespmem:s3+$0x5F80];
	[tilespmem:s3+$0x5F10] =	vst v47  }
0x168: {  	v52 =	vld [tilespmem:s3+$0x5F90];
	[tilespmem:s3+$0x5F20] =	vst v3;
	v3 =	vmul.f32 v45, v42  }
0x169: {  	v53 =	vmul.f32 v46, v42;
	[tilespmem:s3+$0x5F30] =	vst v50;
	v54 =	vld [tilespmem:s3+$0x5FA0]  }
0x16a: {  	v2 =	vbroadcast v2, $0xF;
	v58 =	vld [tilespmem:s3+$0x5FD0];
	[tilespmem:s3+$0x5F40] =	vst v3;
	v3 =	vmul.f32 v48, v42  }
0x16b: {  	v57 =	vld [tilespmem:s3+$0x5FC0];
	v56 =	vmul.f32 v49, v42;
	[tilespmem:s3+$0x5F50] =	vst v53  }
0x16c: {  	v55 =	vld [tilespmem:s3+$0x5FB0];
	[tilespmem:s3+$0x5F60] =	vst v3;
	v3 =	vmul.f32 v51, v2  }
0x16d: {  	v60 =	vld [tilespmem:s3+$0x5FE0];
	v59 =	vmul.f32 v52, v2;
	[tilespmem:s3+$0x5F70] =	vst v56  }
0x16e: {  	v61 =	vld [tilespmem:s3+$0x5FF0];
	[tilespmem:s3+$0x5F80] =	vst v3;
	v3 =	vmul.f32 v54, v2  }
0x16f: {  	[tilespmem:s3+$0x5F90] =	vst v59;
	v63 =	vmul.f32 v58, v2  }
0x170: {  	p1 =	sne.s32 s2, $0x4;
	[tilespmem:s3+$0x5FA0] =	vst v3;
	v3 =	vmul.f32 v57, v2  }
.Ltmp4:
0x171: {  	v62 =	vmul.f32 v55, v2;
	[tilespmem:s3+$0x5FD0] =	vst v63;
	(pc) =	sbr.rel @p1 .LBB2_12-.Ltmp4, $4  }
0x172: {  	[tilespmem:s3+$0x5FC0] =	vst v3;
	v3 =	vmul.f32 v60, v2  }
0x173: {  	[tilespmem:s3+$0x5FB0] =	vst v62;
	v2 =	vmul.f32 v61, v2  }
0x174: {  	[tilespmem:s3+$0x5FE0] =	vst v3  }
0x175: {  	s2 =	sadd.s32 $0x1, s2;
	[tilespmem:s3+$0x5FF0] =	vst v2  }
0x176: {  	s30 =	sadd.s32 $0x1, s30  }
0x177: {  	p1 =	sne.s32 s30, $0xC  }
.Ltmp5:
0x178: {  	_ = 	snop;
	(pc) =	sbr.rel @p1 .LBB2_9-.Ltmp5, $3  }
0x179: {  	_ =	sdelay $0x1  }
0x17a: {  	s2 =	sadd.s32 $0x1000, s31  }
0x17b: {  	[spmem:s4] =	stream.indirect.scatter.add.f32 [tilespmem:s20], [sflag:$0x4], $0x80, s2, s22, $0xb8;
	[tilespmem:$0x1CC80] =	vst v63  }
0x17c: {  	_ =	swait.ge [sflag:s25], $0x2800  }
0x17d: {  	[sflag:s25] =	ssyncset.done $0x0  }
0x17e: {  	[sflag:s25] =	ssyncadd.s32 $0xFFFFD800  }
0x17f: {  	_ =	swait.ge [sflag:s19], $0x1400  }
0x180: {  	[sflag:s19] =	ssyncset.done $0x0  }
0x181: {  	[sflag:s19] =	ssyncadd.s32 $0xFFFFEC00  }
0x182: {  	_ =	swait.ge [sflag:s19], $0x1400  }
0x183: {  	[sflag:s19] =	ssyncset.done $0x0  }
0x184: {  	s2 =	simm.s32 $0x0;
	[sflag:s19] =	ssyncadd.s32 $0xFFFFEC00  }
.LBB2_15:
0x185: {  	s3 =	sshll.u32 s2, $0x4  }
0x186: {  	s3 =	sand.u32 $0x3FFFFFF0, s3  }
0x187: {  	s31 =	sshll.u32 s2, $0xB;
	v1 =	vld [tilespmem:s3+$0x2C00]  }
0x188: {  	s3 =	sand.u32 $0x3FFFF800, s31  }
0x189: {  	v2 =	vld [tilespmem:s3+$0x3000]  }
0x18a: {  	v3 =	vld [tilespmem:s3+$0x3010]  }
0x18b: {  	v4 =	vld [tilespmem:s3+$0x3020]  }
0x18c: {  	v6 =	vld [tilespmem:s3+$0x3030];
	v5 =	vbroadcast v1, $0x0  }
0x18d: {  	v7 =	vld [tilespmem:s3+$0x3040]  }
0x18e: {  	v8 =	vld [tilespmem:s3+$0x3050];
	v2 =	vmul.f32 v5, v2  }
0x18f: {  	v9 =	vld [tilespmem:s3+$0x3060];
	v3 =	vmul.f32 v3, v5  }
0x190: {  	v34 =	vld [tilespmem:s3+$0x3070];
	[tilespmem:s3+$0x3000] =	vst v2;
	v2 =	vmul.f32 v4, v5  }
0x191: {  	v35 =	vld [tilespmem:s3+$0x3080];
	[tilespmem:s3+$0x3010] =	vst v3;
	v3 =	vmul.f32 v6, v5  }
0x192: {  	v36 =	vld [tilespmem:s3+$0x3090];
	[tilespmem:s3+$0x3020] =	vst v2;
	v2 =	vmul.f32 v7, v5  }
0x193: {  	v37 =	vld [tilespmem:s3+$0x30A0];
	[tilespmem:s3+$0x3030] =	vst v3;
	v3 =	vmul.f32 v8, v5  }
0x194: {  	v10 =	vld [tilespmem:s3+$0x30B0];
	v38 =	vbroadcast v1, $0x1;
	[tilespmem:s3+$0x3040] =	vst v2;
	v2 =	vmul.f32 v9, v5  }
0x195: {  	v39 =	vld [tilespmem:s3+$0x30C0];
	[tilespmem:s3+$0x3050] =	vst v3;
	v3 =	vmul.f32 v34, v5  }
0x196: {  	v40 =	vld [tilespmem:s3+$0x30D0];
	[tilespmem:s3+$0x3060] =	vst v2;
	v2 =	vmul.f32 v35, v38  }
0x197: {  	v41 =	vld [tilespmem:s3+$0x30E0];
	[tilespmem:s3+$0x3070] =	vst v3;
	v3 =	vmul.f32 v36, v38  }
0x198: {  	v42 =	vld [tilespmem:s3+$0x30F0];
	[tilespmem:s3+$0x3080] =	vst v2;
	v2 =	vmul.f32 v37, v38  }
0x199: {  	v43 =	vld [tilespmem:s3+$0x3100];
	[tilespmem:s3+$0x3090] =	vst v3;
	v3 =	vmul.f32 v10, v38  }
0x19a: {  	v44 =	vld [tilespmem:s3+$0x3110];
	[tilespmem:s3+$0x30A0] =	vst v2;
	v2 =	vmul.f32 v39, v38  }
0x19b: {  	v45 =	vld [tilespmem:s3+$0x3120];
	[tilespmem:s3+$0x30B0] =	vst v3;
	v3 =	vmul.f32 v40, v38  }
0x19c: {  	v47 =	vld [tilespmem:s3+$0x3130];
	v46 =	vbroadcast v1, $0x2;
	[tilespmem:s3+$0x30C0] =	vst v2;
	v2 =	vmul.f32 v41, v38  }
0x19d: {  	v48 =	vld [tilespmem:s3+$0x3140];
	[tilespmem:s3+$0x30D0] =	vst v3;
	v3 =	vmul.f32 v42, v38  }
0x19e: {  	v49 =	vld [tilespmem:s3+$0x3150];
	[tilespmem:s3+$0x30E0] =	vst v2;
	v2 =	vmul.f32 v43, v46  }
0x19f: {  	v50 =	vld [tilespmem:s3+$0x3160];
	[tilespmem:s3+$0x30F0] =	vst v3;
	v3 =	vmul.f32 v44, v46  }
0x1a0: {  	v51 =	vld [tilespmem:s3+$0x3170];
	[tilespmem:s3+$0x3100] =	vst v2;
	v2 =	vmul.f32 v45, v46  }
0x1a1: {  	v52 =	vld [tilespmem:s3+$0x3180];
	[tilespmem:s3+$0x3110] =	vst v3;
	v3 =	vmul.f32 v47, v46  }
0x1a2: {  	v53 =	vld [tilespmem:s3+$0x3190];
	[tilespmem:s3+$0x3120] =	vst v2;
	v2 =	vmul.f32 v48, v46  }
0x1a3: {  	v54 =	vld [tilespmem:s3+$0x31A0];
	[tilespmem:s3+$0x3130] =	vst v3;
	v3 =	vmul.f32 v49, v46  }
0x1a4: {  	v56 =	vld [tilespmem:s3+$0x31B0];
	v55 =	vbroadcast v1, $0x3;
	[tilespmem:s3+$0x3140] =	vst v2;
	v2 =	vmul.f32 v50, v46  }
0x1a5: {  	v57 =	vld [tilespmem:s3+$0x31C0];
	[tilespmem:s3+$0x3150] =	vst v3;
	v3 =	vmul.f32 v51, v46  }
0x1a6: {  	v58 =	vld [tilespmem:s3+$0x31D0];
	[tilespmem:s3+$0x3160] =	vst v2;
	v2 =	vmul.f32 v52, v55  }
0x1a7: {  	v59 =	vld [tilespmem:s3+$0x31E0];
	[tilespmem:s3+$0x3170] =	vst v3;
	v3 =	vmul.f32 v53, v55  }
0x1a8: {  	v60 =	vld [tilespmem:s3+$0x31F0];
	[tilespmem:s3+$0x3180] =	vst v2;
	v2 =	vmul.f32 v54, v55  }
0x1a9: {  	v61 =	vld [tilespmem:s3+$0x3200];
	[tilespmem:s3+$0x3190] =	vst v3;
	v3 =	vmul.f32 v56, v55  }
0x1aa: {  	v62 =	vld [tilespmem:s3+$0x3210];
	[tilespmem:s3+$0x31A0] =	vst v2;
	v2 =	vmul.f32 v57, v55  }
0x1ab: {  	v63 =	vld [tilespmem:s3+$0x3220];
	[tilespmem:s3+$0x31B0] =	vst v3;
	v3 =	vmul.f32 v58, v55  }
0x1ac: {  	v13 =	vld [tilespmem:s3+$0x3230];
	v12 =	vbroadcast v1, $0x4;
	[tilespmem:s3+$0x31C0] =	vst v2;
	v2 =	vmul.f32 v59, v55  }
0x1ad: {  	v14 =	vld [tilespmem:s3+$0x3240];
	[tilespmem:s3+$0x31D0] =	vst v3;
	v3 =	vmul.f32 v60, v55  }
0x1ae: {  	v15 =	vld [tilespmem:s3+$0x3250];
	[tilespmem:s3+$0x31E0] =	vst v2;
	v2 =	vmul.f32 v61, v12  }
0x1af: {  	v16 =	vld [tilespmem:s3+$0x3260];
	[tilespmem:s3+$0x31F0] =	vst v3;
	v3 =	vmul.f32 v62, v12  }
0x1b0: {  	v17 =	vld [tilespmem:s3+$0x3270];
	[tilespmem:s3+$0x3200] =	vst v2;
	v2 =	vmul.f32 v63, v12  }
0x1b1: {  	v18 =	vld [tilespmem:s3+$0x3280];
	[tilespmem:s3+$0x3210] =	vst v3;
	v3 =	vmul.f32 v13, v12  }
0x1b2: {  	v19 =	vld [tilespmem:s3+$0x3290];
	[tilespmem:s3+$0x3220] =	vst v2;
	v2 =	vmul.f32 v14, v12  }
0x1b3: {  	v20 =	vld [tilespmem:s3+$0x32A0];
	[tilespmem:s3+$0x3230] =	vst v3;
	v3 =	vmul.f32 v15, v12  }
0x1b4: {  	v22 =	vld [tilespmem:s3+$0x32B0];
	v21 =	vbroadcast v1, $0x5;
	[tilespmem:s3+$0x3240] =	vst v2;
	v2 =	vmul.f32 v16, v12  }
0x1b5: {  	v23 =	vld [tilespmem:s3+$0x32C0];
	[tilespmem:s3+$0x3250] =	vst v3;
	v3 =	vmul.f32 v17, v12  }
0x1b6: {  	v24 =	vld [tilespmem:s3+$0x32D0];
	[tilespmem:s3+$0x3260] =	vst v2;
	v2 =	vmul.f32 v18, v21  }
0x1b7: {  	v25 =	vld [tilespmem:s3+$0x32E0];
	[tilespmem:s3+$0x3270] =	vst v3;
	v3 =	vmul.f32 v19, v21  }
0x1b8: {  	v26 =	vld [tilespmem:s3+$0x32F0];
	[tilespmem:s3+$0x3280] =	vst v2;
	v2 =	vmul.f32 v20, v21  }
0x1b9: {  	v27 =	vld [tilespmem:s3+$0x3300];
	[tilespmem:s3+$0x3290] =	vst v3;
	v3 =	vmul.f32 v22, v21  }
0x1ba: {  	v28 =	vld [tilespmem:s3+$0x3310];
	[tilespmem:s3+$0x32A0] =	vst v2;
	v2 =	vmul.f32 v23, v21  }
0x1bb: {  	v29 =	vld [tilespmem:s3+$0x3320];
	[tilespmem:s3+$0x32B0] =	vst v3;
	v3 =	vmul.f32 v24, v21  }
0x1bc: {  	v31 =	vld [tilespmem:s3+$0x3330];
	v30 =	vbroadcast v1, $0x6;
	[tilespmem:s3+$0x32C0] =	vst v2;
	v2 =	vmul.f32 v25, v21  }
0x1bd: {  	v32 =	vld [tilespmem:s3+$0x3340];
	[tilespmem:s3+$0x32D0] =	vst v3;
	v3 =	vmul.f32 v26, v21  }
0x1be: {  	v33 =	vld [tilespmem:s3+$0x3350];
	[tilespmem:s3+$0x32E0] =	vst v2;
	v2 =	vmul.f32 v27, v30  }
0x1bf: {  	v34 =	vld [tilespmem:s3+$0x3360];
	[tilespmem:s3+$0x32F0] =	vst v3;
	v3 =	vmul.f32 v28, v30  }
0x1c0: {  	v35 =	vld [tilespmem:s3+$0x3370];
	[tilespmem:s3+$0x3300] =	vst v2;
	v2 =	vmul.f32 v29, v30  }
0x1c1: {  	v36 =	vld [tilespmem:s3+$0x3380];
	[tilespmem:s3+$0x3310] =	vst v3;
	v3 =	vmul.f32 v31, v30  }
0x1c2: {  	v37 =	vld [tilespmem:s3+$0x3390];
	[tilespmem:s3+$0x3320] =	vst v2;
	v2 =	vmul.f32 v32, v30  }
0x1c3: {  	v38 =	vld [tilespmem:s3+$0x33A0];
	[tilespmem:s3+$0x3330] =	vst v3;
	v3 =	vmul.f32 v33, v30  }
0x1c4: {  	v39 =	vbroadcast v1, $0x7;
	v40 =	vld [tilespmem:s3+$0x33B0];
	[tilespmem:s3+$0x3340] =	vst v2;
	v2 =	vmul.f32 v34, v30  }
0x1c5: {  	v41 =	vld [tilespmem:s3+$0x33C0];
	[tilespmem:s3+$0x3350] =	vst v3;
	v3 =	vmul.f32 v35, v30  }
0x1c6: {  	v42 =	vld [tilespmem:s3+$0x33D0];
	[tilespmem:s3+$0x3360] =	vst v2;
	v2 =	vmul.f32 v36, v39  }
0x1c7: {  	v43 =	vld [tilespmem:s3+$0x33E0];
	[tilespmem:s3+$0x3370] =	vst v3;
	v3 =	vmul.f32 v37, v39  }
0x1c8: {  	v44 =	vld [tilespmem:s3+$0x33F0];
	[tilespmem:s3+$0x3380] =	vst v2;
	v2 =	vmul.f32 v38, v39  }
0x1c9: {  	v45 =	vld [tilespmem:s3+$0x3400];
	[tilespmem:s3+$0x3390] =	vst v3;
	v3 =	vmul.f32 v40, v39  }
0x1ca: {  	v46 =	vld [tilespmem:s3+$0x3410];
	[tilespmem:s3+$0x33A0] =	vst v2;
	v2 =	vmul.f32 v41, v39  }
0x1cb: {  	v47 =	vld [tilespmem:s3+$0x3420];
	[tilespmem:s3+$0x33B0] =	vst v3;
	v3 =	vmul.f32 v42, v39  }
0x1cc: {  	v48 =	vbroadcast v1, $0x8;
	v49 =	vld [tilespmem:s3+$0x3430];
	[tilespmem:s3+$0x33C0] =	vst v2;
	v2 =	vmul.f32 v43, v39  }
0x1cd: {  	v50 =	vld [tilespmem:s3+$0x3440];
	[tilespmem:s3+$0x33D0] =	vst v3;
	v3 =	vmul.f32 v44, v39  }
0x1ce: {  	v51 =	vld [tilespmem:s3+$0x3450];
	[tilespmem:s3+$0x33E0] =	vst v2;
	v2 =	vmul.f32 v45, v48  }
0x1cf: {  	v52 =	vld [tilespmem:s3+$0x3460];
	[tilespmem:s3+$0x33F0] =	vst v3;
	v3 =	vmul.f32 v46, v48  }
0x1d0: {  	v53 =	vld [tilespmem:s3+$0x3470];
	[tilespmem:s3+$0x3400] =	vst v2;
	v2 =	vmul.f32 v47, v48  }
0x1d1: {  	v54 =	vld [tilespmem:s3+$0x3480];
	[tilespmem:s3+$0x3410] =	vst v3;
	v3 =	vmul.f32 v49, v48  }
0x1d2: {  	v55 =	vld [tilespmem:s3+$0x3490];
	[tilespmem:s3+$0x3420] =	vst v2;
	v2 =	vmul.f32 v50, v48  }
0x1d3: {  	v56 =	vld [tilespmem:s3+$0x34A0];
	[tilespmem:s3+$0x3430] =	vst v3;
	v3 =	vmul.f32 v51, v48  }
0x1d4: {  	v57 =	vbroadcast v1, $0x9;
	v58 =	vld [tilespmem:s3+$0x34B0];
	[tilespmem:s3+$0x3440] =	vst v2;
	v2 =	vmul.f32 v52, v48  }
0x1d5: {  	v59 =	vld [tilespmem:s3+$0x34C0];
	[tilespmem:s3+$0x3450] =	vst v3;
	v3 =	vmul.f32 v53, v48  }
0x1d6: {  	v60 =	vld [tilespmem:s3+$0x34D0];
	[tilespmem:s3+$0x3460] =	vst v2;
	v2 =	vmul.f32 v54, v57  }
0x1d7: {  	v61 =	vld [tilespmem:s3+$0x34E0];
	[tilespmem:s3+$0x3470] =	vst v3;
	v3 =	vmul.f32 v55, v57  }
0x1d8: {  	v62 =	vld [tilespmem:s3+$0x34F0];
	[tilespmem:s3+$0x3480] =	vst v2;
	v2 =	vmul.f32 v56, v57  }
0x1d9: {  	v63 =	vld [tilespmem:s3+$0x3500];
	[tilespmem:s3+$0x3490] =	vst v3;
	v3 =	vmul.f32 v58, v57  }
0x1da: {  	v12 =	vld [tilespmem:s3+$0x3510];
	[tilespmem:s3+$0x34A0] =	vst v2;
	v2 =	vmul.f32 v59, v57  }
0x1db: {  	v13 =	vld [tilespmem:s3+$0x3520];
	[tilespmem:s3+$0x34B0] =	vst v3;
	v3 =	vmul.f32 v60, v57  }
0x1dc: {  	v14 =	vbroadcast v1, $0xA;
	v15 =	vld [tilespmem:s3+$0x3530];
	[tilespmem:s3+$0x34C0] =	vst v2;
	v2 =	vmul.f32 v61, v57  }
0x1dd: {  	v16 =	vld [tilespmem:s3+$0x3540];
	[tilespmem:s3+$0x34D0] =	vst v3;
	v3 =	vmul.f32 v62, v57  }
0x1de: {  	v17 =	vld [tilespmem:s3+$0x3550];
	[tilespmem:s3+$0x34E0] =	vst v2;
	v2 =	vmul.f32 v63, v14  }
0x1df: {  	v18 =	vld [tilespmem:s3+$0x3560];
	[tilespmem:s3+$0x34F0] =	vst v3;
	v3 =	vmul.f32 v12, v14  }
0x1e0: {  	v19 =	vld [tilespmem:s3+$0x3570];
	[tilespmem:s3+$0x3500] =	vst v2;
	v2 =	vmul.f32 v13, v14  }
0x1e1: {  	v20 =	vld [tilespmem:s3+$0x3580];
	[tilespmem:s3+$0x3510] =	vst v3;
	v3 =	vmul.f32 v15, v14  }
0x1e2: {  	v21 =	vld [tilespmem:s3+$0x3590];
	[tilespmem:s3+$0x3520] =	vst v2;
	v2 =	vmul.f32 v16, v14  }
0x1e3: {  	v22 =	vld [tilespmem:s3+$0x35A0];
	[tilespmem:s3+$0x3530] =	vst v3;
	v3 =	vmul.f32 v17, v14  }
0x1e4: {  	v23 =	vbroadcast v1, $0xB;
	v24 =	vld [tilespmem:s3+$0x35B0];
	[tilespmem:s3+$0x3540] =	vst v2;
	v2 =	vmul.f32 v18, v14  }
0x1e5: {  	v25 =	vld [tilespmem:s3+$0x35C0];
	[tilespmem:s3+$0x3550] =	vst v3;
	v3 =	vmul.f32 v19, v14  }
0x1e6: {  	v26 =	vld [tilespmem:s3+$0x35D0];
	[tilespmem:s3+$0x3560] =	vst v2;
	v2 =	vmul.f32 v20, v23  }
0x1e7: {  	v27 =	vld [tilespmem:s3+$0x35E0];
	[tilespmem:s3+$0x3570] =	vst v3;
	v3 =	vmul.f32 v21, v23  }
0x1e8: {  	v28 =	vld [tilespmem:s3+$0x35F0];
	[tilespmem:s3+$0x3580] =	vst v2;
	v2 =	vmul.f32 v22, v23  }
0x1e9: {  	v29 =	vld [tilespmem:s3+$0x3600];
	[tilespmem:s3+$0x3590] =	vst v3;
	v3 =	vmul.f32 v24, v23  }
0x1ea: {  	v30 =	vld [tilespmem:s3+$0x3610];
	[tilespmem:s3+$0x35A0] =	vst v2;
	v2 =	vmul.f32 v25, v23  }
0x1eb: {  	v31 =	vld [tilespmem:s3+$0x3620];
	[tilespmem:s3+$0x35B0] =	vst v3;
	v3 =	vmul.f32 v26, v23  }
0x1ec: {  	v32 =	vbroadcast v1, $0xC;
	v33 =	vld [tilespmem:s3+$0x3630];
	[tilespmem:s3+$0x35C0] =	vst v2;
	v2 =	vmul.f32 v27, v23  }
0x1ed: {  	v34 =	vld [tilespmem:s3+$0x3640];
	[tilespmem:s3+$0x35D0] =	vst v3;
	v3 =	vmul.f32 v28, v23  }
0x1ee: {  	v35 =	vld [tilespmem:s3+$0x3650];
	[tilespmem:s3+$0x35E0] =	vst v2;
	v2 =	vmul.f32 v29, v32  }
0x1ef: {  	v36 =	vld [tilespmem:s3+$0x3660];
	[tilespmem:s3+$0x35F0] =	vst v3;
	v3 =	vmul.f32 v30, v32  }
0x1f0: {  	v37 =	vld [tilespmem:s3+$0x3670];
	[tilespmem:s3+$0x3600] =	vst v2;
	v2 =	vmul.f32 v31, v32  }
0x1f1: {  	v38 =	vld [tilespmem:s3+$0x3680];
	[tilespmem:s3+$0x3610] =	vst v3;
	v3 =	vmul.f32 v33, v32  }
0x1f2: {  	v39 =	vld [tilespmem:s3+$0x3690];
	[tilespmem:s3+$0x3620] =	vst v2;
	v2 =	vmul.f32 v34, v32  }
0x1f3: {  	v40 =	vld [tilespmem:s3+$0x36A0];
	[tilespmem:s3+$0x3630] =	vst v3;
	v3 =	vmul.f32 v35, v32  }
0x1f4: {  	v41 =	vbroadcast v1, $0xD;
	v42 =	vld [tilespmem:s3+$0x36B0];
	[tilespmem:s3+$0x3640] =	vst v2;
	v2 =	vmul.f32 v36, v32  }
0x1f5: {  	v43 =	vld [tilespmem:s3+$0x36C0];
	[tilespmem:s3+$0x3650] =	vst v3;
	v3 =	vmul.f32 v37, v32  }
0x1f6: {  	v44 =	vld [tilespmem:s3+$0x36D0];
	[tilespmem:s3+$0x3660] =	vst v2;
	v2 =	vmul.f32 v38, v41  }
0x1f7: {  	v45 =	vld [tilespmem:s3+$0x36E0];
	[tilespmem:s3+$0x3670] =	vst v3;
	v3 =	vmul.f32 v39, v41  }
0x1f8: {  	v46 =	vld [tilespmem:s3+$0x36F0];
	[tilespmem:s3+$0x3680] =	vst v2;
	v2 =	vmul.f32 v40, v41  }
0x1f9: {  	v47 =	vld [tilespmem:s3+$0x3700];
	[tilespmem:s3+$0x3690] =	vst v3;
	v3 =	vmul.f32 v42, v41  }
0x1fa: {  	v48 =	vld [tilespmem:s3+$0x3710];
	[tilespmem:s3+$0x36A0] =	vst v2;
	v2 =	vmul.f32 v43, v41  }
0x1fb: {  	v49 =	vld [tilespmem:s3+$0x3720];
	[tilespmem:s3+$0x36B0] =	vst v3;
	v3 =	vmul.f32 v44, v41  }
0x1fc: {  	v50 =	vbroadcast v1, $0xE;
	v51 =	vld [tilespmem:s3+$0x3730];
	[tilespmem:s3+$0x36C0] =	vst v2;
	v2 =	vmul.f32 v45, v41  }
0x1fd: {  	v52 =	vld [tilespmem:s3+$0x3740];
	[tilespmem:s3+$0x36D0] =	vst v3;
	v3 =	vmul.f32 v46, v41  }
0x1fe: {  	v53 =	vld [tilespmem:s3+$0x3750];
	[tilespmem:s3+$0x36E0] =	vst v2;
	v2 =	vmul.f32 v47, v50  }
0x1ff: {  	v54 =	vld [tilespmem:s3+$0x3760];
	[tilespmem:s3+$0x36F0] =	vst v3;
	v3 =	vmul.f32 v48, v50  }
0x200: {  	v55 =	vld [tilespmem:s3+$0x3770];
	[tilespmem:s3+$0x3700] =	vst v2;
	v2 =	vmul.f32 v49, v50  }
0x201: {  	v56 =	vld [tilespmem:s3+$0x3780];
	[tilespmem:s3+$0x3710] =	vst v3;
	v3 =	vmul.f32 v51, v50  }
0x202: {  	v57 =	vld [tilespmem:s3+$0x3790];
	[tilespmem:s3+$0x3720] =	vst v2;
	v2 =	vmul.f32 v52, v50  }
0x203: {  	v58 =	vld [tilespmem:s3+$0x37A0];
	[tilespmem:s3+$0x3730] =	vst v3;
	v3 =	vmul.f32 v53, v50  }
0x204: {  	v1 =	vbroadcast v1, $0xF;
	v59 =	vld [tilespmem:s3+$0x37B0];
	[tilespmem:s3+$0x3740] =	vst v2;
	v2 =	vmul.f32 v54, v50  }
0x205: {  	v60 =	vld [tilespmem:s3+$0x37C0];
	[tilespmem:s3+$0x3750] =	vst v3;
	v3 =	vmul.f32 v55, v50  }
0x206: {  	v61 =	vld [tilespmem:s3+$0x37D0];
	[tilespmem:s3+$0x3760] =	vst v2;
	v2 =	vmul.f32 v56, v1  }
0x207: {  	v62 =	vld [tilespmem:s3+$0x37E0];
	[tilespmem:s3+$0x3770] =	vst v3;
	v3 =	vmul.f32 v57, v1  }
0x208: {  	v63 =	vld [tilespmem:s3+$0x37F0];
	[tilespmem:s3+$0x3780] =	vst v2;
	v2 =	vmul.f32 v58, v1  }
0x209: {  	[tilespmem:s3+$0x3790] =	vst v3;
	v3 =	vmul.f32 v59, v1  }
0x20a: {  	p1 =	sne.s32 s2, $0x4;
	[tilespmem:s3+$0x37A0] =	vst v2;
	v2 =	vmul.f32 v60, v1  }
.Ltmp6:
0x20b: {  	[tilespmem:s3+$0x37B0] =	vst v3;
	v3 =	vmul.f32 v61, v1;
	(pc) =	sbr.rel @p1 .LBB2_15-.Ltmp6, $4  }
0x20c: {  	[tilespmem:s3+$0x37C0] =	vst v2;
	v2 =	vmul.f32 v62, v1  }
0x20d: {  	[tilespmem:s3+$0x37D0] =	vst v3;
	v1 =	vmul.f32 v63, v1  }
0x20e: {  	[tilespmem:s3+$0x37E0] =	vst v2  }
0x20f: {  	s2 =	sadd.s32 $0x1, s2;
	[tilespmem:s3+$0x37F0] =	vst v1  }
0x210: {  	s29 =	sadd.s32 $0x1, s29  }
0x211: {  	p1 =	sne.s32 s29, $0x5  }
.Ltmp7:
0x212: {  	_ = 	snop;
	(pc) =	sbr.rel @p1 .LBB2_8-.Ltmp7, $4  }
0x213: {  	[spmem:s4] =	stream.indirect.scatter.add.f32 [tilespmem:s17], [sflag:$0x3], $0x80, s26, s22, $0xb8;
	[tilespmem:$0x1CC80] =	vst v63  }
0x214: {  	_ =	swait.ge [sflag:s24], $0x2800  }
0x215: {  	[sflag:s24] =	ssyncset.done $0x0  }
0x216: {  	[sflag:s24] =	ssyncadd.s32 $0xFFFFD800  }
0x217: {  	s2 =	stileid.u32  }
0x218: {  	[bflag:$0x0] =	sbarrier.arrive $0xFFFF;
	s2 =	sshll.u32 @!p0 s2, $0x6  }
0x219: {  	s3 =	sshrl.u32 @!p0 s10, $0x3;
	s9 =	rddreg [dreg:$0x5];
	s2 =	sor.u32 @!p0 $0x1C05, s2  }
0x21a: {  	[hbm:s9], [sflag:s2] =	dma.local @!p0 [spmem:s3], $0x3E80  }
0x21b: {  	s2 =	simm.s32 @!p0 $0x5  }
0x21c: {  	_ =	swait.ge @!p0 [sflag:s2], $0x3E80  }
0x21d: {  	s5 =	sadd.s32 $0x1, s5;
	s31 =	rddreg [dreg:$0x6]  }
0x21e: {  	p1 =	sne.s32 s5, s31  }
.Ltmp8:
0x21f: {  	_ = 	snop;
	(pc) =	sbr.rel @p1 .LBB2_1-.Ltmp8, $3  }
0x220: {  	_ =	sdelay $0x1  }
0x221: {  	[sflag:s2] =	ssyncset.done @!p0 $0x0  }
0x222: {  	[sflag:s2] =	ssyncadd.s32 @!p0 $0xFFFFC180  }
0x223: {  	_ =	sfence.sel $0x180000  }
0x224: {  	[bflag:$0x0] =	sbarrier.arrive $0xFFFF  }
0x225: {  	_ =	strace $0x90000047  }
0x226: {  	s0 =	stileid.u32;
	[bflag:$0x2] =	sbarrier.arrive $0xFFFF  }
0x227: {  	p0 =	sne.s32 s0, $0x0;
	s0 =	rddreg [dreg:$0x4]  }
0x228: {  	s0 =	sadd.s32 @!p0 $0x100000, s0  }
0x229: {  	[sflag:s0] =	ssyncadd.tile.s32 @!p0 $0x1;
	_ =	shalt  }
.Lfunc_end2:
_tile_overlayer_lowered:
.L_overlay_start_2:
0x22a: {  	(tag) =	ssettag $0x2  }
0x22b: {  	s0 =	rddreg [dreg:$0x0];
	s2 =	stileid.u32  }
0x22c: {  	s1 =	rddreg [dreg:$0x1];
	p0 =	sne.s32 s2, $0x0  }
0x22d: {  	s3 =	rddreg [dreg:$0x2];
	[bflag:$0x3] =	sbarrier.arrive $0xFFFF;
	s2 =	simm.s32 @!p0 $0x1C05  }
0x22e: {  	[timem:s3], [sflag:s2] =	dma.local @!p0 [hbm:s0], s1  }
0x22f: {  	s0 =	simm.s32 @!p0 $0x5  }
0x230: {  	_ =	swait.ge @!p0 [sflag:s0], s1  }
0x231: {  	s1 =	ssub.s32 @!p0 $0x0, s1;
	[sflag:s0] =	ssyncset.done @!p0 $0x0  }
0x232: {  	[sflag:s0] =	ssyncadd.s32 @!p0 s1  }
0x233: {  	[bflag:$0x3] =	sbarrier.arrive $0xFFFF  }
0x234: {  	_ =	shalt  }

</sc_bundles>
